<compile_context>
chip_gen: v7x
topology: tpu7x:2x2x1
jax: 0.10.2.dev20260603
libtpu: 0.0.44.dev20260713+nightly
codegen_flags: <defaults>
</compile_context>

<pallas_src>
import functools
import math

import jax
import jax.numpy as jnp
from jax import lax
from jax.experimental import pallas as pl
from jax.experimental.pallas import tpu as pltpu
from jax.experimental.pallas import tpu_sc as plsc

_NC = 2
_NS = 16
_LANES = 16

_STREAM = 128


@functools.lru_cache(maxsize=None)
def _build(BF, V, D, F):
    NW = _NC * _NS
    per_w = BF // NW
    pat = (F * _LANES) // math.gcd(F, _LANES)
    NIDX = 1664
    assert NIDX % pat == 0 and NIDX % _STREAM == 0 and per_w % NIDX == 0
    NST = NIDX // _STREAM
    G = per_w // NIDX
    SUBS = NIDX // pat

    mesh = plsc.VectorSubcoreMesh(core_axis_name="c", subcore_axis_name="s")

    @functools.partial(
        pl.kernel,
        mesh=mesh,
        compiler_params=pltpu.CompilerParams(use_tc_tiling_on_sc=False),
        out_type=jax.ShapeDtypeStruct((BF, D), jnp.float32),
        scratch_types=[
            [pltpu.VMEM((NIDX,), jnp.int32)] * 2,
            pltpu.VMEM((pat,), jnp.int32),
            [pltpu.VMEM((NIDX,), jnp.int32)] * 2,
            [pltpu.VMEM((NIDX, D), jnp.float32)] * 2,
            [pltpu.SemaphoreType.DMA] * 2,
            [pltpu.SemaphoreType.DMA] * 2,
            [pltpu.SemaphoreType.DMA] * 2,
        ],
    )
    def k(xf, table, offp, out, x_v, off_v, idx_v, rows_v, sx, sg, so):
        wid = lax.axis_index("s") * _NC + lax.axis_index("c")
        wbase = wid * per_w
        pltpu.sync_copy(offp, off_v)

        def compute_idx(p):
            def sub_body(s, carry):
                o0 = s * pat
                for j in range(pat // _LANES):
                    sl = pl.ds(o0 + j * _LANES, _LANES)
                    idx_v[p][sl] = (
                        x_v[p][sl] + off_v[pl.ds(j * _LANES, _LANES)]
                    )
                return carry

            lax.fori_loop(0, SUBS, sub_body, 0)

        def x_copy(g, p):
            return pltpu.async_copy(
                xf.at[pl.ds(wbase + g * NIDX, NIDX)], x_v[p], sx[p]
            )

        def gather(g, p):
            return [
                pltpu.async_copy(
                    table.at[idx_v[p].at[pl.ds(j * _STREAM, _STREAM)]],
                    rows_v[p].at[pl.ds(j * _STREAM, _STREAM)],
                    sg[p],
                )
                for j in range(NST)
            ]

        def writeback(g, p):
            return pltpu.async_copy(
                rows_v[p], out.at[pl.ds(wbase + g * NIDX, NIDX)], so[p]
            )

        xcps, gcps, wcps = {}, {}, {}

        x_copy(0, 0).wait()
        compute_idx(0)
        if G > 1:
            xcps[1] = x_copy(1, 1)

        for g in range(G):
            p, q = g % 2, 1 - (g % 2)
            if g >= 2:
                wcps[g - 2].wait()
            gcps[g] = gather(g, p)
            if g + 2 < G:
                xcps[g + 2] = x_copy(g + 2, p)
            if g >= 1:
                for cp in gcps[g - 1]:
                    cp.wait()
                wcps[g - 1] = writeback(g - 1, q)
            if g + 1 < G:
                xcps[g + 1].wait()
                compute_idx(q)

        for cp in gcps[G - 1]:
            cp.wait()
        wcps[G - 1] = writeback(G - 1, (G - 1) % 2)
        wcps[G - 2].wait()
        wcps[G - 1].wait()

    return k


def kernel(x, table, offsets):
    B, F = x.shape
    V, D = table.shape
    xf = x.reshape(B * F).astype(jnp.int32)
    pat_reps = _LANES // math.gcd(F, _LANES)
    offp = jnp.tile(offsets.astype(jnp.int32), pat_reps)
    out = _build(B * F, V, D, F)(xf, table, offp)
    return out.reshape(B, F, D)

# --- scband reference (transcript-rebuilt; emitter-appended) ---
"""Pipeline reference for scband-features-embedding-53309134078470 (READ-ONLY COPY).

The authoritative reference and input builder live on the scoring server;
editing this copy changes nothing except your own understanding.
"""

import jax, jax.numpy as jnp
import numpy as np

FIELD_DIMS = [38462] * 26
EMBED_DIM = 16
BATCH = 16384

def setup_inputs(seed: int = 0) -> dict:
    key = jax.random.key(seed)
    k1, k2 = jax.random.split(key)
    num_embeddings = int(sum(FIELD_DIMS))
    # xavier_uniform init for [num_embeddings, embed_dim]
    bound = float(np.sqrt(6.0 / (num_embeddings + EMBED_DIM)))
    table = jax.random.uniform(k1, (num_embeddings, EMBED_DIM), dtype=jnp.float32, minval=-bound, maxval=bound)
    x = jax.random.randint(k2, (BATCH, len(FIELD_DIMS)), 0, min(FIELD_DIMS), dtype=jnp.int64)
    offsets = jnp.asarray((0, *np.cumsum(FIELD_DIMS)[:-1]), dtype=jnp.int64)
    return {"x": x, "table": table, "offsets": offsets}

def reference(x, table, offsets) -> jnp.ndarray:
    # x: int64[B, F]; offsets: int64[F]; table: float32[sum(field_dims), D]
    idx = x + offsets[None, :]
    return jnp.take(table, idx, axis=0)

if __name__ == "__main__":
    import jax
    _d = setup_inputs()
    print(jax.jit(kernel)(*tuple(_d.values())))

</pallas_src>

<mosaic_0001>
#map = affine_map<(d0, d1) -> (0)>
#map1 = affine_map<(d0, d1) -> (0, 0)>
module attributes {stable_mosaic.version = 14 : i64} {
  func.func @k(%arg0: i32, %arg1: i32, %arg2: memref<425984xi32, #tpu.memory_space<hbm>>, %arg3: memref<1000012x16xf32, #tpu.memory_space<hbm>>, %arg4: memref<208xi32, #tpu.memory_space<hbm>>, %arg5: memref<425984x16xf32, #tpu.memory_space<hbm>>, %arg6: memref<1664xi32, #tpu.memory_space<vmem>>, %arg7: memref<1664xi32, #tpu.memory_space<vmem>>, %arg8: memref<208xi32, #tpu.memory_space<vmem>>, %arg9: memref<1664xi32, #tpu.memory_space<vmem>>, %arg10: memref<1664xi32, #tpu.memory_space<vmem>>, %arg11: memref<1664x16xf32, #tpu.memory_space<vmem>>, %arg12: memref<1664x16xf32, #tpu.memory_space<vmem>>, %arg13: memref<!tpu.dma_semaphore, #tpu.memory_space<semaphore_mem>>, %arg14: memref<!tpu.dma_semaphore, #tpu.memory_space<semaphore_mem>>, %arg15: memref<!tpu.dma_semaphore, #tpu.memory_space<semaphore_mem>>, %arg16: memref<!tpu.dma_semaphore, #tpu.memory_space<semaphore_mem>>, %arg17: memref<!tpu.dma_semaphore, #tpu.memory_space<semaphore_mem>>, %arg18: memref<!tpu.dma_semaphore, #tpu.memory_space<semaphore_mem>>) attributes {dimension_semantics = [#tpu.dimension_semantics<core_parallel>, #tpu.dimension_semantics<subcore_parallel>], iteration_bounds = array<i64: 2, 16>, scalar_prefetch = 0 : i64, scratch_operands = 13 : i64, tpu.core_type = #tpu.core_type<sc_vector_subcore>, window_params = [{transform_indices = #map}, {transform_indices = #map1}, {transform_indices = #map}, {transform_indices = #map1}]} {
    %mul3A = arith.constant 2 : i32
    %mul3A_0 = arith.muli %arg1, %mul3A : i32
    %add3A = arith.addi %mul3A_0, %arg0 : i32
    %mul3A_1 = arith.constant 13312 : i32
    %mul3A_2 = arith.muli %add3A, %mul3A_1 : i32
    "tpu.region"() ({
      %run_scoped3A = tpu.sem_alloc : memref<!tpu.dma_semaphore, #tpu.memory_space<semaphore_mem>>
      tpu.enqueue_dma source(%arg4 : memref<208xi32, #tpu.memory_space<hbm>>) target(%arg8 : memref<208xi32, #tpu.memory_space<vmem>>) target_semaphore(%run_scoped3A : memref<!tpu.dma_semaphore, #tpu.memory_space<semaphore_mem>>)
      tpu.wait_dma2 semaphore(%run_scoped3A : memref<!tpu.dma_semaphore, #tpu.memory_space<semaphore_mem>>) src(%arg4 : memref<208xi32, #tpu.memory_space<hbm>>) dst(%arg8 : memref<208xi32, #tpu.memory_space<vmem>>)
      tpu.yield
    }) : () -> ()
    %add3A_3 = arith.constant 0 : i32
    %add3A_4 = arith.addi %mul3A_2, %add3A_3 : i32
    %dma_start3A = tpu.memref_slice %arg2[%add3A_4] : memref<425984xi32, #tpu.memory_space<hbm>> -> memref<1664xi32, #tpu.memory_space<hbm>>
    %dma_start3A_5 = tpu.memref_slice %arg2[%add3A_4] : memref<425984xi32, #tpu.memory_space<hbm>> -> memref<1664xi32, #tpu.memory_space<hbm>>
    tpu.enqueue_dma source(%dma_start3A_5 : memref<1664xi32, #tpu.memory_space<hbm>>) target(%arg6 : memref<1664xi32, #tpu.memory_space<vmem>>) target_semaphore(%arg13 : memref<!tpu.dma_semaphore, #tpu.memory_space<semaphore_mem>>)
    %dma_wait3A = tpu.memref_slice %arg2[%add3A_4] : memref<425984xi32, #tpu.memory_space<hbm>> -> memref<1664xi32, #tpu.memory_space<hbm>>
    %dma_wait3A_6 = tpu.memref_slice %arg2[%add3A_4] : memref<425984xi32, #tpu.memory_space<hbm>> -> memref<1664xi32, #tpu.memory_space<hbm>>
    tpu.wait_dma2 semaphore(%arg13 : memref<!tpu.dma_semaphore, #tpu.memory_space<semaphore_mem>>) src(%dma_wait3A_6 : memref<1664xi32, #tpu.memory_space<hbm>>) dst(%arg6 : memref<1664xi32, #tpu.memory_space<vmem>>)
    %scan3A = arith.constant 0 : i32
    %scan3A_7 = arith.constant 0 : i32
    %scan3A_8 = arith.constant 8 : i32
    %scan3A_9 = arith.addi %scan3A_7, %scan3A_8 : i32
    %scan3A_10 = arith.constant 1 : i32
    scf.for %scan3A_1840 = %scan3A_7 to %scan3A_9 step %scan3A_10  : i32 {
      %mul3A_1841 = arith.constant 208 : i32
      %mul3A_1842 = arith.muli %scan3A_1840, %mul3A_1841 : i32
      %add3A_1843 = arith.constant 0 : i32
      %add3A_1844 = arith.addi %mul3A_1842, %add3A_1843 : i32
      %get3A = arith.index_cast %add3A_1844 : i32 to index
      %get3A_1845 = tpu.vector_load %arg6[%get3A] {strides = array<i32>} : memref<1664xi32, #tpu.memory_space<vmem>>, vector<16xi32>,
      %get3A_1846 = vector.shape_cast %get3A_1845 : vector<16xi32> to vector<16xi32>
      %get3A_1847 = arith.constant 0 : index
      %get3A_1848 = tpu.vector_load %arg8[%get3A_1847] {strides = array<i32>} : memref<208xi32, #tpu.memory_space<vmem>>, vector<16xi32>,
      %get3A_1849 = vector.shape_cast %get3A_1848 : vector<16xi32> to vector<16xi32>
      %add3A_1850 = arith.addi %get3A_1846, %get3A_1849 : vector<16xi32>
      %swap3A = arith.index_cast %add3A_1844 : i32 to index
      %swap3A_1851 = tpu.vector_load %arg9[%swap3A] {strides = array<i32>} : memref<1664xi32, #tpu.memory_space<vmem>>, vector<16xi32>,
      %swap3A_1852 = vector.shape_cast %swap3A_1851 : vector<16xi32> to vector<16xi32>
      %swap3A_1853 = vector.shape_cast %add3A_1850 : vector<16xi32> to vector<16xi32>
      tpu.vector_store %arg9[%swap3A], %swap3A_1853 {strides = array<i32>} : memref<1664xi32, #tpu.memory_space<vmem>>, vector<16xi32>,
      %add3A_1854 = arith.constant 16 : i32
      %add3A_1855 = arith.addi %mul3A_1842, %add3A_1854 : i32
      %get3A_1856 = arith.index_cast %add3A_1855 : i32 to index
      %get3A_1857 = tpu.vector_load %arg6[%get3A_1856] {strides = array<i32>} : memref<1664xi32, #tpu.memory_space<vmem>>, vector<16xi32>,
      %get3A_1858 = vector.shape_cast %get3A_1857 : vector<16xi32> to vector<16xi32>
      %get3A_1859 = arith.constant 16 : index
      %get3A_1860 = tpu.vector_load %arg8[%get3A_1859] {strides = array<i32>} : memref<208xi32, #tpu.memory_space<vmem>>, vector<16xi32>,
      %get3A_1861 = vector.shape_cast %get3A_1860 : vector<16xi32> to vector<16xi32>
      %add3A_1862 = arith.addi %get3A_1858, %get3A_1861 : vector<16xi32>
      %swap3A_1863 = arith.index_cast %add3A_1855 : i32 to index
      %swap3A_1864 = tpu.vector_load %arg9[%swap3A_1863] {strides = array<i32>} : memref<1664xi32, #tpu.memory_space<vmem>>, vector<16xi32>,
      %swap3A_1865 = vector.shape_cast %swap3A_1864 : vector<16xi32> to vector<16xi32>
      %swap3A_1866 = vector.shape_cast %add3A_1862 : vector<16xi32> to vector<16xi32>
      tpu.vector_store %arg9[%swap3A_1863], %swap3A_1866 {strides = array<i32>} : memref<1664xi32, #tpu.memory_space<vmem>>, vector<16xi32>,
      %add3A_1867 = arith.constant 32 : i32
      %add3A_1868 = arith.addi %mul3A_1842, %add3A_1867 : i32
      %get3A_1869 = arith.index_cast %add3A_1868 : i32 to index
      %get3A_1870 = tpu.vector_load %arg6[%get3A_1869] {strides = array<i32>} : memref<1664xi32, #tpu.memory_space<vmem>>, vector<16xi32>,
      %get3A_1871 = vector.shape_cast %get3A_1870 : vector<16xi32> to vector<16xi32>
      %get3A_1872 = arith.constant 32 : index
      %get3A_1873 = tpu.vector_load %arg8[%get3A_1872] {strides = array<i32>} : memref<208xi32, #tpu.memory_space<vmem>>, vector<16xi32>,
      %get3A_1874 = vector.shape_cast %get3A_1873 : vector<16xi32> to vector<16xi32>
      %add3A_1875 = arith.addi %get3A_1871, %get3A_1874 : vector<16xi32>
      %swap3A_1876 = arith.index_cast %add3A_1868 : i32 to index
      %swap3A_1877 = tpu.vector_load %arg9[%swap3A_1876] {strides = array<i32>} : memref<1664xi32, #tpu.memory_space<vmem>>, vector<16xi32>,
      %swap3A_1878 = vector.shape_cast %swap3A_1877 : vector<16xi32> to vector<16xi32>
      %swap3A_1879 = vector.shape_cast %add3A_1875 : vector<16xi32> to vector<16xi32>
      tpu.vector_store %arg9[%swap3A_1876], %swap3A_1879 {strides = array<i32>} : memref<1664xi32, #tpu.memory_space<vmem>>, vector<16xi32>,
      %add3A_1880 = arith.constant 48 : i32
      %add3A_1881 = arith.addi %mul3A_1842, %add3A_1880 : i32
      %get3A_1882 = arith.index_cast %add3A_1881 : i32 to index
      %get3A_1883 = tpu.vector_load %arg6[%get3A_1882] {strides = array<i32>} : memref<1664xi32, #tpu.memory_space<vmem>>, vector<16xi32>,
      %get3A_1884 = vector.shape_cast %get3A_1883 : vector<16xi32> to vector<16xi32>
      %get3A_1885 = arith.constant 48 : index
      %get3A_1886 = tpu.vector_load %arg8[%get3A_1885] {strides = array<i32>} : memref<208xi32, #tpu.memory_space<vmem>>, vector<16xi32>,
      %get3A_1887 = vector.shape_cast %get3A_1886 : vector<16xi32> to vector<16xi32>
      %add3A_1888 = arith.addi %get3A_1884, %get3A_1887 : vector<16xi32>
      %swap3A_1889 = arith.index_cast %add3A_1881 : i32 to index
      %swap3A_1890 = tpu.vector_load %arg9[%swap3A_1889] {strides = array<i32>} : memref<1664xi32, #tpu.memory_space<vmem>>, vector<16xi32>,
      %swap3A_1891 = vector.shape_cast %swap3A_1890 : vector<16xi32> to vector<16xi32>
      %swap3A_1892 = vector.shape_cast %add3A_1888 : vector<16xi32> to vector<16xi32>
      tpu.vector_store %arg9[%swap3A_1889], %swap3A_1892 {strides = array<i32>} : memref<1664xi32, #tpu.memory_space<vmem>>, vector<16xi32>,
      %add3A_1893 = arith.constant 64 : i32
      %add3A_1894 = arith.addi %mul3A_1842, %add3A_1893 : i32
      %get3A_1895 = arith.index_cast %add3A_1894 : i32 to index
      %get3A_1896 = tpu.vector_load %arg6[%get3A_1895] {strides = array<i32>} : memref<1664xi32, #tpu.memory_space<vmem>>, vector<16xi32>,
      %get3A_1897 = vector.shape_cast %get3A_1896 : vector<16xi32> to vector<16xi32>
      %get3A_1898 = arith.constant 64 : index
      %get3A_1899 = tpu.vector_load %arg8[%get3A_1898] {strides = array<i32>} : memref<208xi32, #tpu.memory_space<vmem>>, vector<16xi32>,
      %get3A_1900 = vector.shape_cast %get3A_1899 : vector<16xi32> to vector<16xi32>
      %add3A_1901 = arith.addi %get3A_1897, %get3A_1900 : vector<16xi32>
      %swap3A_1902 = arith.index_cast %add3A_1894 : i32 to index
      %swap3A_1903 = tpu.vector_load %arg9[%swap3A_1902] {strides = array<i32>} : memref<1664xi32, #tpu.memory_space<vmem>>, vector<16xi32>,
      %swap3A_1904 = vector.shape_cast %swap3A_1903 : vector<16xi32> to vector<16xi32>
      %swap3A_1905 = vector.shape_cast %add3A_1901 : vector<16xi32> to vector<16xi32>
      tpu.vector_store %arg9[%swap3A_1902], %swap3A_1905 {strides = array<i32>} : memref<1664xi32, #tpu.memory_space<vmem>>, vector<16xi32>,
      %add3A_1906 = arith.constant 80 : i32
      %add3A_1907 = arith.addi %mul3A_1842, %add3A_1906 : i32
      %get3A_1908 = arith.index_cast %add3A_1907 : i32 to index
      %get3A_1909 = tpu.vector_load %arg6[%get3A_1908] {strides = array<i32>} : memref<1664xi32, #tpu.memory_space<vmem>>, vector<16xi32>,
      %get3A_1910 = vector.shape_cast %get3A_1909 : vector<16xi32> to vector<16xi32>
      %get3A_1911 = arith.constant 80 : index
      %get3A_1912 = tpu.vector_load %arg8[%get3A_1911] {strides = array<i32>} : memref<208xi32, #tpu.memory_space<vmem>>, vector<16xi32>,
      %get3A_1913 = vector.shape_cast %get3A_1912 : vector<16xi32> to vector<16xi32>
      %add3A_1914 = arith.addi %get3A_1910, %get3A_1913 : vector<16xi32>
      %swap3A_1915 = arith.index_cast %add3A_1907 : i32 to index
      %swap3A_1916 = tpu.vector_load %arg9[%swap3A_1915] {strides = array<i32>} : memref<1664xi32, #tpu.memory_space<vmem>>, vector<16xi32>,
      %swap3A_1917 = vector.shape_cast %swap3A_1916 : vector<16xi32> to vector<16xi32>
      %swap3A_1918 = vector.shape_cast %add3A_1914 : vector<16xi32> to vector<16xi32>
      tpu.vector_store %arg9[%swap3A_1915], %swap3A_1918 {strides = array<i32>} : memref<1664xi32, #tpu.memory_space<vmem>>, vector<16xi32>,
      %add3A_1919 = arith.constant 96 : i32
      %add3A_1920 = arith.addi %mul3A_1842, %add3A_1919 : i32
      %get3A_1921 = arith.index_cast %add3A_1920 : i32 to index
      %get3A_1922 = tpu.vector_load %arg6[%get3A_1921] {strides = array<i32>} : memref<1664xi32, #tpu.memory_space<vmem>>, vector<16xi32>,
      %get3A_1923 = vector.shape_cast %get3A_1922 : vector<16xi32> to vector<16xi32>
      %get3A_1924 = arith.constant 96 : index
      %get3A_1925 = tpu.vector_load %arg8[%get3A_1924] {strides = array<i32>} : memref<208xi32, #tpu.memory_space<vmem>>, vector<16xi32>,
      %get3A_1926 = vector.shape_cast %get3A_1925 : vector<16xi32> to vector<16xi32>
      %add3A_1927 = arith.addi %get3A_1923, %get3A_1926 : vector<16xi32>
      %swap3A_1928 = arith.index_cast %add3A_1920 : i32 to index
      %swap3A_1929 = tpu.vector_load %arg9[%swap3A_1928] {strides = array<i32>} : memref<1664xi32, #tpu.memory_space<vmem>>, vector<16xi32>,
      %swap3A_1930 = vector.shape_cast %swap3A_1929 : vector<16xi32> to vector<16xi32>
      %swap3A_1931 = vector.shape_cast %add3A_1927 : vector<16xi32> to vector<16xi32>
      tpu.vector_store %arg9[%swap3A_1928], %swap3A_1931 {strides = array<i32>} : memref<1664xi32, #tpu.memory_space<vmem>>, vector<16xi32>,
      %add3A_1932 = arith.constant 112 : i32
      %add3A_1933 = arith.addi %mul3A_1842, %add3A_1932 : i32
      %get3A_1934 = arith.index_cast %add3A_1933 : i32 to index
      %get3A_1935 = tpu.vector_load %arg6[%get3A_1934] {strides = array<i32>} : memref<1664xi32, #tpu.memory_space<vmem>>, vector<16xi32>,
      %get3A_1936 = vector.shape_cast %get3A_1935 : vector<16xi32> to vector<16xi32>
      %get3A_1937 = arith.constant 112 : index
      %get3A_1938 = tpu.vector_load %arg8[%get3A_1937] {strides = array<i32>} : memref<208xi32, #tpu.memory_space<vmem>>, vector<16xi32>,
      %get3A_1939 = vector.shape_cast %get3A_1938 : vector<16xi32> to vector<16xi32>
      %add3A_1940 = arith.addi %get3A_1936, %get3A_1939 : vector<16xi32>
      %swap3A_1941 = arith.index_cast %add3A_1933 : i32 to index
      %swap3A_1942 = tpu.vector_load %arg9[%swap3A_1941] {strides = array<i32>} : memref<1664xi32, #tpu.memory_space<vmem>>, vector<16xi32>,
      %swap3A_1943 = vector.shape_cast %swap3A_1942 : vector<16xi32> to vector<16xi32>
      %swap3A_1944 = vector.shape_cast %add3A_1940 : vector<16xi32> to vector<16xi32>
      tpu.vector_store %arg9[%swap3A_1941], %swap3A_1944 {strides = array<i32>} : memref<1664xi32, #tpu.memory_space<vmem>>, vector<16xi32>,
      %add3A_1945 = arith.constant 128 : i32
      %add3A_1946 = arith.addi %mul3A_1842, %add3A_1945 : i32
      %get3A_1947 = arith.index_cast %add3A_1946 : i32 to index
      %get3A_1948 = tpu.vector_load %arg6[%get3A_1947] {strides = array<i32>} : memref<1664xi32, #tpu.memory_space<vmem>>, vector<16xi32>,
      %get3A_1949 = vector.shape_cast %get3A_1948 : vector<16xi32> to vector<16xi32>
      %get3A_1950 = arith.constant 128 : index
      %get3A_1951 = tpu.vector_load %arg8[%get3A_1950] {strides = array<i32>} : memref<208xi32, #tpu.memory_space<vmem>>, vector<16xi32>,
      %get3A_1952 = vector.shape_cast %get3A_1951 : vector<16xi32> to vector<16xi32>
      %add3A_1953 = arith.addi %get3A_1949, %get3A_1952 : vector<16xi32>
      %swap3A_1954 = arith.index_cast %add3A_1946 : i32 to index
      %swap3A_1955 = tpu.vector_load %arg9[%swap3A_1954] {strides = array<i32>} : memref<1664xi32, #tpu.memory_space<vmem>>, vector<16xi32>,
      %swap3A_1956 = vector.shape_cast %swap3A_1955 : vector<16xi32> to vector<16xi32>
      %swap3A_1957 = vector.shape_cast %add3A_1953 : vector<16xi32> to vector<16xi32>
      tpu.vector_store %arg9[%swap3A_1954], %swap3A_1957 {strides = array<i32>} : memref<1664xi32, #tpu.memory_space<vmem>>, vector<16xi32>,
      %add3A_1958 = arith.constant 144 : i32
      %add3A_1959 = arith.addi %mul3A_1842, %add3A_1958 : i32
      %get3A_1960 = arith.index_cast %add3A_1959 : i32 to index
      %get3A_1961 = tpu.vector_load %arg6[%get3A_1960] {strides = array<i32>} : memref<1664xi32, #tpu.memory_space<vmem>>, vector<16xi32>,
      %get3A_1962 = vector.shape_cast %get3A_1961 : vector<16xi32> to vector<16xi32>
      %get3A_1963 = arith.constant 144 : index
      %get3A_1964 = tpu.vector_load %arg8[%get3A_1963] {strides = array<i32>} : memref<208xi32, #tpu.memory_space<vmem>>, vector<16xi32>,
      %get3A_1965 = vector.shape_cast %get3A_1964 : vector<16xi32> to vector<16xi32>
      %add3A_1966 = arith.addi %get3A_1962, %get3A_1965 : vector<16xi32>
      %swap3A_1967 = arith.index_cast %add3A_1959 : i32 to index
      %swap3A_1968 = tpu.vector_load %arg9[%swap3A_1967] {strides = array<i32>} : memref<1664xi32, #tpu.memory_space<vmem>>, vector<16xi32>,
      %swap3A_1969 = vector.shape_cast %swap3A_1968 : vector<16xi32> to vector<16xi32>
      %swap3A_1970 = vector.shape_cast %add3A_1966 : vector<16xi32> to vector<16xi32>
      tpu.vector_store %arg9[%swap3A_1967], %swap3A_1970 {strides = array<i32>} : memref<1664xi32, #tpu.memory_space<vmem>>, vector<16xi32>,
      %add3A_1971 = arith.constant 160 : i32
      %add3A_1972 = arith.addi %mul3A_1842, %add3A_1971 : i32
      %get3A_1973 = arith.index_cast %add3A_1972 : i32 to index
      %get3A_1974 = tpu.vector_load %arg6[%get3A_1973] {strides = array<i32>} : memref<1664xi32, #tpu.memory_space<vmem>>, vector<16xi32>,
      %get3A_1975 = vector.shape_cast %get3A_1974 : vector<16xi32> to vector<16xi32>
      %get3A_1976 = arith.constant 160 : index
      %get3A_1977 = tpu.vector_load %arg8[%get3A_1976] {strides = array<i32>} : memref<208xi32, #tpu.memory_space<vmem>>, vector<16xi32>,
      %get3A_1978 = vector.shape_cast %get3A_1977 : vector<16xi32> to vector<16xi32>
      %add3A_1979 = arith.addi %get3A_1975, %get3A_1978 : vector<16xi32>
      %swap3A_1980 = arith.index_cast %add3A_1972 : i32 to index
      %swap3A_1981 = tpu.vector_load %arg9[%swap3A_1980] {strides = array<i32>} : memref<1664xi32, #tpu.memory_space<vmem>>, vector<16xi32>,
      %swap3A_1982 = vector.shape_cast %swap3A_1981 : vector<16xi32> to vector<16xi32>
      %swap3A_1983 = vector.shape_cast %add3A_1979 : vector<16xi32> to vector<16xi32>
      tpu.vector_store %arg9[%swap3A_1980], %swap3A_1983 {strides = array<i32>} : memref<1664xi32, #tpu.memory_space<vmem>>, vector<16xi32>,
      %add3A_1984 = arith.constant 176 : i32
      %add3A_1985 = arith.addi %mul3A_1842, %add3A_1984 : i32
      %get3A_1986 = arith.index_cast %add3A_1985 : i32 to index
      %get3A_1987 = tpu.vector_load %arg6[%get3A_1986] {strides = array<i32>} : memref<1664xi32, #tpu.memory_space<vmem>>, vector<16xi32>,
      %get3A_1988 = vector.shape_cast %get3A_1987 : vector<16xi32> to vector<16xi32>
      %get3A_1989 = arith.constant 176 : index
      %get3A_1990 = tpu.vector_load %arg8[%get3A_1989] {strides = array<i32>} : memref<208xi32, #tpu.memory_space<vmem>>, vector<16xi32>,
      %get3A_1991 = vector.shape_cast %get3A_1990 : vector<16xi32> to vector<16xi32>
      %add3A_1992 = arith.addi %get3A_1988, %get3A_1991 : vector<16xi32>
      %swap3A_1993 = arith.index_cast %add3A_1985 : i32 to index
      %swap3A_1994 = tpu.vector_load %arg9[%swap3A_1993] {strides = array<i32>} : memref<1664xi32, #tpu.memory_space<vmem>>, vector<16xi32>,
      %swap3A_1995 = vector.shape_cast %swap3A_1994 : vector<16xi32> to vector<16xi32>
      %swap3A_1996 = vector.shape_cast %add3A_1992 : vector<16xi32> to vector<16xi32>
      tpu.vector_store %arg9[%swap3A_1993], %swap3A_1996 {strides = array<i32>} : memref<1664xi32, #tpu.memory_space<vmem>>, vector<16xi32>,
      %add3A_1997 = arith.constant 192 : i32
      %add3A_1998 = arith.addi %mul3A_1842, %add3A_1997 : i32
      %get3A_1999 = arith.index_cast %add3A_1998 : i32 to index
      %get3A_2000 = tpu.vector_load %arg6[%get3A_1999] {strides = array<i32>} : memref<1664xi32, #tpu.memory_space<vmem>>, vector<16xi32>,
      %get3A_2001 = vector.shape_cast %get3A_2000 : vector<16xi32> to vector<16xi32>
      %get3A_2002 = arith.constant 192 : index
      %get3A_2003 = tpu.vector_load %arg8[%get3A_2002] {strides = array<i32>} : memref<208xi32, #tpu.memory_space<vmem>>, vector<16xi32>,
      %get3A_2004 = vector.shape_cast %get3A_2003 : vector<16xi32> to vector<16xi32>
      %add3A_2005 = arith.addi %get3A_2001, %get3A_2004 : vector<16xi32>
      %swap3A_2006 = arith.index_cast %add3A_1998 : i32 to index
      %swap3A_2007 = tpu.vector_load %arg9[%swap3A_2006] {strides = array<i32>} : memref<1664xi32, #tpu.memory_space<vmem>>, vector<16xi32>,
      %swap3A_2008 = vector.shape_cast %swap3A_2007 : vector<16xi32> to vector<16xi32>
      %swap3A_2009 = vector.shape_cast %add3A_2005 : vector<16xi32> to vector<16xi32>
      tpu.vector_store %arg9[%swap3A_2006], %swap3A_2009 {strides = array<i32>} : memref<1664xi32, #tpu.memory_space<vmem>>, vector<16xi32>,
    }
    %scan3A_11 = arith.constant 8 : i32
    %add3A_12 = arith.constant 1664 : i32
    %add3A_13 = arith.addi %mul3A_2, %add3A_12 : i32
    %dma_start3A_14 = tpu.memref_slice %arg2[%add3A_13] : memref<425984xi32, #tpu.memory_space<hbm>> -> memref<1664xi32, #tpu.memory_space<hbm>>
    %dma_start3A_15 = tpu.memref_slice %arg2[%add3A_13] : memref<425984xi32, #tpu.memory_space<hbm>> -> memref<1664xi32, #tpu.memory_space<hbm>>
    tpu.enqueue_dma source(%dma_start3A_15 : memref<1664xi32, #tpu.memory_space<hbm>>) target(%arg7 : memref<1664xi32, #tpu.memory_space<vmem>>) target_semaphore(%arg14 : memref<!tpu.dma_semaphore, #tpu.memory_space<semaphore_mem>>)
    %dma_start3A_16 = arith.constant 0 : i32
    %dma_start3A_17 = arith.constant 0 : i32
    %dma_start3A_18 = tpu.memref_slice %arg11[%dma_start3A_16, %dma_start3A_17] : memref<1664x16xf32, #tpu.memory_space<vmem>> -> memref<128x16xf32, #tpu.memory_space<vmem>>
    %dma_start3A_19 = arith.constant 0 : i32
    %dma_start3A_20 = tpu.memref_slice %arg9[%dma_start3A_19] : memref<1664xi32, #tpu.memory_space<vmem>> -> memref<128xi32, #tpu.memory_space<vmem>>
    %dma_start3A_21 = arith.constant 0 : i32
    %dma_start3A_22 = arith.constant 0 : i32
    %dma_start3A_23 = tpu.memref_slice %arg3[%dma_start3A_21, %dma_start3A_22] : memref<1000012x16xf32, #tpu.memory_space<hbm>> -> memref<1000012x16xf32, #tpu.memory_space<hbm>>
    tpu.enqueue_indirect_dma source(%dma_start3A_23 : memref<1000012x16xf32, #tpu.memory_space<hbm>>) target(%dma_start3A_18 : memref<128x16xf32, #tpu.memory_space<vmem>>) offsets(%dma_start3A_20 : memref<128xi32, #tpu.memory_space<vmem>>) semaphore(%arg15 : memref<!tpu.dma_semaphore, #tpu.memory_space<semaphore_mem>>)
    %dma_start3A_24 = arith.constant 128 : i32
    %dma_start3A_25 = arith.constant 0 : i32
    %dma_start3A_26 = tpu.memref_slice %arg11[%dma_start3A_24, %dma_start3A_25] : memref<1664x16xf32, #tpu.memory_space<vmem>> -> memref<128x16xf32, #tpu.memory_space<vmem>>
    %dma_start3A_27 = arith.constant 128 : i32
    %dma_start3A_28 = tpu.memref_slice %arg9[%dma_start3A_27] : memref<1664xi32, #tpu.memory_space<vmem>> -> memref<128xi32, #tpu.memory_space<vmem>>
    %dma_start3A_29 = arith.constant 0 : i32
    %dma_start3A_30 = arith.constant 0 : i32
    %dma_start3A_31 = tpu.memref_slice %arg3[%dma_start3A_29, %dma_start3A_30] : memref<1000012x16xf32, #tpu.memory_space<hbm>> -> memref<1000012x16xf32, #tpu.memory_space<hbm>>
    tpu.enqueue_indirect_dma source(%dma_start3A_31 : memref<1000012x16xf32, #tpu.memory_space<hbm>>) target(%dma_start3A_26 : memref<128x16xf32, #tpu.memory_space<vmem>>) offsets(%dma_start3A_28 : memref<128xi32, #tpu.memory_space<vmem>>) semaphore(%arg15 : memref<!tpu.dma_semaphore, #tpu.memory_space<semaphore_mem>>)
    %dma_start3A_32 = arith.constant 256 : i32
    %dma_start3A_33 = arith.constant 0 : i32
    %dma_start3A_34 = tpu.memref_slice %arg11[%dma_start3A_32, %dma_start3A_33] : memref<1664x16xf32, #tpu.memory_space<vmem>> -> memref<128x16xf32, #tpu.memory_space<vmem>>
    %dma_start3A_35 = arith.constant 256 : i32
    %dma_start3A_36 = tpu.memref_slice %arg9[%dma_start3A_35] : memref<1664xi32, #tpu.memory_space<vmem>> -> memref<128xi32, #tpu.memory_space<vmem>>
    %dma_start3A_37 = arith.constant 0 : i32
    %dma_start3A_38 = arith.constant 0 : i32
    %dma_start3A_39 = tpu.memref_slice %arg3[%dma_start3A_37, %dma_start3A_38] : memref<1000012x16xf32, #tpu.memory_space<hbm>> -> memref<1000012x16xf32, #tpu.memory_space<hbm>>
    tpu.enqueue_indirect_dma source(%dma_start3A_39 : memref<1000012x16xf32, #tpu.memory_space<hbm>>) target(%dma_start3A_34 : memref<128x16xf32, #tpu.memory_space<vmem>>) offsets(%dma_start3A_36 : memref<128xi32, #tpu.memory_space<vmem>>) semaphore(%arg15 : memref<!tpu.dma_semaphore, #tpu.memory_space<semaphore_mem>>)
    %dma_start3A_40 = arith.constant 384 : i32
    %dma_start3A_41 = arith.constant 0 : i32
    %dma_start3A_42 = tpu.memref_slice %arg11[%dma_start3A_40, %dma_start3A_41] : memref<1664x16xf32, #tpu.memory_space<vmem>> -> memref<128x16xf32, #tpu.memory_space<vmem>>
    %dma_start3A_43 = arith.constant 384 : i32
    %dma_start3A_44 = tpu.memref_slice %arg9[%dma_start3A_43] : memref<1664xi32, #tpu.memory_space<vmem>> -> memref<128xi32, #tpu.memory_space<vmem>>
    %dma_start3A_45 = arith.constant 0 : i32
    %dma_start3A_46 = arith.constant 0 : i32
    %dma_start3A_47 = tpu.memref_slice %arg3[%dma_start3A_45, %dma_start3A_46] : memref<1000012x16xf32, #tpu.memory_space<hbm>> -> memref<1000012x16xf32, #tpu.memory_space<hbm>>
    tpu.enqueue_indirect_dma source(%dma_start3A_47 : memref<1000012x16xf32, #tpu.memory_space<hbm>>) target(%dma_start3A_42 : memref<128x16xf32, #tpu.memory_space<vmem>>) offsets(%dma_start3A_44 : memref<128xi32, #tpu.memory_space<vmem>>) semaphore(%arg15 : memref<!tpu.dma_semaphore, #tpu.memory_space<semaphore_mem>>)
    %dma_start3A_48 = arith.constant 512 : i32
    %dma_start3A_49 = arith.constant 0 : i32
    %dma_start3A_50 = tpu.memref_slice %arg11[%dma_start3A_48, %dma_start3A_49] : memref<1664x16xf32, #tpu.memory_space<vmem>> -> memref<128x16xf32, #tpu.memory_space<vmem>>
    %dma_start3A_51 = arith.constant 512 : i32
    %dma_start3A_52 = tpu.memref_slice %arg9[%dma_start3A_51] : memref<1664xi32, #tpu.memory_space<vmem>> -> memref<128xi32, #tpu.memory_space<vmem>>
    %dma_start3A_53 = arith.constant 0 : i32
    %dma_start3A_54 = arith.constant 0 : i32
    %dma_start3A_55 = tpu.memref_slice %arg3[%dma_start3A_53, %dma_start3A_54] : memref<1000012x16xf32, #tpu.memory_space<hbm>> -> memref<1000012x16xf32, #tpu.memory_space<hbm>>
    tpu.enqueue_indirect_dma source(%dma_start3A_55 : memref<1000012x16xf32, #tpu.memory_space<hbm>>) target(%dma_start3A_50 : memref<128x16xf32, #tpu.memory_space<vmem>>) offsets(%dma_start3A_52 : memref<128xi32, #tpu.memory_space<vmem>>) semaphore(%arg15 : memref<!tpu.dma_semaphore, #tpu.memory_space<semaphore_mem>>)
    %dma_start3A_56 = arith.constant 640 : i32
    %dma_start3A_57 = arith.constant 0 : i32
    %dma_start3A_58 = tpu.memref_slice %arg11[%dma_start3A_56, %dma_start3A_57] : memref<1664x16xf32, #tpu.memory_space<vmem>> -> memref<128x16xf32, #tpu.memory_space<vmem>>
    %dma_start3A_59 = arith.constant 640 : i32
    %dma_start3A_60 = tpu.memref_slice %arg9[%dma_start3A_59] : memref<1664xi32, #tpu.memory_space<vmem>> -> memref<128xi32, #tpu.memory_space<vmem>>
    %dma_start3A_61 = arith.constant 0 : i32
    %dma_start3A_62 = arith.constant 0 : i32
    %dma_start3A_63 = tpu.memref_slice %arg3[%dma_start3A_61, %dma_start3A_62] : memref<1000012x16xf32, #tpu.memory_space<hbm>> -> memref<1000012x16xf32, #tpu.memory_space<hbm>>
    tpu.enqueue_indirect_dma source(%dma_start3A_63 : memref<1000012x16xf32, #tpu.memory_space<hbm>>) target(%dma_start3A_58 : memref<128x16xf32, #tpu.memory_space<vmem>>) offsets(%dma_start3A_60 : memref<128xi32, #tpu.memory_space<vmem>>) semaphore(%arg15 : memref<!tpu.dma_semaphore, #tpu.memory_space<semaphore_mem>>)
    %dma_start3A_64 = arith.constant 768 : i32
    %dma_start3A_65 = arith.constant 0 : i32
    %dma_start3A_66 = tpu.memref_slice %arg11[%dma_start3A_64, %dma_start3A_65] : memref<1664x16xf32, #tpu.memory_space<vmem>> -> memref<128x16xf32, #tpu.memory_space<vmem>>
    %dma_start3A_67 = arith.constant 768 : i32
    %dma_start3A_68 = tpu.memref_slice %arg9[%dma_start3A_67] : memref<1664xi32, #tpu.memory_space<vmem>> -> memref<128xi32, #tpu.memory_space<vmem>>
    %dma_start3A_69 = arith.constant 0 : i32
    %dma_start3A_70 = arith.constant 0 : i32
    %dma_start3A_71 = tpu.memref_slice %arg3[%dma_start3A_69, %dma_start3A_70] : memref<1000012x16xf32, #tpu.memory_space<hbm>> -> memref<1000012x16xf32, #tpu.memory_space<hbm>>
    tpu.enqueue_indirect_dma source(%dma_start3A_71 : memref<1000012x16xf32, #tpu.memory_space<hbm>>) target(%dma_start3A_66 : memref<128x16xf32, #tpu.memory_space<vmem>>) offsets(%dma_start3A_68 : memref<128xi32, #tpu.memory_space<vmem>>) semaphore(%arg15 : memref<!tpu.dma_semaphore, #tpu.memory_space<semaphore_mem>>)
    %dma_start3A_72 = arith.constant 896 : i32
    %dma_start3A_73 = arith.constant 0 : i32
    %dma_start3A_74 = tpu.memref_slice %arg11[%dma_start3A_72, %dma_start3A_73] : memref<1664x16xf32, #tpu.memory_space<vmem>> -> memref<128x16xf32, #tpu.memory_space<vmem>>
    %dma_start3A_75 = arith.constant 896 : i32
    %dma_start3A_76 = tpu.memref_slice %arg9[%dma_start3A_75] : memref<1664xi32, #tpu.memory_space<vmem>> -> memref<128xi32, #tpu.memory_space<vmem>>
    %dma_start3A_77 = arith.constant 0 : i32
    %dma_start3A_78 = arith.constant 0 : i32
    %dma_start3A_79 = tpu.memref_slice %arg3[%dma_start3A_77, %dma_start3A_78] : memref<1000012x16xf32, #tpu.memory_space<hbm>> -> memref<1000012x16xf32, #tpu.memory_space<hbm>>
    tpu.enqueue_indirect_dma source(%dma_start3A_79 : memref<1000012x16xf32, #tpu.memory_space<hbm>>) target(%dma_start3A_74 : memref<128x16xf32, #tpu.memory_space<vmem>>) offsets(%dma_start3A_76 : memref<128xi32, #tpu.memory_space<vmem>>) semaphore(%arg15 : memref<!tpu.dma_semaphore, #tpu.memory_space<semaphore_mem>>)
    %dma_start3A_80 = arith.constant 1024 : i32
    %dma_start3A_81 = arith.constant 0 : i32
    %dma_start3A_82 = tpu.memref_slice %arg11[%dma_start3A_80, %dma_start3A_81] : memref<1664x16xf32, #tpu.memory_space<vmem>> -> memref<128x16xf32, #tpu.memory_space<vmem>>
    %dma_start3A_83 = arith.constant 1024 : i32
    %dma_start3A_84 = tpu.memref_slice %arg9[%dma_start3A_83] : memref<1664xi32, #tpu.memory_space<vmem>> -> memref<128xi32, #tpu.memory_space<vmem>>
    %dma_start3A_85 = arith.constant 0 : i32
    %dma_start3A_86 = arith.constant 0 : i32
    %dma_start3A_87 = tpu.memref_slice %arg3[%dma_start3A_85, %dma_start3A_86] : memref<1000012x16xf32, #tpu.memory_space<hbm>> -> memref<1000012x16xf32, #tpu.memory_space<hbm>>
    tpu.enqueue_indirect_dma source(%dma_start3A_87 : memref<1000012x16xf32, #tpu.memory_space<hbm>>) target(%dma_start3A_82 : memref<128x16xf32, #tpu.memory_space<vmem>>) offsets(%dma_start3A_84 : memref<128xi32, #tpu.memory_space<vmem>>) semaphore(%arg15 : memref<!tpu.dma_semaphore, #tpu.memory_space<semaphore_mem>>)
    %dma_start3A_88 = arith.constant 1152 : i32
    %dma_start3A_89 = arith.constant 0 : i32
    %dma_start3A_90 = tpu.memref_slice %arg11[%dma_start3A_88, %dma_start3A_89] : memref<1664x16xf32, #tpu.memory_space<vmem>> -> memref<128x16xf32, #tpu.memory_space<vmem>>
    %dma_start3A_91 = arith.constant 1152 : i32
    %dma_start3A_92 = tpu.memref_slice %arg9[%dma_start3A_91] : memref<1664xi32, #tpu.memory_space<vmem>> -> memref<128xi32, #tpu.memory_space<vmem>>
    %dma_start3A_93 = arith.constant 0 : i32
    %dma_start3A_94 = arith.constant 0 : i32
    %dma_start3A_95 = tpu.memref_slice %arg3[%dma_start3A_93, %dma_start3A_94] : memref<1000012x16xf32, #tpu.memory_space<hbm>> -> memref<1000012x16xf32, #tpu.memory_space<hbm>>
    tpu.enqueue_indirect_dma source(%dma_start3A_95 : memref<1000012x16xf32, #tpu.memory_space<hbm>>) target(%dma_start3A_90 : memref<128x16xf32, #tpu.memory_space<vmem>>) offsets(%dma_start3A_92 : memref<128xi32, #tpu.memory_space<vmem>>) semaphore(%arg15 : memref<!tpu.dma_semaphore, #tpu.memory_space<semaphore_mem>>)
    %dma_start3A_96 = arith.constant 1280 : i32
    %dma_start3A_97 = arith.constant 0 : i32
    %dma_start3A_98 = tpu.memref_slice %arg11[%dma_start3A_96, %dma_start3A_97] : memref<1664x16xf32, #tpu.memory_space<vmem>> -> memref<128x16xf32, #tpu.memory_space<vmem>>
    %dma_start3A_99 = arith.constant 1280 : i32
    %dma_start3A_100 = tpu.memref_slice %arg9[%dma_start3A_99] : memref<1664xi32, #tpu.memory_space<vmem>> -> memref<128xi32, #tpu.memory_space<vmem>>
    %dma_start3A_101 = arith.constant 0 : i32
    %dma_start3A_102 = arith.constant 0 : i32
    %dma_start3A_103 = tpu.memref_slice %arg3[%dma_start3A_101, %dma_start3A_102] : memref<1000012x16xf32, #tpu.memory_space<hbm>> -> memref<1000012x16xf32, #tpu.memory_space<hbm>>
    tpu.enqueue_indirect_dma source(%dma_start3A_103 : memref<1000012x16xf32, #tpu.memory_space<hbm>>) target(%dma_start3A_98 : memref<128x16xf32, #tpu.memory_space<vmem>>) offsets(%dma_start3A_100 : memref<128xi32, #tpu.memory_space<vmem>>) semaphore(%arg15 : memref<!tpu.dma_semaphore, #tpu.memory_space<semaphore_mem>>)
    %dma_start3A_104 = arith.constant 1408 : i32
    %dma_start3A_105 = arith.constant 0 : i32
    %dma_start3A_106 = tpu.memref_slice %arg11[%dma_start3A_104, %dma_start3A_105] : memref<1664x16xf32, #tpu.memory_space<vmem>> -> memref<128x16xf32, #tpu.memory_space<vmem>>
    %dma_start3A_107 = arith.constant 1408 : i32
    %dma_start3A_108 = tpu.memref_slice %arg9[%dma_start3A_107] : memref<1664xi32, #tpu.memory_space<vmem>> -> memref<128xi32, #tpu.memory_space<vmem>>
    %dma_start3A_109 = arith.constant 0 : i32
    %dma_start3A_110 = arith.constant 0 : i32
    %dma_start3A_111 = tpu.memref_slice %arg3[%dma_start3A_109, %dma_start3A_110] : memref<1000012x16xf32, #tpu.memory_space<hbm>> -> memref<1000012x16xf32, #tpu.memory_space<hbm>>
    tpu.enqueue_indirect_dma source(%dma_start3A_111 : memref<1000012x16xf32, #tpu.memory_space<hbm>>) target(%dma_start3A_106 : memref<128x16xf32, #tpu.memory_space<vmem>>) offsets(%dma_start3A_108 : memref<128xi32, #tpu.memory_space<vmem>>) semaphore(%arg15 : memref<!tpu.dma_semaphore, #tpu.memory_space<semaphore_mem>>)
    %dma_start3A_112 = arith.constant 1536 : i32
    %dma_start3A_113 = arith.constant 0 : i32
    %dma_start3A_114 = tpu.memref_slice %arg11[%dma_start3A_112, %dma_start3A_113] : memref<1664x16xf32, #tpu.memory_space<vmem>> -> memref<128x16xf32, #tpu.memory_space<vmem>>
    %dma_start3A_115 = arith.constant 1536 : i32
    %dma_start3A_116 = tpu.memref_slice %arg9[%dma_start3A_115] : memref<1664xi32, #tpu.memory_space<vmem>> -> memref<128xi32, #tpu.memory_space<vmem>>
    %dma_start3A_117 = arith.constant 0 : i32
    %dma_start3A_118 = arith.constant 0 : i32
    %dma_start3A_119 = tpu.memref_slice %arg3[%dma_start3A_117, %dma_start3A_118] : memref<1000012x16xf32, #tpu.memory_space<hbm>> -> memref<1000012x16xf32, #tpu.memory_space<hbm>>
    tpu.enqueue_indirect_dma source(%dma_start3A_119 : memref<1000012x16xf32, #tpu.memory_space<hbm>>) target(%dma_start3A_114 : memref<128x16xf32, #tpu.memory_space<vmem>>) offsets(%dma_start3A_116 : memref<128xi32, #tpu.memory_space<vmem>>) semaphore(%arg15 : memref<!tpu.dma_semaphore, #tpu.memory_space<semaphore_mem>>)
    %add3A_120 = arith.constant 3328 : i32
    %add3A_121 = arith.addi %mul3A_2, %add3A_120 : i32
    %dma_start3A_122 = tpu.memref_slice %arg2[%add3A_121] : memref<425984xi32, #tpu.memory_space<hbm>> -> memref<1664xi32, #tpu.memory_space<hbm>>
    %dma_start3A_123 = tpu.memref_slice %arg2[%add3A_121] : memref<425984xi32, #tpu.memory_space<hbm>> -> memref<1664xi32, #tpu.memory_space<hbm>>
    tpu.enqueue_dma source(%dma_start3A_123 : memref<1664xi32, #tpu.memory_space<hbm>>) target(%arg6 : memref<1664xi32, #tpu.memory_space<vmem>>) target_semaphore(%arg13 : memref<!tpu.dma_semaphore, #tpu.memory_space<semaphore_mem>>)
    %dma_wait3A_124 = tpu.memref_slice %arg2[%add3A_13] : memref<425984xi32, #tpu.memory_space<hbm>> -> memref<1664xi32, #tpu.memory_space<hbm>>
    %dma_wait3A_125 = tpu.memref_slice %arg2[%add3A_13] : memref<425984xi32, #tpu.memory_space<hbm>> -> memref<1664xi32, #tpu.memory_space<hbm>>
    tpu.wait_dma2 semaphore(%arg14 : memref<!tpu.dma_semaphore, #tpu.memory_space<semaphore_mem>>) src(%dma_wait3A_125 : memref<1664xi32, #tpu.memory_space<hbm>>) dst(%arg7 : memref<1664xi32, #tpu.memory_space<vmem>>)
    %scan3A_126 = arith.constant 0 : i32
    %scan3A_127 = arith.constant 0 : i32
    %scan3A_128 = arith.constant 8 : i32
    %scan3A_129 = arith.addi %scan3A_127, %scan3A_128 : i32
    %scan3A_130 = arith.constant 1 : i32
    scf.for %scan3A_1840 = %scan3A_127 to %scan3A_129 step %scan3A_130  : i32 {
      %mul3A_1841 = arith.constant 208 : i32
      %mul3A_1842 = arith.muli %scan3A_1840, %mul3A_1841 : i32
      %add3A_1843 = arith.constant 0 : i32
      %add3A_1844 = arith.addi %mul3A_1842, %add3A_1843 : i32
      %get3A = arith.index_cast %add3A_1844 : i32 to index
      %get3A_1845 = tpu.vector_load %arg7[%get3A] {strides = array<i32>} : memref<1664xi32, #tpu.memory_space<vmem>>, vector<16xi32>,
      %get3A_1846 = vector.shape_cast %get3A_1845 : vector<16xi32> to vector<16xi32>
      %get3A_1847 = arith.constant 0 : index
      %get3A_1848 = tpu.vector_load %arg8[%get3A_1847] {strides = array<i32>} : memref<208xi32, #tpu.memory_space<vmem>>, vector<16xi32>,
      %get3A_1849 = vector.shape_cast %get3A_1848 : vector<16xi32> to vector<16xi32>
      %add3A_1850 = arith.addi %get3A_1846, %get3A_1849 : vector<16xi32>
      %swap3A = arith.index_cast %add3A_1844 : i32 to index
      %swap3A_1851 = tpu.vector_load %arg10[%swap3A] {strides = array<i32>} : memref<1664xi32, #tpu.memory_space<vmem>>, vector<16xi32>,
      %swap3A_1852 = vector.shape_cast %swap3A_1851 : vector<16xi32> to vector<16xi32>
      %swap3A_1853 = vector.shape_cast %add3A_1850 : vector<16xi32> to vector<16xi32>
      tpu.vector_store %arg10[%swap3A], %swap3A_1853 {strides = array<i32>} : memref<1664xi32, #tpu.memory_space<vmem>>, vector<16xi32>,
      %add3A_1854 = arith.constant 16 : i32
      %add3A_1855 = arith.addi %mul3A_1842, %add3A_1854 : i32
      %get3A_1856 = arith.index_cast %add3A_1855 : i32 to index
      %get3A_1857 = tpu.vector_load %arg7[%get3A_1856] {strides = array<i32>} : memref<1664xi32, #tpu.memory_space<vmem>>, vector<16xi32>,
      %get3A_1858 = vector.shape_cast %get3A_1857 : vector<16xi32> to vector<16xi32>
      %get3A_1859 = arith.constant 16 : index
      %get3A_1860 = tpu.vector_load %arg8[%get3A_1859] {strides = array<i32>} : memref<208xi32, #tpu.memory_space<vmem>>, vector<16xi32>,
      %get3A_1861 = vector.shape_cast %get3A_1860 : vector<16xi32> to vector<16xi32>
      %add3A_1862 = arith.addi %get3A_1858, %get3A_1861 : vector<16xi32>
      %swap3A_1863 = arith.index_cast %add3A_1855 : i32 to index
      %swap3A_1864 = tpu.vector_load %arg10[%swap3A_1863] {strides = array<i32>} : memref<1664xi32, #tpu.memory_space<vmem>>, vector<16xi32>,
      %swap3A_1865 = vector.shape_cast %swap3A_1864 : vector<16xi32> to vector<16xi32>
      %swap3A_1866 = vector.shape_cast %add3A_1862 : vector<16xi32> to vector<16xi32>
      tpu.vector_store %arg10[%swap3A_1863], %swap3A_1866 {strides = array<i32>} : memref<1664xi32, #tpu.memory_space<vmem>>, vector<16xi32>,
      %add3A_1867 = arith.constant 32 : i32
      %add3A_1868 = arith.addi %mul3A_1842, %add3A_1867 : i32
      %get3A_1869 = arith.index_cast %add3A_1868 : i32 to index
      %get3A_1870 = tpu.vector_load %arg7[%get3A_1869] {strides = array<i32>} : memref<1664xi32, #tpu.memory_space<vmem>>, vector<16xi32>,
      %get3A_1871 = vector.shape_cast %get3A_1870 : vector<16xi32> to vector<16xi32>
      %get3A_1872 = arith.constant 32 : index
      %get3A_1873 = tpu.vector_load %arg8[%get3A_1872] {strides = array<i32>} : memref<208xi32, #tpu.memory_space<vmem>>, vector<16xi32>,
      %get3A_1874 = vector.shape_cast %get3A_1873 : vector<16xi32> to vector<16xi32>
      %add3A_1875 = arith.addi %get3A_1871, %get3A_1874 : vector<16xi32>
      %swap3A_1876 = arith.index_cast %add3A_1868 : i32 to index
      %swap3A_1877 = tpu.vector_load %arg10[%swap3A_1876] {strides = array<i32>} : memref<1664xi32, #tpu.memory_space<vmem>>, vector<16xi32>,
      %swap3A_1878 = vector.shape_cast %swap3A_1877 : vector<16xi32> to vector<16xi32>
      %swap3A_1879 = vector.shape_cast %add3A_1875 : vector<16xi32> to vector<16xi32>
      tpu.vector_store %arg10[%swap3A_1876], %swap3A_1879 {strides = array<i32>} : memref<1664xi32, #tpu.memory_space<vmem>>, vector<16xi32>,
      %add3A_1880 = arith.constant 48 : i32
      %add3A_1881 = arith.addi %mul3A_1842, %add3A_1880 : i32
      %get3A_1882 = arith.index_cast %add3A_1881 : i32 to index
      %get3A_1883 = tpu.vector_load %arg7[%get3A_1882] {strides = array<i32>} : memref<1664xi32, #tpu.memory_space<vmem>>, vector<16xi32>,
      %get3A_1884 = vector.shape_cast %get3A_1883 : vector<16xi32> to vector<16xi32>
      %get3A_1885 = arith.constant 48 : index
      %get3A_1886 = tpu.vector_load %arg8[%get3A_1885] {strides = array<i32>} : memref<208xi32, #tpu.memory_space<vmem>>, vector<16xi32>,
      %get3A_1887 = vector.shape_cast %get3A_1886 : vector<16xi32> to vector<16xi32>
      %add3A_1888 = arith.addi %get3A_1884, %get3A_1887 : vector<16xi32>
      %swap3A_1889 = arith.index_cast %add3A_1881 : i32 to index
      %swap3A_1890 = tpu.vector_load %arg10[%swap3A_1889] {strides = array<i32>} : memref<1664xi32, #tpu.memory_space<vmem>>, vector<16xi32>,
      %swap3A_1891 = vector.shape_cast %swap3A_1890 : vector<16xi32> to vector<16xi32>
      %swap3A_1892 = vector.shape_cast %add3A_1888 : vector<16xi32> to vector<16xi32>
      tpu.vector_store %arg10[%swap3A_1889], %swap3A_1892 {strides = array<i32>} : memref<1664xi32, #tpu.memory_space<vmem>>, vector<16xi32>,
      %add3A_1893 = arith.constant 64 : i32
      %add3A_1894 = arith.addi %mul3A_1842, %add3A_1893 : i32
      %get3A_1895 = arith.index_cast %add3A_1894 : i32 to index
      %get3A_1896 = tpu.vector_load %arg7[%get3A_1895] {strides = array<i32>} : memref<1664xi32, #tpu.memory_space<vmem>>, vector<16xi32>,
      %get3A_1897 = vector.shape_cast %get3A_1896 : vector<16xi32> to vector<16xi32>
      %get3A_1898 = arith.constant 64 : index
      %get3A_1899 = tpu.vector_load %arg8[%get3A_1898] {strides = array<i32>} : memref<208xi32, #tpu.memory_space<vmem>>, vector<16xi32>,
      %get3A_1900 = vector.shape_cast %get3A_1899 : vector<16xi32> to vector<16xi32>
      %add3A_1901 = arith.addi %get3A_1897, %get3A_1900 : vector<16xi32>
      %swap3A_1902 = arith.index_cast %add3A_1894 : i32 to index
      %swap3A_1903 = tpu.vector_load %arg10[%swap3A_1902] {strides = array<i32>} : memref<1664xi32, #tpu.memory_space<vmem>>, vector<16xi32>,
      %swap3A_1904 = vector.shape_cast %swap3A_1903 : vector<16xi32> to vector<16xi32>
      %swap3A_1905 = vector.shape_cast %add3A_1901 : vector<16xi32> to vector<16xi32>
      tpu.vector_store %arg10[%swap3A_1902], %swap3A_1905 {strides = array<i32>} : memref<1664xi32, #tpu.memory_space<vmem>>, vector<16xi32>,
      %add3A_1906 = arith.constant 80 : i32
      %add3A_1907 = arith.addi %mul3A_1842, %add3A_1906 : i32
      %get3A_1908 = arith.index_cast %add3A_1907 : i32 to index
      %get3A_1909 = tpu.vector_load %arg7[%get3A_1908] {strides = array<i32>} : memref<1664xi32, #tpu.memory_space<vmem>>, vector<16xi32>,
      %get3A_1910 = vector.shape_cast %get3A_1909 : vector<16xi32> to vector<16xi32>
      %get3A_1911 = arith.constant 80 : index
      %get3A_1912 = tpu.vector_load %arg8[%get3A_1911] {strides = array<i32>} : memref<208xi32, #tpu.memory_space<vmem>>, vector<16xi32>,
      %get3A_1913 = vector.shape_cast %get3A_1912 : vector<16xi32> to vector<16xi32>
      %add3A_1914 = arith.addi %get3A_1910, %get3A_1913 : vector<16xi32>
      %swap3A_1915 = arith.index_cast %add3A_1907 : i32 to index
      %swap3A_1916 = tpu.vector_load %arg10[%swap3A_1915] {strides = array<i32>} : memref<1664xi32, #tpu.memory_space<vmem>>, vector<16xi32>,
      %swap3A_1917 = vector.shape_cast %swap3A_1916 : vector<16xi32> to vector<16xi32>
      %swap3A_1918 = vector.shape_cast %add3A_1914 : vector<16xi32> to vector<16xi32>
      tpu.vector_store %arg10[%swap3A_1915], %swap3A_1918 {strides = array<i32>} : memref<1664xi32, #tpu.memory_space<vmem>>, vector<16xi32>,
      %add3A_1919 = arith.constant 96 : i32
      %add3A_1920 = arith.addi %mul3A_1842, %add3A_1919 : i32
      %get3A_1921 = arith.index_cast %add3A_1920 : i32 to index
      %get3A_1922 = tpu.vector_load %arg7[%get3A_1921] {strides = array<i32>} : memref<1664xi32, #tpu.memory_space<vmem>>, vector<16xi32>,
      %get3A_1923 = vector.shape_cast %get3A_1922 : vector<16xi32> to vector<16xi32>
      %get3A_1924 = arith.constant 96 : index
      %get3A_1925 = tpu.vector_load %arg8[%get3A_1924] {strides = array<i32>} : memref<208xi32, #tpu.memory_space<vmem>>, vector<16xi32>,
      %get3A_1926 = vector.shape_cast %get3A_1925 : vector<16xi32> to vector<16xi32>
      %add3A_1927 = arith.addi %get3A_1923, %get3A_1926 : vector<16xi32>
      %swap3A_1928 = arith.index_cast %add3A_1920 : i32 to index
      %swap3A_1929 = tpu.vector_load %arg10[%swap3A_1928] {strides = array<i32>} : memref<1664xi32, #tpu.memory_space<vmem>>, vector<16xi32>,
      %swap3A_1930 = vector.shape_cast %swap3A_1929 : vector<16xi32> to vector<16xi32>
      %swap3A_1931 = vector.shape_cast %add3A_1927 : vector<16xi32> to vector<16xi32>
      tpu.vector_store %arg10[%swap3A_1928], %swap3A_1931 {strides = array<i32>} : memref<1664xi32, #tpu.memory_space<vmem>>, vector<16xi32>,
      %add3A_1932 = arith.constant 112 : i32
      %add3A_1933 = arith.addi %mul3A_1842, %add3A_1932 : i32
      %get3A_1934 = arith.index_cast %add3A_1933 : i32 to index
      %get3A_1935 = tpu.vector_load %arg7[%get3A_1934] {strides = array<i32>} : memref<1664xi32, #tpu.memory_space<vmem>>, vector<16xi32>,
      %get3A_1936 = vector.shape_cast %get3A_1935 : vector<16xi32> to vector<16xi32>
      %get3A_1937 = arith.constant 112 : index
      %get3A_1938 = tpu.vector_load %arg8[%get3A_1937] {strides = array<i32>} : memref<208xi32, #tpu.memory_space<vmem>>, vector<16xi32>,
      %get3A_1939 = vector.shape_cast %get3A_1938 : vector<16xi32> to vector<16xi32>
      %add3A_1940 = arith.addi %get3A_1936, %get3A_1939 : vector<16xi32>
      %swap3A_1941 = arith.index_cast %add3A_1933 : i32 to index
      %swap3A_1942 = tpu.vector_load %arg10[%swap3A_1941] {strides = array<i32>} : memref<1664xi32, #tpu.memory_space<vmem>>, vector<16xi32>,
      %swap3A_1943 = vector.shape_cast %swap3A_1942 : vector<16xi32> to vector<16xi32>
      %swap3A_1944 = vector.shape_cast %add3A_1940 : vector<16xi32> to vector<16xi32>
      tpu.vector_store %arg10[%swap3A_1941], %swap3A_1944 {strides = array<i32>} : memref<1664xi32, #tpu.memory_space<vmem>>, vector<16xi32>,
      %add3A_1945 = arith.constant 128 : i32
      %add3A_1946 = arith.addi %mul3A_1842, %add3A_1945 : i32
      %get3A_1947 = arith.index_cast %add3A_1946 : i32 to index
      %get3A_1948 = tpu.vector_load %arg7[%get3A_1947] {strides = array<i32>} : memref<1664xi32, #tpu.memory_space<vmem>>, vector<16xi32>,
      %get3A_1949 = vector.shape_cast %get3A_1948 : vector<16xi32> to vector<16xi32>
      %get3A_1950 = arith.constant 128 : index
      %get3A_1951 = tpu.vector_load %arg8[%get3A_1950] {strides = array<i32>} : memref<208xi32, #tpu.memory_space<vmem>>, vector<16xi32>,
      %get3A_1952 = vector.shape_cast %get3A_1951 : vector<16xi32> to vector<16xi32>
      %add3A_1953 = arith.addi %get3A_1949, %get3A_1952 : vector<16xi32>
      %swap3A_1954 = arith.index_cast %add3A_1946 : i32 to index
      %swap3A_1955 = tpu.vector_load %arg10[%swap3A_1954] {strides = array<i32>} : memref<1664xi32, #tpu.memory_space<vmem>>, vector<16xi32>,
      %swap3A_1956 = vector.shape_cast %swap3A_1955 : vector<16xi32> to vector<16xi32>
      %swap3A_1957 = vector.shape_cast %add3A_1953 : vector<16xi32> to vector<16xi32>
      tpu.vector_store %arg10[%swap3A_1954], %swap3A_1957 {strides = array<i32>} : memref<1664xi32, #tpu.memory_space<vmem>>, vector<16xi32>,
      %add3A_1958 = arith.constant 144 : i32
      %add3A_1959 = arith.addi %mul3A_1842, %add3A_1958 : i32
      %get3A_1960 = arith.index_cast %add3A_1959 : i32 to index
      %get3A_1961 = tpu.vector_load %arg7[%get3A_1960] {strides = array<i32>} : memref<1664xi32, #tpu.memory_space<vmem>>, vector<16xi32>,
      %get3A_1962 = vector.shape_cast %get3A_1961 : vector<16xi32> to vector<16xi32>
      %get3A_1963 = arith.constant 144 : index
      %get3A_1964 = tpu.vector_load %arg8[%get3A_1963] {strides = array<i32>} : memref<208xi32, #tpu.memory_space<vmem>>, vector<16xi32>,
      %get3A_1965 = vector.shape_cast %get3A_1964 : vector<16xi32> to vector<16xi32>
      %add3A_1966 = arith.addi %get3A_1962, %get3A_1965 : vector<16xi32>
      %swap3A_1967 = arith.index_cast %add3A_1959 : i32 to index
      %swap3A_1968 = tpu.vector_load %arg10[%swap3A_1967] {strides = array<i32>} : memref<1664xi32, #tpu.memory_space<vmem>>, vector<16xi32>,
      %swap3A_1969 = vector.shape_cast %swap3A_1968 : vector<16xi32> to vector<16xi32>
      %swap3A_1970 = vector.shape_cast %add3A_1966 : vector<16xi32> to vector<16xi32>
      tpu.vector_store %arg10[%swap3A_1967], %swap3A_1970 {strides = array<i32>} : memref<1664xi32, #tpu.memory_space<vmem>>, vector<16xi32>,
      %add3A_1971 = arith.constant 160 : i32
      %add3A_1972 = arith.addi %mul3A_1842, %add3A_1971 : i32
      %get3A_1973 = arith.index_cast %add3A_1972 : i32 to index
      %get3A_1974 = tpu.vector_load %arg7[%get3A_1973] {strides = array<i32>} : memref<1664xi32, #tpu.memory_space<vmem>>, vector<16xi32>,
      %get3A_1975 = vector.shape_cast %get3A_1974 : vector<16xi32> to vector<16xi32>
      %get3A_1976 = arith.constant 160 : index
      %get3A_1977 = tpu.vector_load %arg8[%get3A_1976] {strides = array<i32>} : memref<208xi32, #tpu.memory_space<vmem>>, vector<16xi32>,
      %get3A_1978 = vector.shape_cast %get3A_1977 : vector<16xi32> to vector<16xi32>
      %add3A_1979 = arith.addi %get3A_1975, %get3A_1978 : vector<16xi32>
      %swap3A_1980 = arith.index_cast %add3A_1972 : i32 to index
      %swap3A_1981 = tpu.vector_load %arg10[%swap3A_1980] {strides = array<i32>} : memref<1664xi32, #tpu.memory_space<vmem>>, vector<16xi32>,
      %swap3A_1982 = vector.shape_cast %swap3A_1981 : vector<16xi32> to vector<16xi32>
      %swap3A_1983 = vector.shape_cast %add3A_1979 : vector<16xi32> to vector<16xi32>
      tpu.vector_store %arg10[%swap3A_1980], %swap3A_1983 {strides = array<i32>} : memref<1664xi32, #tpu.memory_space<vmem>>, vector<16xi32>,
      %add3A_1984 = arith.constant 176 : i32
      %add3A_1985 = arith.addi %mul3A_1842, %add3A_1984 : i32
      %get3A_1986 = arith.index_cast %add3A_1985 : i32 to index
      %get3A_1987 = tpu.vector_load %arg7[%get3A_1986] {strides = array<i32>} : memref<1664xi32, #tpu.memory_space<vmem>>, vector<16xi32>,
      %get3A_1988 = vector.shape_cast %get3A_1987 : vector<16xi32> to vector<16xi32>
      %get3A_1989 = arith.constant 176 : index
      %get3A_1990 = tpu.vector_load %arg8[%get3A_1989] {strides = array<i32>} : memref<208xi32, #tpu.memory_space<vmem>>, vector<16xi32>,
      %get3A_1991 = vector.shape_cast %get3A_1990 : vector<16xi32> to vector<16xi32>
      %add3A_1992 = arith.addi %get3A_1988, %get3A_1991 : vector<16xi32>
      %swap3A_1993 = arith.index_cast %add3A_1985 : i32 to index
      %swap3A_1994 = tpu.vector_load %arg10[%swap3A_1993] {strides = array<i32>} : memref<1664xi32, #tpu.memory_space<vmem>>, vector<16xi32>,
      %swap3A_1995 = vector.shape_cast %swap3A_1994 : vector<16xi32> to vector<16xi32>
      %swap3A_1996 = vector.shape_cast %add3A_1992 : vector<16xi32> to vector<16xi32>
      tpu.vector_store %arg10[%swap3A_1993], %swap3A_1996 {strides = array<i32>} : memref<1664xi32, #tpu.memory_space<vmem>>, vector<16xi32>,
      %add3A_1997 = arith.constant 192 : i32
      %add3A_1998 = arith.addi %mul3A_1842, %add3A_1997 : i32
      %get3A_1999 = arith.index_cast %add3A_1998 : i32 to index
      %get3A_2000 = tpu.vector_load %arg7[%get3A_1999] {strides = array<i32>} : memref<1664xi32, #tpu.memory_space<vmem>>, vector<16xi32>,
      %get3A_2001 = vector.shape_cast %get3A_2000 : vector<16xi32> to vector<16xi32>
      %get3A_2002 = arith.constant 192 : index
      %get3A_2003 = tpu.vector_load %arg8[%get3A_2002] {strides = array<i32>} : memref<208xi32, #tpu.memory_space<vmem>>, vector<16xi32>,
      %get3A_2004 = vector.shape_cast %get3A_2003 : vector<16xi32> to vector<16xi32>
      %add3A_2005 = arith.addi %get3A_2001, %get3A_2004 : vector<16xi32>
      %swap3A_2006 = arith.index_cast %add3A_1998 : i32 to index
      %swap3A_2007 = tpu.vector_load %arg10[%swap3A_2006] {strides = array<i32>} : memref<1664xi32, #tpu.memory_space<vmem>>, vector<16xi32>,
      %swap3A_2008 = vector.shape_cast %swap3A_2007 : vector<16xi32> to vector<16xi32>
      %swap3A_2009 = vector.shape_cast %add3A_2005 : vector<16xi32> to vector<16xi32>
      tpu.vector_store %arg10[%swap3A_2006], %swap3A_2009 {strides = array<i32>} : memref<1664xi32, #tpu.memory_space<vmem>>, vector<16xi32>,
    }
    %scan3A_131 = arith.constant 8 : i32
    %dma_start3A_132 = arith.constant 0 : i32
    %dma_start3A_133 = arith.constant 0 : i32
    %dma_start3A_134 = tpu.memref_slice %arg12[%dma_start3A_132, %dma_start3A_133] : memref<1664x16xf32, #tpu.memory_space<vmem>> -> memref<128x16xf32, #tpu.memory_space<vmem>>
    %dma_start3A_135 = arith.constant 0 : i32
    %dma_start3A_136 = tpu.memref_slice %arg10[%dma_start3A_135] : memref<1664xi32, #tpu.memory_space<vmem>> -> memref<128xi32, #tpu.memory_space<vmem>>
    %dma_start3A_137 = arith.constant 0 : i32
    %dma_start3A_138 = arith.constant 0 : i32
    %dma_start3A_139 = tpu.memref_slice %arg3[%dma_start3A_137, %dma_start3A_138] : memref<1000012x16xf32, #tpu.memory_space<hbm>> -> memref<1000012x16xf32, #tpu.memory_space<hbm>>
    tpu.enqueue_indirect_dma source(%dma_start3A_139 : memref<1000012x16xf32, #tpu.memory_space<hbm>>) target(%dma_start3A_134 : memref<128x16xf32, #tpu.memory_space<vmem>>) offsets(%dma_start3A_136 : memref<128xi32, #tpu.memory_space<vmem>>) semaphore(%arg16 : memref<!tpu.dma_semaphore, #tpu.memory_space<semaphore_mem>>)
    %dma_start3A_140 = arith.constant 128 : i32
    %dma_start3A_141 = arith.constant 0 : i32
    %dma_start3A_142 = tpu.memref_slice %arg12[%dma_start3A_140, %dma_start3A_141] : memref<1664x16xf32, #tpu.memory_space<vmem>> -> memref<128x16xf32, #tpu.memory_space<vmem>>
    %dma_start3A_143 = arith.constant 128 : i32
    %dma_start3A_144 = tpu.memref_slice %arg10[%dma_start3A_143] : memref<1664xi32, #tpu.memory_space<vmem>> -> memref<128xi32, #tpu.memory_space<vmem>>
    %dma_start3A_145 = arith.constant 0 : i32
    %dma_start3A_146 = arith.constant 0 : i32
    %dma_start3A_147 = tpu.memref_slice %arg3[%dma_start3A_145, %dma_start3A_146] : memref<1000012x16xf32, #tpu.memory_space<hbm>> -> memref<1000012x16xf32, #tpu.memory_space<hbm>>
    tpu.enqueue_indirect_dma source(%dma_start3A_147 : memref<1000012x16xf32, #tpu.memory_space<hbm>>) target(%dma_start3A_142 : memref<128x16xf32, #tpu.memory_space<vmem>>) offsets(%dma_start3A_144 : memref<128xi32, #tpu.memory_space<vmem>>) semaphore(%arg16 : memref<!tpu.dma_semaphore, #tpu.memory_space<semaphore_mem>>)
    %dma_start3A_148 = arith.constant 256 : i32
    %dma_start3A_149 = arith.constant 0 : i32
    %dma_start3A_150 = tpu.memref_slice %arg12[%dma_start3A_148, %dma_start3A_149] : memref<1664x16xf32, #tpu.memory_space<vmem>> -> memref<128x16xf32, #tpu.memory_space<vmem>>
    %dma_start3A_151 = arith.constant 256 : i32
    %dma_start3A_152 = tpu.memref_slice %arg10[%dma_start3A_151] : memref<1664xi32, #tpu.memory_space<vmem>> -> memref<128xi32, #tpu.memory_space<vmem>>
    %dma_start3A_153 = arith.constant 0 : i32
    %dma_start3A_154 = arith.constant 0 : i32
    %dma_start3A_155 = tpu.memref_slice %arg3[%dma_start3A_153, %dma_start3A_154] : memref<1000012x16xf32, #tpu.memory_space<hbm>> -> memref<1000012x16xf32, #tpu.memory_space<hbm>>
    tpu.enqueue_indirect_dma source(%dma_start3A_155 : memref<1000012x16xf32, #tpu.memory_space<hbm>>) target(%dma_start3A_150 : memref<128x16xf32, #tpu.memory_space<vmem>>) offsets(%dma_start3A_152 : memref<128xi32, #tpu.memory_space<vmem>>) semaphore(%arg16 : memref<!tpu.dma_semaphore, #tpu.memory_space<semaphore_mem>>)
    %dma_start3A_156 = arith.constant 384 : i32
    %dma_start3A_157 = arith.constant 0 : i32
    %dma_start3A_158 = tpu.memref_slice %arg12[%dma_start3A_156, %dma_start3A_157] : memref<1664x16xf32, #tpu.memory_space<vmem>> -> memref<128x16xf32, #tpu.memory_space<vmem>>
    %dma_start3A_159 = arith.constant 384 : i32
    %dma_start3A_160 = tpu.memref_slice %arg10[%dma_start3A_159] : memref<1664xi32, #tpu.memory_space<vmem>> -> memref<128xi32, #tpu.memory_space<vmem>>
    %dma_start3A_161 = arith.constant 0 : i32
    %dma_start3A_162 = arith.constant 0 : i32
    %dma_start3A_163 = tpu.memref_slice %arg3[%dma_start3A_161, %dma_start3A_162] : memref<1000012x16xf32, #tpu.memory_space<hbm>> -> memref<1000012x16xf32, #tpu.memory_space<hbm>>
    tpu.enqueue_indirect_dma source(%dma_start3A_163 : memref<1000012x16xf32, #tpu.memory_space<hbm>>) target(%dma_start3A_158 : memref<128x16xf32, #tpu.memory_space<vmem>>) offsets(%dma_start3A_160 : memref<128xi32, #tpu.memory_space<vmem>>) semaphore(%arg16 : memref<!tpu.dma_semaphore, #tpu.memory_space<semaphore_mem>>)
    %dma_start3A_164 = arith.constant 512 : i32
    %dma_start3A_165 = arith.constant 0 : i32
    %dma_start3A_166 = tpu.memref_slice %arg12[%dma_start3A_164, %dma_start3A_165] : memref<1664x16xf32, #tpu.memory_space<vmem>> -> memref<128x16xf32, #tpu.memory_space<vmem>>
    %dma_start3A_167 = arith.constant 512 : i32
    %dma_start3A_168 = tpu.memref_slice %arg10[%dma_start3A_167] : memref<1664xi32, #tpu.memory_space<vmem>> -> memref<128xi32, #tpu.memory_space<vmem>>
    %dma_start3A_169 = arith.constant 0 : i32
    %dma_start3A_170 = arith.constant 0 : i32
    %dma_start3A_171 = tpu.memref_slice %arg3[%dma_start3A_169, %dma_start3A_170] : memref<1000012x16xf32, #tpu.memory_space<hbm>> -> memref<1000012x16xf32, #tpu.memory_space<hbm>>
    tpu.enqueue_indirect_dma source(%dma_start3A_171 : memref<1000012x16xf32, #tpu.memory_space<hbm>>) target(%dma_start3A_166 : memref<128x16xf32, #tpu.memory_space<vmem>>) offsets(%dma_start3A_168 : memref<128xi32, #tpu.memory_space<vmem>>) semaphore(%arg16 : memref<!tpu.dma_semaphore, #tpu.memory_space<semaphore_mem>>)
    %dma_start3A_172 = arith.constant 640 : i32
    %dma_start3A_173 = arith.constant 0 : i32
    %dma_start3A_174 = tpu.memref_slice %arg12[%dma_start3A_172, %dma_start3A_173] : memref<1664x16xf32, #tpu.memory_space<vmem>> -> memref<128x16xf32, #tpu.memory_space<vmem>>
    %dma_start3A_175 = arith.constant 640 : i32
    %dma_start3A_176 = tpu.memref_slice %arg10[%dma_start3A_175] : memref<1664xi32, #tpu.memory_space<vmem>> -> memref<128xi32, #tpu.memory_space<vmem>>
    %dma_start3A_177 = arith.constant 0 : i32
    %dma_start3A_178 = arith.constant 0 : i32
    %dma_start3A_179 = tpu.memref_slice %arg3[%dma_start3A_177, %dma_start3A_178] : memref<1000012x16xf32, #tpu.memory_space<hbm>> -> memref<1000012x16xf32, #tpu.memory_space<hbm>>
    tpu.enqueue_indirect_dma source(%dma_start3A_179 : memref<1000012x16xf32, #tpu.memory_space<hbm>>) target(%dma_start3A_174 : memref<128x16xf32, #tpu.memory_space<vmem>>) offsets(%dma_start3A_176 : memref<128xi32, #tpu.memory_space<vmem>>) semaphore(%arg16 : memref<!tpu.dma_semaphore, #tpu.memory_space<semaphore_mem>>)
    %dma_start3A_180 = arith.constant 768 : i32
    %dma_start3A_181 = arith.constant 0 : i32
    %dma_start3A_182 = tpu.memref_slice %arg12[%dma_start3A_180, %dma_start3A_181] : memref<1664x16xf32, #tpu.memory_space<vmem>> -> memref<128x16xf32, #tpu.memory_space<vmem>>
    %dma_start3A_183 = arith.constant 768 : i32
    %dma_start3A_184 = tpu.memref_slice %arg10[%dma_start3A_183] : memref<1664xi32, #tpu.memory_space<vmem>> -> memref<128xi32, #tpu.memory_space<vmem>>
    %dma_start3A_185 = arith.constant 0 : i32
    %dma_start3A_186 = arith.constant 0 : i32
    %dma_start3A_187 = tpu.memref_slice %arg3[%dma_start3A_185, %dma_start3A_186] : memref<1000012x16xf32, #tpu.memory_space<hbm>> -> memref<1000012x16xf32, #tpu.memory_space<hbm>>
    tpu.enqueue_indirect_dma source(%dma_start3A_187 : memref<1000012x16xf32, #tpu.memory_space<hbm>>) target(%dma_start3A_182 : memref<128x16xf32, #tpu.memory_space<vmem>>) offsets(%dma_start3A_184 : memref<128xi32, #tpu.memory_space<vmem>>) semaphore(%arg16 : memref<!tpu.dma_semaphore, #tpu.memory_space<semaphore_mem>>)
    %dma_start3A_188 = arith.constant 896 : i32
    %dma_start3A_189 = arith.constant 0 : i32
    %dma_start3A_190 = tpu.memref_slice %arg12[%dma_start3A_188, %dma_start3A_189] : memref<1664x16xf32, #tpu.memory_space<vmem>> -> memref<128x16xf32, #tpu.memory_space<vmem>>
    %dma_start3A_191 = arith.constant 896 : i32
    %dma_start3A_192 = tpu.memref_slice %arg10[%dma_start3A_191] : memref<1664xi32, #tpu.memory_space<vmem>> -> memref<128xi32, #tpu.memory_space<vmem>>
    %dma_start3A_193 = arith.constant 0 : i32
    %dma_start3A_194 = arith.constant 0 : i32
    %dma_start3A_195 = tpu.memref_slice %arg3[%dma_start3A_193, %dma_start3A_194] : memref<1000012x16xf32, #tpu.memory_space<hbm>> -> memref<1000012x16xf32, #tpu.memory_space<hbm>>
    tpu.enqueue_indirect_dma source(%dma_start3A_195 : memref<1000012x16xf32, #tpu.memory_space<hbm>>) target(%dma_start3A_190 : memref<128x16xf32, #tpu.memory_space<vmem>>) offsets(%dma_start3A_192 : memref<128xi32, #tpu.memory_space<vmem>>) semaphore(%arg16 : memref<!tpu.dma_semaphore, #tpu.memory_space<semaphore_mem>>)
    %dma_start3A_196 = arith.constant 1024 : i32
    %dma_start3A_197 = arith.constant 0 : i32
    %dma_start3A_198 = tpu.memref_slice %arg12[%dma_start3A_196, %dma_start3A_197] : memref<1664x16xf32, #tpu.memory_space<vmem>> -> memref<128x16xf32, #tpu.memory_space<vmem>>
    %dma_start3A_199 = arith.constant 1024 : i32
    %dma_start3A_200 = tpu.memref_slice %arg10[%dma_start3A_199] : memref<1664xi32, #tpu.memory_space<vmem>> -> memref<128xi32, #tpu.memory_space<vmem>>
    %dma_start3A_201 = arith.constant 0 : i32
    %dma_start3A_202 = arith.constant 0 : i32
    %dma_start3A_203 = tpu.memref_slice %arg3[%dma_start3A_201, %dma_start3A_202] : memref<1000012x16xf32, #tpu.memory_space<hbm>> -> memref<1000012x16xf32, #tpu.memory_space<hbm>>
    tpu.enqueue_indirect_dma source(%dma_start3A_203 : memref<1000012x16xf32, #tpu.memory_space<hbm>>) target(%dma_start3A_198 : memref<128x16xf32, #tpu.memory_space<vmem>>) offsets(%dma_start3A_200 : memref<128xi32, #tpu.memory_space<vmem>>) semaphore(%arg16 : memref<!tpu.dma_semaphore, #tpu.memory_space<semaphore_mem>>)
    %dma_start3A_204 = arith.constant 1152 : i32
    %dma_start3A_205 = arith.constant 0 : i32
    %dma_start3A_206 = tpu.memref_slice %arg12[%dma_start3A_204, %dma_start3A_205] : memref<1664x16xf32, #tpu.memory_space<vmem>> -> memref<128x16xf32, #tpu.memory_space<vmem>>
    %dma_start3A_207 = arith.constant 1152 : i32
    %dma_start3A_208 = tpu.memref_slice %arg10[%dma_start3A_207] : memref<1664xi32, #tpu.memory_space<vmem>> -> memref<128xi32, #tpu.memory_space<vmem>>
    %dma_start3A_209 = arith.constant 0 : i32
    %dma_start3A_210 = arith.constant 0 : i32
    %dma_start3A_211 = tpu.memref_slice %arg3[%dma_start3A_209, %dma_start3A_210] : memref<1000012x16xf32, #tpu.memory_space<hbm>> -> memref<1000012x16xf32, #tpu.memory_space<hbm>>
    tpu.enqueue_indirect_dma source(%dma_start3A_211 : memref<1000012x16xf32, #tpu.memory_space<hbm>>) target(%dma_start3A_206 : memref<128x16xf32, #tpu.memory_space<vmem>>) offsets(%dma_start3A_208 : memref<128xi32, #tpu.memory_space<vmem>>) semaphore(%arg16 : memref<!tpu.dma_semaphore, #tpu.memory_space<semaphore_mem>>)
    %dma_start3A_212 = arith.constant 1280 : i32
    %dma_start3A_213 = arith.constant 0 : i32
    %dma_start3A_214 = tpu.memref_slice %arg12[%dma_start3A_212, %dma_start3A_213] : memref<1664x16xf32, #tpu.memory_space<vmem>> -> memref<128x16xf32, #tpu.memory_space<vmem>>
    %dma_start3A_215 = arith.constant 1280 : i32
    %dma_start3A_216 = tpu.memref_slice %arg10[%dma_start3A_215] : memref<1664xi32, #tpu.memory_space<vmem>> -> memref<128xi32, #tpu.memory_space<vmem>>
    %dma_start3A_217 = arith.constant 0 : i32
    %dma_start3A_218 = arith.constant 0 : i32
    %dma_start3A_219 = tpu.memref_slice %arg3[%dma_start3A_217, %dma_start3A_218] : memref<1000012x16xf32, #tpu.memory_space<hbm>> -> memref<1000012x16xf32, #tpu.memory_space<hbm>>
    tpu.enqueue_indirect_dma source(%dma_start3A_219 : memref<1000012x16xf32, #tpu.memory_space<hbm>>) target(%dma_start3A_214 : memref<128x16xf32, #tpu.memory_space<vmem>>) offsets(%dma_start3A_216 : memref<128xi32, #tpu.memory_space<vmem>>) semaphore(%arg16 : memref<!tpu.dma_semaphore, #tpu.memory_space<semaphore_mem>>)
    %dma_start3A_220 = arith.constant 1408 : i32
    %dma_start3A_221 = arith.constant 0 : i32
    %dma_start3A_222 = tpu.memref_slice %arg12[%dma_start3A_220, %dma_start3A_221] : memref<1664x16xf32, #tpu.memory_space<vmem>> -> memref<128x16xf32, #tpu.memory_space<vmem>>
    %dma_start3A_223 = arith.constant 1408 : i32
    %dma_start3A_224 = tpu.memref_slice %arg10[%dma_start3A_223] : memref<1664xi32, #tpu.memory_space<vmem>> -> memref<128xi32, #tpu.memory_space<vmem>>
    %dma_start3A_225 = arith.constant 0 : i32
    %dma_start3A_226 = arith.constant 0 : i32
    %dma_start3A_227 = tpu.memref_slice %arg3[%dma_start3A_225, %dma_start3A_226] : memref<1000012x16xf32, #tpu.memory_space<hbm>> -> memref<1000012x16xf32, #tpu.memory_space<hbm>>
    tpu.enqueue_indirect_dma source(%dma_start3A_227 : memref<1000012x16xf32, #tpu.memory_space<hbm>>) target(%dma_start3A_222 : memref<128x16xf32, #tpu.memory_space<vmem>>) offsets(%dma_start3A_224 : memref<128xi32, #tpu.memory_space<vmem>>) semaphore(%arg16 : memref<!tpu.dma_semaphore, #tpu.memory_space<semaphore_mem>>)
    %dma_start3A_228 = arith.constant 1536 : i32
    %dma_start3A_229 = arith.constant 0 : i32
    %dma_start3A_230 = tpu.memref_slice %arg12[%dma_start3A_228, %dma_start3A_229] : memref<1664x16xf32, #tpu.memory_space<vmem>> -> memref<128x16xf32, #tpu.memory_space<vmem>>
    %dma_start3A_231 = arith.constant 1536 : i32
    %dma_start3A_232 = tpu.memref_slice %arg10[%dma_start3A_231] : memref<1664xi32, #tpu.memory_space<vmem>> -> memref<128xi32, #tpu.memory_space<vmem>>
    %dma_start3A_233 = arith.constant 0 : i32
    %dma_start3A_234 = arith.constant 0 : i32
    %dma_start3A_235 = tpu.memref_slice %arg3[%dma_start3A_233, %dma_start3A_234] : memref<1000012x16xf32, #tpu.memory_space<hbm>> -> memref<1000012x16xf32, #tpu.memory_space<hbm>>
    tpu.enqueue_indirect_dma source(%dma_start3A_235 : memref<1000012x16xf32, #tpu.memory_space<hbm>>) target(%dma_start3A_230 : memref<128x16xf32, #tpu.memory_space<vmem>>) offsets(%dma_start3A_232 : memref<128xi32, #tpu.memory_space<vmem>>) semaphore(%arg16 : memref<!tpu.dma_semaphore, #tpu.memory_space<semaphore_mem>>)
    %add3A_236 = arith.constant 4992 : i32
    %add3A_237 = arith.addi %mul3A_2, %add3A_236 : i32
    %dma_start3A_238 = tpu.memref_slice %arg2[%add3A_237] : memref<425984xi32, #tpu.memory_space<hbm>> -> memref<1664xi32, #tpu.memory_space<hbm>>
    %dma_start3A_239 = tpu.memref_slice %arg2[%add3A_237] : memref<425984xi32, #tpu.memory_space<hbm>> -> memref<1664xi32, #tpu.memory_space<hbm>>
    tpu.enqueue_dma source(%dma_start3A_239 : memref<1664xi32, #tpu.memory_space<hbm>>) target(%arg7 : memref<1664xi32, #tpu.memory_space<vmem>>) target_semaphore(%arg14 : memref<!tpu.dma_semaphore, #tpu.memory_space<semaphore_mem>>)
    %dma_wait3A_240 = arith.constant 0 : i32
    %dma_wait3A_241 = arith.constant 0 : i32
    %dma_wait3A_242 = tpu.memref_slice %arg11[%dma_wait3A_240, %dma_wait3A_241] : memref<1664x16xf32, #tpu.memory_space<vmem>> -> memref<128x16xf32, #tpu.memory_space<vmem>>
    %dma_wait3A_243 = arith.constant 0 : i32
    %dma_wait3A_244 = tpu.memref_slice %arg9[%dma_wait3A_243] : memref<1664xi32, #tpu.memory_space<vmem>> -> memref<128xi32, #tpu.memory_space<vmem>>
    %dma_wait3A_245 = arith.constant 0 : i32
    %dma_wait3A_246 = arith.constant 0 : i32
    %dma_wait3A_247 = tpu.memref_slice %arg3[%dma_wait3A_245, %dma_wait3A_246] : memref<1000012x16xf32, #tpu.memory_space<hbm>> -> memref<1000012x16xf32, #tpu.memory_space<hbm>>
    tpu.wait_indirect_dma semaphore(%arg15 : memref<!tpu.dma_semaphore, #tpu.memory_space<semaphore_mem>>) src(%dma_wait3A_247 : memref<1000012x16xf32, #tpu.memory_space<hbm>>) dst(%dma_wait3A_242 : memref<128x16xf32, #tpu.memory_space<vmem>>)
    %dma_wait3A_248 = arith.constant 128 : i32
    %dma_wait3A_249 = arith.constant 0 : i32
    %dma_wait3A_250 = tpu.memref_slice %arg11[%dma_wait3A_248, %dma_wait3A_249] : memref<1664x16xf32, #tpu.memory_space<vmem>> -> memref<128x16xf32, #tpu.memory_space<vmem>>
    %dma_wait3A_251 = arith.constant 128 : i32
    %dma_wait3A_252 = tpu.memref_slice %arg9[%dma_wait3A_251] : memref<1664xi32, #tpu.memory_space<vmem>> -> memref<128xi32, #tpu.memory_space<vmem>>
    %dma_wait3A_253 = arith.constant 0 : i32
    %dma_wait3A_254 = arith.constant 0 : i32
    %dma_wait3A_255 = tpu.memref_slice %arg3[%dma_wait3A_253, %dma_wait3A_254] : memref<1000012x16xf32, #tpu.memory_space<hbm>> -> memref<1000012x16xf32, #tpu.memory_space<hbm>>
    tpu.wait_indirect_dma semaphore(%arg15 : memref<!tpu.dma_semaphore, #tpu.memory_space<semaphore_mem>>) src(%dma_wait3A_255 : memref<1000012x16xf32, #tpu.memory_space<hbm>>) dst(%dma_wait3A_250 : memref<128x16xf32, #tpu.memory_space<vmem>>)
    %dma_wait3A_256 = arith.constant 256 : i32
    %dma_wait3A_257 = arith.constant 0 : i32
    %dma_wait3A_258 = tpu.memref_slice %arg11[%dma_wait3A_256, %dma_wait3A_257] : memref<1664x16xf32, #tpu.memory_space<vmem>> -> memref<128x16xf32, #tpu.memory_space<vmem>>
    %dma_wait3A_259 = arith.constant 256 : i32
    %dma_wait3A_260 = tpu.memref_slice %arg9[%dma_wait3A_259] : memref<1664xi32, #tpu.memory_space<vmem>> -> memref<128xi32, #tpu.memory_space<vmem>>
    %dma_wait3A_261 = arith.constant 0 : i32
    %dma_wait3A_262 = arith.constant 0 : i32
    %dma_wait3A_263 = tpu.memref_slice %arg3[%dma_wait3A_261, %dma_wait3A_262] : memref<1000012x16xf32, #tpu.memory_space<hbm>> -> memref<1000012x16xf32, #tpu.memory_space<hbm>>
    tpu.wait_indirect_dma semaphore(%arg15 : memref<!tpu.dma_semaphore, #tpu.memory_space<semaphore_mem>>) src(%dma_wait3A_263 : memref<1000012x16xf32, #tpu.memory_space<hbm>>) dst(%dma_wait3A_258 : memref<128x16xf32, #tpu.memory_space<vmem>>)
    %dma_wait3A_264 = arith.constant 384 : i32
    %dma_wait3A_265 = arith.constant 0 : i32
    %dma_wait3A_266 = tpu.memref_slice %arg11[%dma_wait3A_264, %dma_wait3A_265] : memref<1664x16xf32, #tpu.memory_space<vmem>> -> memref<128x16xf32, #tpu.memory_space<vmem>>
    %dma_wait3A_267 = arith.constant 384 : i32
    %dma_wait3A_268 = tpu.memref_slice %arg9[%dma_wait3A_267] : memref<1664xi32, #tpu.memory_space<vmem>> -> memref<128xi32, #tpu.memory_space<vmem>>
    %dma_wait3A_269 = arith.constant 0 : i32
    %dma_wait3A_270 = arith.constant 0 : i32
    %dma_wait3A_271 = tpu.memref_slice %arg3[%dma_wait3A_269, %dma_wait3A_270] : memref<1000012x16xf32, #tpu.memory_space<hbm>> -> memref<1000012x16xf32, #tpu.memory_space<hbm>>
    tpu.wait_indirect_dma semaphore(%arg15 : memref<!tpu.dma_semaphore, #tpu.memory_space<semaphore_mem>>) src(%dma_wait3A_271 : memref<1000012x16xf32, #tpu.memory_space<hbm>>) dst(%dma_wait3A_266 : memref<128x16xf32, #tpu.memory_space<vmem>>)
    %dma_wait3A_272 = arith.constant 512 : i32
    %dma_wait3A_273 = arith.constant 0 : i32
    %dma_wait3A_274 = tpu.memref_slice %arg11[%dma_wait3A_272, %dma_wait3A_273] : memref<1664x16xf32, #tpu.memory_space<vmem>> -> memref<128x16xf32, #tpu.memory_space<vmem>>
    %dma_wait3A_275 = arith.constant 512 : i32
    %dma_wait3A_276 = tpu.memref_slice %arg9[%dma_wait3A_275] : memref<1664xi32, #tpu.memory_space<vmem>> -> memref<128xi32, #tpu.memory_space<vmem>>
    %dma_wait3A_277 = arith.constant 0 : i32
    %dma_wait3A_278 = arith.constant 0 : i32
    %dma_wait3A_279 = tpu.memref_slice %arg3[%dma_wait3A_277, %dma_wait3A_278] : memref<1000012x16xf32, #tpu.memory_space<hbm>> -> memref<1000012x16xf32, #tpu.memory_space<hbm>>
    tpu.wait_indirect_dma semaphore(%arg15 : memref<!tpu.dma_semaphore, #tpu.memory_space<semaphore_mem>>) src(%dma_wait3A_279 : memref<1000012x16xf32, #tpu.memory_space<hbm>>) dst(%dma_wait3A_274 : memref<128x16xf32, #tpu.memory_space<vmem>>)
    %dma_wait3A_280 = arith.constant 640 : i32
    %dma_wait3A_281 = arith.constant 0 : i32
    %dma_wait3A_282 = tpu.memref_slice %arg11[%dma_wait3A_280, %dma_wait3A_281] : memref<1664x16xf32, #tpu.memory_space<vmem>> -> memref<128x16xf32, #tpu.memory_space<vmem>>
    %dma_wait3A_283 = arith.constant 640 : i32
    %dma_wait3A_284 = tpu.memref_slice %arg9[%dma_wait3A_283] : memref<1664xi32, #tpu.memory_space<vmem>> -> memref<128xi32, #tpu.memory_space<vmem>>
    %dma_wait3A_285 = arith.constant 0 : i32
    %dma_wait3A_286 = arith.constant 0 : i32
    %dma_wait3A_287 = tpu.memref_slice %arg3[%dma_wait3A_285, %dma_wait3A_286] : memref<1000012x16xf32, #tpu.memory_space<hbm>> -> memref<1000012x16xf32, #tpu.memory_space<hbm>>
    tpu.wait_indirect_dma semaphore(%arg15 : memref<!tpu.dma_semaphore, #tpu.memory_space<semaphore_mem>>) src(%dma_wait3A_287 : memref<1000012x16xf32, #tpu.memory_space<hbm>>) dst(%dma_wait3A_282 : memref<128x16xf32, #tpu.memory_space<vmem>>)
    %dma_wait3A_288 = arith.constant 768 : i32
    %dma_wait3A_289 = arith.constant 0 : i32
    %dma_wait3A_290 = tpu.memref_slice %arg11[%dma_wait3A_288, %dma_wait3A_289] : memref<1664x16xf32, #tpu.memory_space<vmem>> -> memref<128x16xf32, #tpu.memory_space<vmem>>
    %dma_wait3A_291 = arith.constant 768 : i32
    %dma_wait3A_292 = tpu.memref_slice %arg9[%dma_wait3A_291] : memref<1664xi32, #tpu.memory_space<vmem>> -> memref<128xi32, #tpu.memory_space<vmem>>
    %dma_wait3A_293 = arith.constant 0 : i32
    %dma_wait3A_294 = arith.constant 0 : i32
    %dma_wait3A_295 = tpu.memref_slice %arg3[%dma_wait3A_293, %dma_wait3A_294] : memref<1000012x16xf32, #tpu.memory_space<hbm>> -> memref<1000012x16xf32, #tpu.memory_space<hbm>>
    tpu.wait_indirect_dma semaphore(%arg15 : memref<!tpu.dma_semaphore, #tpu.memory_space<semaphore_mem>>) src(%dma_wait3A_295 : memref<1000012x16xf32, #tpu.memory_space<hbm>>) dst(%dma_wait3A_290 : memref<128x16xf32, #tpu.memory_space<vmem>>)
    %dma_wait3A_296 = arith.constant 896 : i32
    %dma_wait3A_297 = arith.constant 0 : i32
    %dma_wait3A_298 = tpu.memref_slice %arg11[%dma_wait3A_296, %dma_wait3A_297] : memref<1664x16xf32, #tpu.memory_space<vmem>> -> memref<128x16xf32, #tpu.memory_space<vmem>>
    %dma_wait3A_299 = arith.constant 896 : i32
    %dma_wait3A_300 = tpu.memref_slice %arg9[%dma_wait3A_299] : memref<1664xi32, #tpu.memory_space<vmem>> -> memref<128xi32, #tpu.memory_space<vmem>>
    %dma_wait3A_301 = arith.constant 0 : i32
    %dma_wait3A_302 = arith.constant 0 : i32
    %dma_wait3A_303 = tpu.memref_slice %arg3[%dma_wait3A_301, %dma_wait3A_302] : memref<1000012x16xf32, #tpu.memory_space<hbm>> -> memref<1000012x16xf32, #tpu.memory_space<hbm>>
    tpu.wait_indirect_dma semaphore(%arg15 : memref<!tpu.dma_semaphore, #tpu.memory_space<semaphore_mem>>) src(%dma_wait3A_303 : memref<1000012x16xf32, #tpu.memory_space<hbm>>) dst(%dma_wait3A_298 : memref<128x16xf32, #tpu.memory_space<vmem>>)
    %dma_wait3A_304 = arith.constant 1024 : i32
    %dma_wait3A_305 = arith.constant 0 : i32
    %dma_wait3A_306 = tpu.memref_slice %arg11[%dma_wait3A_304, %dma_wait3A_305] : memref<1664x16xf32, #tpu.memory_space<vmem>> -> memref<128x16xf32, #tpu.memory_space<vmem>>
    %dma_wait3A_307 = arith.constant 1024 : i32
    %dma_wait3A_308 = tpu.memref_slice %arg9[%dma_wait3A_307] : memref<1664xi32, #tpu.memory_space<vmem>> -> memref<128xi32, #tpu.memory_space<vmem>>
    %dma_wait3A_309 = arith.constant 0 : i32
    %dma_wait3A_310 = arith.constant 0 : i32
    %dma_wait3A_311 = tpu.memref_slice %arg3[%dma_wait3A_309, %dma_wait3A_310] : memref<1000012x16xf32, #tpu.memory_space<hbm>> -> memref<1000012x16xf32, #tpu.memory_space<hbm>>
    tpu.wait_indirect_dma semaphore(%arg15 : memref<!tpu.dma_semaphore, #tpu.memory_space<semaphore_mem>>) src(%dma_wait3A_311 : memref<1000012x16xf32, #tpu.memory_space<hbm>>) dst(%dma_wait3A_306 : memref<128x16xf32, #tpu.memory_space<vmem>>)
    %dma_wait3A_312 = arith.constant 1152 : i32
    %dma_wait3A_313 = arith.constant 0 : i32
    %dma_wait3A_314 = tpu.memref_slice %arg11[%dma_wait3A_312, %dma_wait3A_313] : memref<1664x16xf32, #tpu.memory_space<vmem>> -> memref<128x16xf32, #tpu.memory_space<vmem>>
    %dma_wait3A_315 = arith.constant 1152 : i32
    %dma_wait3A_316 = tpu.memref_slice %arg9[%dma_wait3A_315] : memref<1664xi32, #tpu.memory_space<vmem>> -> memref<128xi32, #tpu.memory_space<vmem>>
    %dma_wait3A_317 = arith.constant 0 : i32
    %dma_wait3A_318 = arith.constant 0 : i32
    %dma_wait3A_319 = tpu.memref_slice %arg3[%dma_wait3A_317, %dma_wait3A_318] : memref<1000012x16xf32, #tpu.memory_space<hbm>> -> memref<1000012x16xf32, #tpu.memory_space<hbm>>
    tpu.wait_indirect_dma semaphore(%arg15 : memref<!tpu.dma_semaphore, #tpu.memory_space<semaphore_mem>>) src(%dma_wait3A_319 : memref<1000012x16xf32, #tpu.memory_space<hbm>>) dst(%dma_wait3A_314 : memref<128x16xf32, #tpu.memory_space<vmem>>)
    %dma_wait3A_320 = arith.constant 1280 : i32
    %dma_wait3A_321 = arith.constant 0 : i32
    %dma_wait3A_322 = tpu.memref_slice %arg11[%dma_wait3A_320, %dma_wait3A_321] : memref<1664x16xf32, #tpu.memory_space<vmem>> -> memref<128x16xf32, #tpu.memory_space<vmem>>
    %dma_wait3A_323 = arith.constant 1280 : i32
    %dma_wait3A_324 = tpu.memref_slice %arg9[%dma_wait3A_323] : memref<1664xi32, #tpu.memory_space<vmem>> -> memref<128xi32, #tpu.memory_space<vmem>>
    %dma_wait3A_325 = arith.constant 0 : i32
    %dma_wait3A_326 = arith.constant 0 : i32
    %dma_wait3A_327 = tpu.memref_slice %arg3[%dma_wait3A_325, %dma_wait3A_326] : memref<1000012x16xf32, #tpu.memory_space<hbm>> -> memref<1000012x16xf32, #tpu.memory_space<hbm>>
    tpu.wait_indirect_dma semaphore(%arg15 : memref<!tpu.dma_semaphore, #tpu.memory_space<semaphore_mem>>) src(%dma_wait3A_327 : memref<1000012x16xf32, #tpu.memory_space<hbm>>) dst(%dma_wait3A_322 : memref<128x16xf32, #tpu.memory_space<vmem>>)
    %dma_wait3A_328 = arith.constant 1408 : i32
    %dma_wait3A_329 = arith.constant 0 : i32
    %dma_wait3A_330 = tpu.memref_slice %arg11[%dma_wait3A_328, %dma_wait3A_329] : memref<1664x16xf32, #tpu.memory_space<vmem>> -> memref<128x16xf32, #tpu.memory_space<vmem>>
    %dma_wait3A_331 = arith.constant 1408 : i32
    %dma_wait3A_332 = tpu.memref_slice %arg9[%dma_wait3A_331] : memref<1664xi32, #tpu.memory_space<vmem>> -> memref<128xi32, #tpu.memory_space<vmem>>
    %dma_wait3A_333 = arith.constant 0 : i32
    %dma_wait3A_334 = arith.constant 0 : i32
    %dma_wait3A_335 = tpu.memref_slice %arg3[%dma_wait3A_333, %dma_wait3A_334] : memref<1000012x16xf32, #tpu.memory_space<hbm>> -> memref<1000012x16xf32, #tpu.memory_space<hbm>>
    tpu.wait_indirect_dma semaphore(%arg15 : memref<!tpu.dma_semaphore, #tpu.memory_space<semaphore_mem>>) src(%dma_wait3A_335 : memref<1000012x16xf32, #tpu.memory_space<hbm>>) dst(%dma_wait3A_330 : memref<128x16xf32, #tpu.memory_space<vmem>>)
    %dma_wait3A_336 = arith.constant 1536 : i32
    %dma_wait3A_337 = arith.constant 0 : i32
    %dma_wait3A_338 = tpu.memref_slice %arg11[%dma_wait3A_336, %dma_wait3A_337] : memref<1664x16xf32, #tpu.memory_space<vmem>> -> memref<128x16xf32, #tpu.memory_space<vmem>>
    %dma_wait3A_339 = arith.constant 1536 : i32
    %dma_wait3A_340 = tpu.memref_slice %arg9[%dma_wait3A_339] : memref<1664xi32, #tpu.memory_space<vmem>> -> memref<128xi32, #tpu.memory_space<vmem>>
    %dma_wait3A_341 = arith.constant 0 : i32
    %dma_wait3A_342 = arith.constant 0 : i32
    %dma_wait3A_343 = tpu.memref_slice %arg3[%dma_wait3A_341, %dma_wait3A_342] : memref<1000012x16xf32, #tpu.memory_space<hbm>> -> memref<1000012x16xf32, #tpu.memory_space<hbm>>
    tpu.wait_indirect_dma semaphore(%arg15 : memref<!tpu.dma_semaphore, #tpu.memory_space<semaphore_mem>>) src(%dma_wait3A_343 : memref<1000012x16xf32, #tpu.memory_space<hbm>>) dst(%dma_wait3A_338 : memref<128x16xf32, #tpu.memory_space<vmem>>)
    %add3A_344 = arith.constant 0 : i32
    %add3A_345 = arith.addi %mul3A_2, %add3A_344 : i32
    %dma_start3A_346 = arith.constant 0 : i32
    %dma_start3A_347 = tpu.memref_slice %arg5[%add3A_345, %dma_start3A_346] : memref<425984x16xf32, #tpu.memory_space<hbm>> -> memref<1664x16xf32, #tpu.memory_space<hbm>>
    %dma_start3A_348 = arith.constant 0 : i32
    %dma_start3A_349 = tpu.memref_slice %arg5[%add3A_345, %dma_start3A_348] : memref<425984x16xf32, #tpu.memory_space<hbm>> -> memref<1664x16xf32, #tpu.memory_space<hbm>>
    tpu.enqueue_dma source(%arg11 : memref<1664x16xf32, #tpu.memory_space<vmem>>) target(%dma_start3A_349 : memref<1664x16xf32, #tpu.memory_space<hbm>>) target_semaphore(%arg17 : memref<!tpu.dma_semaphore, #tpu.memory_space<semaphore_mem>>)
    %dma_wait3A_350 = tpu.memref_slice %arg2[%add3A_121] : memref<425984xi32, #tpu.memory_space<hbm>> -> memref<1664xi32, #tpu.memory_space<hbm>>
    %dma_wait3A_351 = tpu.memref_slice %arg2[%add3A_121] : memref<425984xi32, #tpu.memory_space<hbm>> -> memref<1664xi32, #tpu.memory_space<hbm>>
    tpu.wait_dma2 semaphore(%arg13 : memref<!tpu.dma_semaphore, #tpu.memory_space<semaphore_mem>>) src(%dma_wait3A_351 : memref<1664xi32, #tpu.memory_space<hbm>>) dst(%arg6 : memref<1664xi32, #tpu.memory_space<vmem>>)
    %scan3A_352 = arith.constant 0 : i32
    %scan3A_353 = arith.constant 0 : i32
    %scan3A_354 = arith.constant 8 : i32
    %scan3A_355 = arith.addi %scan3A_353, %scan3A_354 : i32
    %scan3A_356 = arith.constant 1 : i32
    scf.for %scan3A_1840 = %scan3A_353 to %scan3A_355 step %scan3A_356  : i32 {
      %mul3A_1841 = arith.constant 208 : i32
      %mul3A_1842 = arith.muli %scan3A_1840, %mul3A_1841 : i32
      %add3A_1843 = arith.constant 0 : i32
      %add3A_1844 = arith.addi %mul3A_1842, %add3A_1843 : i32
      %get3A = arith.index_cast %add3A_1844 : i32 to index
      %get3A_1845 = tpu.vector_load %arg6[%get3A] {strides = array<i32>} : memref<1664xi32, #tpu.memory_space<vmem>>, vector<16xi32>,
      %get3A_1846 = vector.shape_cast %get3A_1845 : vector<16xi32> to vector<16xi32>
      %get3A_1847 = arith.constant 0 : index
      %get3A_1848 = tpu.vector_load %arg8[%get3A_1847] {strides = array<i32>} : memref<208xi32, #tpu.memory_space<vmem>>, vector<16xi32>,
      %get3A_1849 = vector.shape_cast %get3A_1848 : vector<16xi32> to vector<16xi32>
      %add3A_1850 = arith.addi %get3A_1846, %get3A_1849 : vector<16xi32>
      %swap3A = arith.index_cast %add3A_1844 : i32 to index
      %swap3A_1851 = tpu.vector_load %arg9[%swap3A] {strides = array<i32>} : memref<1664xi32, #tpu.memory_space<vmem>>, vector<16xi32>,
      %swap3A_1852 = vector.shape_cast %swap3A_1851 : vector<16xi32> to vector<16xi32>
      %swap3A_1853 = vector.shape_cast %add3A_1850 : vector<16xi32> to vector<16xi32>
      tpu.vector_store %arg9[%swap3A], %swap3A_1853 {strides = array<i32>} : memref<1664xi32, #tpu.memory_space<vmem>>, vector<16xi32>,
      %add3A_1854 = arith.constant 16 : i32
      %add3A_1855 = arith.addi %mul3A_1842, %add3A_1854 : i32
      %get3A_1856 = arith.index_cast %add3A_1855 : i32 to index
      %get3A_1857 = tpu.vector_load %arg6[%get3A_1856] {strides = array<i32>} : memref<1664xi32, #tpu.memory_space<vmem>>, vector<16xi32>,
      %get3A_1858 = vector.shape_cast %get3A_1857 : vector<16xi32> to vector<16xi32>
      %get3A_1859 = arith.constant 16 : index
      %get3A_1860 = tpu.vector_load %arg8[%get3A_1859] {strides = array<i32>} : memref<208xi32, #tpu.memory_space<vmem>>, vector<16xi32>,
      %get3A_1861 = vector.shape_cast %get3A_1860 : vector<16xi32> to vector<16xi32>
      %add3A_1862 = arith.addi %get3A_1858, %get3A_1861 : vector<16xi32>
      %swap3A_1863 = arith.index_cast %add3A_1855 : i32 to index
      %swap3A_1864 = tpu.vector_load %arg9[%swap3A_1863] {strides = array<i32>} : memref<1664xi32, #tpu.memory_space<vmem>>, vector<16xi32>,
      %swap3A_1865 = vector.shape_cast %swap3A_1864 : vector<16xi32> to vector<16xi32>
      %swap3A_1866 = vector.shape_cast %add3A_1862 : vector<16xi32> to vector<16xi32>
      tpu.vector_store %arg9[%swap3A_1863], %swap3A_1866 {strides = array<i32>} : memref<1664xi32, #tpu.memory_space<vmem>>, vector<16xi32>,
      %add3A_1867 = arith.constant 32 : i32
      %add3A_1868 = arith.addi %mul3A_1842, %add3A_1867 : i32
      %get3A_1869 = arith.index_cast %add3A_1868 : i32 to index
      %get3A_1870 = tpu.vector_load %arg6[%get3A_1869] {strides = array<i32>} : memref<1664xi32, #tpu.memory_space<vmem>>, vector<16xi32>,
      %get3A_1871 = vector.shape_cast %get3A_1870 : vector<16xi32> to vector<16xi32>
      %get3A_1872 = arith.constant 32 : index
      %get3A_1873 = tpu.vector_load %arg8[%get3A_1872] {strides = array<i32>} : memref<208xi32, #tpu.memory_space<vmem>>, vector<16xi32>,
      %get3A_1874 = vector.shape_cast %get3A_1873 : vector<16xi32> to vector<16xi32>
      %add3A_1875 = arith.addi %get3A_1871, %get3A_1874 : vector<16xi32>
      %swap3A_1876 = arith.index_cast %add3A_1868 : i32 to index
      %swap3A_1877 = tpu.vector_load %arg9[%swap3A_1876] {strides = array<i32>} : memref<1664xi32, #tpu.memory_space<vmem>>, vector<16xi32>,
      %swap3A_1878 = vector.shape_cast %swap3A_1877 : vector<16xi32> to vector<16xi32>
      %swap3A_1879 = vector.shape_cast %add3A_1875 : vector<16xi32> to vector<16xi32>
      tpu.vector_store %arg9[%swap3A_1876], %swap3A_1879 {strides = array<i32>} : memref<1664xi32, #tpu.memory_space<vmem>>, vector<16xi32>,
      %add3A_1880 = arith.constant 48 : i32
      %add3A_1881 = arith.addi %mul3A_1842, %add3A_1880 : i32
      %get3A_1882 = arith.index_cast %add3A_1881 : i32 to index
      %get3A_1883 = tpu.vector_load %arg6[%get3A_1882] {strides = array<i32>} : memref<1664xi32, #tpu.memory_space<vmem>>, vector<16xi32>,
      %get3A_1884 = vector.shape_cast %get3A_1883 : vector<16xi32> to vector<16xi32>
      %get3A_1885 = arith.constant 48 : index
      %get3A_1886 = tpu.vector_load %arg8[%get3A_1885] {strides = array<i32>} : memref<208xi32, #tpu.memory_space<vmem>>, vector<16xi32>,
      %get3A_1887 = vector.shape_cast %get3A_1886 : vector<16xi32> to vector<16xi32>
      %add3A_1888 = arith.addi %get3A_1884, %get3A_1887 : vector<16xi32>
      %swap3A_1889 = arith.index_cast %add3A_1881 : i32 to index
      %swap3A_1890 = tpu.vector_load %arg9[%swap3A_1889] {strides = array<i32>} : memref<1664xi32, #tpu.memory_space<vmem>>, vector<16xi32>,
      %swap3A_1891 = vector.shape_cast %swap3A_1890 : vector<16xi32> to vector<16xi32>
      %swap3A_1892 = vector.shape_cast %add3A_1888 : vector<16xi32> to vector<16xi32>
      tpu.vector_store %arg9[%swap3A_1889], %swap3A_1892 {strides = array<i32>} : memref<1664xi32, #tpu.memory_space<vmem>>, vector<16xi32>,
      %add3A_1893 = arith.constant 64 : i32
      %add3A_1894 = arith.addi %mul3A_1842, %add3A_1893 : i32
      %get3A_1895 = arith.index_cast %add3A_1894 : i32 to index
      %get3A_1896 = tpu.vector_load %arg6[%get3A_1895] {strides = array<i32>} : memref<1664xi32, #tpu.memory_space<vmem>>, vector<16xi32>,
      %get3A_1897 = vector.shape_cast %get3A_1896 : vector<16xi32> to vector<16xi32>
      %get3A_1898 = arith.constant 64 : index
      %get3A_1899 = tpu.vector_load %arg8[%get3A_1898] {strides = array<i32>} : memref<208xi32, #tpu.memory_space<vmem>>, vector<16xi32>,
      %get3A_1900 = vector.shape_cast %get3A_1899 : vector<16xi32> to vector<16xi32>
      %add3A_1901 = arith.addi %get3A_1897, %get3A_1900 : vector<16xi32>
      %swap3A_1902 = arith.index_cast %add3A_1894 : i32 to index
      %swap3A_1903 = tpu.vector_load %arg9[%swap3A_1902] {strides = array<i32>} : memref<1664xi32, #tpu.memory_space<vmem>>, vector<16xi32>,
      %swap3A_1904 = vector.shape_cast %swap3A_1903 : vector<16xi32> to vector<16xi32>
      %swap3A_1905 = vector.shape_cast %add3A_1901 : vector<16xi32> to vector<16xi32>
      tpu.vector_store %arg9[%swap3A_1902], %swap3A_1905 {strides = array<i32>} : memref<1664xi32, #tpu.memory_space<vmem>>, vector<16xi32>,
      %add3A_1906 = arith.constant 80 : i32
      %add3A_1907 = arith.addi %mul3A_1842, %add3A_1906 : i32
      %get3A_1908 = arith.index_cast %add3A_1907 : i32 to index
      %get3A_1909 = tpu.vector_load %arg6[%get3A_1908] {strides = array<i32>} : memref<1664xi32, #tpu.memory_space<vmem>>, vector<16xi32>,
      %get3A_1910 = vector.shape_cast %get3A_1909 : vector<16xi32> to vector<16xi32>
      %get3A_1911 = arith.constant 80 : index
      %get3A_1912 = tpu.vector_load %arg8[%get3A_1911] {strides = array<i32>} : memref<208xi32, #tpu.memory_space<vmem>>, vector<16xi32>,
      %get3A_1913 = vector.shape_cast %get3A_1912 : vector<16xi32> to vector<16xi32>
      %add3A_1914 = arith.addi %get3A_1910, %get3A_1913 : vector<16xi32>
      %swap3A_1915 = arith.index_cast %add3A_1907 : i32 to index
      %swap3A_1916 = tpu.vector_load %arg9[%swap3A_1915] {strides = array<i32>} : memref<1664xi32, #tpu.memory_space<vmem>>, vector<16xi32>,
      %swap3A_1917 = vector.shape_cast %swap3A_1916 : vector<16xi32> to vector<16xi32>
      %swap3A_1918 = vector.shape_cast %add3A_1914 : vector<16xi32> to vector<16xi32>
      tpu.vector_store %arg9[%swap3A_1915], %swap3A_1918 {strides = array<i32>} : memref<1664xi32, #tpu.memory_space<vmem>>, vector<16xi32>,
      %add3A_1919 = arith.constant 96 : i32
      %add3A_1920 = arith.addi %mul3A_1842, %add3A_1919 : i32
      %get3A_1921 = arith.index_cast %add3A_1920 : i32 to index
      %get3A_1922 = tpu.vector_load %arg6[%get3A_1921] {strides = array<i32>} : memref<1664xi32, #tpu.memory_space<vmem>>, vector<16xi32>,
      %get3A_1923 = vector.shape_cast %get3A_1922 : vector<16xi32> to vector<16xi32>
      %get3A_1924 = arith.constant 96 : index
      %get3A_1925 = tpu.vector_load %arg8[%get3A_1924] {strides = array<i32>} : memref<208xi32, #tpu.memory_space<vmem>>, vector<16xi32>,
      %get3A_1926 = vector.shape_cast %get3A_1925 : vector<16xi32> to vector<16xi32>
      %add3A_1927 = arith.addi %get3A_1923, %get3A_1926 : vector<16xi32>
      %swap3A_1928 = arith.index_cast %add3A_1920 : i32 to index
      %swap3A_1929 = tpu.vector_load %arg9[%swap3A_1928] {strides = array<i32>} : memref<1664xi32, #tpu.memory_space<vmem>>, vector<16xi32>,
      %swap3A_1930 = vector.shape_cast %swap3A_1929 : vector<16xi32> to vector<16xi32>
      %swap3A_1931 = vector.shape_cast %add3A_1927 : vector<16xi32> to vector<16xi32>
      tpu.vector_store %arg9[%swap3A_1928], %swap3A_1931 {strides = array<i32>} : memref<1664xi32, #tpu.memory_space<vmem>>, vector<16xi32>,
      %add3A_1932 = arith.constant 112 : i32
      %add3A_1933 = arith.addi %mul3A_1842, %add3A_1932 : i32
      %get3A_1934 = arith.index_cast %add3A_1933 : i32 to index
      %get3A_1935 = tpu.vector_load %arg6[%get3A_1934] {strides = array<i32>} : memref<1664xi32, #tpu.memory_space<vmem>>, vector<16xi32>,
      %get3A_1936 = vector.shape_cast %get3A_1935 : vector<16xi32> to vector<16xi32>
      %get3A_1937 = arith.constant 112 : index
      %get3A_1938 = tpu.vector_load %arg8[%get3A_1937] {strides = array<i32>} : memref<208xi32, #tpu.memory_space<vmem>>, vector<16xi32>,
      %get3A_1939 = vector.shape_cast %get3A_1938 : vector<16xi32> to vector<16xi32>
      %add3A_1940 = arith.addi %get3A_1936, %get3A_1939 : vector<16xi32>
      %swap3A_1941 = arith.index_cast %add3A_1933 : i32 to index
      %swap3A_1942 = tpu.vector_load %arg9[%swap3A_1941] {strides = array<i32>} : memref<1664xi32, #tpu.memory_space<vmem>>, vector<16xi32>,
      %swap3A_1943 = vector.shape_cast %swap3A_1942 : vector<16xi32> to vector<16xi32>
      %swap3A_1944 = vector.shape_cast %add3A_1940 : vector<16xi32> to vector<16xi32>
      tpu.vector_store %arg9[%swap3A_1941], %swap3A_1944 {strides = array<i32>} : memref<1664xi32, #tpu.memory_space<vmem>>, vector<16xi32>,
      %add3A_1945 = arith.constant 128 : i32
      %add3A_1946 = arith.addi %mul3A_1842, %add3A_1945 : i32
      %get3A_1947 = arith.index_cast %add3A_1946 : i32 to index
      %get3A_1948 = tpu.vector_load %arg6[%get3A_1947] {strides = array<i32>} : memref<1664xi32, #tpu.memory_space<vmem>>, vector<16xi32>,
      %get3A_1949 = vector.shape_cast %get3A_1948 : vector<16xi32> to vector<16xi32>
      %get3A_1950 = arith.constant 128 : index
      %get3A_1951 = tpu.vector_load %arg8[%get3A_1950] {strides = array<i32>} : memref<208xi32, #tpu.memory_space<vmem>>, vector<16xi32>,
      %get3A_1952 = vector.shape_cast %get3A_1951 : vector<16xi32> to vector<16xi32>
      %add3A_1953 = arith.addi %get3A_1949, %get3A_1952 : vector<16xi32>
      %swap3A_1954 = arith.index_cast %add3A_1946 : i32 to index
      %swap3A_1955 = tpu.vector_load %arg9[%swap3A_1954] {strides = array<i32>} : memref<1664xi32, #tpu.memory_space<vmem>>, vector<16xi32>,
      %swap3A_1956 = vector.shape_cast %swap3A_1955 : vector<16xi32> to vector<16xi32>
      %swap3A_1957 = vector.shape_cast %add3A_1953 : vector<16xi32> to vector<16xi32>
      tpu.vector_store %arg9[%swap3A_1954], %swap3A_1957 {strides = array<i32>} : memref<1664xi32, #tpu.memory_space<vmem>>, vector<16xi32>,
      %add3A_1958 = arith.constant 144 : i32
      %add3A_1959 = arith.addi %mul3A_1842, %add3A_1958 : i32
      %get3A_1960 = arith.index_cast %add3A_1959 : i32 to index
      %get3A_1961 = tpu.vector_load %arg6[%get3A_1960] {strides = array<i32>} : memref<1664xi32, #tpu.memory_space<vmem>>, vector<16xi32>,
      %get3A_1962 = vector.shape_cast %get3A_1961 : vector<16xi32> to vector<16xi32>
      %get3A_1963 = arith.constant 144 : index
      %get3A_1964 = tpu.vector_load %arg8[%get3A_1963] {strides = array<i32>} : memref<208xi32, #tpu.memory_space<vmem>>, vector<16xi32>,
      %get3A_1965 = vector.shape_cast %get3A_1964 : vector<16xi32> to vector<16xi32>
      %add3A_1966 = arith.addi %get3A_1962, %get3A_1965 : vector<16xi32>
      %swap3A_1967 = arith.index_cast %add3A_1959 : i32 to index
      %swap3A_1968 = tpu.vector_load %arg9[%swap3A_1967] {strides = array<i32>} : memref<1664xi32, #tpu.memory_space<vmem>>, vector<16xi32>,
      %swap3A_1969 = vector.shape_cast %swap3A_1968 : vector<16xi32> to vector<16xi32>
      %swap3A_1970 = vector.shape_cast %add3A_1966 : vector<16xi32> to vector<16xi32>
      tpu.vector_store %arg9[%swap3A_1967], %swap3A_1970 {strides = array<i32>} : memref<1664xi32, #tpu.memory_space<vmem>>, vector<16xi32>,
      %add3A_1971 = arith.constant 160 : i32
      %add3A_1972 = arith.addi %mul3A_1842, %add3A_1971 : i32
      %get3A_1973 = arith.index_cast %add3A_1972 : i32 to index
      %get3A_1974 = tpu.vector_load %arg6[%get3A_1973] {strides = array<i32>} : memref<1664xi32, #tpu.memory_space<vmem>>, vector<16xi32>,
      %get3A_1975 = vector.shape_cast %get3A_1974 : vector<16xi32> to vector<16xi32>
      %get3A_1976 = arith.constant 160 : index
      %get3A_1977 = tpu.vector_load %arg8[%get3A_1976] {strides = array<i32>} : memref<208xi32, #tpu.memory_space<vmem>>, vector<16xi32>,
      %get3A_1978 = vector.shape_cast %get3A_1977 : vector<16xi32> to vector<16xi32>
      %add3A_1979 = arith.addi %get3A_1975, %get3A_1978 : vector<16xi32>
      %swap3A_1980 = arith.index_cast %add3A_1972 : i32 to index
      %swap3A_1981 = tpu.vector_load %arg9[%swap3A_1980] {strides = array<i32>} : memref<1664xi32, #tpu.memory_space<vmem>>, vector<16xi32>,
      %swap3A_1982 = vector.shape_cast %swap3A_1981 : vector<16xi32> to vector<16xi32>
      %swap3A_1983 = vector.shape_cast %add3A_1979 : vector<16xi32> to vector<16xi32>
      tpu.vector_store %arg9[%swap3A_1980], %swap3A_1983 {strides = array<i32>} : memref<1664xi32, #tpu.memory_space<vmem>>, vector<16xi32>,
      %add3A_1984 = arith.constant 176 : i32
      %add3A_1985 = arith.addi %mul3A_1842, %add3A_1984 : i32
      %get3A_1986 = arith.index_cast %add3A_1985 : i32 to index
      %get3A_1987 = tpu.vector_load %arg6[%get3A_1986] {strides = array<i32>} : memref<1664xi32, #tpu.memory_space<vmem>>, vector<16xi32>,
      %get3A_1988 = vector.shape_cast %get3A_1987 : vector<16xi32> to vector<16xi32>
      %get3A_1989 = arith.constant 176 : index
      %get3A_1990 = tpu.vector_load %arg8[%get3A_1989] {strides = array<i32>} : memref<208xi32, #tpu.memory_space<vmem>>, vector<16xi32>,
      %get3A_1991 = vector.shape_cast %get3A_1990 : vector<16xi32> to vector<16xi32>
      %add3A_1992 = arith.addi %get3A_1988, %get3A_1991 : vector<16xi32>
      %swap3A_1993 = arith.index_cast %add3A_1985 : i32 to index
      %swap3A_1994 = tpu.vector_load %arg9[%swap3A_1993] {strides = array<i32>} : memref<1664xi32, #tpu.memory_space<vmem>>, vector<16xi32>,
      %swap3A_1995 = vector.shape_cast %swap3A_1994 : vector<16xi32> to vector<16xi32>
      %swap3A_1996 = vector.shape_cast %add3A_1992 : vector<16xi32> to vector<16xi32>
      tpu.vector_store %arg9[%swap3A_1993], %swap3A_1996 {strides = array<i32>} : memref<1664xi32, #tpu.memory_space<vmem>>, vector<16xi32>,
      %add3A_1997 = arith.constant 192 : i32
      %add3A_1998 = arith.addi %mul3A_1842, %add3A_1997 : i32
      %get3A_1999 = arith.index_cast %add3A_1998 : i32 to index
      %get3A_2000 = tpu.vector_load %arg6[%get3A_1999] {strides = array<i32>} : memref<1664xi32, #tpu.memory_space<vmem>>, vector<16xi32>,
      %get3A_2001 = vector.shape_cast %get3A_2000 : vector<16xi32> to vector<16xi32>
      %get3A_2002 = arith.constant 192 : index
      %get3A_2003 = tpu.vector_load %arg8[%get3A_2002] {strides = array<i32>} : memref<208xi32, #tpu.memory_space<vmem>>, vector<16xi32>,
      %get3A_2004 = vector.shape_cast %get3A_2003 : vector<16xi32> to vector<16xi32>
      %add3A_2005 = arith.addi %get3A_2001, %get3A_2004 : vector<16xi32>
      %swap3A_2006 = arith.index_cast %add3A_1998 : i32 to index
      %swap3A_2007 = tpu.vector_load %arg9[%swap3A_2006] {strides = array<i32>} : memref<1664xi32, #tpu.memory_space<vmem>>, vector<16xi32>,
      %swap3A_2008 = vector.shape_cast %swap3A_2007 : vector<16xi32> to vector<16xi32>
      %swap3A_2009 = vector.shape_cast %add3A_2005 : vector<16xi32> to vector<16xi32>
      tpu.vector_store %arg9[%swap3A_2006], %swap3A_2009 {strides = array<i32>} : memref<1664xi32, #tpu.memory_space<vmem>>, vector<16xi32>,
    }
    %scan3A_357 = arith.constant 8 : i32
    %dma_wait3A_358 = arith.constant 0 : i32
    %dma_wait3A_359 = tpu.memref_slice %arg5[%add3A_345, %dma_wait3A_358] : memref<425984x16xf32, #tpu.memory_space<hbm>> -> memref<1664x16xf32, #tpu.memory_space<hbm>>
    %dma_wait3A_360 = arith.constant 0 : i32
    %dma_wait3A_361 = tpu.memref_slice %arg5[%add3A_345, %dma_wait3A_360] : memref<425984x16xf32, #tpu.memory_space<hbm>> -> memref<1664x16xf32, #tpu.memory_space<hbm>>
    tpu.wait_dma2 semaphore(%arg17 : memref<!tpu.dma_semaphore, #tpu.memory_space<semaphore_mem>>) src(%arg11 : memref<1664x16xf32, #tpu.memory_space<vmem>>) dst(%dma_wait3A_361 : memref<1664x16xf32, #tpu.memory_space<hbm>>)
    %dma_start3A_362 = arith.constant 0 : i32
    %dma_start3A_363 = arith.constant 0 : i32
    %dma_start3A_364 = tpu.memref_slice %arg11[%dma_start3A_362, %dma_start3A_363] : memref<1664x16xf32, #tpu.memory_space<vmem>> -> memref<128x16xf32, #tpu.memory_space<vmem>>
    %dma_start3A_365 = arith.constant 0 : i32
    %dma_start3A_366 = tpu.memref_slice %arg9[%dma_start3A_365] : memref<1664xi32, #tpu.memory_space<vmem>> -> memref<128xi32, #tpu.memory_space<vmem>>
    %dma_start3A_367 = arith.constant 0 : i32
    %dma_start3A_368 = arith.constant 0 : i32
    %dma_start3A_369 = tpu.memref_slice %arg3[%dma_start3A_367, %dma_start3A_368] : memref<1000012x16xf32, #tpu.memory_space<hbm>> -> memref<1000012x16xf32, #tpu.memory_space<hbm>>
    tpu.enqueue_indirect_dma source(%dma_start3A_369 : memref<1000012x16xf32, #tpu.memory_space<hbm>>) target(%dma_start3A_364 : memref<128x16xf32, #tpu.memory_space<vmem>>) offsets(%dma_start3A_366 : memref<128xi32, #tpu.memory_space<vmem>>) semaphore(%arg15 : memref<!tpu.dma_semaphore, #tpu.memory_space<semaphore_mem>>)
    %dma_start3A_370 = arith.constant 128 : i32
    %dma_start3A_371 = arith.constant 0 : i32
    %dma_start3A_372 = tpu.memref_slice %arg11[%dma_start3A_370, %dma_start3A_371] : memref<1664x16xf32, #tpu.memory_space<vmem>> -> memref<128x16xf32, #tpu.memory_space<vmem>>
    %dma_start3A_373 = arith.constant 128 : i32
    %dma_start3A_374 = tpu.memref_slice %arg9[%dma_start3A_373] : memref<1664xi32, #tpu.memory_space<vmem>> -> memref<128xi32, #tpu.memory_space<vmem>>
    %dma_start3A_375 = arith.constant 0 : i32
    %dma_start3A_376 = arith.constant 0 : i32
    %dma_start3A_377 = tpu.memref_slice %arg3[%dma_start3A_375, %dma_start3A_376] : memref<1000012x16xf32, #tpu.memory_space<hbm>> -> memref<1000012x16xf32, #tpu.memory_space<hbm>>
    tpu.enqueue_indirect_dma source(%dma_start3A_377 : memref<1000012x16xf32, #tpu.memory_space<hbm>>) target(%dma_start3A_372 : memref<128x16xf32, #tpu.memory_space<vmem>>) offsets(%dma_start3A_374 : memref<128xi32, #tpu.memory_space<vmem>>) semaphore(%arg15 : memref<!tpu.dma_semaphore, #tpu.memory_space<semaphore_mem>>)
    %dma_start3A_378 = arith.constant 256 : i32
    %dma_start3A_379 = arith.constant 0 : i32
    %dma_start3A_380 = tpu.memref_slice %arg11[%dma_start3A_378, %dma_start3A_379] : memref<1664x16xf32, #tpu.memory_space<vmem>> -> memref<128x16xf32, #tpu.memory_space<vmem>>
    %dma_start3A_381 = arith.constant 256 : i32
    %dma_start3A_382 = tpu.memref_slice %arg9[%dma_start3A_381] : memref<1664xi32, #tpu.memory_space<vmem>> -> memref<128xi32, #tpu.memory_space<vmem>>
    %dma_start3A_383 = arith.constant 0 : i32
    %dma_start3A_384 = arith.constant 0 : i32
    %dma_start3A_385 = tpu.memref_slice %arg3[%dma_start3A_383, %dma_start3A_384] : memref<1000012x16xf32, #tpu.memory_space<hbm>> -> memref<1000012x16xf32, #tpu.memory_space<hbm>>
    tpu.enqueue_indirect_dma source(%dma_start3A_385 : memref<1000012x16xf32, #tpu.memory_space<hbm>>) target(%dma_start3A_380 : memref<128x16xf32, #tpu.memory_space<vmem>>) offsets(%dma_start3A_382 : memref<128xi32, #tpu.memory_space<vmem>>) semaphore(%arg15 : memref<!tpu.dma_semaphore, #tpu.memory_space<semaphore_mem>>)
    %dma_start3A_386 = arith.constant 384 : i32
    %dma_start3A_387 = arith.constant 0 : i32
    %dma_start3A_388 = tpu.memref_slice %arg11[%dma_start3A_386, %dma_start3A_387] : memref<1664x16xf32, #tpu.memory_space<vmem>> -> memref<128x16xf32, #tpu.memory_space<vmem>>
    %dma_start3A_389 = arith.constant 384 : i32
    %dma_start3A_390 = tpu.memref_slice %arg9[%dma_start3A_389] : memref<1664xi32, #tpu.memory_space<vmem>> -> memref<128xi32, #tpu.memory_space<vmem>>
    %dma_start3A_391 = arith.constant 0 : i32
    %dma_start3A_392 = arith.constant 0 : i32
    %dma_start3A_393 = tpu.memref_slice %arg3[%dma_start3A_391, %dma_start3A_392] : memref<1000012x16xf32, #tpu.memory_space<hbm>> -> memref<1000012x16xf32, #tpu.memory_space<hbm>>
    tpu.enqueue_indirect_dma source(%dma_start3A_393 : memref<1000012x16xf32, #tpu.memory_space<hbm>>) target(%dma_start3A_388 : memref<128x16xf32, #tpu.memory_space<vmem>>) offsets(%dma_start3A_390 : memref<128xi32, #tpu.memory_space<vmem>>) semaphore(%arg15 : memref<!tpu.dma_semaphore, #tpu.memory_space<semaphore_mem>>)
    %dma_start3A_394 = arith.constant 512 : i32
    %dma_start3A_395 = arith.constant 0 : i32
    %dma_start3A_396 = tpu.memref_slice %arg11[%dma_start3A_394, %dma_start3A_395] : memref<1664x16xf32, #tpu.memory_space<vmem>> -> memref<128x16xf32, #tpu.memory_space<vmem>>
    %dma_start3A_397 = arith.constant 512 : i32
    %dma_start3A_398 = tpu.memref_slice %arg9[%dma_start3A_397] : memref<1664xi32, #tpu.memory_space<vmem>> -> memref<128xi32, #tpu.memory_space<vmem>>
    %dma_start3A_399 = arith.constant 0 : i32
    %dma_start3A_400 = arith.constant 0 : i32
    %dma_start3A_401 = tpu.memref_slice %arg3[%dma_start3A_399, %dma_start3A_400] : memref<1000012x16xf32, #tpu.memory_space<hbm>> -> memref<1000012x16xf32, #tpu.memory_space<hbm>>
    tpu.enqueue_indirect_dma source(%dma_start3A_401 : memref<1000012x16xf32, #tpu.memory_space<hbm>>) target(%dma_start3A_396 : memref<128x16xf32, #tpu.memory_space<vmem>>) offsets(%dma_start3A_398 : memref<128xi32, #tpu.memory_space<vmem>>) semaphore(%arg15 : memref<!tpu.dma_semaphore, #tpu.memory_space<semaphore_mem>>)
    %dma_start3A_402 = arith.constant 640 : i32
    %dma_start3A_403 = arith.constant 0 : i32
    %dma_start3A_404 = tpu.memref_slice %arg11[%dma_start3A_402, %dma_start3A_403] : memref<1664x16xf32, #tpu.memory_space<vmem>> -> memref<128x16xf32, #tpu.memory_space<vmem>>
    %dma_start3A_405 = arith.constant 640 : i32
    %dma_start3A_406 = tpu.memref_slice %arg9[%dma_start3A_405] : memref<1664xi32, #tpu.memory_space<vmem>> -> memref<128xi32, #tpu.memory_space<vmem>>
    %dma_start3A_407 = arith.constant 0 : i32
    %dma_start3A_408 = arith.constant 0 : i32
    %dma_start3A_409 = tpu.memref_slice %arg3[%dma_start3A_407, %dma_start3A_408] : memref<1000012x16xf32, #tpu.memory_space<hbm>> -> memref<1000012x16xf32, #tpu.memory_space<hbm>>
    tpu.enqueue_indirect_dma source(%dma_start3A_409 : memref<1000012x16xf32, #tpu.memory_space<hbm>>) target(%dma_start3A_404 : memref<128x16xf32, #tpu.memory_space<vmem>>) offsets(%dma_start3A_406 : memref<128xi32, #tpu.memory_space<vmem>>) semaphore(%arg15 : memref<!tpu.dma_semaphore, #tpu.memory_space<semaphore_mem>>)
    %dma_start3A_410 = arith.constant 768 : i32
    %dma_start3A_411 = arith.constant 0 : i32
    %dma_start3A_412 = tpu.memref_slice %arg11[%dma_start3A_410, %dma_start3A_411] : memref<1664x16xf32, #tpu.memory_space<vmem>> -> memref<128x16xf32, #tpu.memory_space<vmem>>
    %dma_start3A_413 = arith.constant 768 : i32
    %dma_start3A_414 = tpu.memref_slice %arg9[%dma_start3A_413] : memref<1664xi32, #tpu.memory_space<vmem>> -> memref<128xi32, #tpu.memory_space<vmem>>
    %dma_start3A_415 = arith.constant 0 : i32
    %dma_start3A_416 = arith.constant 0 : i32
    %dma_start3A_417 = tpu.memref_slice %arg3[%dma_start3A_415, %dma_start3A_416] : memref<1000012x16xf32, #tpu.memory_space<hbm>> -> memref<1000012x16xf32, #tpu.memory_space<hbm>>
    tpu.enqueue_indirect_dma source(%dma_start3A_417 : memref<1000012x16xf32, #tpu.memory_space<hbm>>) target(%dma_start3A_412 : memref<128x16xf32, #tpu.memory_space<vmem>>) offsets(%dma_start3A_414 : memref<128xi32, #tpu.memory_space<vmem>>) semaphore(%arg15 : memref<!tpu.dma_semaphore, #tpu.memory_space<semaphore_mem>>)
    %dma_start3A_418 = arith.constant 896 : i32
    %dma_start3A_419 = arith.constant 0 : i32
    %dma_start3A_420 = tpu.memref_slice %arg11[%dma_start3A_418, %dma_start3A_419] : memref<1664x16xf32, #tpu.memory_space<vmem>> -> memref<128x16xf32, #tpu.memory_space<vmem>>
    %dma_start3A_421 = arith.constant 896 : i32
    %dma_start3A_422 = tpu.memref_slice %arg9[%dma_start3A_421] : memref<1664xi32, #tpu.memory_space<vmem>> -> memref<128xi32, #tpu.memory_space<vmem>>
    %dma_start3A_423 = arith.constant 0 : i32
    %dma_start3A_424 = arith.constant 0 : i32
    %dma_start3A_425 = tpu.memref_slice %arg3[%dma_start3A_423, %dma_start3A_424] : memref<1000012x16xf32, #tpu.memory_space<hbm>> -> memref<1000012x16xf32, #tpu.memory_space<hbm>>
    tpu.enqueue_indirect_dma source(%dma_start3A_425 : memref<1000012x16xf32, #tpu.memory_space<hbm>>) target(%dma_start3A_420 : memref<128x16xf32, #tpu.memory_space<vmem>>) offsets(%dma_start3A_422 : memref<128xi32, #tpu.memory_space<vmem>>) semaphore(%arg15 : memref<!tpu.dma_semaphore, #tpu.memory_space<semaphore_mem>>)
    %dma_start3A_426 = arith.constant 1024 : i32
    %dma_start3A_427 = arith.constant 0 : i32
    %dma_start3A_428 = tpu.memref_slice %arg11[%dma_start3A_426, %dma_start3A_427] : memref<1664x16xf32, #tpu.memory_space<vmem>> -> memref<128x16xf32, #tpu.memory_space<vmem>>
    %dma_start3A_429 = arith.constant 1024 : i32
    %dma_start3A_430 = tpu.memref_slice %arg9[%dma_start3A_429] : memref<1664xi32, #tpu.memory_space<vmem>> -> memref<128xi32, #tpu.memory_space<vmem>>
    %dma_start3A_431 = arith.constant 0 : i32
    %dma_start3A_432 = arith.constant 0 : i32
    %dma_start3A_433 = tpu.memref_slice %arg3[%dma_start3A_431, %dma_start3A_432] : memref<1000012x16xf32, #tpu.memory_space<hbm>> -> memref<1000012x16xf32, #tpu.memory_space<hbm>>
    tpu.enqueue_indirect_dma source(%dma_start3A_433 : memref<1000012x16xf32, #tpu.memory_space<hbm>>) target(%dma_start3A_428 : memref<128x16xf32, #tpu.memory_space<vmem>>) offsets(%dma_start3A_430 : memref<128xi32, #tpu.memory_space<vmem>>) semaphore(%arg15 : memref<!tpu.dma_semaphore, #tpu.memory_space<semaphore_mem>>)
    %dma_start3A_434 = arith.constant 1152 : i32
    %dma_start3A_435 = arith.constant 0 : i32
    %dma_start3A_436 = tpu.memref_slice %arg11[%dma_start3A_434, %dma_start3A_435] : memref<1664x16xf32, #tpu.memory_space<vmem>> -> memref<128x16xf32, #tpu.memory_space<vmem>>
    %dma_start3A_437 = arith.constant 1152 : i32
    %dma_start3A_438 = tpu.memref_slice %arg9[%dma_start3A_437] : memref<1664xi32, #tpu.memory_space<vmem>> -> memref<128xi32, #tpu.memory_space<vmem>>
    %dma_start3A_439 = arith.constant 0 : i32
    %dma_start3A_440 = arith.constant 0 : i32
    %dma_start3A_441 = tpu.memref_slice %arg3[%dma_start3A_439, %dma_start3A_440] : memref<1000012x16xf32, #tpu.memory_space<hbm>> -> memref<1000012x16xf32, #tpu.memory_space<hbm>>
    tpu.enqueue_indirect_dma source(%dma_start3A_441 : memref<1000012x16xf32, #tpu.memory_space<hbm>>) target(%dma_start3A_436 : memref<128x16xf32, #tpu.memory_space<vmem>>) offsets(%dma_start3A_438 : memref<128xi32, #tpu.memory_space<vmem>>) semaphore(%arg15 : memref<!tpu.dma_semaphore, #tpu.memory_space<semaphore_mem>>)
    %dma_start3A_442 = arith.constant 1280 : i32
    %dma_start3A_443 = arith.constant 0 : i32
    %dma_start3A_444 = tpu.memref_slice %arg11[%dma_start3A_442, %dma_start3A_443] : memref<1664x16xf32, #tpu.memory_space<vmem>> -> memref<128x16xf32, #tpu.memory_space<vmem>>
    %dma_start3A_445 = arith.constant 1280 : i32
    %dma_start3A_446 = tpu.memref_slice %arg9[%dma_start3A_445] : memref<1664xi32, #tpu.memory_space<vmem>> -> memref<128xi32, #tpu.memory_space<vmem>>
    %dma_start3A_447 = arith.constant 0 : i32
    %dma_start3A_448 = arith.constant 0 : i32
    %dma_start3A_449 = tpu.memref_slice %arg3[%dma_start3A_447, %dma_start3A_448] : memref<1000012x16xf32, #tpu.memory_space<hbm>> -> memref<1000012x16xf32, #tpu.memory_space<hbm>>
    tpu.enqueue_indirect_dma source(%dma_start3A_449 : memref<1000012x16xf32, #tpu.memory_space<hbm>>) target(%dma_start3A_444 : memref<128x16xf32, #tpu.memory_space<vmem>>) offsets(%dma_start3A_446 : memref<128xi32, #tpu.memory_space<vmem>>) semaphore(%arg15 : memref<!tpu.dma_semaphore, #tpu.memory_space<semaphore_mem>>)
    %dma_start3A_450 = arith.constant 1408 : i32
    %dma_start3A_451 = arith.constant 0 : i32
    %dma_start3A_452 = tpu.memref_slice %arg11[%dma_start3A_450, %dma_start3A_451] : memref<1664x16xf32, #tpu.memory_space<vmem>> -> memref<128x16xf32, #tpu.memory_space<vmem>>
    %dma_start3A_453 = arith.constant 1408 : i32
    %dma_start3A_454 = tpu.memref_slice %arg9[%dma_start3A_453] : memref<1664xi32, #tpu.memory_space<vmem>> -> memref<128xi32, #tpu.memory_space<vmem>>
    %dma_start3A_455 = arith.constant 0 : i32
    %dma_start3A_456 = arith.constant 0 : i32
    %dma_start3A_457 = tpu.memref_slice %arg3[%dma_start3A_455, %dma_start3A_456] : memref<1000012x16xf32, #tpu.memory_space<hbm>> -> memref<1000012x16xf32, #tpu.memory_space<hbm>>
    tpu.enqueue_indirect_dma source(%dma_start3A_457 : memref<1000012x16xf32, #tpu.memory_space<hbm>>) target(%dma_start3A_452 : memref<128x16xf32, #tpu.memory_space<vmem>>) offsets(%dma_start3A_454 : memref<128xi32, #tpu.memory_space<vmem>>) semaphore(%arg15 : memref<!tpu.dma_semaphore, #tpu.memory_space<semaphore_mem>>)
    %dma_start3A_458 = arith.constant 1536 : i32
    %dma_start3A_459 = arith.constant 0 : i32
    %dma_start3A_460 = tpu.memref_slice %arg11[%dma_start3A_458, %dma_start3A_459] : memref<1664x16xf32, #tpu.memory_space<vmem>> -> memref<128x16xf32, #tpu.memory_space<vmem>>
    %dma_start3A_461 = arith.constant 1536 : i32
    %dma_start3A_462 = tpu.memref_slice %arg9[%dma_start3A_461] : memref<1664xi32, #tpu.memory_space<vmem>> -> memref<128xi32, #tpu.memory_space<vmem>>
    %dma_start3A_463 = arith.constant 0 : i32
    %dma_start3A_464 = arith.constant 0 : i32
    %dma_start3A_465 = tpu.memref_slice %arg3[%dma_start3A_463, %dma_start3A_464] : memref<1000012x16xf32, #tpu.memory_space<hbm>> -> memref<1000012x16xf32, #tpu.memory_space<hbm>>
    tpu.enqueue_indirect_dma source(%dma_start3A_465 : memref<1000012x16xf32, #tpu.memory_space<hbm>>) target(%dma_start3A_460 : memref<128x16xf32, #tpu.memory_space<vmem>>) offsets(%dma_start3A_462 : memref<128xi32, #tpu.memory_space<vmem>>) semaphore(%arg15 : memref<!tpu.dma_semaphore, #tpu.memory_space<semaphore_mem>>)
    %add3A_466 = arith.constant 6656 : i32
    %add3A_467 = arith.addi %mul3A_2, %add3A_466 : i32
    %dma_start3A_468 = tpu.memref_slice %arg2[%add3A_467] : memref<425984xi32, #tpu.memory_space<hbm>> -> memref<1664xi32, #tpu.memory_space<hbm>>
    %dma_start3A_469 = tpu.memref_slice %arg2[%add3A_467] : memref<425984xi32, #tpu.memory_space<hbm>> -> memref<1664xi32, #tpu.memory_space<hbm>>
    tpu.enqueue_dma source(%dma_start3A_469 : memref<1664xi32, #tpu.memory_space<hbm>>) target(%arg6 : memref<1664xi32, #tpu.memory_space<vmem>>) target_semaphore(%arg13 : memref<!tpu.dma_semaphore, #tpu.memory_space<semaphore_mem>>)
    %dma_wait3A_470 = arith.constant 0 : i32
    %dma_wait3A_471 = arith.constant 0 : i32
    %dma_wait3A_472 = tpu.memref_slice %arg12[%dma_wait3A_470, %dma_wait3A_471] : memref<1664x16xf32, #tpu.memory_space<vmem>> -> memref<128x16xf32, #tpu.memory_space<vmem>>
    %dma_wait3A_473 = arith.constant 0 : i32
    %dma_wait3A_474 = tpu.memref_slice %arg10[%dma_wait3A_473] : memref<1664xi32, #tpu.memory_space<vmem>> -> memref<128xi32, #tpu.memory_space<vmem>>
    %dma_wait3A_475 = arith.constant 0 : i32
    %dma_wait3A_476 = arith.constant 0 : i32
    %dma_wait3A_477 = tpu.memref_slice %arg3[%dma_wait3A_475, %dma_wait3A_476] : memref<1000012x16xf32, #tpu.memory_space<hbm>> -> memref<1000012x16xf32, #tpu.memory_space<hbm>>
    tpu.wait_indirect_dma semaphore(%arg16 : memref<!tpu.dma_semaphore, #tpu.memory_space<semaphore_mem>>) src(%dma_wait3A_477 : memref<1000012x16xf32, #tpu.memory_space<hbm>>) dst(%dma_wait3A_472 : memref<128x16xf32, #tpu.memory_space<vmem>>)
    %dma_wait3A_478 = arith.constant 128 : i32
    %dma_wait3A_479 = arith.constant 0 : i32
    %dma_wait3A_480 = tpu.memref_slice %arg12[%dma_wait3A_478, %dma_wait3A_479] : memref<1664x16xf32, #tpu.memory_space<vmem>> -> memref<128x16xf32, #tpu.memory_space<vmem>>
    %dma_wait3A_481 = arith.constant 128 : i32
    %dma_wait3A_482 = tpu.memref_slice %arg10[%dma_wait3A_481] : memref<1664xi32, #tpu.memory_space<vmem>> -> memref<128xi32, #tpu.memory_space<vmem>>
    %dma_wait3A_483 = arith.constant 0 : i32
    %dma_wait3A_484 = arith.constant 0 : i32
    %dma_wait3A_485 = tpu.memref_slice %arg3[%dma_wait3A_483, %dma_wait3A_484] : memref<1000012x16xf32, #tpu.memory_space<hbm>> -> memref<1000012x16xf32, #tpu.memory_space<hbm>>
    tpu.wait_indirect_dma semaphore(%arg16 : memref<!tpu.dma_semaphore, #tpu.memory_space<semaphore_mem>>) src(%dma_wait3A_485 : memref<1000012x16xf32, #tpu.memory_space<hbm>>) dst(%dma_wait3A_480 : memref<128x16xf32, #tpu.memory_space<vmem>>)
    %dma_wait3A_486 = arith.constant 256 : i32
    %dma_wait3A_487 = arith.constant 0 : i32
    %dma_wait3A_488 = tpu.memref_slice %arg12[%dma_wait3A_486, %dma_wait3A_487] : memref<1664x16xf32, #tpu.memory_space<vmem>> -> memref<128x16xf32, #tpu.memory_space<vmem>>
    %dma_wait3A_489 = arith.constant 256 : i32
    %dma_wait3A_490 = tpu.memref_slice %arg10[%dma_wait3A_489] : memref<1664xi32, #tpu.memory_space<vmem>> -> memref<128xi32, #tpu.memory_space<vmem>>
    %dma_wait3A_491 = arith.constant 0 : i32
    %dma_wait3A_492 = arith.constant 0 : i32
    %dma_wait3A_493 = tpu.memref_slice %arg3[%dma_wait3A_491, %dma_wait3A_492] : memref<1000012x16xf32, #tpu.memory_space<hbm>> -> memref<1000012x16xf32, #tpu.memory_space<hbm>>
    tpu.wait_indirect_dma semaphore(%arg16 : memref<!tpu.dma_semaphore, #tpu.memory_space<semaphore_mem>>) src(%dma_wait3A_493 : memref<1000012x16xf32, #tpu.memory_space<hbm>>) dst(%dma_wait3A_488 : memref<128x16xf32, #tpu.memory_space<vmem>>)
    %dma_wait3A_494 = arith.constant 384 : i32
    %dma_wait3A_495 = arith.constant 0 : i32
    %dma_wait3A_496 = tpu.memref_slice %arg12[%dma_wait3A_494, %dma_wait3A_495] : memref<1664x16xf32, #tpu.memory_space<vmem>> -> memref<128x16xf32, #tpu.memory_space<vmem>>
    %dma_wait3A_497 = arith.constant 384 : i32
    %dma_wait3A_498 = tpu.memref_slice %arg10[%dma_wait3A_497] : memref<1664xi32, #tpu.memory_space<vmem>> -> memref<128xi32, #tpu.memory_space<vmem>>
    %dma_wait3A_499 = arith.constant 0 : i32
    %dma_wait3A_500 = arith.constant 0 : i32
    %dma_wait3A_501 = tpu.memref_slice %arg3[%dma_wait3A_499, %dma_wait3A_500] : memref<1000012x16xf32, #tpu.memory_space<hbm>> -> memref<1000012x16xf32, #tpu.memory_space<hbm>>
    tpu.wait_indirect_dma semaphore(%arg16 : memref<!tpu.dma_semaphore, #tpu.memory_space<semaphore_mem>>) src(%dma_wait3A_501 : memref<1000012x16xf32, #tpu.memory_space<hbm>>) dst(%dma_wait3A_496 : memref<128x16xf32, #tpu.memory_space<vmem>>)
    %dma_wait3A_502 = arith.constant 512 : i32
    %dma_wait3A_503 = arith.constant 0 : i32
    %dma_wait3A_504 = tpu.memref_slice %arg12[%dma_wait3A_502, %dma_wait3A_503] : memref<1664x16xf32, #tpu.memory_space<vmem>> -> memref<128x16xf32, #tpu.memory_space<vmem>>
    %dma_wait3A_505 = arith.constant 512 : i32
    %dma_wait3A_506 = tpu.memref_slice %arg10[%dma_wait3A_505] : memref<1664xi32, #tpu.memory_space<vmem>> -> memref<128xi32, #tpu.memory_space<vmem>>
    %dma_wait3A_507 = arith.constant 0 : i32
    %dma_wait3A_508 = arith.constant 0 : i32
    %dma_wait3A_509 = tpu.memref_slice %arg3[%dma_wait3A_507, %dma_wait3A_508] : memref<1000012x16xf32, #tpu.memory_space<hbm>> -> memref<1000012x16xf32, #tpu.memory_space<hbm>>
    tpu.wait_indirect_dma semaphore(%arg16 : memref<!tpu.dma_semaphore, #tpu.memory_space<semaphore_mem>>) src(%dma_wait3A_509 : memref<1000012x16xf32, #tpu.memory_space<hbm>>) dst(%dma_wait3A_504 : memref<128x16xf32, #tpu.memory_space<vmem>>)
    %dma_wait3A_510 = arith.constant 640 : i32
    %dma_wait3A_511 = arith.constant 0 : i32
    %dma_wait3A_512 = tpu.memref_slice %arg12[%dma_wait3A_510, %dma_wait3A_511] : memref<1664x16xf32, #tpu.memory_space<vmem>> -> memref<128x16xf32, #tpu.memory_space<vmem>>
    %dma_wait3A_513 = arith.constant 640 : i32
    %dma_wait3A_514 = tpu.memref_slice %arg10[%dma_wait3A_513] : memref<1664xi32, #tpu.memory_space<vmem>> -> memref<128xi32, #tpu.memory_space<vmem>>
    %dma_wait3A_515 = arith.constant 0 : i32
    %dma_wait3A_516 = arith.constant 0 : i32
    %dma_wait3A_517 = tpu.memref_slice %arg3[%dma_wait3A_515, %dma_wait3A_516] : memref<1000012x16xf32, #tpu.memory_space<hbm>> -> memref<1000012x16xf32, #tpu.memory_space<hbm>>
    tpu.wait_indirect_dma semaphore(%arg16 : memref<!tpu.dma_semaphore, #tpu.memory_space<semaphore_mem>>) src(%dma_wait3A_517 : memref<1000012x16xf32, #tpu.memory_space<hbm>>) dst(%dma_wait3A_512 : memref<128x16xf32, #tpu.memory_space<vmem>>)
    %dma_wait3A_518 = arith.constant 768 : i32
    %dma_wait3A_519 = arith.constant 0 : i32
    %dma_wait3A_520 = tpu.memref_slice %arg12[%dma_wait3A_518, %dma_wait3A_519] : memref<1664x16xf32, #tpu.memory_space<vmem>> -> memref<128x16xf32, #tpu.memory_space<vmem>>
    %dma_wait3A_521 = arith.constant 768 : i32
    %dma_wait3A_522 = tpu.memref_slice %arg10[%dma_wait3A_521] : memref<1664xi32, #tpu.memory_space<vmem>> -> memref<128xi32, #tpu.memory_space<vmem>>
    %dma_wait3A_523 = arith.constant 0 : i32
    %dma_wait3A_524 = arith.constant 0 : i32
    %dma_wait3A_525 = tpu.memref_slice %arg3[%dma_wait3A_523, %dma_wait3A_524] : memref<1000012x16xf32, #tpu.memory_space<hbm>> -> memref<1000012x16xf32, #tpu.memory_space<hbm>>
    tpu.wait_indirect_dma semaphore(%arg16 : memref<!tpu.dma_semaphore, #tpu.memory_space<semaphore_mem>>) src(%dma_wait3A_525 : memref<1000012x16xf32, #tpu.memory_space<hbm>>) dst(%dma_wait3A_520 : memref<128x16xf32, #tpu.memory_space<vmem>>)
    %dma_wait3A_526 = arith.constant 896 : i32
    %dma_wait3A_527 = arith.constant 0 : i32
    %dma_wait3A_528 = tpu.memref_slice %arg12[%dma_wait3A_526, %dma_wait3A_527] : memref<1664x16xf32, #tpu.memory_space<vmem>> -> memref<128x16xf32, #tpu.memory_space<vmem>>
    %dma_wait3A_529 = arith.constant 896 : i32
    %dma_wait3A_530 = tpu.memref_slice %arg10[%dma_wait3A_529] : memref<1664xi32, #tpu.memory_space<vmem>> -> memref<128xi32, #tpu.memory_space<vmem>>
    %dma_wait3A_531 = arith.constant 0 : i32
    %dma_wait3A_532 = arith.constant 0 : i32
    %dma_wait3A_533 = tpu.memref_slice %arg3[%dma_wait3A_531, %dma_wait3A_532] : memref<1000012x16xf32, #tpu.memory_space<hbm>> -> memref<1000012x16xf32, #tpu.memory_space<hbm>>
    tpu.wait_indirect_dma semaphore(%arg16 : memref<!tpu.dma_semaphore, #tpu.memory_space<semaphore_mem>>) src(%dma_wait3A_533 : memref<1000012x16xf32, #tpu.memory_space<hbm>>) dst(%dma_wait3A_528 : memref<128x16xf32, #tpu.memory_space<vmem>>)
    %dma_wait3A_534 = arith.constant 1024 : i32
    %dma_wait3A_535 = arith.constant 0 : i32
    %dma_wait3A_536 = tpu.memref_slice %arg12[%dma_wait3A_534, %dma_wait3A_535] : memref<1664x16xf32, #tpu.memory_space<vmem>> -> memref<128x16xf32, #tpu.memory_space<vmem>>
    %dma_wait3A_537 = arith.constant 1024 : i32
    %dma_wait3A_538 = tpu.memref_slice %arg10[%dma_wait3A_537] : memref<1664xi32, #tpu.memory_space<vmem>> -> memref<128xi32, #tpu.memory_space<vmem>>
    %dma_wait3A_539 = arith.constant 0 : i32
    %dma_wait3A_540 = arith.constant 0 : i32
    %dma_wait3A_541 = tpu.memref_slice %arg3[%dma_wait3A_539, %dma_wait3A_540] : memref<1000012x16xf32, #tpu.memory_space<hbm>> -> memref<1000012x16xf32, #tpu.memory_space<hbm>>
    tpu.wait_indirect_dma semaphore(%arg16 : memref<!tpu.dma_semaphore, #tpu.memory_space<semaphore_mem>>) src(%dma_wait3A_541 : memref<1000012x16xf32, #tpu.memory_space<hbm>>) dst(%dma_wait3A_536 : memref<128x16xf32, #tpu.memory_space<vmem>>)
    %dma_wait3A_542 = arith.constant 1152 : i32
    %dma_wait3A_543 = arith.constant 0 : i32
    %dma_wait3A_544 = tpu.memref_slice %arg12[%dma_wait3A_542, %dma_wait3A_543] : memref<1664x16xf32, #tpu.memory_space<vmem>> -> memref<128x16xf32, #tpu.memory_space<vmem>>
    %dma_wait3A_545 = arith.constant 1152 : i32
    %dma_wait3A_546 = tpu.memref_slice %arg10[%dma_wait3A_545] : memref<1664xi32, #tpu.memory_space<vmem>> -> memref<128xi32, #tpu.memory_space<vmem>>
    %dma_wait3A_547 = arith.constant 0 : i32
    %dma_wait3A_548 = arith.constant 0 : i32
    %dma_wait3A_549 = tpu.memref_slice %arg3[%dma_wait3A_547, %dma_wait3A_548] : memref<1000012x16xf32, #tpu.memory_space<hbm>> -> memref<1000012x16xf32, #tpu.memory_space<hbm>>
    tpu.wait_indirect_dma semaphore(%arg16 : memref<!tpu.dma_semaphore, #tpu.memory_space<semaphore_mem>>) src(%dma_wait3A_549 : memref<1000012x16xf32, #tpu.memory_space<hbm>>) dst(%dma_wait3A_544 : memref<128x16xf32, #tpu.memory_space<vmem>>)
    %dma_wait3A_550 = arith.constant 1280 : i32
    %dma_wait3A_551 = arith.constant 0 : i32
    %dma_wait3A_552 = tpu.memref_slice %arg12[%dma_wait3A_550, %dma_wait3A_551] : memref<1664x16xf32, #tpu.memory_space<vmem>> -> memref<128x16xf32, #tpu.memory_space<vmem>>
    %dma_wait3A_553 = arith.constant 1280 : i32
    %dma_wait3A_554 = tpu.memref_slice %arg10[%dma_wait3A_553] : memref<1664xi32, #tpu.memory_space<vmem>> -> memref<128xi32, #tpu.memory_space<vmem>>
    %dma_wait3A_555 = arith.constant 0 : i32
    %dma_wait3A_556 = arith.constant 0 : i32
    %dma_wait3A_557 = tpu.memref_slice %arg3[%dma_wait3A_555, %dma_wait3A_556] : memref<1000012x16xf32, #tpu.memory_space<hbm>> -> memref<1000012x16xf32, #tpu.memory_space<hbm>>
    tpu.wait_indirect_dma semaphore(%arg16 : memref<!tpu.dma_semaphore, #tpu.memory_space<semaphore_mem>>) src(%dma_wait3A_557 : memref<1000012x16xf32, #tpu.memory_space<hbm>>) dst(%dma_wait3A_552 : memref<128x16xf32, #tpu.memory_space<vmem>>)
    %dma_wait3A_558 = arith.constant 1408 : i32
    %dma_wait3A_559 = arith.constant 0 : i32
    %dma_wait3A_560 = tpu.memref_slice %arg12[%dma_wait3A_558, %dma_wait3A_559] : memref<1664x16xf32, #tpu.memory_space<vmem>> -> memref<128x16xf32, #tpu.memory_space<vmem>>
    %dma_wait3A_561 = arith.constant 1408 : i32
    %dma_wait3A_562 = tpu.memref_slice %arg10[%dma_wait3A_561] : memref<1664xi32, #tpu.memory_space<vmem>> -> memref<128xi32, #tpu.memory_space<vmem>>
    %dma_wait3A_563 = arith.constant 0 : i32
    %dma_wait3A_564 = arith.constant 0 : i32
    %dma_wait3A_565 = tpu.memref_slice %arg3[%dma_wait3A_563, %dma_wait3A_564] : memref<1000012x16xf32, #tpu.memory_space<hbm>> -> memref<1000012x16xf32, #tpu.memory_space<hbm>>
    tpu.wait_indirect_dma semaphore(%arg16 : memref<!tpu.dma_semaphore, #tpu.memory_space<semaphore_mem>>) src(%dma_wait3A_565 : memref<1000012x16xf32, #tpu.memory_space<hbm>>) dst(%dma_wait3A_560 : memref<128x16xf32, #tpu.memory_space<vmem>>)
    %dma_wait3A_566 = arith.constant 1536 : i32
    %dma_wait3A_567 = arith.constant 0 : i32
    %dma_wait3A_568 = tpu.memref_slice %arg12[%dma_wait3A_566, %dma_wait3A_567] : memref<1664x16xf32, #tpu.memory_space<vmem>> -> memref<128x16xf32, #tpu.memory_space<vmem>>
    %dma_wait3A_569 = arith.constant 1536 : i32
    %dma_wait3A_570 = tpu.memref_slice %arg10[%dma_wait3A_569] : memref<1664xi32, #tpu.memory_space<vmem>> -> memref<128xi32, #tpu.memory_space<vmem>>
    %dma_wait3A_571 = arith.constant 0 : i32
    %dma_wait3A_572 = arith.constant 0 : i32
    %dma_wait3A_573 = tpu.memref_slice %arg3[%dma_wait3A_571, %dma_wait3A_572] : memref<1000012x16xf32, #tpu.memory_space<hbm>> -> memref<1000012x16xf32, #tpu.memory_space<hbm>>
    tpu.wait_indirect_dma semaphore(%arg16 : memref<!tpu.dma_semaphore, #tpu.memory_space<semaphore_mem>>) src(%dma_wait3A_573 : memref<1000012x16xf32, #tpu.memory_space<hbm>>) dst(%dma_wait3A_568 : memref<128x16xf32, #tpu.memory_space<vmem>>)
    %add3A_574 = arith.constant 1664 : i32
    %add3A_575 = arith.addi %mul3A_2, %add3A_574 : i32
    %dma_start3A_576 = arith.constant 0 : i32
    %dma_start3A_577 = tpu.memref_slice %arg5[%add3A_575, %dma_start3A_576] : memref<425984x16xf32, #tpu.memory_space<hbm>> -> memref<1664x16xf32, #tpu.memory_space<hbm>>
    %dma_start3A_578 = arith.constant 0 : i32
    %dma_start3A_579 = tpu.memref_slice %arg5[%add3A_575, %dma_start3A_578] : memref<425984x16xf32, #tpu.memory_space<hbm>> -> memref<1664x16xf32, #tpu.memory_space<hbm>>
    tpu.enqueue_dma source(%arg12 : memref<1664x16xf32, #tpu.memory_space<vmem>>) target(%dma_start3A_579 : memref<1664x16xf32, #tpu.memory_space<hbm>>) target_semaphore(%arg18 : memref<!tpu.dma_semaphore, #tpu.memory_space<semaphore_mem>>)
    %dma_wait3A_580 = tpu.memref_slice %arg2[%add3A_237] : memref<425984xi32, #tpu.memory_space<hbm>> -> memref<1664xi32, #tpu.memory_space<hbm>>
    %dma_wait3A_581 = tpu.memref_slice %arg2[%add3A_237] : memref<425984xi32, #tpu.memory_space<hbm>> -> memref<1664xi32, #tpu.memory_space<hbm>>
    tpu.wait_dma2 semaphore(%arg14 : memref<!tpu.dma_semaphore, #tpu.memory_space<semaphore_mem>>) src(%dma_wait3A_581 : memref<1664xi32, #tpu.memory_space<hbm>>) dst(%arg7 : memref<1664xi32, #tpu.memory_space<vmem>>)
    %scan3A_582 = arith.constant 0 : i32
    %scan3A_583 = arith.constant 0 : i32
    %scan3A_584 = arith.constant 8 : i32
    %scan3A_585 = arith.addi %scan3A_583, %scan3A_584 : i32
    %scan3A_586 = arith.constant 1 : i32
    scf.for %scan3A_1840 = %scan3A_583 to %scan3A_585 step %scan3A_586  : i32 {
      %mul3A_1841 = arith.constant 208 : i32
      %mul3A_1842 = arith.muli %scan3A_1840, %mul3A_1841 : i32
      %add3A_1843 = arith.constant 0 : i32
      %add3A_1844 = arith.addi %mul3A_1842, %add3A_1843 : i32
      %get3A = arith.index_cast %add3A_1844 : i32 to index
      %get3A_1845 = tpu.vector_load %arg7[%get3A] {strides = array<i32>} : memref<1664xi32, #tpu.memory_space<vmem>>, vector<16xi32>,
      %get3A_1846 = vector.shape_cast %get3A_1845 : vector<16xi32> to vector<16xi32>
      %get3A_1847 = arith.constant 0 : index
      %get3A_1848 = tpu.vector_load %arg8[%get3A_1847] {strides = array<i32>} : memref<208xi32, #tpu.memory_space<vmem>>, vector<16xi32>,
      %get3A_1849 = vector.shape_cast %get3A_1848 : vector<16xi32> to vector<16xi32>
      %add3A_1850 = arith.addi %get3A_1846, %get3A_1849 : vector<16xi32>
      %swap3A = arith.index_cast %add3A_1844 : i32 to index
      %swap3A_1851 = tpu.vector_load %arg10[%swap3A] {strides = array<i32>} : memref<1664xi32, #tpu.memory_space<vmem>>, vector<16xi32>,
      %swap3A_1852 = vector.shape_cast %swap3A_1851 : vector<16xi32> to vector<16xi32>
      %swap3A_1853 = vector.shape_cast %add3A_1850 : vector<16xi32> to vector<16xi32>
      tpu.vector_store %arg10[%swap3A], %swap3A_1853 {strides = array<i32>} : memref<1664xi32, #tpu.memory_space<vmem>>, vector<16xi32>,
      %add3A_1854 = arith.constant 16 : i32
      %add3A_1855 = arith.addi %mul3A_1842, %add3A_1854 : i32
      %get3A_1856 = arith.index_cast %add3A_1855 : i32 to index
      %get3A_1857 = tpu.vector_load %arg7[%get3A_1856] {strides = array<i32>} : memref<1664xi32, #tpu.memory_space<vmem>>, vector<16xi32>,
      %get3A_1858 = vector.shape_cast %get3A_1857 : vector<16xi32> to vector<16xi32>
      %get3A_1859 = arith.constant 16 : index
      %get3A_1860 = tpu.vector_load %arg8[%get3A_1859] {strides = array<i32>} : memref<208xi32, #tpu.memory_space<vmem>>, vector<16xi32>,
      %get3A_1861 = vector.shape_cast %get3A_1860 : vector<16xi32> to vector<16xi32>
      %add3A_1862 = arith.addi %get3A_1858, %get3A_1861 : vector<16xi32>
      %swap3A_1863 = arith.index_cast %add3A_1855 : i32 to index
      %swap3A_1864 = tpu.vector_load %arg10[%swap3A_1863] {strides = array<i32>} : memref<1664xi32, #tpu.memory_space<vmem>>, vector<16xi32>,
      %swap3A_1865 = vector.shape_cast %swap3A_1864 : vector<16xi32> to vector<16xi32>
      %swap3A_1866 = vector.shape_cast %add3A_1862 : vector<16xi32> to vector<16xi32>
      tpu.vector_store %arg10[%swap3A_1863], %swap3A_1866 {strides = array<i32>} : memref<1664xi32, #tpu.memory_space<vmem>>, vector<16xi32>,
      %add3A_1867 = arith.constant 32 : i32
      %add3A_1868 = arith.addi %mul3A_1842, %add3A_1867 : i32
      %get3A_1869 = arith.index_cast %add3A_1868 : i32 to index
      %get3A_1870 = tpu.vector_load %arg7[%get3A_1869] {strides = array<i32>} : memref<1664xi32, #tpu.memory_space<vmem>>, vector<16xi32>,
      %get3A_1871 = vector.shape_cast %get3A_1870 : vector<16xi32> to vector<16xi32>
      %get3A_1872 = arith.constant 32 : index
      %get3A_1873 = tpu.vector_load %arg8[%get3A_1872] {strides = array<i32>} : memref<208xi32, #tpu.memory_space<vmem>>, vector<16xi32>,
      %get3A_1874 = vector.shape_cast %get3A_1873 : vector<16xi32> to vector<16xi32>
      %add3A_1875 = arith.addi %get3A_1871, %get3A_1874 : vector<16xi32>
      %swap3A_1876 = arith.index_cast %add3A_1868 : i32 to index
      %swap3A_1877 = tpu.vector_load %arg10[%swap3A_1876] {strides = array<i32>} : memref<1664xi32, #tpu.memory_space<vmem>>, vector<16xi32>,
      %swap3A_1878 = vector.shape_cast %swap3A_1877 : vector<16xi32> to vector<16xi32>
      %swap3A_1879 = vector.shape_cast %add3A_1875 : vector<16xi32> to vector<16xi32>
      tpu.vector_store %arg10[%swap3A_1876], %swap3A_1879 {strides = array<i32>} : memref<1664xi32, #tpu.memory_space<vmem>>, vector<16xi32>,
      %add3A_1880 = arith.constant 48 : i32
      %add3A_1881 = arith.addi %mul3A_1842, %add3A_1880 : i32
      %get3A_1882 = arith.index_cast %add3A_1881 : i32 to index
      %get3A_1883 = tpu.vector_load %arg7[%get3A_1882] {strides = array<i32>} : memref<1664xi32, #tpu.memory_space<vmem>>, vector<16xi32>,
      %get3A_1884 = vector.shape_cast %get3A_1883 : vector<16xi32> to vector<16xi32>
      %get3A_1885 = arith.constant 48 : index
      %get3A_1886 = tpu.vector_load %arg8[%get3A_1885] {strides = array<i32>} : memref<208xi32, #tpu.memory_space<vmem>>, vector<16xi32>,
      %get3A_1887 = vector.shape_cast %get3A_1886 : vector<16xi32> to vector<16xi32>
      %add3A_1888 = arith.addi %get3A_1884, %get3A_1887 : vector<16xi32>
      %swap3A_1889 = arith.index_cast %add3A_1881 : i32 to index
      %swap3A_1890 = tpu.vector_load %arg10[%swap3A_1889] {strides = array<i32>} : memref<1664xi32, #tpu.memory_space<vmem>>, vector<16xi32>,
      %swap3A_1891 = vector.shape_cast %swap3A_1890 : vector<16xi32> to vector<16xi32>
      %swap3A_1892 = vector.shape_cast %add3A_1888 : vector<16xi32> to vector<16xi32>
      tpu.vector_store %arg10[%swap3A_1889], %swap3A_1892 {strides = array<i32>} : memref<1664xi32, #tpu.memory_space<vmem>>, vector<16xi32>,
      %add3A_1893 = arith.constant 64 : i32
      %add3A_1894 = arith.addi %mul3A_1842, %add3A_1893 : i32
      %get3A_1895 = arith.index_cast %add3A_1894 : i32 to index
      %get3A_1896 = tpu.vector_load %arg7[%get3A_1895] {strides = array<i32>} : memref<1664xi32, #tpu.memory_space<vmem>>, vector<16xi32>,
      %get3A_1897 = vector.shape_cast %get3A_1896 : vector<16xi32> to vector<16xi32>
      %get3A_1898 = arith.constant 64 : index
      %get3A_1899 = tpu.vector_load %arg8[%get3A_1898] {strides = array<i32>} : memref<208xi32, #tpu.memory_space<vmem>>, vector<16xi32>,
      %get3A_1900 = vector.shape_cast %get3A_1899 : vector<16xi32> to vector<16xi32>
      %add3A_1901 = arith.addi %get3A_1897, %get3A_1900 : vector<16xi32>
      %swap3A_1902 = arith.index_cast %add3A_1894 : i32 to index
      %swap3A_1903 = tpu.vector_load %arg10[%swap3A_1902] {strides = array<i32>} : memref<1664xi32, #tpu.memory_space<vmem>>, vector<16xi32>,
      %swap3A_1904 = vector.shape_cast %swap3A_1903 : vector<16xi32> to vector<16xi32>
      %swap3A_1905 = vector.shape_cast %add3A_1901 : vector<16xi32> to vector<16xi32>
      tpu.vector_store %arg10[%swap3A_1902], %swap3A_1905 {strides = array<i32>} : memref<1664xi32, #tpu.memory_space<vmem>>, vector<16xi32>,
      %add3A_1906 = arith.constant 80 : i32
      %add3A_1907 = arith.addi %mul3A_1842, %add3A_1906 : i32
      %get3A_1908 = arith.index_cast %add3A_1907 : i32 to index
      %get3A_1909 = tpu.vector_load %arg7[%get3A_1908] {strides = array<i32>} : memref<1664xi32, #tpu.memory_space<vmem>>, vector<16xi32>,
      %get3A_1910 = vector.shape_cast %get3A_1909 : vector<16xi32> to vector<16xi32>
      %get3A_1911 = arith.constant 80 : index
      %get3A_1912 = tpu.vector_load %arg8[%get3A_1911] {strides = array<i32>} : memref<208xi32, #tpu.memory_space<vmem>>, vector<16xi32>,
      %get3A_1913 = vector.shape_cast %get3A_1912 : vector<16xi32> to vector<16xi32>
      %add3A_1914 = arith.addi %get3A_1910, %get3A_1913 : vector<16xi32>
      %swap3A_1915 = arith.index_cast %add3A_1907 : i32 to index
      %swap3A_1916 = tpu.vector_load %arg10[%swap3A_1915] {strides = array<i32>} : memref<1664xi32, #tpu.memory_space<vmem>>, vector<16xi32>,
      %swap3A_1917 = vector.shape_cast %swap3A_1916 : vector<16xi32> to vector<16xi32>
      %swap3A_1918 = vector.shape_cast %add3A_1914 : vector<16xi32> to vector<16xi32>
      tpu.vector_store %arg10[%swap3A_1915], %swap3A_1918 {strides = array<i32>} : memref<1664xi32, #tpu.memory_space<vmem>>, vector<16xi32>,
      %add3A_1919 = arith.constant 96 : i32
      %add3A_1920 = arith.addi %mul3A_1842, %add3A_1919 : i32
      %get3A_1921 = arith.index_cast %add3A_1920 : i32 to index
      %get3A_1922 = tpu.vector_load %arg7[%get3A_1921] {strides = array<i32>} : memref<1664xi32, #tpu.memory_space<vmem>>, vector<16xi32>,
      %get3A_1923 = vector.shape_cast %get3A_1922 : vector<16xi32> to vector<16xi32>
      %get3A_1924 = arith.constant 96 : index
      %get3A_1925 = tpu.vector_load %arg8[%get3A_1924] {strides = array<i32>} : memref<208xi32, #tpu.memory_space<vmem>>, vector<16xi32>,
      %get3A_1926 = vector.shape_cast %get3A_1925 : vector<16xi32> to vector<16xi32>
      %add3A_1927 = arith.addi %get3A_1923, %get3A_1926 : vector<16xi32>
      %swap3A_1928 = arith.index_cast %add3A_1920 : i32 to index
      %swap3A_1929 = tpu.vector_load %arg10[%swap3A_1928] {strides = array<i32>} : memref<1664xi32, #tpu.memory_space<vmem>>, vector<16xi32>,
      %swap3A_1930 = vector.shape_cast %swap3A_1929 : vector<16xi32> to vector<16xi32>
      %swap3A_1931 = vector.shape_cast %add3A_1927 : vector<16xi32> to vector<16xi32>
      tpu.vector_store %arg10[%swap3A_1928], %swap3A_1931 {strides = array<i32>} : memref<1664xi32, #tpu.memory_space<vmem>>, vector<16xi32>,
      %add3A_1932 = arith.constant 112 : i32
      %add3A_1933 = arith.addi %mul3A_1842, %add3A_1932 : i32
      %get3A_1934 = arith.index_cast %add3A_1933 : i32 to index
      %get3A_1935 = tpu.vector_load %arg7[%get3A_1934] {strides = array<i32>} : memref<1664xi32, #tpu.memory_space<vmem>>, vector<16xi32>,
      %get3A_1936 = vector.shape_cast %get3A_1935 : vector<16xi32> to vector<16xi32>
      %get3A_1937 = arith.constant 112 : index
      %get3A_1938 = tpu.vector_load %arg8[%get3A_1937] {strides = array<i32>} : memref<208xi32, #tpu.memory_space<vmem>>, vector<16xi32>,
      %get3A_1939 = vector.shape_cast %get3A_1938 : vector<16xi32> to vector<16xi32>
      %add3A_1940 = arith.addi %get3A_1936, %get3A_1939 : vector<16xi32>
      %swap3A_1941 = arith.index_cast %add3A_1933 : i32 to index
      %swap3A_1942 = tpu.vector_load %arg10[%swap3A_1941] {strides = array<i32>} : memref<1664xi32, #tpu.memory_space<vmem>>, vector<16xi32>,
      %swap3A_1943 = vector.shape_cast %swap3A_1942 : vector<16xi32> to vector<16xi32>
      %swap3A_1944 = vector.shape_cast %add3A_1940 : vector<16xi32> to vector<16xi32>
      tpu.vector_store %arg10[%swap3A_1941], %swap3A_1944 {strides = array<i32>} : memref<1664xi32, #tpu.memory_space<vmem>>, vector<16xi32>,
      %add3A_1945 = arith.constant 128 : i32
      %add3A_1946 = arith.addi %mul3A_1842, %add3A_1945 : i32
      %get3A_1947 = arith.index_cast %add3A_1946 : i32 to index
      %get3A_1948 = tpu.vector_load %arg7[%get3A_1947] {strides = array<i32>} : memref<1664xi32, #tpu.memory_space<vmem>>, vector<16xi32>,
      %get3A_1949 = vector.shape_cast %get3A_1948 : vector<16xi32> to vector<16xi32>
      %get3A_1950 = arith.constant 128 : index
      %get3A_1951 = tpu.vector_load %arg8[%get3A_1950] {strides = array<i32>} : memref<208xi32, #tpu.memory_space<vmem>>, vector<16xi32>,
      %get3A_1952 = vector.shape_cast %get3A_1951 : vector<16xi32> to vector<16xi32>
      %add3A_1953 = arith.addi %get3A_1949, %get3A_1952 : vector<16xi32>
      %swap3A_1954 = arith.index_cast %add3A_1946 : i32 to index
      %swap3A_1955 = tpu.vector_load %arg10[%swap3A_1954] {strides = array<i32>} : memref<1664xi32, #tpu.memory_space<vmem>>, vector<16xi32>,
      %swap3A_1956 = vector.shape_cast %swap3A_1955 : vector<16xi32> to vector<16xi32>
      %swap3A_1957 = vector.shape_cast %add3A_1953 : vector<16xi32> to vector<16xi32>
      tpu.vector_store %arg10[%swap3A_1954], %swap3A_1957 {strides = array<i32>} : memref<1664xi32, #tpu.memory_space<vmem>>, vector<16xi32>,
      %add3A_1958 = arith.constant 144 : i32
      %add3A_1959 = arith.addi %mul3A_1842, %add3A_1958 : i32
      %get3A_1960 = arith.index_cast %add3A_1959 : i32 to index
      %get3A_1961 = tpu.vector_load %arg7[%get3A_1960] {strides = array<i32>} : memref<1664xi32, #tpu.memory_space<vmem>>, vector<16xi32>,
      %get3A_1962 = vector.shape_cast %get3A_1961 : vector<16xi32> to vector<16xi32>
      %get3A_1963 = arith.constant 144 : index
      %get3A_1964 = tpu.vector_load %arg8[%get3A_1963] {strides = array<i32>} : memref<208xi32, #tpu.memory_space<vmem>>, vector<16xi32>,
      %get3A_1965 = vector.shape_cast %get3A_1964 : vector<16xi32> to vector<16xi32>
      %add3A_1966 = arith.addi %get3A_1962, %get3A_1965 : vector<16xi32>
      %swap3A_1967 = arith.index_cast %add3A_1959 : i32 to index
      %swap3A_1968 = tpu.vector_load %arg10[%swap3A_1967] {strides = array<i32>} : memref<1664xi32, #tpu.memory_space<vmem>>, vector<16xi32>,
      %swap3A_1969 = vector.shape_cast %swap3A_1968 : vector<16xi32> to vector<16xi32>
      %swap3A_1970 = vector.shape_cast %add3A_1966 : vector<16xi32> to vector<16xi32>
      tpu.vector_store %arg10[%swap3A_1967], %swap3A_1970 {strides = array<i32>} : memref<1664xi32, #tpu.memory_space<vmem>>, vector<16xi32>,
      %add3A_1971 = arith.constant 160 : i32
      %add3A_1972 = arith.addi %mul3A_1842, %add3A_1971 : i32
      %get3A_1973 = arith.index_cast %add3A_1972 : i32 to index
      %get3A_1974 = tpu.vector_load %arg7[%get3A_1973] {strides = array<i32>} : memref<1664xi32, #tpu.memory_space<vmem>>, vector<16xi32>,
      %get3A_1975 = vector.shape_cast %get3A_1974 : vector<16xi32> to vector<16xi32>
      %get3A_1976 = arith.constant 160 : index
      %get3A_1977 = tpu.vector_load %arg8[%get3A_1976] {strides = array<i32>} : memref<208xi32, #tpu.memory_space<vmem>>, vector<16xi32>,
      %get3A_1978 = vector.shape_cast %get3A_1977 : vector<16xi32> to vector<16xi32>
      %add3A_1979 = arith.addi %get3A_1975, %get3A_1978 : vector<16xi32>
      %swap3A_1980 = arith.index_cast %add3A_1972 : i32 to index
      %swap3A_1981 = tpu.vector_load %arg10[%swap3A_1980] {strides = array<i32>} : memref<1664xi32, #tpu.memory_space<vmem>>, vector<16xi32>,
      %swap3A_1982 = vector.shape_cast %swap3A_1981 : vector<16xi32> to vector<16xi32>
      %swap3A_1983 = vector.shape_cast %add3A_1979 : vector<16xi32> to vector<16xi32>
      tpu.vector_store %arg10[%swap3A_1980], %swap3A_1983 {strides = array<i32>} : memref<1664xi32, #tpu.memory_space<vmem>>, vector<16xi32>,
      %add3A_1984 = arith.constant 176 : i32
      %add3A_1985 = arith.addi %mul3A_1842, %add3A_1984 : i32
      %get3A_1986 = arith.index_cast %add3A_1985 : i32 to index
      %get3A_1987 = tpu.vector_load %arg7[%get3A_1986] {strides = array<i32>} : memref<1664xi32, #tpu.memory_space<vmem>>, vector<16xi32>,
      %get3A_1988 = vector.shape_cast %get3A_1987 : vector<16xi32> to vector<16xi32>
      %get3A_1989 = arith.constant 176 : index
      %get3A_1990 = tpu.vector_load %arg8[%get3A_1989] {strides = array<i32>} : memref<208xi32, #tpu.memory_space<vmem>>, vector<16xi32>,
      %get3A_1991 = vector.shape_cast %get3A_1990 : vector<16xi32> to vector<16xi32>
      %add3A_1992 = arith.addi %get3A_1988, %get3A_1991 : vector<16xi32>
      %swap3A_1993 = arith.index_cast %add3A_1985 : i32 to index
      %swap3A_1994 = tpu.vector_load %arg10[%swap3A_1993] {strides = array<i32>} : memref<1664xi32, #tpu.memory_space<vmem>>, vector<16xi32>,
      %swap3A_1995 = vector.shape_cast %swap3A_1994 : vector<16xi32> to vector<16xi32>
      %swap3A_1996 = vector.shape_cast %add3A_1992 : vector<16xi32> to vector<16xi32>
      tpu.vector_store %arg10[%swap3A_1993], %swap3A_1996 {strides = array<i32>} : memref<1664xi32, #tpu.memory_space<vmem>>, vector<16xi32>,
      %add3A_1997 = arith.constant 192 : i32
      %add3A_1998 = arith.addi %mul3A_1842, %add3A_1997 : i32
      %get3A_1999 = arith.index_cast %add3A_1998 : i32 to index
      %get3A_2000 = tpu.vector_load %arg7[%get3A_1999] {strides = array<i32>} : memref<1664xi32, #tpu.memory_space<vmem>>, vector<16xi32>,
      %get3A_2001 = vector.shape_cast %get3A_2000 : vector<16xi32> to vector<16xi32>
      %get3A_2002 = arith.constant 192 : index
      %get3A_2003 = tpu.vector_load %arg8[%get3A_2002] {strides = array<i32>} : memref<208xi32, #tpu.memory_space<vmem>>, vector<16xi32>,
      %get3A_2004 = vector.shape_cast %get3A_2003 : vector<16xi32> to vector<16xi32>
      %add3A_2005 = arith.addi %get3A_2001, %get3A_2004 : vector<16xi32>
      %swap3A_2006 = arith.index_cast %add3A_1998 : i32 to index
      %swap3A_2007 = tpu.vector_load %arg10[%swap3A_2006] {strides = array<i32>} : memref<1664xi32, #tpu.memory_space<vmem>>, vector<16xi32>,
      %swap3A_2008 = vector.shape_cast %swap3A_2007 : vector<16xi32> to vector<16xi32>
      %swap3A_2009 = vector.shape_cast %add3A_2005 : vector<16xi32> to vector<16xi32>
      tpu.vector_store %arg10[%swap3A_2006], %swap3A_2009 {strides = array<i32>} : memref<1664xi32, #tpu.memory_space<vmem>>, vector<16xi32>,
    }
    %scan3A_587 = arith.constant 8 : i32
    %dma_wait3A_588 = arith.constant 0 : i32
    %dma_wait3A_589 = tpu.memref_slice %arg5[%add3A_575, %dma_wait3A_588] : memref<425984x16xf32, #tpu.memory_space<hbm>> -> memref<1664x16xf32, #tpu.memory_space<hbm>>
    %dma_wait3A_590 = arith.constant 0 : i32
    %dma_wait3A_591 = tpu.memref_slice %arg5[%add3A_575, %dma_wait3A_590] : memref<425984x16xf32, #tpu.memory_space<hbm>> -> memref<1664x16xf32, #tpu.memory_space<hbm>>
    tpu.wait_dma2 semaphore(%arg18 : memref<!tpu.dma_semaphore, #tpu.memory_space<semaphore_mem>>) src(%arg12 : memref<1664x16xf32, #tpu.memory_space<vmem>>) dst(%dma_wait3A_591 : memref<1664x16xf32, #tpu.memory_space<hbm>>)
    %dma_start3A_592 = arith.constant 0 : i32
    %dma_start3A_593 = arith.constant 0 : i32
    %dma_start3A_594 = tpu.memref_slice %arg12[%dma_start3A_592, %dma_start3A_593] : memref<1664x16xf32, #tpu.memory_space<vmem>> -> memref<128x16xf32, #tpu.memory_space<vmem>>
    %dma_start3A_595 = arith.constant 0 : i32
    %dma_start3A_596 = tpu.memref_slice %arg10[%dma_start3A_595] : memref<1664xi32, #tpu.memory_space<vmem>> -> memref<128xi32, #tpu.memory_space<vmem>>
    %dma_start3A_597 = arith.constant 0 : i32
    %dma_start3A_598 = arith.constant 0 : i32
    %dma_start3A_599 = tpu.memref_slice %arg3[%dma_start3A_597, %dma_start3A_598] : memref<1000012x16xf32, #tpu.memory_space<hbm>> -> memref<1000012x16xf32, #tpu.memory_space<hbm>>
    tpu.enqueue_indirect_dma source(%dma_start3A_599 : memref<1000012x16xf32, #tpu.memory_space<hbm>>) target(%dma_start3A_594 : memref<128x16xf32, #tpu.memory_space<vmem>>) offsets(%dma_start3A_596 : memref<128xi32, #tpu.memory_space<vmem>>) semaphore(%arg16 : memref<!tpu.dma_semaphore, #tpu.memory_space<semaphore_mem>>)
    %dma_start3A_600 = arith.constant 128 : i32
    %dma_start3A_601 = arith.constant 0 : i32
    %dma_start3A_602 = tpu.memref_slice %arg12[%dma_start3A_600, %dma_start3A_601] : memref<1664x16xf32, #tpu.memory_space<vmem>> -> memref<128x16xf32, #tpu.memory_space<vmem>>
    %dma_start3A_603 = arith.constant 128 : i32
    %dma_start3A_604 = tpu.memref_slice %arg10[%dma_start3A_603] : memref<1664xi32, #tpu.memory_space<vmem>> -> memref<128xi32, #tpu.memory_space<vmem>>
    %dma_start3A_605 = arith.constant 0 : i32
    %dma_start3A_606 = arith.constant 0 : i32
    %dma_start3A_607 = tpu.memref_slice %arg3[%dma_start3A_605, %dma_start3A_606] : memref<1000012x16xf32, #tpu.memory_space<hbm>> -> memref<1000012x16xf32, #tpu.memory_space<hbm>>
    tpu.enqueue_indirect_dma source(%dma_start3A_607 : memref<1000012x16xf32, #tpu.memory_space<hbm>>) target(%dma_start3A_602 : memref<128x16xf32, #tpu.memory_space<vmem>>) offsets(%dma_start3A_604 : memref<128xi32, #tpu.memory_space<vmem>>) semaphore(%arg16 : memref<!tpu.dma_semaphore, #tpu.memory_space<semaphore_mem>>)
    %dma_start3A_608 = arith.constant 256 : i32
    %dma_start3A_609 = arith.constant 0 : i32
    %dma_start3A_610 = tpu.memref_slice %arg12[%dma_start3A_608, %dma_start3A_609] : memref<1664x16xf32, #tpu.memory_space<vmem>> -> memref<128x16xf32, #tpu.memory_space<vmem>>
    %dma_start3A_611 = arith.constant 256 : i32
    %dma_start3A_612 = tpu.memref_slice %arg10[%dma_start3A_611] : memref<1664xi32, #tpu.memory_space<vmem>> -> memref<128xi32, #tpu.memory_space<vmem>>
    %dma_start3A_613 = arith.constant 0 : i32
    %dma_start3A_614 = arith.constant 0 : i32
    %dma_start3A_615 = tpu.memref_slice %arg3[%dma_start3A_613, %dma_start3A_614] : memref<1000012x16xf32, #tpu.memory_space<hbm>> -> memref<1000012x16xf32, #tpu.memory_space<hbm>>
    tpu.enqueue_indirect_dma source(%dma_start3A_615 : memref<1000012x16xf32, #tpu.memory_space<hbm>>) target(%dma_start3A_610 : memref<128x16xf32, #tpu.memory_space<vmem>>) offsets(%dma_start3A_612 : memref<128xi32, #tpu.memory_space<vmem>>) semaphore(%arg16 : memref<!tpu.dma_semaphore, #tpu.memory_space<semaphore_mem>>)
    %dma_start3A_616 = arith.constant 384 : i32
    %dma_start3A_617 = arith.constant 0 : i32
    %dma_start3A_618 = tpu.memref_slice %arg12[%dma_start3A_616, %dma_start3A_617] : memref<1664x16xf32, #tpu.memory_space<vmem>> -> memref<128x16xf32, #tpu.memory_space<vmem>>
    %dma_start3A_619 = arith.constant 384 : i32
    %dma_start3A_620 = tpu.memref_slice %arg10[%dma_start3A_619] : memref<1664xi32, #tpu.memory_space<vmem>> -> memref<128xi32, #tpu.memory_space<vmem>>
    %dma_start3A_621 = arith.constant 0 : i32
    %dma_start3A_622 = arith.constant 0 : i32
    %dma_start3A_623 = tpu.memref_slice %arg3[%dma_start3A_621, %dma_start3A_622] : memref<1000012x16xf32, #tpu.memory_space<hbm>> -> memref<1000012x16xf32, #tpu.memory_space<hbm>>
    tpu.enqueue_indirect_dma source(%dma_start3A_623 : memref<1000012x16xf32, #tpu.memory_space<hbm>>) target(%dma_start3A_618 : memref<128x16xf32, #tpu.memory_space<vmem>>) offsets(%dma_start3A_620 : memref<128xi32, #tpu.memory_space<vmem>>) semaphore(%arg16 : memref<!tpu.dma_semaphore, #tpu.memory_space<semaphore_mem>>)
    %dma_start3A_624 = arith.constant 512 : i32
    %dma_start3A_625 = arith.constant 0 : i32
    %dma_start3A_626 = tpu.memref_slice %arg12[%dma_start3A_624, %dma_start3A_625] : memref<1664x16xf32, #tpu.memory_space<vmem>> -> memref<128x16xf32, #tpu.memory_space<vmem>>
    %dma_start3A_627 = arith.constant 512 : i32
    %dma_start3A_628 = tpu.memref_slice %arg10[%dma_start3A_627] : memref<1664xi32, #tpu.memory_space<vmem>> -> memref<128xi32, #tpu.memory_space<vmem>>
    %dma_start3A_629 = arith.constant 0 : i32
    %dma_start3A_630 = arith.constant 0 : i32
    %dma_start3A_631 = tpu.memref_slice %arg3[%dma_start3A_629, %dma_start3A_630] : memref<1000012x16xf32, #tpu.memory_space<hbm>> -> memref<1000012x16xf32, #tpu.memory_space<hbm>>
    tpu.enqueue_indirect_dma source(%dma_start3A_631 : memref<1000012x16xf32, #tpu.memory_space<hbm>>) target(%dma_start3A_626 : memref<128x16xf32, #tpu.memory_space<vmem>>) offsets(%dma_start3A_628 : memref<128xi32, #tpu.memory_space<vmem>>) semaphore(%arg16 : memref<!tpu.dma_semaphore, #tpu.memory_space<semaphore_mem>>)
    %dma_start3A_632 = arith.constant 640 : i32
    %dma_start3A_633 = arith.constant 0 : i32
    %dma_start3A_634 = tpu.memref_slice %arg12[%dma_start3A_632, %dma_start3A_633] : memref<1664x16xf32, #tpu.memory_space<vmem>> -> memref<128x16xf32, #tpu.memory_space<vmem>>
    %dma_start3A_635 = arith.constant 640 : i32
    %dma_start3A_636 = tpu.memref_slice %arg10[%dma_start3A_635] : memref<1664xi32, #tpu.memory_space<vmem>> -> memref<128xi32, #tpu.memory_space<vmem>>
    %dma_start3A_637 = arith.constant 0 : i32
    %dma_start3A_638 = arith.constant 0 : i32
    %dma_start3A_639 = tpu.memref_slice %arg3[%dma_start3A_637, %dma_start3A_638] : memref<1000012x16xf32, #tpu.memory_space<hbm>> -> memref<1000012x16xf32, #tpu.memory_space<hbm>>
    tpu.enqueue_indirect_dma source(%dma_start3A_639 : memref<1000012x16xf32, #tpu.memory_space<hbm>>) target(%dma_start3A_634 : memref<128x16xf32, #tpu.memory_space<vmem>>) offsets(%dma_start3A_636 : memref<128xi32, #tpu.memory_space<vmem>>) semaphore(%arg16 : memref<!tpu.dma_semaphore, #tpu.memory_space<semaphore_mem>>)
    %dma_start3A_640 = arith.constant 768 : i32
    %dma_start3A_641 = arith.constant 0 : i32
    %dma_start3A_642 = tpu.memref_slice %arg12[%dma_start3A_640, %dma_start3A_641] : memref<1664x16xf32, #tpu.memory_space<vmem>> -> memref<128x16xf32, #tpu.memory_space<vmem>>
    %dma_start3A_643 = arith.constant 768 : i32
    %dma_start3A_644 = tpu.memref_slice %arg10[%dma_start3A_643] : memref<1664xi32, #tpu.memory_space<vmem>> -> memref<128xi32, #tpu.memory_space<vmem>>
    %dma_start3A_645 = arith.constant 0 : i32
    %dma_start3A_646 = arith.constant 0 : i32
    %dma_start3A_647 = tpu.memref_slice %arg3[%dma_start3A_645, %dma_start3A_646] : memref<1000012x16xf32, #tpu.memory_space<hbm>> -> memref<1000012x16xf32, #tpu.memory_space<hbm>>
    tpu.enqueue_indirect_dma source(%dma_start3A_647 : memref<1000012x16xf32, #tpu.memory_space<hbm>>) target(%dma_start3A_642 : memref<128x16xf32, #tpu.memory_space<vmem>>) offsets(%dma_start3A_644 : memref<128xi32, #tpu.memory_space<vmem>>) semaphore(%arg16 : memref<!tpu.dma_semaphore, #tpu.memory_space<semaphore_mem>>)
    %dma_start3A_648 = arith.constant 896 : i32
    %dma_start3A_649 = arith.constant 0 : i32
    %dma_start3A_650 = tpu.memref_slice %arg12[%dma_start3A_648, %dma_start3A_649] : memref<1664x16xf32, #tpu.memory_space<vmem>> -> memref<128x16xf32, #tpu.memory_space<vmem>>
    %dma_start3A_651 = arith.constant 896 : i32
    %dma_start3A_652 = tpu.memref_slice %arg10[%dma_start3A_651] : memref<1664xi32, #tpu.memory_space<vmem>> -> memref<128xi32, #tpu.memory_space<vmem>>
    %dma_start3A_653 = arith.constant 0 : i32
    %dma_start3A_654 = arith.constant 0 : i32
    %dma_start3A_655 = tpu.memref_slice %arg3[%dma_start3A_653, %dma_start3A_654] : memref<1000012x16xf32, #tpu.memory_space<hbm>> -> memref<1000012x16xf32, #tpu.memory_space<hbm>>
    tpu.enqueue_indirect_dma source(%dma_start3A_655 : memref<1000012x16xf32, #tpu.memory_space<hbm>>) target(%dma_start3A_650 : memref<128x16xf32, #tpu.memory_space<vmem>>) offsets(%dma_start3A_652 : memref<128xi32, #tpu.memory_space<vmem>>) semaphore(%arg16 : memref<!tpu.dma_semaphore, #tpu.memory_space<semaphore_mem>>)
    %dma_start3A_656 = arith.constant 1024 : i32
    %dma_start3A_657 = arith.constant 0 : i32
    %dma_start3A_658 = tpu.memref_slice %arg12[%dma_start3A_656, %dma_start3A_657] : memref<1664x16xf32, #tpu.memory_space<vmem>> -> memref<128x16xf32, #tpu.memory_space<vmem>>
    %dma_start3A_659 = arith.constant 1024 : i32
    %dma_start3A_660 = tpu.memref_slice %arg10[%dma_start3A_659] : memref<1664xi32, #tpu.memory_space<vmem>> -> memref<128xi32, #tpu.memory_space<vmem>>
    %dma_start3A_661 = arith.constant 0 : i32
    %dma_start3A_662 = arith.constant 0 : i32
    %dma_start3A_663 = tpu.memref_slice %arg3[%dma_start3A_661, %dma_start3A_662] : memref<1000012x16xf32, #tpu.memory_space<hbm>> -> memref<1000012x16xf32, #tpu.memory_space<hbm>>
    tpu.enqueue_indirect_dma source(%dma_start3A_663 : memref<1000012x16xf32, #tpu.memory_space<hbm>>) target(%dma_start3A_658 : memref<128x16xf32, #tpu.memory_space<vmem>>) offsets(%dma_start3A_660 : memref<128xi32, #tpu.memory_space<vmem>>) semaphore(%arg16 : memref<!tpu.dma_semaphore, #tpu.memory_space<semaphore_mem>>)
    %dma_start3A_664 = arith.constant 1152 : i32
    %dma_start3A_665 = arith.constant 0 : i32
    %dma_start3A_666 = tpu.memref_slice %arg12[%dma_start3A_664, %dma_start3A_665] : memref<1664x16xf32, #tpu.memory_space<vmem>> -> memref<128x16xf32, #tpu.memory_space<vmem>>
    %dma_start3A_667 = arith.constant 1152 : i32
    %dma_start3A_668 = tpu.memref_slice %arg10[%dma_start3A_667] : memref<1664xi32, #tpu.memory_space<vmem>> -> memref<128xi32, #tpu.memory_space<vmem>>
    %dma_start3A_669 = arith.constant 0 : i32
    %dma_start3A_670 = arith.constant 0 : i32
    %dma_start3A_671 = tpu.memref_slice %arg3[%dma_start3A_669, %dma_start3A_670] : memref<1000012x16xf32, #tpu.memory_space<hbm>> -> memref<1000012x16xf32, #tpu.memory_space<hbm>>
    tpu.enqueue_indirect_dma source(%dma_start3A_671 : memref<1000012x16xf32, #tpu.memory_space<hbm>>) target(%dma_start3A_666 : memref<128x16xf32, #tpu.memory_space<vmem>>) offsets(%dma_start3A_668 : memref<128xi32, #tpu.memory_space<vmem>>) semaphore(%arg16 : memref<!tpu.dma_semaphore, #tpu.memory_space<semaphore_mem>>)
    %dma_start3A_672 = arith.constant 1280 : i32
    %dma_start3A_673 = arith.constant 0 : i32
    %dma_start3A_674 = tpu.memref_slice %arg12[%dma_start3A_672, %dma_start3A_673] : memref<1664x16xf32, #tpu.memory_space<vmem>> -> memref<128x16xf32, #tpu.memory_space<vmem>>
    %dma_start3A_675 = arith.constant 1280 : i32
    %dma_start3A_676 = tpu.memref_slice %arg10[%dma_start3A_675] : memref<1664xi32, #tpu.memory_space<vmem>> -> memref<128xi32, #tpu.memory_space<vmem>>
    %dma_start3A_677 = arith.constant 0 : i32
    %dma_start3A_678 = arith.constant 0 : i32
    %dma_start3A_679 = tpu.memref_slice %arg3[%dma_start3A_677, %dma_start3A_678] : memref<1000012x16xf32, #tpu.memory_space<hbm>> -> memref<1000012x16xf32, #tpu.memory_space<hbm>>
    tpu.enqueue_indirect_dma source(%dma_start3A_679 : memref<1000012x16xf32, #tpu.memory_space<hbm>>) target(%dma_start3A_674 : memref<128x16xf32, #tpu.memory_space<vmem>>) offsets(%dma_start3A_676 : memref<128xi32, #tpu.memory_space<vmem>>) semaphore(%arg16 : memref<!tpu.dma_semaphore, #tpu.memory_space<semaphore_mem>>)
    %dma_start3A_680 = arith.constant 1408 : i32
    %dma_start3A_681 = arith.constant 0 : i32
    %dma_start3A_682 = tpu.memref_slice %arg12[%dma_start3A_680, %dma_start3A_681] : memref<1664x16xf32, #tpu.memory_space<vmem>> -> memref<128x16xf32, #tpu.memory_space<vmem>>
    %dma_start3A_683 = arith.constant 1408 : i32
    %dma_start3A_684 = tpu.memref_slice %arg10[%dma_start3A_683] : memref<1664xi32, #tpu.memory_space<vmem>> -> memref<128xi32, #tpu.memory_space<vmem>>
    %dma_start3A_685 = arith.constant 0 : i32
    %dma_start3A_686 = arith.constant 0 : i32
    %dma_start3A_687 = tpu.memref_slice %arg3[%dma_start3A_685, %dma_start3A_686] : memref<1000012x16xf32, #tpu.memory_space<hbm>> -> memref<1000012x16xf32, #tpu.memory_space<hbm>>
    tpu.enqueue_indirect_dma source(%dma_start3A_687 : memref<1000012x16xf32, #tpu.memory_space<hbm>>) target(%dma_start3A_682 : memref<128x16xf32, #tpu.memory_space<vmem>>) offsets(%dma_start3A_684 : memref<128xi32, #tpu.memory_space<vmem>>) semaphore(%arg16 : memref<!tpu.dma_semaphore, #tpu.memory_space<semaphore_mem>>)
    %dma_start3A_688 = arith.constant 1536 : i32
    %dma_start3A_689 = arith.constant 0 : i32
    %dma_start3A_690 = tpu.memref_slice %arg12[%dma_start3A_688, %dma_start3A_689] : memref<1664x16xf32, #tpu.memory_space<vmem>> -> memref<128x16xf32, #tpu.memory_space<vmem>>
    %dma_start3A_691 = arith.constant 1536 : i32
    %dma_start3A_692 = tpu.memref_slice %arg10[%dma_start3A_691] : memref<1664xi32, #tpu.memory_space<vmem>> -> memref<128xi32, #tpu.memory_space<vmem>>
    %dma_start3A_693 = arith.constant 0 : i32
    %dma_start3A_694 = arith.constant 0 : i32
    %dma_start3A_695 = tpu.memref_slice %arg3[%dma_start3A_693, %dma_start3A_694] : memref<1000012x16xf32, #tpu.memory_space<hbm>> -> memref<1000012x16xf32, #tpu.memory_space<hbm>>
    tpu.enqueue_indirect_dma source(%dma_start3A_695 : memref<1000012x16xf32, #tpu.memory_space<hbm>>) target(%dma_start3A_690 : memref<128x16xf32, #tpu.memory_space<vmem>>) offsets(%dma_start3A_692 : memref<128xi32, #tpu.memory_space<vmem>>) semaphore(%arg16 : memref<!tpu.dma_semaphore, #tpu.memory_space<semaphore_mem>>)
    %add3A_696 = arith.constant 8320 : i32
    %add3A_697 = arith.addi %mul3A_2, %add3A_696 : i32
    %dma_start3A_698 = tpu.memref_slice %arg2[%add3A_697] : memref<425984xi32, #tpu.memory_space<hbm>> -> memref<1664xi32, #tpu.memory_space<hbm>>
    %dma_start3A_699 = tpu.memref_slice %arg2[%add3A_697] : memref<425984xi32, #tpu.memory_space<hbm>> -> memref<1664xi32, #tpu.memory_space<hbm>>
    tpu.enqueue_dma source(%dma_start3A_699 : memref<1664xi32, #tpu.memory_space<hbm>>) target(%arg7 : memref<1664xi32, #tpu.memory_space<vmem>>) target_semaphore(%arg14 : memref<!tpu.dma_semaphore, #tpu.memory_space<semaphore_mem>>)
    %dma_wait3A_700 = arith.constant 0 : i32
    %dma_wait3A_701 = arith.constant 0 : i32
    %dma_wait3A_702 = tpu.memref_slice %arg11[%dma_wait3A_700, %dma_wait3A_701] : memref<1664x16xf32, #tpu.memory_space<vmem>> -> memref<128x16xf32, #tpu.memory_space<vmem>>
    %dma_wait3A_703 = arith.constant 0 : i32
    %dma_wait3A_704 = tpu.memref_slice %arg9[%dma_wait3A_703] : memref<1664xi32, #tpu.memory_space<vmem>> -> memref<128xi32, #tpu.memory_space<vmem>>
    %dma_wait3A_705 = arith.constant 0 : i32
    %dma_wait3A_706 = arith.constant 0 : i32
    %dma_wait3A_707 = tpu.memref_slice %arg3[%dma_wait3A_705, %dma_wait3A_706] : memref<1000012x16xf32, #tpu.memory_space<hbm>> -> memref<1000012x16xf32, #tpu.memory_space<hbm>>
    tpu.wait_indirect_dma semaphore(%arg15 : memref<!tpu.dma_semaphore, #tpu.memory_space<semaphore_mem>>) src(%dma_wait3A_707 : memref<1000012x16xf32, #tpu.memory_space<hbm>>) dst(%dma_wait3A_702 : memref<128x16xf32, #tpu.memory_space<vmem>>)
    %dma_wait3A_708 = arith.constant 128 : i32
    %dma_wait3A_709 = arith.constant 0 : i32
    %dma_wait3A_710 = tpu.memref_slice %arg11[%dma_wait3A_708, %dma_wait3A_709] : memref<1664x16xf32, #tpu.memory_space<vmem>> -> memref<128x16xf32, #tpu.memory_space<vmem>>
    %dma_wait3A_711 = arith.constant 128 : i32
    %dma_wait3A_712 = tpu.memref_slice %arg9[%dma_wait3A_711] : memref<1664xi32, #tpu.memory_space<vmem>> -> memref<128xi32, #tpu.memory_space<vmem>>
    %dma_wait3A_713 = arith.constant 0 : i32
    %dma_wait3A_714 = arith.constant 0 : i32
    %dma_wait3A_715 = tpu.memref_slice %arg3[%dma_wait3A_713, %dma_wait3A_714] : memref<1000012x16xf32, #tpu.memory_space<hbm>> -> memref<1000012x16xf32, #tpu.memory_space<hbm>>
    tpu.wait_indirect_dma semaphore(%arg15 : memref<!tpu.dma_semaphore, #tpu.memory_space<semaphore_mem>>) src(%dma_wait3A_715 : memref<1000012x16xf32, #tpu.memory_space<hbm>>) dst(%dma_wait3A_710 : memref<128x16xf32, #tpu.memory_space<vmem>>)
    %dma_wait3A_716 = arith.constant 256 : i32
    %dma_wait3A_717 = arith.constant 0 : i32
    %dma_wait3A_718 = tpu.memref_slice %arg11[%dma_wait3A_716, %dma_wait3A_717] : memref<1664x16xf32, #tpu.memory_space<vmem>> -> memref<128x16xf32, #tpu.memory_space<vmem>>
    %dma_wait3A_719 = arith.constant 256 : i32
    %dma_wait3A_720 = tpu.memref_slice %arg9[%dma_wait3A_719] : memref<1664xi32, #tpu.memory_space<vmem>> -> memref<128xi32, #tpu.memory_space<vmem>>
    %dma_wait3A_721 = arith.constant 0 : i32
    %dma_wait3A_722 = arith.constant 0 : i32
    %dma_wait3A_723 = tpu.memref_slice %arg3[%dma_wait3A_721, %dma_wait3A_722] : memref<1000012x16xf32, #tpu.memory_space<hbm>> -> memref<1000012x16xf32, #tpu.memory_space<hbm>>
    tpu.wait_indirect_dma semaphore(%arg15 : memref<!tpu.dma_semaphore, #tpu.memory_space<semaphore_mem>>) src(%dma_wait3A_723 : memref<1000012x16xf32, #tpu.memory_space<hbm>>) dst(%dma_wait3A_718 : memref<128x16xf32, #tpu.memory_space<vmem>>)
    %dma_wait3A_724 = arith.constant 384 : i32
    %dma_wait3A_725 = arith.constant 0 : i32
    %dma_wait3A_726 = tpu.memref_slice %arg11[%dma_wait3A_724, %dma_wait3A_725] : memref<1664x16xf32, #tpu.memory_space<vmem>> -> memref<128x16xf32, #tpu.memory_space<vmem>>
    %dma_wait3A_727 = arith.constant 384 : i32
    %dma_wait3A_728 = tpu.memref_slice %arg9[%dma_wait3A_727] : memref<1664xi32, #tpu.memory_space<vmem>> -> memref<128xi32, #tpu.memory_space<vmem>>
    %dma_wait3A_729 = arith.constant 0 : i32
    %dma_wait3A_730 = arith.constant 0 : i32
    %dma_wait3A_731 = tpu.memref_slice %arg3[%dma_wait3A_729, %dma_wait3A_730] : memref<1000012x16xf32, #tpu.memory_space<hbm>> -> memref<1000012x16xf32, #tpu.memory_space<hbm>>
    tpu.wait_indirect_dma semaphore(%arg15 : memref<!tpu.dma_semaphore, #tpu.memory_space<semaphore_mem>>) src(%dma_wait3A_731 : memref<1000012x16xf32, #tpu.memory_space<hbm>>) dst(%dma_wait3A_726 : memref<128x16xf32, #tpu.memory_space<vmem>>)
    %dma_wait3A_732 = arith.constant 512 : i32
    %dma_wait3A_733 = arith.constant 0 : i32
    %dma_wait3A_734 = tpu.memref_slice %arg11[%dma_wait3A_732, %dma_wait3A_733] : memref<1664x16xf32, #tpu.memory_space<vmem>> -> memref<128x16xf32, #tpu.memory_space<vmem>>
    %dma_wait3A_735 = arith.constant 512 : i32
    %dma_wait3A_736 = tpu.memref_slice %arg9[%dma_wait3A_735] : memref<1664xi32, #tpu.memory_space<vmem>> -> memref<128xi32, #tpu.memory_space<vmem>>
    %dma_wait3A_737 = arith.constant 0 : i32
    %dma_wait3A_738 = arith.constant 0 : i32
    %dma_wait3A_739 = tpu.memref_slice %arg3[%dma_wait3A_737, %dma_wait3A_738] : memref<1000012x16xf32, #tpu.memory_space<hbm>> -> memref<1000012x16xf32, #tpu.memory_space<hbm>>
    tpu.wait_indirect_dma semaphore(%arg15 : memref<!tpu.dma_semaphore, #tpu.memory_space<semaphore_mem>>) src(%dma_wait3A_739 : memref<1000012x16xf32, #tpu.memory_space<hbm>>) dst(%dma_wait3A_734 : memref<128x16xf32, #tpu.memory_space<vmem>>)
    %dma_wait3A_740 = arith.constant 640 : i32
    %dma_wait3A_741 = arith.constant 0 : i32
    %dma_wait3A_742 = tpu.memref_slice %arg11[%dma_wait3A_740, %dma_wait3A_741] : memref<1664x16xf32, #tpu.memory_space<vmem>> -> memref<128x16xf32, #tpu.memory_space<vmem>>
    %dma_wait3A_743 = arith.constant 640 : i32
    %dma_wait3A_744 = tpu.memref_slice %arg9[%dma_wait3A_743] : memref<1664xi32, #tpu.memory_space<vmem>> -> memref<128xi32, #tpu.memory_space<vmem>>
    %dma_wait3A_745 = arith.constant 0 : i32
    %dma_wait3A_746 = arith.constant 0 : i32
    %dma_wait3A_747 = tpu.memref_slice %arg3[%dma_wait3A_745, %dma_wait3A_746] : memref<1000012x16xf32, #tpu.memory_space<hbm>> -> memref<1000012x16xf32, #tpu.memory_space<hbm>>
    tpu.wait_indirect_dma semaphore(%arg15 : memref<!tpu.dma_semaphore, #tpu.memory_space<semaphore_mem>>) src(%dma_wait3A_747 : memref<1000012x16xf32, #tpu.memory_space<hbm>>) dst(%dma_wait3A_742 : memref<128x16xf32, #tpu.memory_space<vmem>>)
    %dma_wait3A_748 = arith.constant 768 : i32
    %dma_wait3A_749 = arith.constant 0 : i32
    %dma_wait3A_750 = tpu.memref_slice %arg11[%dma_wait3A_748, %dma_wait3A_749] : memref<1664x16xf32, #tpu.memory_space<vmem>> -> memref<128x16xf32, #tpu.memory_space<vmem>>
    %dma_wait3A_751 = arith.constant 768 : i32
    %dma_wait3A_752 = tpu.memref_slice %arg9[%dma_wait3A_751] : memref<1664xi32, #tpu.memory_space<vmem>> -> memref<128xi32, #tpu.memory_space<vmem>>
    %dma_wait3A_753 = arith.constant 0 : i32
    %dma_wait3A_754 = arith.constant 0 : i32
    %dma_wait3A_755 = tpu.memref_slice %arg3[%dma_wait3A_753, %dma_wait3A_754] : memref<1000012x16xf32, #tpu.memory_space<hbm>> -> memref<1000012x16xf32, #tpu.memory_space<hbm>>
    tpu.wait_indirect_dma semaphore(%arg15 : memref<!tpu.dma_semaphore, #tpu.memory_space<semaphore_mem>>) src(%dma_wait3A_755 : memref<1000012x16xf32, #tpu.memory_space<hbm>>) dst(%dma_wait3A_750 : memref<128x16xf32, #tpu.memory_space<vmem>>)
    %dma_wait3A_756 = arith.constant 896 : i32
    %dma_wait3A_757 = arith.constant 0 : i32
    %dma_wait3A_758 = tpu.memref_slice %arg11[%dma_wait3A_756, %dma_wait3A_757] : memref<1664x16xf32, #tpu.memory_space<vmem>> -> memref<128x16xf32, #tpu.memory_space<vmem>>
    %dma_wait3A_759 = arith.constant 896 : i32
    %dma_wait3A_760 = tpu.memref_slice %arg9[%dma_wait3A_759] : memref<1664xi32, #tpu.memory_space<vmem>> -> memref<128xi32, #tpu.memory_space<vmem>>
    %dma_wait3A_761 = arith.constant 0 : i32
    %dma_wait3A_762 = arith.constant 0 : i32
    %dma_wait3A_763 = tpu.memref_slice %arg3[%dma_wait3A_761, %dma_wait3A_762] : memref<1000012x16xf32, #tpu.memory_space<hbm>> -> memref<1000012x16xf32, #tpu.memory_space<hbm>>
    tpu.wait_indirect_dma semaphore(%arg15 : memref<!tpu.dma_semaphore, #tpu.memory_space<semaphore_mem>>) src(%dma_wait3A_763 : memref<1000012x16xf32, #tpu.memory_space<hbm>>) dst(%dma_wait3A_758 : memref<128x16xf32, #tpu.memory_space<vmem>>)
    %dma_wait3A_764 = arith.constant 1024 : i32
    %dma_wait3A_765 = arith.constant 0 : i32
    %dma_wait3A_766 = tpu.memref_slice %arg11[%dma_wait3A_764, %dma_wait3A_765] : memref<1664x16xf32, #tpu.memory_space<vmem>> -> memref<128x16xf32, #tpu.memory_space<vmem>>
    %dma_wait3A_767 = arith.constant 1024 : i32
    %dma_wait3A_768 = tpu.memref_slice %arg9[%dma_wait3A_767] : memref<1664xi32, #tpu.memory_space<vmem>> -> memref<128xi32, #tpu.memory_space<vmem>>
    %dma_wait3A_769 = arith.constant 0 : i32
    %dma_wait3A_770 = arith.constant 0 : i32
    %dma_wait3A_771 = tpu.memref_slice %arg3[%dma_wait3A_769, %dma_wait3A_770] : memref<1000012x16xf32, #tpu.memory_space<hbm>> -> memref<1000012x16xf32, #tpu.memory_space<hbm>>
    tpu.wait_indirect_dma semaphore(%arg15 : memref<!tpu.dma_semaphore, #tpu.memory_space<semaphore_mem>>) src(%dma_wait3A_771 : memref<1000012x16xf32, #tpu.memory_space<hbm>>) dst(%dma_wait3A_766 : memref<128x16xf32, #tpu.memory_space<vmem>>)
    %dma_wait3A_772 = arith.constant 1152 : i32
    %dma_wait3A_773 = arith.constant 0 : i32
    %dma_wait3A_774 = tpu.memref_slice %arg11[%dma_wait3A_772, %dma_wait3A_773] : memref<1664x16xf32, #tpu.memory_space<vmem>> -> memref<128x16xf32, #tpu.memory_space<vmem>>
    %dma_wait3A_775 = arith.constant 1152 : i32
    %dma_wait3A_776 = tpu.memref_slice %arg9[%dma_wait3A_775] : memref<1664xi32, #tpu.memory_space<vmem>> -> memref<128xi32, #tpu.memory_space<vmem>>
    %dma_wait3A_777 = arith.constant 0 : i32
    %dma_wait3A_778 = arith.constant 0 : i32
    %dma_wait3A_779 = tpu.memref_slice %arg3[%dma_wait3A_777, %dma_wait3A_778] : memref<1000012x16xf32, #tpu.memory_space<hbm>> -> memref<1000012x16xf32, #tpu.memory_space<hbm>>
    tpu.wait_indirect_dma semaphore(%arg15 : memref<!tpu.dma_semaphore, #tpu.memory_space<semaphore_mem>>) src(%dma_wait3A_779 : memref<1000012x16xf32, #tpu.memory_space<hbm>>) dst(%dma_wait3A_774 : memref<128x16xf32, #tpu.memory_space<vmem>>)
    %dma_wait3A_780 = arith.constant 1280 : i32
    %dma_wait3A_781 = arith.constant 0 : i32
    %dma_wait3A_782 = tpu.memref_slice %arg11[%dma_wait3A_780, %dma_wait3A_781] : memref<1664x16xf32, #tpu.memory_space<vmem>> -> memref<128x16xf32, #tpu.memory_space<vmem>>
    %dma_wait3A_783 = arith.constant 1280 : i32
    %dma_wait3A_784 = tpu.memref_slice %arg9[%dma_wait3A_783] : memref<1664xi32, #tpu.memory_space<vmem>> -> memref<128xi32, #tpu.memory_space<vmem>>
    %dma_wait3A_785 = arith.constant 0 : i32
    %dma_wait3A_786 = arith.constant 0 : i32
    %dma_wait3A_787 = tpu.memref_slice %arg3[%dma_wait3A_785, %dma_wait3A_786] : memref<1000012x16xf32, #tpu.memory_space<hbm>> -> memref<1000012x16xf32, #tpu.memory_space<hbm>>
    tpu.wait_indirect_dma semaphore(%arg15 : memref<!tpu.dma_semaphore, #tpu.memory_space<semaphore_mem>>) src(%dma_wait3A_787 : memref<1000012x16xf32, #tpu.memory_space<hbm>>) dst(%dma_wait3A_782 : memref<128x16xf32, #tpu.memory_space<vmem>>)
    %dma_wait3A_788 = arith.constant 1408 : i32
    %dma_wait3A_789 = arith.constant 0 : i32
    %dma_wait3A_790 = tpu.memref_slice %arg11[%dma_wait3A_788, %dma_wait3A_789] : memref<1664x16xf32, #tpu.memory_space<vmem>> -> memref<128x16xf32, #tpu.memory_space<vmem>>
    %dma_wait3A_791 = arith.constant 1408 : i32
    %dma_wait3A_792 = tpu.memref_slice %arg9[%dma_wait3A_791] : memref<1664xi32, #tpu.memory_space<vmem>> -> memref<128xi32, #tpu.memory_space<vmem>>
    %dma_wait3A_793 = arith.constant 0 : i32
    %dma_wait3A_794 = arith.constant 0 : i32
    %dma_wait3A_795 = tpu.memref_slice %arg3[%dma_wait3A_793, %dma_wait3A_794] : memref<1000012x16xf32, #tpu.memory_space<hbm>> -> memref<1000012x16xf32, #tpu.memory_space<hbm>>
    tpu.wait_indirect_dma semaphore(%arg15 : memref<!tpu.dma_semaphore, #tpu.memory_space<semaphore_mem>>) src(%dma_wait3A_795 : memref<1000012x16xf32, #tpu.memory_space<hbm>>) dst(%dma_wait3A_790 : memref<128x16xf32, #tpu.memory_space<vmem>>)
    %dma_wait3A_796 = arith.constant 1536 : i32
    %dma_wait3A_797 = arith.constant 0 : i32
    %dma_wait3A_798 = tpu.memref_slice %arg11[%dma_wait3A_796, %dma_wait3A_797] : memref<1664x16xf32, #tpu.memory_space<vmem>> -> memref<128x16xf32, #tpu.memory_space<vmem>>
    %dma_wait3A_799 = arith.constant 1536 : i32
    %dma_wait3A_800 = tpu.memref_slice %arg9[%dma_wait3A_799] : memref<1664xi32, #tpu.memory_space<vmem>> -> memref<128xi32, #tpu.memory_space<vmem>>
    %dma_wait3A_801 = arith.constant 0 : i32
    %dma_wait3A_802 = arith.constant 0 : i32
    %dma_wait3A_803 = tpu.memref_slice %arg3[%dma_wait3A_801, %dma_wait3A_802] : memref<1000012x16xf32, #tpu.memory_space<hbm>> -> memref<1000012x16xf32, #tpu.memory_space<hbm>>
    tpu.wait_indirect_dma semaphore(%arg15 : memref<!tpu.dma_semaphore, #tpu.memory_space<semaphore_mem>>) src(%dma_wait3A_803 : memref<1000012x16xf32, #tpu.memory_space<hbm>>) dst(%dma_wait3A_798 : memref<128x16xf32, #tpu.memory_space<vmem>>)
    %add3A_804 = arith.constant 3328 : i32
    %add3A_805 = arith.addi %mul3A_2, %add3A_804 : i32
    %dma_start3A_806 = arith.constant 0 : i32
    %dma_start3A_807 = tpu.memref_slice %arg5[%add3A_805, %dma_start3A_806] : memref<425984x16xf32, #tpu.memory_space<hbm>> -> memref<1664x16xf32, #tpu.memory_space<hbm>>
    %dma_start3A_808 = arith.constant 0 : i32
    %dma_start3A_809 = tpu.memref_slice %arg5[%add3A_805, %dma_start3A_808] : memref<425984x16xf32, #tpu.memory_space<hbm>> -> memref<1664x16xf32, #tpu.memory_space<hbm>>
    tpu.enqueue_dma source(%arg11 : memref<1664x16xf32, #tpu.memory_space<vmem>>) target(%dma_start3A_809 : memref<1664x16xf32, #tpu.memory_space<hbm>>) target_semaphore(%arg17 : memref<!tpu.dma_semaphore, #tpu.memory_space<semaphore_mem>>)
    %dma_wait3A_810 = tpu.memref_slice %arg2[%add3A_467] : memref<425984xi32, #tpu.memory_space<hbm>> -> memref<1664xi32, #tpu.memory_space<hbm>>
    %dma_wait3A_811 = tpu.memref_slice %arg2[%add3A_467] : memref<425984xi32, #tpu.memory_space<hbm>> -> memref<1664xi32, #tpu.memory_space<hbm>>
    tpu.wait_dma2 semaphore(%arg13 : memref<!tpu.dma_semaphore, #tpu.memory_space<semaphore_mem>>) src(%dma_wait3A_811 : memref<1664xi32, #tpu.memory_space<hbm>>) dst(%arg6 : memref<1664xi32, #tpu.memory_space<vmem>>)
    %scan3A_812 = arith.constant 0 : i32
    %scan3A_813 = arith.constant 0 : i32
    %scan3A_814 = arith.constant 8 : i32
    %scan3A_815 = arith.addi %scan3A_813, %scan3A_814 : i32
    %scan3A_816 = arith.constant 1 : i32
    scf.for %scan3A_1840 = %scan3A_813 to %scan3A_815 step %scan3A_816  : i32 {
      %mul3A_1841 = arith.constant 208 : i32
      %mul3A_1842 = arith.muli %scan3A_1840, %mul3A_1841 : i32
      %add3A_1843 = arith.constant 0 : i32
      %add3A_1844 = arith.addi %mul3A_1842, %add3A_1843 : i32
      %get3A = arith.index_cast %add3A_1844 : i32 to index
      %get3A_1845 = tpu.vector_load %arg6[%get3A] {strides = array<i32>} : memref<1664xi32, #tpu.memory_space<vmem>>, vector<16xi32>,
      %get3A_1846 = vector.shape_cast %get3A_1845 : vector<16xi32> to vector<16xi32>
      %get3A_1847 = arith.constant 0 : index
      %get3A_1848 = tpu.vector_load %arg8[%get3A_1847] {strides = array<i32>} : memref<208xi32, #tpu.memory_space<vmem>>, vector<16xi32>,
      %get3A_1849 = vector.shape_cast %get3A_1848 : vector<16xi32> to vector<16xi32>
      %add3A_1850 = arith.addi %get3A_1846, %get3A_1849 : vector<16xi32>
      %swap3A = arith.index_cast %add3A_1844 : i32 to index
      %swap3A_1851 = tpu.vector_load %arg9[%swap3A] {strides = array<i32>} : memref<1664xi32, #tpu.memory_space<vmem>>, vector<16xi32>,
      %swap3A_1852 = vector.shape_cast %swap3A_1851 : vector<16xi32> to vector<16xi32>
      %swap3A_1853 = vector.shape_cast %add3A_1850 : vector<16xi32> to vector<16xi32>
      tpu.vector_store %arg9[%swap3A], %swap3A_1853 {strides = array<i32>} : memref<1664xi32, #tpu.memory_space<vmem>>, vector<16xi32>,
      %add3A_1854 = arith.constant 16 : i32
      %add3A_1855 = arith.addi %mul3A_1842, %add3A_1854 : i32
      %get3A_1856 = arith.index_cast %add3A_1855 : i32 to index
      %get3A_1857 = tpu.vector_load %arg6[%get3A_1856] {strides = array<i32>} : memref<1664xi32, #tpu.memory_space<vmem>>, vector<16xi32>,
      %get3A_1858 = vector.shape_cast %get3A_1857 : vector<16xi32> to vector<16xi32>
      %get3A_1859 = arith.constant 16 : index
      %get3A_1860 = tpu.vector_load %arg8[%get3A_1859] {strides = array<i32>} : memref<208xi32, #tpu.memory_space<vmem>>, vector<16xi32>,
      %get3A_1861 = vector.shape_cast %get3A_1860 : vector<16xi32> to vector<16xi32>
      %add3A_1862 = arith.addi %get3A_1858, %get3A_1861 : vector<16xi32>
      %swap3A_1863 = arith.index_cast %add3A_1855 : i32 to index
      %swap3A_1864 = tpu.vector_load %arg9[%swap3A_1863] {strides = array<i32>} : memref<1664xi32, #tpu.memory_space<vmem>>, vector<16xi32>,
      %swap3A_1865 = vector.shape_cast %swap3A_1864 : vector<16xi32> to vector<16xi32>
      %swap3A_1866 = vector.shape_cast %add3A_1862 : vector<16xi32> to vector<16xi32>
      tpu.vector_store %arg9[%swap3A_1863], %swap3A_1866 {strides = array<i32>} : memref<1664xi32, #tpu.memory_space<vmem>>, vector<16xi32>,
      %add3A_1867 = arith.constant 32 : i32
      %add3A_1868 = arith.addi %mul3A_1842, %add3A_1867 : i32
      %get3A_1869 = arith.index_cast %add3A_1868 : i32 to index
      %get3A_1870 = tpu.vector_load %arg6[%get3A_1869] {strides = array<i32>} : memref<1664xi32, #tpu.memory_space<vmem>>, vector<16xi32>,
      %get3A_1871 = vector.shape_cast %get3A_1870 : vector<16xi32> to vector<16xi32>
      %get3A_1872 = arith.constant 32 : index
      %get3A_1873 = tpu.vector_load %arg8[%get3A_1872] {strides = array<i32>} : memref<208xi32, #tpu.memory_space<vmem>>, vector<16xi32>,
      %get3A_1874 = vector.shape_cast %get3A_1873 : vector<16xi32> to vector<16xi32>
      %add3A_1875 = arith.addi %get3A_1871, %get3A_1874 : vector<16xi32>
      %swap3A_1876 = arith.index_cast %add3A_1868 : i32 to index
      %swap3A_1877 = tpu.vector_load %arg9[%swap3A_1876] {strides = array<i32>} : memref<1664xi32, #tpu.memory_space<vmem>>, vector<16xi32>,
      %swap3A_1878 = vector.shape_cast %swap3A_1877 : vector<16xi32> to vector<16xi32>
      %swap3A_1879 = vector.shape_cast %add3A_1875 : vector<16xi32> to vector<16xi32>
      tpu.vector_store %arg9[%swap3A_1876], %swap3A_1879 {strides = array<i32>} : memref<1664xi32, #tpu.memory_space<vmem>>, vector<16xi32>,
      %add3A_1880 = arith.constant 48 : i32
      %add3A_1881 = arith.addi %mul3A_1842, %add3A_1880 : i32
      %get3A_1882 = arith.index_cast %add3A_1881 : i32 to index
      %get3A_1883 = tpu.vector_load %arg6[%get3A_1882] {strides = array<i32>} : memref<1664xi32, #tpu.memory_space<vmem>>, vector<16xi32>,
      %get3A_1884 = vector.shape_cast %get3A_1883 : vector<16xi32> to vector<16xi32>
      %get3A_1885 = arith.constant 48 : index
      %get3A_1886 = tpu.vector_load %arg8[%get3A_1885] {strides = array<i32>} : memref<208xi32, #tpu.memory_space<vmem>>, vector<16xi32>,
      %get3A_1887 = vector.shape_cast %get3A_1886 : vector<16xi32> to vector<16xi32>
      %add3A_1888 = arith.addi %get3A_1884, %get3A_1887 : vector<16xi32>
      %swap3A_1889 = arith.index_cast %add3A_1881 : i32 to index
      %swap3A_1890 = tpu.vector_load %arg9[%swap3A_1889] {strides = array<i32>} : memref<1664xi32, #tpu.memory_space<vmem>>, vector<16xi32>,
      %swap3A_1891 = vector.shape_cast %swap3A_1890 : vector<16xi32> to vector<16xi32>
      %swap3A_1892 = vector.shape_cast %add3A_1888 : vector<16xi32> to vector<16xi32>
      tpu.vector_store %arg9[%swap3A_1889], %swap3A_1892 {strides = array<i32>} : memref<1664xi32, #tpu.memory_space<vmem>>, vector<16xi32>,
      %add3A_1893 = arith.constant 64 : i32
      %add3A_1894 = arith.addi %mul3A_1842, %add3A_1893 : i32
      %get3A_1895 = arith.index_cast %add3A_1894 : i32 to index
      %get3A_1896 = tpu.vector_load %arg6[%get3A_1895] {strides = array<i32>} : memref<1664xi32, #tpu.memory_space<vmem>>, vector<16xi32>,
      %get3A_1897 = vector.shape_cast %get3A_1896 : vector<16xi32> to vector<16xi32>
      %get3A_1898 = arith.constant 64 : index
      %get3A_1899 = tpu.vector_load %arg8[%get3A_1898] {strides = array<i32>} : memref<208xi32, #tpu.memory_space<vmem>>, vector<16xi32>,
      %get3A_1900 = vector.shape_cast %get3A_1899 : vector<16xi32> to vector<16xi32>
      %add3A_1901 = arith.addi %get3A_1897, %get3A_1900 : vector<16xi32>
      %swap3A_1902 = arith.index_cast %add3A_1894 : i32 to index
      %swap3A_1903 = tpu.vector_load %arg9[%swap3A_1902] {strides = array<i32>} : memref<1664xi32, #tpu.memory_space<vmem>>, vector<16xi32>,
      %swap3A_1904 = vector.shape_cast %swap3A_1903 : vector<16xi32> to vector<16xi32>
      %swap3A_1905 = vector.shape_cast %add3A_1901 : vector<16xi32> to vector<16xi32>
      tpu.vector_store %arg9[%swap3A_1902], %swap3A_1905 {strides = array<i32>} : memref<1664xi32, #tpu.memory_space<vmem>>, vector<16xi32>,
      %add3A_1906 = arith.constant 80 : i32
      %add3A_1907 = arith.addi %mul3A_1842, %add3A_1906 : i32
      %get3A_1908 = arith.index_cast %add3A_1907 : i32 to index
      %get3A_1909 = tpu.vector_load %arg6[%get3A_1908] {strides = array<i32>} : memref<1664xi32, #tpu.memory_space<vmem>>, vector<16xi32>,
      %get3A_1910 = vector.shape_cast %get3A_1909 : vector<16xi32> to vector<16xi32>
      %get3A_1911 = arith.constant 80 : index
      %get3A_1912 = tpu.vector_load %arg8[%get3A_1911] {strides = array<i32>} : memref<208xi32, #tpu.memory_space<vmem>>, vector<16xi32>,
      %get3A_1913 = vector.shape_cast %get3A_1912 : vector<16xi32> to vector<16xi32>
      %add3A_1914 = arith.addi %get3A_1910, %get3A_1913 : vector<16xi32>
      %swap3A_1915 = arith.index_cast %add3A_1907 : i32 to index
      %swap3A_1916 = tpu.vector_load %arg9[%swap3A_1915] {strides = array<i32>} : memref<1664xi32, #tpu.memory_space<vmem>>, vector<16xi32>,
      %swap3A_1917 = vector.shape_cast %swap3A_1916 : vector<16xi32> to vector<16xi32>
      %swap3A_1918 = vector.shape_cast %add3A_1914 : vector<16xi32> to vector<16xi32>
      tpu.vector_store %arg9[%swap3A_1915], %swap3A_1918 {strides = array<i32>} : memref<1664xi32, #tpu.memory_space<vmem>>, vector<16xi32>,
      %add3A_1919 = arith.constant 96 : i32
      %add3A_1920 = arith.addi %mul3A_1842, %add3A_1919 : i32
      %get3A_1921 = arith.index_cast %add3A_1920 : i32 to index
      %get3A_1922 = tpu.vector_load %arg6[%get3A_1921] {strides = array<i32>} : memref<1664xi32, #tpu.memory_space<vmem>>, vector<16xi32>,
      %get3A_1923 = vector.shape_cast %get3A_1922 : vector<16xi32> to vector<16xi32>
      %get3A_1924 = arith.constant 96 : index
      %get3A_1925 = tpu.vector_load %arg8[%get3A_1924] {strides = array<i32>} : memref<208xi32, #tpu.memory_space<vmem>>, vector<16xi32>,
      %get3A_1926 = vector.shape_cast %get3A_1925 : vector<16xi32> to vector<16xi32>
      %add3A_1927 = arith.addi %get3A_1923, %get3A_1926 : vector<16xi32>
      %swap3A_1928 = arith.index_cast %add3A_1920 : i32 to index
      %swap3A_1929 = tpu.vector_load %arg9[%swap3A_1928] {strides = array<i32>} : memref<1664xi32, #tpu.memory_space<vmem>>, vector<16xi32>,
      %swap3A_1930 = vector.shape_cast %swap3A_1929 : vector<16xi32> to vector<16xi32>
      %swap3A_1931 = vector.shape_cast %add3A_1927 : vector<16xi32> to vector<16xi32>
      tpu.vector_store %arg9[%swap3A_1928], %swap3A_1931 {strides = array<i32>} : memref<1664xi32, #tpu.memory_space<vmem>>, vector<16xi32>,
      %add3A_1932 = arith.constant 112 : i32
      %add3A_1933 = arith.addi %mul3A_1842, %add3A_1932 : i32
      %get3A_1934 = arith.index_cast %add3A_1933 : i32 to index
      %get3A_1935 = tpu.vector_load %arg6[%get3A_1934] {strides = array<i32>} : memref<1664xi32, #tpu.memory_space<vmem>>, vector<16xi32>,
      %get3A_1936 = vector.shape_cast %get3A_1935 : vector<16xi32> to vector<16xi32>
      %get3A_1937 = arith.constant 112 : index
      %get3A_1938 = tpu.vector_load %arg8[%get3A_1937] {strides = array<i32>} : memref<208xi32, #tpu.memory_space<vmem>>, vector<16xi32>,
      %get3A_1939 = vector.shape_cast %get3A_1938 : vector<16xi32> to vector<16xi32>
      %add3A_1940 = arith.addi %get3A_1936, %get3A_1939 : vector<16xi32>
      %swap3A_1941 = arith.index_cast %add3A_1933 : i32 to index
      %swap3A_1942 = tpu.vector_load %arg9[%swap3A_1941] {strides = array<i32>} : memref<1664xi32, #tpu.memory_space<vmem>>, vector<16xi32>,
      %swap3A_1943 = vector.shape_cast %swap3A_1942 : vector<16xi32> to vector<16xi32>
      %swap3A_1944 = vector.shape_cast %add3A_1940 : vector<16xi32> to vector<16xi32>
      tpu.vector_store %arg9[%swap3A_1941], %swap3A_1944 {strides = array<i32>} : memref<1664xi32, #tpu.memory_space<vmem>>, vector<16xi32>,
      %add3A_1945 = arith.constant 128 : i32
      %add3A_1946 = arith.addi %mul3A_1842, %add3A_1945 : i32
      %get3A_1947 = arith.index_cast %add3A_1946 : i32 to index
      %get3A_1948 = tpu.vector_load %arg6[%get3A_1947] {strides = array<i32>} : memref<1664xi32, #tpu.memory_space<vmem>>, vector<16xi32>,
      %get3A_1949 = vector.shape_cast %get3A_1948 : vector<16xi32> to vector<16xi32>
      %get3A_1950 = arith.constant 128 : index
      %get3A_1951 = tpu.vector_load %arg8[%get3A_1950] {strides = array<i32>} : memref<208xi32, #tpu.memory_space<vmem>>, vector<16xi32>,
      %get3A_1952 = vector.shape_cast %get3A_1951 : vector<16xi32> to vector<16xi32>
      %add3A_1953 = arith.addi %get3A_1949, %get3A_1952 : vector<16xi32>
      %swap3A_1954 = arith.index_cast %add3A_1946 : i32 to index
      %swap3A_1955 = tpu.vector_load %arg9[%swap3A_1954] {strides = array<i32>} : memref<1664xi32, #tpu.memory_space<vmem>>, vector<16xi32>,
      %swap3A_1956 = vector.shape_cast %swap3A_1955 : vector<16xi32> to vector<16xi32>
      %swap3A_1957 = vector.shape_cast %add3A_1953 : vector<16xi32> to vector<16xi32>
      tpu.vector_store %arg9[%swap3A_1954], %swap3A_1957 {strides = array<i32>} : memref<1664xi32, #tpu.memory_space<vmem>>, vector<16xi32>,
      %add3A_1958 = arith.constant 144 : i32
      %add3A_1959 = arith.addi %mul3A_1842, %add3A_1958 : i32
      %get3A_1960 = arith.index_cast %add3A_1959 : i32 to index
      %get3A_1961 = tpu.vector_load %arg6[%get3A_1960] {strides = array<i32>} : memref<1664xi32, #tpu.memory_space<vmem>>, vector<16xi32>,
      %get3A_1962 = vector.shape_cast %get3A_1961 : vector<16xi32> to vector<16xi32>
      %get3A_1963 = arith.constant 144 : index
      %get3A_1964 = tpu.vector_load %arg8[%get3A_1963] {strides = array<i32>} : memref<208xi32, #tpu.memory_space<vmem>>, vector<16xi32>,
      %get3A_1965 = vector.shape_cast %get3A_1964 : vector<16xi32> to vector<16xi32>
      %add3A_1966 = arith.addi %get3A_1962, %get3A_1965 : vector<16xi32>
      %swap3A_1967 = arith.index_cast %add3A_1959 : i32 to index
      %swap3A_1968 = tpu.vector_load %arg9[%swap3A_1967] {strides = array<i32>} : memref<1664xi32, #tpu.memory_space<vmem>>, vector<16xi32>,
      %swap3A_1969 = vector.shape_cast %swap3A_1968 : vector<16xi32> to vector<16xi32>
      %swap3A_1970 = vector.shape_cast %add3A_1966 : vector<16xi32> to vector<16xi32>
      tpu.vector_store %arg9[%swap3A_1967], %swap3A_1970 {strides = array<i32>} : memref<1664xi32, #tpu.memory_space<vmem>>, vector<16xi32>,
      %add3A_1971 = arith.constant 160 : i32
      %add3A_1972 = arith.addi %mul3A_1842, %add3A_1971 : i32
      %get3A_1973 = arith.index_cast %add3A_1972 : i32 to index
      %get3A_1974 = tpu.vector_load %arg6[%get3A_1973] {strides = array<i32>} : memref<1664xi32, #tpu.memory_space<vmem>>, vector<16xi32>,
      %get3A_1975 = vector.shape_cast %get3A_1974 : vector<16xi32> to vector<16xi32>
      %get3A_1976 = arith.constant 160 : index
      %get3A_1977 = tpu.vector_load %arg8[%get3A_1976] {strides = array<i32>} : memref<208xi32, #tpu.memory_space<vmem>>, vector<16xi32>,
      %get3A_1978 = vector.shape_cast %get3A_1977 : vector<16xi32> to vector<16xi32>
      %add3A_1979 = arith.addi %get3A_1975, %get3A_1978 : vector<16xi32>
      %swap3A_1980 = arith.index_cast %add3A_1972 : i32 to index
      %swap3A_1981 = tpu.vector_load %arg9[%swap3A_1980] {strides = array<i32>} : memref<1664xi32, #tpu.memory_space<vmem>>, vector<16xi32>,
      %swap3A_1982 = vector.shape_cast %swap3A_1981 : vector<16xi32> to vector<16xi32>
      %swap3A_1983 = vector.shape_cast %add3A_1979 : vector<16xi32> to vector<16xi32>
      tpu.vector_store %arg9[%swap3A_1980], %swap3A_1983 {strides = array<i32>} : memref<1664xi32, #tpu.memory_space<vmem>>, vector<16xi32>,
      %add3A_1984 = arith.constant 176 : i32
      %add3A_1985 = arith.addi %mul3A_1842, %add3A_1984 : i32
      %get3A_1986 = arith.index_cast %add3A_1985 : i32 to index
      %get3A_1987 = tpu.vector_load %arg6[%get3A_1986] {strides = array<i32>} : memref<1664xi32, #tpu.memory_space<vmem>>, vector<16xi32>,
      %get3A_1988 = vector.shape_cast %get3A_1987 : vector<16xi32> to vector<16xi32>
      %get3A_1989 = arith.constant 176 : index
      %get3A_1990 = tpu.vector_load %arg8[%get3A_1989] {strides = array<i32>} : memref<208xi32, #tpu.memory_space<vmem>>, vector<16xi32>,
      %get3A_1991 = vector.shape_cast %get3A_1990 : vector<16xi32> to vector<16xi32>
      %add3A_1992 = arith.addi %get3A_1988, %get3A_1991 : vector<16xi32>
      %swap3A_1993 = arith.index_cast %add3A_1985 : i32 to index
      %swap3A_1994 = tpu.vector_load %arg9[%swap3A_1993] {strides = array<i32>} : memref<1664xi32, #tpu.memory_space<vmem>>, vector<16xi32>,
      %swap3A_1995 = vector.shape_cast %swap3A_1994 : vector<16xi32> to vector<16xi32>
      %swap3A_1996 = vector.shape_cast %add3A_1992 : vector<16xi32> to vector<16xi32>
      tpu.vector_store %arg9[%swap3A_1993], %swap3A_1996 {strides = array<i32>} : memref<1664xi32, #tpu.memory_space<vmem>>, vector<16xi32>,
      %add3A_1997 = arith.constant 192 : i32
      %add3A_1998 = arith.addi %mul3A_1842, %add3A_1997 : i32
      %get3A_1999 = arith.index_cast %add3A_1998 : i32 to index
      %get3A_2000 = tpu.vector_load %arg6[%get3A_1999] {strides = array<i32>} : memref<1664xi32, #tpu.memory_space<vmem>>, vector<16xi32>,
      %get3A_2001 = vector.shape_cast %get3A_2000 : vector<16xi32> to vector<16xi32>
      %get3A_2002 = arith.constant 192 : index
      %get3A_2003 = tpu.vector_load %arg8[%get3A_2002] {strides = array<i32>} : memref<208xi32, #tpu.memory_space<vmem>>, vector<16xi32>,
      %get3A_2004 = vector.shape_cast %get3A_2003 : vector<16xi32> to vector<16xi32>
      %add3A_2005 = arith.addi %get3A_2001, %get3A_2004 : vector<16xi32>
      %swap3A_2006 = arith.index_cast %add3A_1998 : i32 to index
      %swap3A_2007 = tpu.vector_load %arg9[%swap3A_2006] {strides = array<i32>} : memref<1664xi32, #tpu.memory_space<vmem>>, vector<16xi32>,
      %swap3A_2008 = vector.shape_cast %swap3A_2007 : vector<16xi32> to vector<16xi32>
      %swap3A_2009 = vector.shape_cast %add3A_2005 : vector<16xi32> to vector<16xi32>
      tpu.vector_store %arg9[%swap3A_2006], %swap3A_2009 {strides = array<i32>} : memref<1664xi32, #tpu.memory_space<vmem>>, vector<16xi32>,
    }
    %scan3A_817 = arith.constant 8 : i32
    %dma_wait3A_818 = arith.constant 0 : i32
    %dma_wait3A_819 = tpu.memref_slice %arg5[%add3A_805, %dma_wait3A_818] : memref<425984x16xf32, #tpu.memory_space<hbm>> -> memref<1664x16xf32, #tpu.memory_space<hbm>>
    %dma_wait3A_820 = arith.constant 0 : i32
    %dma_wait3A_821 = tpu.memref_slice %arg5[%add3A_805, %dma_wait3A_820] : memref<425984x16xf32, #tpu.memory_space<hbm>> -> memref<1664x16xf32, #tpu.memory_space<hbm>>
    tpu.wait_dma2 semaphore(%arg17 : memref<!tpu.dma_semaphore, #tpu.memory_space<semaphore_mem>>) src(%arg11 : memref<1664x16xf32, #tpu.memory_space<vmem>>) dst(%dma_wait3A_821 : memref<1664x16xf32, #tpu.memory_space<hbm>>)
    %dma_start3A_822 = arith.constant 0 : i32
    %dma_start3A_823 = arith.constant 0 : i32
    %dma_start3A_824 = tpu.memref_slice %arg11[%dma_start3A_822, %dma_start3A_823] : memref<1664x16xf32, #tpu.memory_space<vmem>> -> memref<128x16xf32, #tpu.memory_space<vmem>>
    %dma_start3A_825 = arith.constant 0 : i32
    %dma_start3A_826 = tpu.memref_slice %arg9[%dma_start3A_825] : memref<1664xi32, #tpu.memory_space<vmem>> -> memref<128xi32, #tpu.memory_space<vmem>>
    %dma_start3A_827 = arith.constant 0 : i32
    %dma_start3A_828 = arith.constant 0 : i32
    %dma_start3A_829 = tpu.memref_slice %arg3[%dma_start3A_827, %dma_start3A_828] : memref<1000012x16xf32, #tpu.memory_space<hbm>> -> memref<1000012x16xf32, #tpu.memory_space<hbm>>
    tpu.enqueue_indirect_dma source(%dma_start3A_829 : memref<1000012x16xf32, #tpu.memory_space<hbm>>) target(%dma_start3A_824 : memref<128x16xf32, #tpu.memory_space<vmem>>) offsets(%dma_start3A_826 : memref<128xi32, #tpu.memory_space<vmem>>) semaphore(%arg15 : memref<!tpu.dma_semaphore, #tpu.memory_space<semaphore_mem>>)
    %dma_start3A_830 = arith.constant 128 : i32
    %dma_start3A_831 = arith.constant 0 : i32
    %dma_start3A_832 = tpu.memref_slice %arg11[%dma_start3A_830, %dma_start3A_831] : memref<1664x16xf32, #tpu.memory_space<vmem>> -> memref<128x16xf32, #tpu.memory_space<vmem>>
    %dma_start3A_833 = arith.constant 128 : i32
    %dma_start3A_834 = tpu.memref_slice %arg9[%dma_start3A_833] : memref<1664xi32, #tpu.memory_space<vmem>> -> memref<128xi32, #tpu.memory_space<vmem>>
    %dma_start3A_835 = arith.constant 0 : i32
    %dma_start3A_836 = arith.constant 0 : i32
    %dma_start3A_837 = tpu.memref_slice %arg3[%dma_start3A_835, %dma_start3A_836] : memref<1000012x16xf32, #tpu.memory_space<hbm>> -> memref<1000012x16xf32, #tpu.memory_space<hbm>>
    tpu.enqueue_indirect_dma source(%dma_start3A_837 : memref<1000012x16xf32, #tpu.memory_space<hbm>>) target(%dma_start3A_832 : memref<128x16xf32, #tpu.memory_space<vmem>>) offsets(%dma_start3A_834 : memref<128xi32, #tpu.memory_space<vmem>>) semaphore(%arg15 : memref<!tpu.dma_semaphore, #tpu.memory_space<semaphore_mem>>)
    %dma_start3A_838 = arith.constant 256 : i32
    %dma_start3A_839 = arith.constant 0 : i32
    %dma_start3A_840 = tpu.memref_slice %arg11[%dma_start3A_838, %dma_start3A_839] : memref<1664x16xf32, #tpu.memory_space<vmem>> -> memref<128x16xf32, #tpu.memory_space<vmem>>
    %dma_start3A_841 = arith.constant 256 : i32
    %dma_start3A_842 = tpu.memref_slice %arg9[%dma_start3A_841] : memref<1664xi32, #tpu.memory_space<vmem>> -> memref<128xi32, #tpu.memory_space<vmem>>
    %dma_start3A_843 = arith.constant 0 : i32
    %dma_start3A_844 = arith.constant 0 : i32
    %dma_start3A_845 = tpu.memref_slice %arg3[%dma_start3A_843, %dma_start3A_844] : memref<1000012x16xf32, #tpu.memory_space<hbm>> -> memref<1000012x16xf32, #tpu.memory_space<hbm>>
    tpu.enqueue_indirect_dma source(%dma_start3A_845 : memref<1000012x16xf32, #tpu.memory_space<hbm>>) target(%dma_start3A_840 : memref<128x16xf32, #tpu.memory_space<vmem>>) offsets(%dma_start3A_842 : memref<128xi32, #tpu.memory_space<vmem>>) semaphore(%arg15 : memref<!tpu.dma_semaphore, #tpu.memory_space<semaphore_mem>>)
    %dma_start3A_846 = arith.constant 384 : i32
    %dma_start3A_847 = arith.constant 0 : i32
    %dma_start3A_848 = tpu.memref_slice %arg11[%dma_start3A_846, %dma_start3A_847] : memref<1664x16xf32, #tpu.memory_space<vmem>> -> memref<128x16xf32, #tpu.memory_space<vmem>>
    %dma_start3A_849 = arith.constant 384 : i32
    %dma_start3A_850 = tpu.memref_slice %arg9[%dma_start3A_849] : memref<1664xi32, #tpu.memory_space<vmem>> -> memref<128xi32, #tpu.memory_space<vmem>>
    %dma_start3A_851 = arith.constant 0 : i32
    %dma_start3A_852 = arith.constant 0 : i32
    %dma_start3A_853 = tpu.memref_slice %arg3[%dma_start3A_851, %dma_start3A_852] : memref<1000012x16xf32, #tpu.memory_space<hbm>> -> memref<1000012x16xf32, #tpu.memory_space<hbm>>
    tpu.enqueue_indirect_dma source(%dma_start3A_853 : memref<1000012x16xf32, #tpu.memory_space<hbm>>) target(%dma_start3A_848 : memref<128x16xf32, #tpu.memory_space<vmem>>) offsets(%dma_start3A_850 : memref<128xi32, #tpu.memory_space<vmem>>) semaphore(%arg15 : memref<!tpu.dma_semaphore, #tpu.memory_space<semaphore_mem>>)
    %dma_start3A_854 = arith.constant 512 : i32
    %dma_start3A_855 = arith.constant 0 : i32
    %dma_start3A_856 = tpu.memref_slice %arg11[%dma_start3A_854, %dma_start3A_855] : memref<1664x16xf32, #tpu.memory_space<vmem>> -> memref<128x16xf32, #tpu.memory_space<vmem>>
    %dma_start3A_857 = arith.constant 512 : i32
    %dma_start3A_858 = tpu.memref_slice %arg9[%dma_start3A_857] : memref<1664xi32, #tpu.memory_space<vmem>> -> memref<128xi32, #tpu.memory_space<vmem>>
    %dma_start3A_859 = arith.constant 0 : i32
    %dma_start3A_860 = arith.constant 0 : i32
    %dma_start3A_861 = tpu.memref_slice %arg3[%dma_start3A_859, %dma_start3A_860] : memref<1000012x16xf32, #tpu.memory_space<hbm>> -> memref<1000012x16xf32, #tpu.memory_space<hbm>>
    tpu.enqueue_indirect_dma source(%dma_start3A_861 : memref<1000012x16xf32, #tpu.memory_space<hbm>>) target(%dma_start3A_856 : memref<128x16xf32, #tpu.memory_space<vmem>>) offsets(%dma_start3A_858 : memref<128xi32, #tpu.memory_space<vmem>>) semaphore(%arg15 : memref<!tpu.dma_semaphore, #tpu.memory_space<semaphore_mem>>)
    %dma_start3A_862 = arith.constant 640 : i32
    %dma_start3A_863 = arith.constant 0 : i32
    %dma_start3A_864 = tpu.memref_slice %arg11[%dma_start3A_862, %dma_start3A_863] : memref<1664x16xf32, #tpu.memory_space<vmem>> -> memref<128x16xf32, #tpu.memory_space<vmem>>
    %dma_start3A_865 = arith.constant 640 : i32
    %dma_start3A_866 = tpu.memref_slice %arg9[%dma_start3A_865] : memref<1664xi32, #tpu.memory_space<vmem>> -> memref<128xi32, #tpu.memory_space<vmem>>
    %dma_start3A_867 = arith.constant 0 : i32
    %dma_start3A_868 = arith.constant 0 : i32
    %dma_start3A_869 = tpu.memref_slice %arg3[%dma_start3A_867, %dma_start3A_868] : memref<1000012x16xf32, #tpu.memory_space<hbm>> -> memref<1000012x16xf32, #tpu.memory_space<hbm>>
    tpu.enqueue_indirect_dma source(%dma_start3A_869 : memref<1000012x16xf32, #tpu.memory_space<hbm>>) target(%dma_start3A_864 : memref<128x16xf32, #tpu.memory_space<vmem>>) offsets(%dma_start3A_866 : memref<128xi32, #tpu.memory_space<vmem>>) semaphore(%arg15 : memref<!tpu.dma_semaphore, #tpu.memory_space<semaphore_mem>>)
    %dma_start3A_870 = arith.constant 768 : i32
    %dma_start3A_871 = arith.constant 0 : i32
    %dma_start3A_872 = tpu.memref_slice %arg11[%dma_start3A_870, %dma_start3A_871] : memref<1664x16xf32, #tpu.memory_space<vmem>> -> memref<128x16xf32, #tpu.memory_space<vmem>>
    %dma_start3A_873 = arith.constant 768 : i32
    %dma_start3A_874 = tpu.memref_slice %arg9[%dma_start3A_873] : memref<1664xi32, #tpu.memory_space<vmem>> -> memref<128xi32, #tpu.memory_space<vmem>>
    %dma_start3A_875 = arith.constant 0 : i32
    %dma_start3A_876 = arith.constant 0 : i32
    %dma_start3A_877 = tpu.memref_slice %arg3[%dma_start3A_875, %dma_start3A_876] : memref<1000012x16xf32, #tpu.memory_space<hbm>> -> memref<1000012x16xf32, #tpu.memory_space<hbm>>
    tpu.enqueue_indirect_dma source(%dma_start3A_877 : memref<1000012x16xf32, #tpu.memory_space<hbm>>) target(%dma_start3A_872 : memref<128x16xf32, #tpu.memory_space<vmem>>) offsets(%dma_start3A_874 : memref<128xi32, #tpu.memory_space<vmem>>) semaphore(%arg15 : memref<!tpu.dma_semaphore, #tpu.memory_space<semaphore_mem>>)
    %dma_start3A_878 = arith.constant 896 : i32
    %dma_start3A_879 = arith.constant 0 : i32
    %dma_start3A_880 = tpu.memref_slice %arg11[%dma_start3A_878, %dma_start3A_879] : memref<1664x16xf32, #tpu.memory_space<vmem>> -> memref<128x16xf32, #tpu.memory_space<vmem>>
    %dma_start3A_881 = arith.constant 896 : i32
    %dma_start3A_882 = tpu.memref_slice %arg9[%dma_start3A_881] : memref<1664xi32, #tpu.memory_space<vmem>> -> memref<128xi32, #tpu.memory_space<vmem>>
    %dma_start3A_883 = arith.constant 0 : i32
    %dma_start3A_884 = arith.constant 0 : i32
    %dma_start3A_885 = tpu.memref_slice %arg3[%dma_start3A_883, %dma_start3A_884] : memref<1000012x16xf32, #tpu.memory_space<hbm>> -> memref<1000012x16xf32, #tpu.memory_space<hbm>>
    tpu.enqueue_indirect_dma source(%dma_start3A_885 : memref<1000012x16xf32, #tpu.memory_space<hbm>>) target(%dma_start3A_880 : memref<128x16xf32, #tpu.memory_space<vmem>>) offsets(%dma_start3A_882 : memref<128xi32, #tpu.memory_space<vmem>>) semaphore(%arg15 : memref<!tpu.dma_semaphore, #tpu.memory_space<semaphore_mem>>)
    %dma_start3A_886 = arith.constant 1024 : i32
    %dma_start3A_887 = arith.constant 0 : i32
    %dma_start3A_888 = tpu.memref_slice %arg11[%dma_start3A_886, %dma_start3A_887] : memref<1664x16xf32, #tpu.memory_space<vmem>> -> memref<128x16xf32, #tpu.memory_space<vmem>>
    %dma_start3A_889 = arith.constant 1024 : i32
    %dma_start3A_890 = tpu.memref_slice %arg9[%dma_start3A_889] : memref<1664xi32, #tpu.memory_space<vmem>> -> memref<128xi32, #tpu.memory_space<vmem>>
    %dma_start3A_891 = arith.constant 0 : i32
    %dma_start3A_892 = arith.constant 0 : i32
    %dma_start3A_893 = tpu.memref_slice %arg3[%dma_start3A_891, %dma_start3A_892] : memref<1000012x16xf32, #tpu.memory_space<hbm>> -> memref<1000012x16xf32, #tpu.memory_space<hbm>>
    tpu.enqueue_indirect_dma source(%dma_start3A_893 : memref<1000012x16xf32, #tpu.memory_space<hbm>>) target(%dma_start3A_888 : memref<128x16xf32, #tpu.memory_space<vmem>>) offsets(%dma_start3A_890 : memref<128xi32, #tpu.memory_space<vmem>>) semaphore(%arg15 : memref<!tpu.dma_semaphore, #tpu.memory_space<semaphore_mem>>)
    %dma_start3A_894 = arith.constant 1152 : i32
    %dma_start3A_895 = arith.constant 0 : i32
    %dma_start3A_896 = tpu.memref_slice %arg11[%dma_start3A_894, %dma_start3A_895] : memref<1664x16xf32, #tpu.memory_space<vmem>> -> memref<128x16xf32, #tpu.memory_space<vmem>>
    %dma_start3A_897 = arith.constant 1152 : i32
    %dma_start3A_898 = tpu.memref_slice %arg9[%dma_start3A_897] : memref<1664xi32, #tpu.memory_space<vmem>> -> memref<128xi32, #tpu.memory_space<vmem>>
    %dma_start3A_899 = arith.constant 0 : i32
    %dma_start3A_900 = arith.constant 0 : i32
    %dma_start3A_901 = tpu.memref_slice %arg3[%dma_start3A_899, %dma_start3A_900] : memref<1000012x16xf32, #tpu.memory_space<hbm>> -> memref<1000012x16xf32, #tpu.memory_space<hbm>>
    tpu.enqueue_indirect_dma source(%dma_start3A_901 : memref<1000012x16xf32, #tpu.memory_space<hbm>>) target(%dma_start3A_896 : memref<128x16xf32, #tpu.memory_space<vmem>>) offsets(%dma_start3A_898 : memref<128xi32, #tpu.memory_space<vmem>>) semaphore(%arg15 : memref<!tpu.dma_semaphore, #tpu.memory_space<semaphore_mem>>)
    %dma_start3A_902 = arith.constant 1280 : i32
    %dma_start3A_903 = arith.constant 0 : i32
    %dma_start3A_904 = tpu.memref_slice %arg11[%dma_start3A_902, %dma_start3A_903] : memref<1664x16xf32, #tpu.memory_space<vmem>> -> memref<128x16xf32, #tpu.memory_space<vmem>>
    %dma_start3A_905 = arith.constant 1280 : i32
    %dma_start3A_906 = tpu.memref_slice %arg9[%dma_start3A_905] : memref<1664xi32, #tpu.memory_space<vmem>> -> memref<128xi32, #tpu.memory_space<vmem>>
    %dma_start3A_907 = arith.constant 0 : i32
    %dma_start3A_908 = arith.constant 0 : i32
    %dma_start3A_909 = tpu.memref_slice %arg3[%dma_start3A_907, %dma_start3A_908] : memref<1000012x16xf32, #tpu.memory_space<hbm>> -> memref<1000012x16xf32, #tpu.memory_space<hbm>>
    tpu.enqueue_indirect_dma source(%dma_start3A_909 : memref<1000012x16xf32, #tpu.memory_space<hbm>>) target(%dma_start3A_904 : memref<128x16xf32, #tpu.memory_space<vmem>>) offsets(%dma_start3A_906 : memref<128xi32, #tpu.memory_space<vmem>>) semaphore(%arg15 : memref<!tpu.dma_semaphore, #tpu.memory_space<semaphore_mem>>)
    %dma_start3A_910 = arith.constant 1408 : i32
    %dma_start3A_911 = arith.constant 0 : i32
    %dma_start3A_912 = tpu.memref_slice %arg11[%dma_start3A_910, %dma_start3A_911] : memref<1664x16xf32, #tpu.memory_space<vmem>> -> memref<128x16xf32, #tpu.memory_space<vmem>>
    %dma_start3A_913 = arith.constant 1408 : i32
    %dma_start3A_914 = tpu.memref_slice %arg9[%dma_start3A_913] : memref<1664xi32, #tpu.memory_space<vmem>> -> memref<128xi32, #tpu.memory_space<vmem>>
    %dma_start3A_915 = arith.constant 0 : i32
    %dma_start3A_916 = arith.constant 0 : i32
    %dma_start3A_917 = tpu.memref_slice %arg3[%dma_start3A_915, %dma_start3A_916] : memref<1000012x16xf32, #tpu.memory_space<hbm>> -> memref<1000012x16xf32, #tpu.memory_space<hbm>>
    tpu.enqueue_indirect_dma source(%dma_start3A_917 : memref<1000012x16xf32, #tpu.memory_space<hbm>>) target(%dma_start3A_912 : memref<128x16xf32, #tpu.memory_space<vmem>>) offsets(%dma_start3A_914 : memref<128xi32, #tpu.memory_space<vmem>>) semaphore(%arg15 : memref<!tpu.dma_semaphore, #tpu.memory_space<semaphore_mem>>)
    %dma_start3A_918 = arith.constant 1536 : i32
    %dma_start3A_919 = arith.constant 0 : i32
    %dma_start3A_920 = tpu.memref_slice %arg11[%dma_start3A_918, %dma_start3A_919] : memref<1664x16xf32, #tpu.memory_space<vmem>> -> memref<128x16xf32, #tpu.memory_space<vmem>>
    %dma_start3A_921 = arith.constant 1536 : i32
    %dma_start3A_922 = tpu.memref_slice %arg9[%dma_start3A_921] : memref<1664xi32, #tpu.memory_space<vmem>> -> memref<128xi32, #tpu.memory_space<vmem>>
    %dma_start3A_923 = arith.constant 0 : i32
    %dma_start3A_924 = arith.constant 0 : i32
    %dma_start3A_925 = tpu.memref_slice %arg3[%dma_start3A_923, %dma_start3A_924] : memref<1000012x16xf32, #tpu.memory_space<hbm>> -> memref<1000012x16xf32, #tpu.memory_space<hbm>>
    tpu.enqueue_indirect_dma source(%dma_start3A_925 : memref<1000012x16xf32, #tpu.memory_space<hbm>>) target(%dma_start3A_920 : memref<128x16xf32, #tpu.memory_space<vmem>>) offsets(%dma_start3A_922 : memref<128xi32, #tpu.memory_space<vmem>>) semaphore(%arg15 : memref<!tpu.dma_semaphore, #tpu.memory_space<semaphore_mem>>)
    %add3A_926 = arith.constant 9984 : i32
    %add3A_927 = arith.addi %mul3A_2, %add3A_926 : i32
    %dma_start3A_928 = tpu.memref_slice %arg2[%add3A_927] : memref<425984xi32, #tpu.memory_space<hbm>> -> memref<1664xi32, #tpu.memory_space<hbm>>
    %dma_start3A_929 = tpu.memref_slice %arg2[%add3A_927] : memref<425984xi32, #tpu.memory_space<hbm>> -> memref<1664xi32, #tpu.memory_space<hbm>>
    tpu.enqueue_dma source(%dma_start3A_929 : memref<1664xi32, #tpu.memory_space<hbm>>) target(%arg6 : memref<1664xi32, #tpu.memory_space<vmem>>) target_semaphore(%arg13 : memref<!tpu.dma_semaphore, #tpu.memory_space<semaphore_mem>>)
    %dma_wait3A_930 = arith.constant 0 : i32
    %dma_wait3A_931 = arith.constant 0 : i32
    %dma_wait3A_932 = tpu.memref_slice %arg12[%dma_wait3A_930, %dma_wait3A_931] : memref<1664x16xf32, #tpu.memory_space<vmem>> -> memref<128x16xf32, #tpu.memory_space<vmem>>
    %dma_wait3A_933 = arith.constant 0 : i32
    %dma_wait3A_934 = tpu.memref_slice %arg10[%dma_wait3A_933] : memref<1664xi32, #tpu.memory_space<vmem>> -> memref<128xi32, #tpu.memory_space<vmem>>
    %dma_wait3A_935 = arith.constant 0 : i32
    %dma_wait3A_936 = arith.constant 0 : i32
    %dma_wait3A_937 = tpu.memref_slice %arg3[%dma_wait3A_935, %dma_wait3A_936] : memref<1000012x16xf32, #tpu.memory_space<hbm>> -> memref<1000012x16xf32, #tpu.memory_space<hbm>>
    tpu.wait_indirect_dma semaphore(%arg16 : memref<!tpu.dma_semaphore, #tpu.memory_space<semaphore_mem>>) src(%dma_wait3A_937 : memref<1000012x16xf32, #tpu.memory_space<hbm>>) dst(%dma_wait3A_932 : memref<128x16xf32, #tpu.memory_space<vmem>>)
    %dma_wait3A_938 = arith.constant 128 : i32
    %dma_wait3A_939 = arith.constant 0 : i32
    %dma_wait3A_940 = tpu.memref_slice %arg12[%dma_wait3A_938, %dma_wait3A_939] : memref<1664x16xf32, #tpu.memory_space<vmem>> -> memref<128x16xf32, #tpu.memory_space<vmem>>
    %dma_wait3A_941 = arith.constant 128 : i32
    %dma_wait3A_942 = tpu.memref_slice %arg10[%dma_wait3A_941] : memref<1664xi32, #tpu.memory_space<vmem>> -> memref<128xi32, #tpu.memory_space<vmem>>
    %dma_wait3A_943 = arith.constant 0 : i32
    %dma_wait3A_944 = arith.constant 0 : i32
    %dma_wait3A_945 = tpu.memref_slice %arg3[%dma_wait3A_943, %dma_wait3A_944] : memref<1000012x16xf32, #tpu.memory_space<hbm>> -> memref<1000012x16xf32, #tpu.memory_space<hbm>>
    tpu.wait_indirect_dma semaphore(%arg16 : memref<!tpu.dma_semaphore, #tpu.memory_space<semaphore_mem>>) src(%dma_wait3A_945 : memref<1000012x16xf32, #tpu.memory_space<hbm>>) dst(%dma_wait3A_940 : memref<128x16xf32, #tpu.memory_space<vmem>>)
    %dma_wait3A_946 = arith.constant 256 : i32
    %dma_wait3A_947 = arith.constant 0 : i32
    %dma_wait3A_948 = tpu.memref_slice %arg12[%dma_wait3A_946, %dma_wait3A_947] : memref<1664x16xf32, #tpu.memory_space<vmem>> -> memref<128x16xf32, #tpu.memory_space<vmem>>
    %dma_wait3A_949 = arith.constant 256 : i32
    %dma_wait3A_950 = tpu.memref_slice %arg10[%dma_wait3A_949] : memref<1664xi32, #tpu.memory_space<vmem>> -> memref<128xi32, #tpu.memory_space<vmem>>
    %dma_wait3A_951 = arith.constant 0 : i32
    %dma_wait3A_952 = arith.constant 0 : i32
    %dma_wait3A_953 = tpu.memref_slice %arg3[%dma_wait3A_951, %dma_wait3A_952] : memref<1000012x16xf32, #tpu.memory_space<hbm>> -> memref<1000012x16xf32, #tpu.memory_space<hbm>>
    tpu.wait_indirect_dma semaphore(%arg16 : memref<!tpu.dma_semaphore, #tpu.memory_space<semaphore_mem>>) src(%dma_wait3A_953 : memref<1000012x16xf32, #tpu.memory_space<hbm>>) dst(%dma_wait3A_948 : memref<128x16xf32, #tpu.memory_space<vmem>>)
    %dma_wait3A_954 = arith.constant 384 : i32
    %dma_wait3A_955 = arith.constant 0 : i32
    %dma_wait3A_956 = tpu.memref_slice %arg12[%dma_wait3A_954, %dma_wait3A_955] : memref<1664x16xf32, #tpu.memory_space<vmem>> -> memref<128x16xf32, #tpu.memory_space<vmem>>
    %dma_wait3A_957 = arith.constant 384 : i32
    %dma_wait3A_958 = tpu.memref_slice %arg10[%dma_wait3A_957] : memref<1664xi32, #tpu.memory_space<vmem>> -> memref<128xi32, #tpu.memory_space<vmem>>
    %dma_wait3A_959 = arith.constant 0 : i32
    %dma_wait3A_960 = arith.constant 0 : i32
    %dma_wait3A_961 = tpu.memref_slice %arg3[%dma_wait3A_959, %dma_wait3A_960] : memref<1000012x16xf32, #tpu.memory_space<hbm>> -> memref<1000012x16xf32, #tpu.memory_space<hbm>>
    tpu.wait_indirect_dma semaphore(%arg16 : memref<!tpu.dma_semaphore, #tpu.memory_space<semaphore_mem>>) src(%dma_wait3A_961 : memref<1000012x16xf32, #tpu.memory_space<hbm>>) dst(%dma_wait3A_956 : memref<128x16xf32, #tpu.memory_space<vmem>>)
    %dma_wait3A_962 = arith.constant 512 : i32
    %dma_wait3A_963 = arith.constant 0 : i32
    %dma_wait3A_964 = tpu.memref_slice %arg12[%dma_wait3A_962, %dma_wait3A_963] : memref<1664x16xf32, #tpu.memory_space<vmem>> -> memref<128x16xf32, #tpu.memory_space<vmem>>
    %dma_wait3A_965 = arith.constant 512 : i32
    %dma_wait3A_966 = tpu.memref_slice %arg10[%dma_wait3A_965] : memref<1664xi32, #tpu.memory_space<vmem>> -> memref<128xi32, #tpu.memory_space<vmem>>
    %dma_wait3A_967 = arith.constant 0 : i32
    %dma_wait3A_968 = arith.constant 0 : i32
    %dma_wait3A_969 = tpu.memref_slice %arg3[%dma_wait3A_967, %dma_wait3A_968] : memref<1000012x16xf32, #tpu.memory_space<hbm>> -> memref<1000012x16xf32, #tpu.memory_space<hbm>>
    tpu.wait_indirect_dma semaphore(%arg16 : memref<!tpu.dma_semaphore, #tpu.memory_space<semaphore_mem>>) src(%dma_wait3A_969 : memref<1000012x16xf32, #tpu.memory_space<hbm>>) dst(%dma_wait3A_964 : memref<128x16xf32, #tpu.memory_space<vmem>>)
    %dma_wait3A_970 = arith.constant 640 : i32
    %dma_wait3A_971 = arith.constant 0 : i32
    %dma_wait3A_972 = tpu.memref_slice %arg12[%dma_wait3A_970, %dma_wait3A_971] : memref<1664x16xf32, #tpu.memory_space<vmem>> -> memref<128x16xf32, #tpu.memory_space<vmem>>
    %dma_wait3A_973 = arith.constant 640 : i32
    %dma_wait3A_974 = tpu.memref_slice %arg10[%dma_wait3A_973] : memref<1664xi32, #tpu.memory_space<vmem>> -> memref<128xi32, #tpu.memory_space<vmem>>
    %dma_wait3A_975 = arith.constant 0 : i32
    %dma_wait3A_976 = arith.constant 0 : i32
    %dma_wait3A_977 = tpu.memref_slice %arg3[%dma_wait3A_975, %dma_wait3A_976] : memref<1000012x16xf32, #tpu.memory_space<hbm>> -> memref<1000012x16xf32, #tpu.memory_space<hbm>>
    tpu.wait_indirect_dma semaphore(%arg16 : memref<!tpu.dma_semaphore, #tpu.memory_space<semaphore_mem>>) src(%dma_wait3A_977 : memref<1000012x16xf32, #tpu.memory_space<hbm>>) dst(%dma_wait3A_972 : memref<128x16xf32, #tpu.memory_space<vmem>>)
    %dma_wait3A_978 = arith.constant 768 : i32
    %dma_wait3A_979 = arith.constant 0 : i32
    %dma_wait3A_980 = tpu.memref_slice %arg12[%dma_wait3A_978, %dma_wait3A_979] : memref<1664x16xf32, #tpu.memory_space<vmem>> -> memref<128x16xf32, #tpu.memory_space<vmem>>
    %dma_wait3A_981 = arith.constant 768 : i32
    %dma_wait3A_982 = tpu.memref_slice %arg10[%dma_wait3A_981] : memref<1664xi32, #tpu.memory_space<vmem>> -> memref<128xi32, #tpu.memory_space<vmem>>
    %dma_wait3A_983 = arith.constant 0 : i32
    %dma_wait3A_984 = arith.constant 0 : i32
    %dma_wait3A_985 = tpu.memref_slice %arg3[%dma_wait3A_983, %dma_wait3A_984] : memref<1000012x16xf32, #tpu.memory_space<hbm>> -> memref<1000012x16xf32, #tpu.memory_space<hbm>>
    tpu.wait_indirect_dma semaphore(%arg16 : memref<!tpu.dma_semaphore, #tpu.memory_space<semaphore_mem>>) src(%dma_wait3A_985 : memref<1000012x16xf32, #tpu.memory_space<hbm>>) dst(%dma_wait3A_980 : memref<128x16xf32, #tpu.memory_space<vmem>>)
    %dma_wait3A_986 = arith.constant 896 : i32
    %dma_wait3A_987 = arith.constant 0 : i32
    %dma_wait3A_988 = tpu.memref_slice %arg12[%dma_wait3A_986, %dma_wait3A_987] : memref<1664x16xf32, #tpu.memory_space<vmem>> -> memref<128x16xf32, #tpu.memory_space<vmem>>
    %dma_wait3A_989 = arith.constant 896 : i32
    %dma_wait3A_990 = tpu.memref_slice %arg10[%dma_wait3A_989] : memref<1664xi32, #tpu.memory_space<vmem>> -> memref<128xi32, #tpu.memory_space<vmem>>
    %dma_wait3A_991 = arith.constant 0 : i32
    %dma_wait3A_992 = arith.constant 0 : i32
    %dma_wait3A_993 = tpu.memref_slice %arg3[%dma_wait3A_991, %dma_wait3A_992] : memref<1000012x16xf32, #tpu.memory_space<hbm>> -> memref<1000012x16xf32, #tpu.memory_space<hbm>>
    tpu.wait_indirect_dma semaphore(%arg16 : memref<!tpu.dma_semaphore, #tpu.memory_space<semaphore_mem>>) src(%dma_wait3A_993 : memref<1000012x16xf32, #tpu.memory_space<hbm>>) dst(%dma_wait3A_988 : memref<128x16xf32, #tpu.memory_space<vmem>>)
    %dma_wait3A_994 = arith.constant 1024 : i32
    %dma_wait3A_995 = arith.constant 0 : i32
    %dma_wait3A_996 = tpu.memref_slice %arg12[%dma_wait3A_994, %dma_wait3A_995] : memref<1664x16xf32, #tpu.memory_space<vmem>> -> memref<128x16xf32, #tpu.memory_space<vmem>>
    %dma_wait3A_997 = arith.constant 1024 : i32
    %dma_wait3A_998 = tpu.memref_slice %arg10[%dma_wait3A_997] : memref<1664xi32, #tpu.memory_space<vmem>> -> memref<128xi32, #tpu.memory_space<vmem>>
    %dma_wait3A_999 = arith.constant 0 : i32
    %dma_wait3A_1000 = arith.constant 0 : i32
    %dma_wait3A_1001 = tpu.memref_slice %arg3[%dma_wait3A_999, %dma_wait3A_1000] : memref<1000012x16xf32, #tpu.memory_space<hbm>> -> memref<1000012x16xf32, #tpu.memory_space<hbm>>
    tpu.wait_indirect_dma semaphore(%arg16 : memref<!tpu.dma_semaphore, #tpu.memory_space<semaphore_mem>>) src(%dma_wait3A_1001 : memref<1000012x16xf32, #tpu.memory_space<hbm>>) dst(%dma_wait3A_996 : memref<128x16xf32, #tpu.memory_space<vmem>>)
    %dma_wait3A_1002 = arith.constant 1152 : i32
    %dma_wait3A_1003 = arith.constant 0 : i32
    %dma_wait3A_1004 = tpu.memref_slice %arg12[%dma_wait3A_1002, %dma_wait3A_1003] : memref<1664x16xf32, #tpu.memory_space<vmem>> -> memref<128x16xf32, #tpu.memory_space<vmem>>
    %dma_wait3A_1005 = arith.constant 1152 : i32
    %dma_wait3A_1006 = tpu.memref_slice %arg10[%dma_wait3A_1005] : memref<1664xi32, #tpu.memory_space<vmem>> -> memref<128xi32, #tpu.memory_space<vmem>>
    %dma_wait3A_1007 = arith.constant 0 : i32
    %dma_wait3A_1008 = arith.constant 0 : i32
    %dma_wait3A_1009 = tpu.memref_slice %arg3[%dma_wait3A_1007, %dma_wait3A_1008] : memref<1000012x16xf32, #tpu.memory_space<hbm>> -> memref<1000012x16xf32, #tpu.memory_space<hbm>>
    tpu.wait_indirect_dma semaphore(%arg16 : memref<!tpu.dma_semaphore, #tpu.memory_space<semaphore_mem>>) src(%dma_wait3A_1009 : memref<1000012x16xf32, #tpu.memory_space<hbm>>) dst(%dma_wait3A_1004 : memref<128x16xf32, #tpu.memory_space<vmem>>)
    %dma_wait3A_1010 = arith.constant 1280 : i32
    %dma_wait3A_1011 = arith.constant 0 : i32
    %dma_wait3A_1012 = tpu.memref_slice %arg12[%dma_wait3A_1010, %dma_wait3A_1011] : memref<1664x16xf32, #tpu.memory_space<vmem>> -> memref<128x16xf32, #tpu.memory_space<vmem>>
    %dma_wait3A_1013 = arith.constant 1280 : i32
    %dma_wait3A_1014 = tpu.memref_slice %arg10[%dma_wait3A_1013] : memref<1664xi32, #tpu.memory_space<vmem>> -> memref<128xi32, #tpu.memory_space<vmem>>
    %dma_wait3A_1015 = arith.constant 0 : i32
    %dma_wait3A_1016 = arith.constant 0 : i32
    %dma_wait3A_1017 = tpu.memref_slice %arg3[%dma_wait3A_1015, %dma_wait3A_1016] : memref<1000012x16xf32, #tpu.memory_space<hbm>> -> memref<1000012x16xf32, #tpu.memory_space<hbm>>
    tpu.wait_indirect_dma semaphore(%arg16 : memref<!tpu.dma_semaphore, #tpu.memory_space<semaphore_mem>>) src(%dma_wait3A_1017 : memref<1000012x16xf32, #tpu.memory_space<hbm>>) dst(%dma_wait3A_1012 : memref<128x16xf32, #tpu.memory_space<vmem>>)
    %dma_wait3A_1018 = arith.constant 1408 : i32
    %dma_wait3A_1019 = arith.constant 0 : i32
    %dma_wait3A_1020 = tpu.memref_slice %arg12[%dma_wait3A_1018, %dma_wait3A_1019] : memref<1664x16xf32, #tpu.memory_space<vmem>> -> memref<128x16xf32, #tpu.memory_space<vmem>>
    %dma_wait3A_1021 = arith.constant 1408 : i32
    %dma_wait3A_1022 = tpu.memref_slice %arg10[%dma_wait3A_1021] : memref<1664xi32, #tpu.memory_space<vmem>> -> memref<128xi32, #tpu.memory_space<vmem>>
    %dma_wait3A_1023 = arith.constant 0 : i32
    %dma_wait3A_1024 = arith.constant 0 : i32
    %dma_wait3A_1025 = tpu.memref_slice %arg3[%dma_wait3A_1023, %dma_wait3A_1024] : memref<1000012x16xf32, #tpu.memory_space<hbm>> -> memref<1000012x16xf32, #tpu.memory_space<hbm>>
    tpu.wait_indirect_dma semaphore(%arg16 : memref<!tpu.dma_semaphore, #tpu.memory_space<semaphore_mem>>) src(%dma_wait3A_1025 : memref<1000012x16xf32, #tpu.memory_space<hbm>>) dst(%dma_wait3A_1020 : memref<128x16xf32, #tpu.memory_space<vmem>>)
    %dma_wait3A_1026 = arith.constant 1536 : i32
    %dma_wait3A_1027 = arith.constant 0 : i32
    %dma_wait3A_1028 = tpu.memref_slice %arg12[%dma_wait3A_1026, %dma_wait3A_1027] : memref<1664x16xf32, #tpu.memory_space<vmem>> -> memref<128x16xf32, #tpu.memory_space<vmem>>
    %dma_wait3A_1029 = arith.constant 1536 : i32
    %dma_wait3A_1030 = tpu.memref_slice %arg10[%dma_wait3A_1029] : memref<1664xi32, #tpu.memory_space<vmem>> -> memref<128xi32, #tpu.memory_space<vmem>>
    %dma_wait3A_1031 = arith.constant 0 : i32
    %dma_wait3A_1032 = arith.constant 0 : i32
    %dma_wait3A_1033 = tpu.memref_slice %arg3[%dma_wait3A_1031, %dma_wait3A_1032] : memref<1000012x16xf32, #tpu.memory_space<hbm>> -> memref<1000012x16xf32, #tpu.memory_space<hbm>>
    tpu.wait_indirect_dma semaphore(%arg16 : memref<!tpu.dma_semaphore, #tpu.memory_space<semaphore_mem>>) src(%dma_wait3A_1033 : memref<1000012x16xf32, #tpu.memory_space<hbm>>) dst(%dma_wait3A_1028 : memref<128x16xf32, #tpu.memory_space<vmem>>)
    %add3A_1034 = arith.constant 4992 : i32
    %add3A_1035 = arith.addi %mul3A_2, %add3A_1034 : i32
    %dma_start3A_1036 = arith.constant 0 : i32
    %dma_start3A_1037 = tpu.memref_slice %arg5[%add3A_1035, %dma_start3A_1036] : memref<425984x16xf32, #tpu.memory_space<hbm>> -> memref<1664x16xf32, #tpu.memory_space<hbm>>
    %dma_start3A_1038 = arith.constant 0 : i32
    %dma_start3A_1039 = tpu.memref_slice %arg5[%add3A_1035, %dma_start3A_1038] : memref<425984x16xf32, #tpu.memory_space<hbm>> -> memref<1664x16xf32, #tpu.memory_space<hbm>>
    tpu.enqueue_dma source(%arg12 : memref<1664x16xf32, #tpu.memory_space<vmem>>) target(%dma_start3A_1039 : memref<1664x16xf32, #tpu.memory_space<hbm>>) target_semaphore(%arg18 : memref<!tpu.dma_semaphore, #tpu.memory_space<semaphore_mem>>)
    %dma_wait3A_1040 = tpu.memref_slice %arg2[%add3A_697] : memref<425984xi32, #tpu.memory_space<hbm>> -> memref<1664xi32, #tpu.memory_space<hbm>>
    %dma_wait3A_1041 = tpu.memref_slice %arg2[%add3A_697] : memref<425984xi32, #tpu.memory_space<hbm>> -> memref<1664xi32, #tpu.memory_space<hbm>>
    tpu.wait_dma2 semaphore(%arg14 : memref<!tpu.dma_semaphore, #tpu.memory_space<semaphore_mem>>) src(%dma_wait3A_1041 : memref<1664xi32, #tpu.memory_space<hbm>>) dst(%arg7 : memref<1664xi32, #tpu.memory_space<vmem>>)
    %scan3A_1042 = arith.constant 0 : i32
    %scan3A_1043 = arith.constant 0 : i32
    %scan3A_1044 = arith.constant 8 : i32
    %scan3A_1045 = arith.addi %scan3A_1043, %scan3A_1044 : i32
    %scan3A_1046 = arith.constant 1 : i32
    scf.for %scan3A_1840 = %scan3A_1043 to %scan3A_1045 step %scan3A_1046  : i32 {
      %mul3A_1841 = arith.constant 208 : i32
      %mul3A_1842 = arith.muli %scan3A_1840, %mul3A_1841 : i32
      %add3A_1843 = arith.constant 0 : i32
      %add3A_1844 = arith.addi %mul3A_1842, %add3A_1843 : i32
      %get3A = arith.index_cast %add3A_1844 : i32 to index
      %get3A_1845 = tpu.vector_load %arg7[%get3A] {strides = array<i32>} : memref<1664xi32, #tpu.memory_space<vmem>>, vector<16xi32>,
      %get3A_1846 = vector.shape_cast %get3A_1845 : vector<16xi32> to vector<16xi32>
      %get3A_1847 = arith.constant 0 : index
      %get3A_1848 = tpu.vector_load %arg8[%get3A_1847] {strides = array<i32>} : memref<208xi32, #tpu.memory_space<vmem>>, vector<16xi32>,
      %get3A_1849 = vector.shape_cast %get3A_1848 : vector<16xi32> to vector<16xi32>
      %add3A_1850 = arith.addi %get3A_1846, %get3A_1849 : vector<16xi32>
      %swap3A = arith.index_cast %add3A_1844 : i32 to index
      %swap3A_1851 = tpu.vector_load %arg10[%swap3A] {strides = array<i32>} : memref<1664xi32, #tpu.memory_space<vmem>>, vector<16xi32>,
      %swap3A_1852 = vector.shape_cast %swap3A_1851 : vector<16xi32> to vector<16xi32>
      %swap3A_1853 = vector.shape_cast %add3A_1850 : vector<16xi32> to vector<16xi32>
      tpu.vector_store %arg10[%swap3A], %swap3A_1853 {strides = array<i32>} : memref<1664xi32, #tpu.memory_space<vmem>>, vector<16xi32>,
      %add3A_1854 = arith.constant 16 : i32
      %add3A_1855 = arith.addi %mul3A_1842, %add3A_1854 : i32
      %get3A_1856 = arith.index_cast %add3A_1855 : i32 to index
      %get3A_1857 = tpu.vector_load %arg7[%get3A_1856] {strides = array<i32>} : memref<1664xi32, #tpu.memory_space<vmem>>, vector<16xi32>,
      %get3A_1858 = vector.shape_cast %get3A_1857 : vector<16xi32> to vector<16xi32>
      %get3A_1859 = arith.constant 16 : index
      %get3A_1860 = tpu.vector_load %arg8[%get3A_1859] {strides = array<i32>} : memref<208xi32, #tpu.memory_space<vmem>>, vector<16xi32>,
      %get3A_1861 = vector.shape_cast %get3A_1860 : vector<16xi32> to vector<16xi32>
      %add3A_1862 = arith.addi %get3A_1858, %get3A_1861 : vector<16xi32>
      %swap3A_1863 = arith.index_cast %add3A_1855 : i32 to index
      %swap3A_1864 = tpu.vector_load %arg10[%swap3A_1863] {strides = array<i32>} : memref<1664xi32, #tpu.memory_space<vmem>>, vector<16xi32>,
      %swap3A_1865 = vector.shape_cast %swap3A_1864 : vector<16xi32> to vector<16xi32>
      %swap3A_1866 = vector.shape_cast %add3A_1862 : vector<16xi32> to vector<16xi32>
      tpu.vector_store %arg10[%swap3A_1863], %swap3A_1866 {strides = array<i32>} : memref<1664xi32, #tpu.memory_space<vmem>>, vector<16xi32>,
      %add3A_1867 = arith.constant 32 : i32
      %add3A_1868 = arith.addi %mul3A_1842, %add3A_1867 : i32
      %get3A_1869 = arith.index_cast %add3A_1868 : i32 to index
      %get3A_1870 = tpu.vector_load %arg7[%get3A_1869] {strides = array<i32>} : memref<1664xi32, #tpu.memory_space<vmem>>, vector<16xi32>,
      %get3A_1871 = vector.shape_cast %get3A_1870 : vector<16xi32> to vector<16xi32>
      %get3A_1872 = arith.constant 32 : index
      %get3A_1873 = tpu.vector_load %arg8[%get3A_1872] {strides = array<i32>} : memref<208xi32, #tpu.memory_space<vmem>>, vector<16xi32>,
      %get3A_1874 = vector.shape_cast %get3A_1873 : vector<16xi32> to vector<16xi32>
      %add3A_1875 = arith.addi %get3A_1871, %get3A_1874 : vector<16xi32>
      %swap3A_1876 = arith.index_cast %add3A_1868 : i32 to index
      %swap3A_1877 = tpu.vector_load %arg10[%swap3A_1876] {strides = array<i32>} : memref<1664xi32, #tpu.memory_space<vmem>>, vector<16xi32>,
      %swap3A_1878 = vector.shape_cast %swap3A_1877 : vector<16xi32> to vector<16xi32>
      %swap3A_1879 = vector.shape_cast %add3A_1875 : vector<16xi32> to vector<16xi32>
      tpu.vector_store %arg10[%swap3A_1876], %swap3A_1879 {strides = array<i32>} : memref<1664xi32, #tpu.memory_space<vmem>>, vector<16xi32>,
      %add3A_1880 = arith.constant 48 : i32
      %add3A_1881 = arith.addi %mul3A_1842, %add3A_1880 : i32
      %get3A_1882 = arith.index_cast %add3A_1881 : i32 to index
      %get3A_1883 = tpu.vector_load %arg7[%get3A_1882] {strides = array<i32>} : memref<1664xi32, #tpu.memory_space<vmem>>, vector<16xi32>,
      %get3A_1884 = vector.shape_cast %get3A_1883 : vector<16xi32> to vector<16xi32>
      %get3A_1885 = arith.constant 48 : index
      %get3A_1886 = tpu.vector_load %arg8[%get3A_1885] {strides = array<i32>} : memref<208xi32, #tpu.memory_space<vmem>>, vector<16xi32>,
      %get3A_1887 = vector.shape_cast %get3A_1886 : vector<16xi32> to vector<16xi32>
      %add3A_1888 = arith.addi %get3A_1884, %get3A_1887 : vector<16xi32>
      %swap3A_1889 = arith.index_cast %add3A_1881 : i32 to index
      %swap3A_1890 = tpu.vector_load %arg10[%swap3A_1889] {strides = array<i32>} : memref<1664xi32, #tpu.memory_space<vmem>>, vector<16xi32>,
      %swap3A_1891 = vector.shape_cast %swap3A_1890 : vector<16xi32> to vector<16xi32>
      %swap3A_1892 = vector.shape_cast %add3A_1888 : vector<16xi32> to vector<16xi32>
      tpu.vector_store %arg10[%swap3A_1889], %swap3A_1892 {strides = array<i32>} : memref<1664xi32, #tpu.memory_space<vmem>>, vector<16xi32>,
      %add3A_1893 = arith.constant 64 : i32
      %add3A_1894 = arith.addi %mul3A_1842, %add3A_1893 : i32
      %get3A_1895 = arith.index_cast %add3A_1894 : i32 to index
      %get3A_1896 = tpu.vector_load %arg7[%get3A_1895] {strides = array<i32>} : memref<1664xi32, #tpu.memory_space<vmem>>, vector<16xi32>,
      %get3A_1897 = vector.shape_cast %get3A_1896 : vector<16xi32> to vector<16xi32>
      %get3A_1898 = arith.constant 64 : index
      %get3A_1899 = tpu.vector_load %arg8[%get3A_1898] {strides = array<i32>} : memref<208xi32, #tpu.memory_space<vmem>>, vector<16xi32>,
      %get3A_1900 = vector.shape_cast %get3A_1899 : vector<16xi32> to vector<16xi32>
      %add3A_1901 = arith.addi %get3A_1897, %get3A_1900 : vector<16xi32>
      %swap3A_1902 = arith.index_cast %add3A_1894 : i32 to index
      %swap3A_1903 = tpu.vector_load %arg10[%swap3A_1902] {strides = array<i32>} : memref<1664xi32, #tpu.memory_space<vmem>>, vector<16xi32>,
      %swap3A_1904 = vector.shape_cast %swap3A_1903 : vector<16xi32> to vector<16xi32>
      %swap3A_1905 = vector.shape_cast %add3A_1901 : vector<16xi32> to vector<16xi32>
      tpu.vector_store %arg10[%swap3A_1902], %swap3A_1905 {strides = array<i32>} : memref<1664xi32, #tpu.memory_space<vmem>>, vector<16xi32>,
      %add3A_1906 = arith.constant 80 : i32
      %add3A_1907 = arith.addi %mul3A_1842, %add3A_1906 : i32
      %get3A_1908 = arith.index_cast %add3A_1907 : i32 to index
      %get3A_1909 = tpu.vector_load %arg7[%get3A_1908] {strides = array<i32>} : memref<1664xi32, #tpu.memory_space<vmem>>, vector<16xi32>,
      %get3A_1910 = vector.shape_cast %get3A_1909 : vector<16xi32> to vector<16xi32>
      %get3A_1911 = arith.constant 80 : index
      %get3A_1912 = tpu.vector_load %arg8[%get3A_1911] {strides = array<i32>} : memref<208xi32, #tpu.memory_space<vmem>>, vector<16xi32>,
      %get3A_1913 = vector.shape_cast %get3A_1912 : vector<16xi32> to vector<16xi32>
      %add3A_1914 = arith.addi %get3A_1910, %get3A_1913 : vector<16xi32>
      %swap3A_1915 = arith.index_cast %add3A_1907 : i32 to index
      %swap3A_1916 = tpu.vector_load %arg10[%swap3A_1915] {strides = array<i32>} : memref<1664xi32, #tpu.memory_space<vmem>>, vector<16xi32>,
      %swap3A_1917 = vector.shape_cast %swap3A_1916 : vector<16xi32> to vector<16xi32>
      %swap3A_1918 = vector.shape_cast %add3A_1914 : vector<16xi32> to vector<16xi32>
      tpu.vector_store %arg10[%swap3A_1915], %swap3A_1918 {strides = array<i32>} : memref<1664xi32, #tpu.memory_space<vmem>>, vector<16xi32>,
      %add3A_1919 = arith.constant 96 : i32
      %add3A_1920 = arith.addi %mul3A_1842, %add3A_1919 : i32
      %get3A_1921 = arith.index_cast %add3A_1920 : i32 to index
      %get3A_1922 = tpu.vector_load %arg7[%get3A_1921] {strides = array<i32>} : memref<1664xi32, #tpu.memory_space<vmem>>, vector<16xi32>,
      %get3A_1923 = vector.shape_cast %get3A_1922 : vector<16xi32> to vector<16xi32>
      %get3A_1924 = arith.constant 96 : index
      %get3A_1925 = tpu.vector_load %arg8[%get3A_1924] {strides = array<i32>} : memref<208xi32, #tpu.memory_space<vmem>>, vector<16xi32>,
      %get3A_1926 = vector.shape_cast %get3A_1925 : vector<16xi32> to vector<16xi32>
      %add3A_1927 = arith.addi %get3A_1923, %get3A_1926 : vector<16xi32>
      %swap3A_1928 = arith.index_cast %add3A_1920 : i32 to index
      %swap3A_1929 = tpu.vector_load %arg10[%swap3A_1928] {strides = array<i32>} : memref<1664xi32, #tpu.memory_space<vmem>>, vector<16xi32>,
      %swap3A_1930 = vector.shape_cast %swap3A_1929 : vector<16xi32> to vector<16xi32>
      %swap3A_1931 = vector.shape_cast %add3A_1927 : vector<16xi32> to vector<16xi32>
      tpu.vector_store %arg10[%swap3A_1928], %swap3A_1931 {strides = array<i32>} : memref<1664xi32, #tpu.memory_space<vmem>>, vector<16xi32>,
      %add3A_1932 = arith.constant 112 : i32
      %add3A_1933 = arith.addi %mul3A_1842, %add3A_1932 : i32
      %get3A_1934 = arith.index_cast %add3A_1933 : i32 to index
      %get3A_1935 = tpu.vector_load %arg7[%get3A_1934] {strides = array<i32>} : memref<1664xi32, #tpu.memory_space<vmem>>, vector<16xi32>,
      %get3A_1936 = vector.shape_cast %get3A_1935 : vector<16xi32> to vector<16xi32>
      %get3A_1937 = arith.constant 112 : index
      %get3A_1938 = tpu.vector_load %arg8[%get3A_1937] {strides = array<i32>} : memref<208xi32, #tpu.memory_space<vmem>>, vector<16xi32>,
      %get3A_1939 = vector.shape_cast %get3A_1938 : vector<16xi32> to vector<16xi32>
      %add3A_1940 = arith.addi %get3A_1936, %get3A_1939 : vector<16xi32>
      %swap3A_1941 = arith.index_cast %add3A_1933 : i32 to index
      %swap3A_1942 = tpu.vector_load %arg10[%swap3A_1941] {strides = array<i32>} : memref<1664xi32, #tpu.memory_space<vmem>>, vector<16xi32>,
      %swap3A_1943 = vector.shape_cast %swap3A_1942 : vector<16xi32> to vector<16xi32>
      %swap3A_1944 = vector.shape_cast %add3A_1940 : vector<16xi32> to vector<16xi32>
      tpu.vector_store %arg10[%swap3A_1941], %swap3A_1944 {strides = array<i32>} : memref<1664xi32, #tpu.memory_space<vmem>>, vector<16xi32>,
      %add3A_1945 = arith.constant 128 : i32
      %add3A_1946 = arith.addi %mul3A_1842, %add3A_1945 : i32
      %get3A_1947 = arith.index_cast %add3A_1946 : i32 to index
      %get3A_1948 = tpu.vector_load %arg7[%get3A_1947] {strides = array<i32>} : memref<1664xi32, #tpu.memory_space<vmem>>, vector<16xi32>,
      %get3A_1949 = vector.shape_cast %get3A_1948 : vector<16xi32> to vector<16xi32>
      %get3A_1950 = arith.constant 128 : index
      %get3A_1951 = tpu.vector_load %arg8[%get3A_1950] {strides = array<i32>} : memref<208xi32, #tpu.memory_space<vmem>>, vector<16xi32>,
      %get3A_1952 = vector.shape_cast %get3A_1951 : vector<16xi32> to vector<16xi32>
      %add3A_1953 = arith.addi %get3A_1949, %get3A_1952 : vector<16xi32>
      %swap3A_1954 = arith.index_cast %add3A_1946 : i32 to index
      %swap3A_1955 = tpu.vector_load %arg10[%swap3A_1954] {strides = array<i32>} : memref<1664xi32, #tpu.memory_space<vmem>>, vector<16xi32>,
      %swap3A_1956 = vector.shape_cast %swap3A_1955 : vector<16xi32> to vector<16xi32>
      %swap3A_1957 = vector.shape_cast %add3A_1953 : vector<16xi32> to vector<16xi32>
      tpu.vector_store %arg10[%swap3A_1954], %swap3A_1957 {strides = array<i32>} : memref<1664xi32, #tpu.memory_space<vmem>>, vector<16xi32>,
      %add3A_1958 = arith.constant 144 : i32
      %add3A_1959 = arith.addi %mul3A_1842, %add3A_1958 : i32
      %get3A_1960 = arith.index_cast %add3A_1959 : i32 to index
      %get3A_1961 = tpu.vector_load %arg7[%get3A_1960] {strides = array<i32>} : memref<1664xi32, #tpu.memory_space<vmem>>, vector<16xi32>,
      %get3A_1962 = vector.shape_cast %get3A_1961 : vector<16xi32> to vector<16xi32>
      %get3A_1963 = arith.constant 144 : index
      %get3A_1964 = tpu.vector_load %arg8[%get3A_1963] {strides = array<i32>} : memref<208xi32, #tpu.memory_space<vmem>>, vector<16xi32>,
      %get3A_1965 = vector.shape_cast %get3A_1964 : vector<16xi32> to vector<16xi32>
      %add3A_1966 = arith.addi %get3A_1962, %get3A_1965 : vector<16xi32>
      %swap3A_1967 = arith.index_cast %add3A_1959 : i32 to index
      %swap3A_1968 = tpu.vector_load %arg10[%swap3A_1967] {strides = array<i32>} : memref<1664xi32, #tpu.memory_space<vmem>>, vector<16xi32>,
      %swap3A_1969 = vector.shape_cast %swap3A_1968 : vector<16xi32> to vector<16xi32>
      %swap3A_1970 = vector.shape_cast %add3A_1966 : vector<16xi32> to vector<16xi32>
      tpu.vector_store %arg10[%swap3A_1967], %swap3A_1970 {strides = array<i32>} : memref<1664xi32, #tpu.memory_space<vmem>>, vector<16xi32>,
      %add3A_1971 = arith.constant 160 : i32
      %add3A_1972 = arith.addi %mul3A_1842, %add3A_1971 : i32
      %get3A_1973 = arith.index_cast %add3A_1972 : i32 to index
      %get3A_1974 = tpu.vector_load %arg7[%get3A_1973] {strides = array<i32>} : memref<1664xi32, #tpu.memory_space<vmem>>, vector<16xi32>,
      %get3A_1975 = vector.shape_cast %get3A_1974 : vector<16xi32> to vector<16xi32>
      %get3A_1976 = arith.constant 160 : index
      %get3A_1977 = tpu.vector_load %arg8[%get3A_1976] {strides = array<i32>} : memref<208xi32, #tpu.memory_space<vmem>>, vector<16xi32>,
      %get3A_1978 = vector.shape_cast %get3A_1977 : vector<16xi32> to vector<16xi32>
      %add3A_1979 = arith.addi %get3A_1975, %get3A_1978 : vector<16xi32>
      %swap3A_1980 = arith.index_cast %add3A_1972 : i32 to index
      %swap3A_1981 = tpu.vector_load %arg10[%swap3A_1980] {strides = array<i32>} : memref<1664xi32, #tpu.memory_space<vmem>>, vector<16xi32>,
      %swap3A_1982 = vector.shape_cast %swap3A_1981 : vector<16xi32> to vector<16xi32>
      %swap3A_1983 = vector.shape_cast %add3A_1979 : vector<16xi32> to vector<16xi32>
      tpu.vector_store %arg10[%swap3A_1980], %swap3A_1983 {strides = array<i32>} : memref<1664xi32, #tpu.memory_space<vmem>>, vector<16xi32>,
      %add3A_1984 = arith.constant 176 : i32
      %add3A_1985 = arith.addi %mul3A_1842, %add3A_1984 : i32
      %get3A_1986 = arith.index_cast %add3A_1985 : i32 to index
      %get3A_1987 = tpu.vector_load %arg7[%get3A_1986] {strides = array<i32>} : memref<1664xi32, #tpu.memory_space<vmem>>, vector<16xi32>,
      %get3A_1988 = vector.shape_cast %get3A_1987 : vector<16xi32> to vector<16xi32>
      %get3A_1989 = arith.constant 176 : index
      %get3A_1990 = tpu.vector_load %arg8[%get3A_1989] {strides = array<i32>} : memref<208xi32, #tpu.memory_space<vmem>>, vector<16xi32>,
      %get3A_1991 = vector.shape_cast %get3A_1990 : vector<16xi32> to vector<16xi32>
      %add3A_1992 = arith.addi %get3A_1988, %get3A_1991 : vector<16xi32>
      %swap3A_1993 = arith.index_cast %add3A_1985 : i32 to index
      %swap3A_1994 = tpu.vector_load %arg10[%swap3A_1993] {strides = array<i32>} : memref<1664xi32, #tpu.memory_space<vmem>>, vector<16xi32>,
      %swap3A_1995 = vector.shape_cast %swap3A_1994 : vector<16xi32> to vector<16xi32>
      %swap3A_1996 = vector.shape_cast %add3A_1992 : vector<16xi32> to vector<16xi32>
      tpu.vector_store %arg10[%swap3A_1993], %swap3A_1996 {strides = array<i32>} : memref<1664xi32, #tpu.memory_space<vmem>>, vector<16xi32>,
      %add3A_1997 = arith.constant 192 : i32
      %add3A_1998 = arith.addi %mul3A_1842, %add3A_1997 : i32
      %get3A_1999 = arith.index_cast %add3A_1998 : i32 to index
      %get3A_2000 = tpu.vector_load %arg7[%get3A_1999] {strides = array<i32>} : memref<1664xi32, #tpu.memory_space<vmem>>, vector<16xi32>,
      %get3A_2001 = vector.shape_cast %get3A_2000 : vector<16xi32> to vector<16xi32>
      %get3A_2002 = arith.constant 192 : index
      %get3A_2003 = tpu.vector_load %arg8[%get3A_2002] {strides = array<i32>} : memref<208xi32, #tpu.memory_space<vmem>>, vector<16xi32>,
      %get3A_2004 = vector.shape_cast %get3A_2003 : vector<16xi32> to vector<16xi32>
      %add3A_2005 = arith.addi %get3A_2001, %get3A_2004 : vector<16xi32>
      %swap3A_2006 = arith.index_cast %add3A_1998 : i32 to index
      %swap3A_2007 = tpu.vector_load %arg10[%swap3A_2006] {strides = array<i32>} : memref<1664xi32, #tpu.memory_space<vmem>>, vector<16xi32>,
      %swap3A_2008 = vector.shape_cast %swap3A_2007 : vector<16xi32> to vector<16xi32>
      %swap3A_2009 = vector.shape_cast %add3A_2005 : vector<16xi32> to vector<16xi32>
      tpu.vector_store %arg10[%swap3A_2006], %swap3A_2009 {strides = array<i32>} : memref<1664xi32, #tpu.memory_space<vmem>>, vector<16xi32>,
    }
    %scan3A_1047 = arith.constant 8 : i32
    %dma_wait3A_1048 = arith.constant 0 : i32
    %dma_wait3A_1049 = tpu.memref_slice %arg5[%add3A_1035, %dma_wait3A_1048] : memref<425984x16xf32, #tpu.memory_space<hbm>> -> memref<1664x16xf32, #tpu.memory_space<hbm>>
    %dma_wait3A_1050 = arith.constant 0 : i32
    %dma_wait3A_1051 = tpu.memref_slice %arg5[%add3A_1035, %dma_wait3A_1050] : memref<425984x16xf32, #tpu.memory_space<hbm>> -> memref<1664x16xf32, #tpu.memory_space<hbm>>
    tpu.wait_dma2 semaphore(%arg18 : memref<!tpu.dma_semaphore, #tpu.memory_space<semaphore_mem>>) src(%arg12 : memref<1664x16xf32, #tpu.memory_space<vmem>>) dst(%dma_wait3A_1051 : memref<1664x16xf32, #tpu.memory_space<hbm>>)
    %dma_start3A_1052 = arith.constant 0 : i32
    %dma_start3A_1053 = arith.constant 0 : i32
    %dma_start3A_1054 = tpu.memref_slice %arg12[%dma_start3A_1052, %dma_start3A_1053] : memref<1664x16xf32, #tpu.memory_space<vmem>> -> memref<128x16xf32, #tpu.memory_space<vmem>>
    %dma_start3A_1055 = arith.constant 0 : i32
    %dma_start3A_1056 = tpu.memref_slice %arg10[%dma_start3A_1055] : memref<1664xi32, #tpu.memory_space<vmem>> -> memref<128xi32, #tpu.memory_space<vmem>>
    %dma_start3A_1057 = arith.constant 0 : i32
    %dma_start3A_1058 = arith.constant 0 : i32
    %dma_start3A_1059 = tpu.memref_slice %arg3[%dma_start3A_1057, %dma_start3A_1058] : memref<1000012x16xf32, #tpu.memory_space<hbm>> -> memref<1000012x16xf32, #tpu.memory_space<hbm>>
    tpu.enqueue_indirect_dma source(%dma_start3A_1059 : memref<1000012x16xf32, #tpu.memory_space<hbm>>) target(%dma_start3A_1054 : memref<128x16xf32, #tpu.memory_space<vmem>>) offsets(%dma_start3A_1056 : memref<128xi32, #tpu.memory_space<vmem>>) semaphore(%arg16 : memref<!tpu.dma_semaphore, #tpu.memory_space<semaphore_mem>>)
    %dma_start3A_1060 = arith.constant 128 : i32
    %dma_start3A_1061 = arith.constant 0 : i32
    %dma_start3A_1062 = tpu.memref_slice %arg12[%dma_start3A_1060, %dma_start3A_1061] : memref<1664x16xf32, #tpu.memory_space<vmem>> -> memref<128x16xf32, #tpu.memory_space<vmem>>
    %dma_start3A_1063 = arith.constant 128 : i32
    %dma_start3A_1064 = tpu.memref_slice %arg10[%dma_start3A_1063] : memref<1664xi32, #tpu.memory_space<vmem>> -> memref<128xi32, #tpu.memory_space<vmem>>
    %dma_start3A_1065 = arith.constant 0 : i32
    %dma_start3A_1066 = arith.constant 0 : i32
    %dma_start3A_1067 = tpu.memref_slice %arg3[%dma_start3A_1065, %dma_start3A_1066] : memref<1000012x16xf32, #tpu.memory_space<hbm>> -> memref<1000012x16xf32, #tpu.memory_space<hbm>>
    tpu.enqueue_indirect_dma source(%dma_start3A_1067 : memref<1000012x16xf32, #tpu.memory_space<hbm>>) target(%dma_start3A_1062 : memref<128x16xf32, #tpu.memory_space<vmem>>) offsets(%dma_start3A_1064 : memref<128xi32, #tpu.memory_space<vmem>>) semaphore(%arg16 : memref<!tpu.dma_semaphore, #tpu.memory_space<semaphore_mem>>)
    %dma_start3A_1068 = arith.constant 256 : i32
    %dma_start3A_1069 = arith.constant 0 : i32
    %dma_start3A_1070 = tpu.memref_slice %arg12[%dma_start3A_1068, %dma_start3A_1069] : memref<1664x16xf32, #tpu.memory_space<vmem>> -> memref<128x16xf32, #tpu.memory_space<vmem>>
    %dma_start3A_1071 = arith.constant 256 : i32
    %dma_start3A_1072 = tpu.memref_slice %arg10[%dma_start3A_1071] : memref<1664xi32, #tpu.memory_space<vmem>> -> memref<128xi32, #tpu.memory_space<vmem>>
    %dma_start3A_1073 = arith.constant 0 : i32
    %dma_start3A_1074 = arith.constant 0 : i32
    %dma_start3A_1075 = tpu.memref_slice %arg3[%dma_start3A_1073, %dma_start3A_1074] : memref<1000012x16xf32, #tpu.memory_space<hbm>> -> memref<1000012x16xf32, #tpu.memory_space<hbm>>
    tpu.enqueue_indirect_dma source(%dma_start3A_1075 : memref<1000012x16xf32, #tpu.memory_space<hbm>>) target(%dma_start3A_1070 : memref<128x16xf32, #tpu.memory_space<vmem>>) offsets(%dma_start3A_1072 : memref<128xi32, #tpu.memory_space<vmem>>) semaphore(%arg16 : memref<!tpu.dma_semaphore, #tpu.memory_space<semaphore_mem>>)
    %dma_start3A_1076 = arith.constant 384 : i32
    %dma_start3A_1077 = arith.constant 0 : i32
    %dma_start3A_1078 = tpu.memref_slice %arg12[%dma_start3A_1076, %dma_start3A_1077] : memref<1664x16xf32, #tpu.memory_space<vmem>> -> memref<128x16xf32, #tpu.memory_space<vmem>>
    %dma_start3A_1079 = arith.constant 384 : i32
    %dma_start3A_1080 = tpu.memref_slice %arg10[%dma_start3A_1079] : memref<1664xi32, #tpu.memory_space<vmem>> -> memref<128xi32, #tpu.memory_space<vmem>>
    %dma_start3A_1081 = arith.constant 0 : i32
    %dma_start3A_1082 = arith.constant 0 : i32
    %dma_start3A_1083 = tpu.memref_slice %arg3[%dma_start3A_1081, %dma_start3A_1082] : memref<1000012x16xf32, #tpu.memory_space<hbm>> -> memref<1000012x16xf32, #tpu.memory_space<hbm>>
    tpu.enqueue_indirect_dma source(%dma_start3A_1083 : memref<1000012x16xf32, #tpu.memory_space<hbm>>) target(%dma_start3A_1078 : memref<128x16xf32, #tpu.memory_space<vmem>>) offsets(%dma_start3A_1080 : memref<128xi32, #tpu.memory_space<vmem>>) semaphore(%arg16 : memref<!tpu.dma_semaphore, #tpu.memory_space<semaphore_mem>>)
    %dma_start3A_1084 = arith.constant 512 : i32
    %dma_start3A_1085 = arith.constant 0 : i32
    %dma_start3A_1086 = tpu.memref_slice %arg12[%dma_start3A_1084, %dma_start3A_1085] : memref<1664x16xf32, #tpu.memory_space<vmem>> -> memref<128x16xf32, #tpu.memory_space<vmem>>
    %dma_start3A_1087 = arith.constant 512 : i32
    %dma_start3A_1088 = tpu.memref_slice %arg10[%dma_start3A_1087] : memref<1664xi32, #tpu.memory_space<vmem>> -> memref<128xi32, #tpu.memory_space<vmem>>
    %dma_start3A_1089 = arith.constant 0 : i32
    %dma_start3A_1090 = arith.constant 0 : i32
    %dma_start3A_1091 = tpu.memref_slice %arg3[%dma_start3A_1089, %dma_start3A_1090] : memref<1000012x16xf32, #tpu.memory_space<hbm>> -> memref<1000012x16xf32, #tpu.memory_space<hbm>>
    tpu.enqueue_indirect_dma source(%dma_start3A_1091 : memref<1000012x16xf32, #tpu.memory_space<hbm>>) target(%dma_start3A_1086 : memref<128x16xf32, #tpu.memory_space<vmem>>) offsets(%dma_start3A_1088 : memref<128xi32, #tpu.memory_space<vmem>>) semaphore(%arg16 : memref<!tpu.dma_semaphore, #tpu.memory_space<semaphore_mem>>)
    %dma_start3A_1092 = arith.constant 640 : i32
    %dma_start3A_1093 = arith.constant 0 : i32
    %dma_start3A_1094 = tpu.memref_slice %arg12[%dma_start3A_1092, %dma_start3A_1093] : memref<1664x16xf32, #tpu.memory_space<vmem>> -> memref<128x16xf32, #tpu.memory_space<vmem>>
    %dma_start3A_1095 = arith.constant 640 : i32
    %dma_start3A_1096 = tpu.memref_slice %arg10[%dma_start3A_1095] : memref<1664xi32, #tpu.memory_space<vmem>> -> memref<128xi32, #tpu.memory_space<vmem>>
    %dma_start3A_1097 = arith.constant 0 : i32
    %dma_start3A_1098 = arith.constant 0 : i32
    %dma_start3A_1099 = tpu.memref_slice %arg3[%dma_start3A_1097, %dma_start3A_1098] : memref<1000012x16xf32, #tpu.memory_space<hbm>> -> memref<1000012x16xf32, #tpu.memory_space<hbm>>
    tpu.enqueue_indirect_dma source(%dma_start3A_1099 : memref<1000012x16xf32, #tpu.memory_space<hbm>>) target(%dma_start3A_1094 : memref<128x16xf32, #tpu.memory_space<vmem>>) offsets(%dma_start3A_1096 : memref<128xi32, #tpu.memory_space<vmem>>) semaphore(%arg16 : memref<!tpu.dma_semaphore, #tpu.memory_space<semaphore_mem>>)
    %dma_start3A_1100 = arith.constant 768 : i32
    %dma_start3A_1101 = arith.constant 0 : i32
    %dma_start3A_1102 = tpu.memref_slice %arg12[%dma_start3A_1100, %dma_start3A_1101] : memref<1664x16xf32, #tpu.memory_space<vmem>> -> memref<128x16xf32, #tpu.memory_space<vmem>>
    %dma_start3A_1103 = arith.constant 768 : i32
    %dma_start3A_1104 = tpu.memref_slice %arg10[%dma_start3A_1103] : memref<1664xi32, #tpu.memory_space<vmem>> -> memref<128xi32, #tpu.memory_space<vmem>>
    %dma_start3A_1105 = arith.constant 0 : i32
    %dma_start3A_1106 = arith.constant 0 : i32
    %dma_start3A_1107 = tpu.memref_slice %arg3[%dma_start3A_1105, %dma_start3A_1106] : memref<1000012x16xf32, #tpu.memory_space<hbm>> -> memref<1000012x16xf32, #tpu.memory_space<hbm>>
    tpu.enqueue_indirect_dma source(%dma_start3A_1107 : memref<1000012x16xf32, #tpu.memory_space<hbm>>) target(%dma_start3A_1102 : memref<128x16xf32, #tpu.memory_space<vmem>>) offsets(%dma_start3A_1104 : memref<128xi32, #tpu.memory_space<vmem>>) semaphore(%arg16 : memref<!tpu.dma_semaphore, #tpu.memory_space<semaphore_mem>>)
    %dma_start3A_1108 = arith.constant 896 : i32
    %dma_start3A_1109 = arith.constant 0 : i32
    %dma_start3A_1110 = tpu.memref_slice %arg12[%dma_start3A_1108, %dma_start3A_1109] : memref<1664x16xf32, #tpu.memory_space<vmem>> -> memref<128x16xf32, #tpu.memory_space<vmem>>
    %dma_start3A_1111 = arith.constant 896 : i32
    %dma_start3A_1112 = tpu.memref_slice %arg10[%dma_start3A_1111] : memref<1664xi32, #tpu.memory_space<vmem>> -> memref<128xi32, #tpu.memory_space<vmem>>
    %dma_start3A_1113 = arith.constant 0 : i32
    %dma_start3A_1114 = arith.constant 0 : i32
    %dma_start3A_1115 = tpu.memref_slice %arg3[%dma_start3A_1113, %dma_start3A_1114] : memref<1000012x16xf32, #tpu.memory_space<hbm>> -> memref<1000012x16xf32, #tpu.memory_space<hbm>>
    tpu.enqueue_indirect_dma source(%dma_start3A_1115 : memref<1000012x16xf32, #tpu.memory_space<hbm>>) target(%dma_start3A_1110 : memref<128x16xf32, #tpu.memory_space<vmem>>) offsets(%dma_start3A_1112 : memref<128xi32, #tpu.memory_space<vmem>>) semaphore(%arg16 : memref<!tpu.dma_semaphore, #tpu.memory_space<semaphore_mem>>)
    %dma_start3A_1116 = arith.constant 1024 : i32
    %dma_start3A_1117 = arith.constant 0 : i32
    %dma_start3A_1118 = tpu.memref_slice %arg12[%dma_start3A_1116, %dma_start3A_1117] : memref<1664x16xf32, #tpu.memory_space<vmem>> -> memref<128x16xf32, #tpu.memory_space<vmem>>
    %dma_start3A_1119 = arith.constant 1024 : i32
    %dma_start3A_1120 = tpu.memref_slice %arg10[%dma_start3A_1119] : memref<1664xi32, #tpu.memory_space<vmem>> -> memref<128xi32, #tpu.memory_space<vmem>>
    %dma_start3A_1121 = arith.constant 0 : i32
    %dma_start3A_1122 = arith.constant 0 : i32
    %dma_start3A_1123 = tpu.memref_slice %arg3[%dma_start3A_1121, %dma_start3A_1122] : memref<1000012x16xf32, #tpu.memory_space<hbm>> -> memref<1000012x16xf32, #tpu.memory_space<hbm>>
    tpu.enqueue_indirect_dma source(%dma_start3A_1123 : memref<1000012x16xf32, #tpu.memory_space<hbm>>) target(%dma_start3A_1118 : memref<128x16xf32, #tpu.memory_space<vmem>>) offsets(%dma_start3A_1120 : memref<128xi32, #tpu.memory_space<vmem>>) semaphore(%arg16 : memref<!tpu.dma_semaphore, #tpu.memory_space<semaphore_mem>>)
    %dma_start3A_1124 = arith.constant 1152 : i32
    %dma_start3A_1125 = arith.constant 0 : i32
    %dma_start3A_1126 = tpu.memref_slice %arg12[%dma_start3A_1124, %dma_start3A_1125] : memref<1664x16xf32, #tpu.memory_space<vmem>> -> memref<128x16xf32, #tpu.memory_space<vmem>>
    %dma_start3A_1127 = arith.constant 1152 : i32
    %dma_start3A_1128 = tpu.memref_slice %arg10[%dma_start3A_1127] : memref<1664xi32, #tpu.memory_space<vmem>> -> memref<128xi32, #tpu.memory_space<vmem>>
    %dma_start3A_1129 = arith.constant 0 : i32
    %dma_start3A_1130 = arith.constant 0 : i32
    %dma_start3A_1131 = tpu.memref_slice %arg3[%dma_start3A_1129, %dma_start3A_1130] : memref<1000012x16xf32, #tpu.memory_space<hbm>> -> memref<1000012x16xf32, #tpu.memory_space<hbm>>
    tpu.enqueue_indirect_dma source(%dma_start3A_1131 : memref<1000012x16xf32, #tpu.memory_space<hbm>>) target(%dma_start3A_1126 : memref<128x16xf32, #tpu.memory_space<vmem>>) offsets(%dma_start3A_1128 : memref<128xi32, #tpu.memory_space<vmem>>) semaphore(%arg16 : memref<!tpu.dma_semaphore, #tpu.memory_space<semaphore_mem>>)
    %dma_start3A_1132 = arith.constant 1280 : i32
    %dma_start3A_1133 = arith.constant 0 : i32
    %dma_start3A_1134 = tpu.memref_slice %arg12[%dma_start3A_1132, %dma_start3A_1133] : memref<1664x16xf32, #tpu.memory_space<vmem>> -> memref<128x16xf32, #tpu.memory_space<vmem>>
    %dma_start3A_1135 = arith.constant 1280 : i32
    %dma_start3A_1136 = tpu.memref_slice %arg10[%dma_start3A_1135] : memref<1664xi32, #tpu.memory_space<vmem>> -> memref<128xi32, #tpu.memory_space<vmem>>
    %dma_start3A_1137 = arith.constant 0 : i32
    %dma_start3A_1138 = arith.constant 0 : i32
    %dma_start3A_1139 = tpu.memref_slice %arg3[%dma_start3A_1137, %dma_start3A_1138] : memref<1000012x16xf32, #tpu.memory_space<hbm>> -> memref<1000012x16xf32, #tpu.memory_space<hbm>>
    tpu.enqueue_indirect_dma source(%dma_start3A_1139 : memref<1000012x16xf32, #tpu.memory_space<hbm>>) target(%dma_start3A_1134 : memref<128x16xf32, #tpu.memory_space<vmem>>) offsets(%dma_start3A_1136 : memref<128xi32, #tpu.memory_space<vmem>>) semaphore(%arg16 : memref<!tpu.dma_semaphore, #tpu.memory_space<semaphore_mem>>)
    %dma_start3A_1140 = arith.constant 1408 : i32
    %dma_start3A_1141 = arith.constant 0 : i32
    %dma_start3A_1142 = tpu.memref_slice %arg12[%dma_start3A_1140, %dma_start3A_1141] : memref<1664x16xf32, #tpu.memory_space<vmem>> -> memref<128x16xf32, #tpu.memory_space<vmem>>
    %dma_start3A_1143 = arith.constant 1408 : i32
    %dma_start3A_1144 = tpu.memref_slice %arg10[%dma_start3A_1143] : memref<1664xi32, #tpu.memory_space<vmem>> -> memref<128xi32, #tpu.memory_space<vmem>>
    %dma_start3A_1145 = arith.constant 0 : i32
    %dma_start3A_1146 = arith.constant 0 : i32
    %dma_start3A_1147 = tpu.memref_slice %arg3[%dma_start3A_1145, %dma_start3A_1146] : memref<1000012x16xf32, #tpu.memory_space<hbm>> -> memref<1000012x16xf32, #tpu.memory_space<hbm>>
    tpu.enqueue_indirect_dma source(%dma_start3A_1147 : memref<1000012x16xf32, #tpu.memory_space<hbm>>) target(%dma_start3A_1142 : memref<128x16xf32, #tpu.memory_space<vmem>>) offsets(%dma_start3A_1144 : memref<128xi32, #tpu.memory_space<vmem>>) semaphore(%arg16 : memref<!tpu.dma_semaphore, #tpu.memory_space<semaphore_mem>>)
    %dma_start3A_1148 = arith.constant 1536 : i32
    %dma_start3A_1149 = arith.constant 0 : i32
    %dma_start3A_1150 = tpu.memref_slice %arg12[%dma_start3A_1148, %dma_start3A_1149] : memref<1664x16xf32, #tpu.memory_space<vmem>> -> memref<128x16xf32, #tpu.memory_space<vmem>>
    %dma_start3A_1151 = arith.constant 1536 : i32
    %dma_start3A_1152 = tpu.memref_slice %arg10[%dma_start3A_1151] : memref<1664xi32, #tpu.memory_space<vmem>> -> memref<128xi32, #tpu.memory_space<vmem>>
    %dma_start3A_1153 = arith.constant 0 : i32
    %dma_start3A_1154 = arith.constant 0 : i32
    %dma_start3A_1155 = tpu.memref_slice %arg3[%dma_start3A_1153, %dma_start3A_1154] : memref<1000012x16xf32, #tpu.memory_space<hbm>> -> memref<1000012x16xf32, #tpu.memory_space<hbm>>
    tpu.enqueue_indirect_dma source(%dma_start3A_1155 : memref<1000012x16xf32, #tpu.memory_space<hbm>>) target(%dma_start3A_1150 : memref<128x16xf32, #tpu.memory_space<vmem>>) offsets(%dma_start3A_1152 : memref<128xi32, #tpu.memory_space<vmem>>) semaphore(%arg16 : memref<!tpu.dma_semaphore, #tpu.memory_space<semaphore_mem>>)
    %add3A_1156 = arith.constant 11648 : i32
    %add3A_1157 = arith.addi %mul3A_2, %add3A_1156 : i32
    %dma_start3A_1158 = tpu.memref_slice %arg2[%add3A_1157] : memref<425984xi32, #tpu.memory_space<hbm>> -> memref<1664xi32, #tpu.memory_space<hbm>>
    %dma_start3A_1159 = tpu.memref_slice %arg2[%add3A_1157] : memref<425984xi32, #tpu.memory_space<hbm>> -> memref<1664xi32, #tpu.memory_space<hbm>>
    tpu.enqueue_dma source(%dma_start3A_1159 : memref<1664xi32, #tpu.memory_space<hbm>>) target(%arg7 : memref<1664xi32, #tpu.memory_space<vmem>>) target_semaphore(%arg14 : memref<!tpu.dma_semaphore, #tpu.memory_space<semaphore_mem>>)
    %dma_wait3A_1160 = arith.constant 0 : i32
    %dma_wait3A_1161 = arith.constant 0 : i32
    %dma_wait3A_1162 = tpu.memref_slice %arg11[%dma_wait3A_1160, %dma_wait3A_1161] : memref<1664x16xf32, #tpu.memory_space<vmem>> -> memref<128x16xf32, #tpu.memory_space<vmem>>
    %dma_wait3A_1163 = arith.constant 0 : i32
    %dma_wait3A_1164 = tpu.memref_slice %arg9[%dma_wait3A_1163] : memref<1664xi32, #tpu.memory_space<vmem>> -> memref<128xi32, #tpu.memory_space<vmem>>
    %dma_wait3A_1165 = arith.constant 0 : i32
    %dma_wait3A_1166 = arith.constant 0 : i32
    %dma_wait3A_1167 = tpu.memref_slice %arg3[%dma_wait3A_1165, %dma_wait3A_1166] : memref<1000012x16xf32, #tpu.memory_space<hbm>> -> memref<1000012x16xf32, #tpu.memory_space<hbm>>
    tpu.wait_indirect_dma semaphore(%arg15 : memref<!tpu.dma_semaphore, #tpu.memory_space<semaphore_mem>>) src(%dma_wait3A_1167 : memref<1000012x16xf32, #tpu.memory_space<hbm>>) dst(%dma_wait3A_1162 : memref<128x16xf32, #tpu.memory_space<vmem>>)
    %dma_wait3A_1168 = arith.constant 128 : i32
    %dma_wait3A_1169 = arith.constant 0 : i32
    %dma_wait3A_1170 = tpu.memref_slice %arg11[%dma_wait3A_1168, %dma_wait3A_1169] : memref<1664x16xf32, #tpu.memory_space<vmem>> -> memref<128x16xf32, #tpu.memory_space<vmem>>
    %dma_wait3A_1171 = arith.constant 128 : i32
    %dma_wait3A_1172 = tpu.memref_slice %arg9[%dma_wait3A_1171] : memref<1664xi32, #tpu.memory_space<vmem>> -> memref<128xi32, #tpu.memory_space<vmem>>
    %dma_wait3A_1173 = arith.constant 0 : i32
    %dma_wait3A_1174 = arith.constant 0 : i32
    %dma_wait3A_1175 = tpu.memref_slice %arg3[%dma_wait3A_1173, %dma_wait3A_1174] : memref<1000012x16xf32, #tpu.memory_space<hbm>> -> memref<1000012x16xf32, #tpu.memory_space<hbm>>
    tpu.wait_indirect_dma semaphore(%arg15 : memref<!tpu.dma_semaphore, #tpu.memory_space<semaphore_mem>>) src(%dma_wait3A_1175 : memref<1000012x16xf32, #tpu.memory_space<hbm>>) dst(%dma_wait3A_1170 : memref<128x16xf32, #tpu.memory_space<vmem>>)
    %dma_wait3A_1176 = arith.constant 256 : i32
    %dma_wait3A_1177 = arith.constant 0 : i32
    %dma_wait3A_1178 = tpu.memref_slice %arg11[%dma_wait3A_1176, %dma_wait3A_1177] : memref<1664x16xf32, #tpu.memory_space<vmem>> -> memref<128x16xf32, #tpu.memory_space<vmem>>
    %dma_wait3A_1179 = arith.constant 256 : i32
    %dma_wait3A_1180 = tpu.memref_slice %arg9[%dma_wait3A_1179] : memref<1664xi32, #tpu.memory_space<vmem>> -> memref<128xi32, #tpu.memory_space<vmem>>
    %dma_wait3A_1181 = arith.constant 0 : i32
    %dma_wait3A_1182 = arith.constant 0 : i32
    %dma_wait3A_1183 = tpu.memref_slice %arg3[%dma_wait3A_1181, %dma_wait3A_1182] : memref<1000012x16xf32, #tpu.memory_space<hbm>> -> memref<1000012x16xf32, #tpu.memory_space<hbm>>
    tpu.wait_indirect_dma semaphore(%arg15 : memref<!tpu.dma_semaphore, #tpu.memory_space<semaphore_mem>>) src(%dma_wait3A_1183 : memref<1000012x16xf32, #tpu.memory_space<hbm>>) dst(%dma_wait3A_1178 : memref<128x16xf32, #tpu.memory_space<vmem>>)
    %dma_wait3A_1184 = arith.constant 384 : i32
    %dma_wait3A_1185 = arith.constant 0 : i32
    %dma_wait3A_1186 = tpu.memref_slice %arg11[%dma_wait3A_1184, %dma_wait3A_1185] : memref<1664x16xf32, #tpu.memory_space<vmem>> -> memref<128x16xf32, #tpu.memory_space<vmem>>
    %dma_wait3A_1187 = arith.constant 384 : i32
    %dma_wait3A_1188 = tpu.memref_slice %arg9[%dma_wait3A_1187] : memref<1664xi32, #tpu.memory_space<vmem>> -> memref<128xi32, #tpu.memory_space<vmem>>
    %dma_wait3A_1189 = arith.constant 0 : i32
    %dma_wait3A_1190 = arith.constant 0 : i32
    %dma_wait3A_1191 = tpu.memref_slice %arg3[%dma_wait3A_1189, %dma_wait3A_1190] : memref<1000012x16xf32, #tpu.memory_space<hbm>> -> memref<1000012x16xf32, #tpu.memory_space<hbm>>
    tpu.wait_indirect_dma semaphore(%arg15 : memref<!tpu.dma_semaphore, #tpu.memory_space<semaphore_mem>>) src(%dma_wait3A_1191 : memref<1000012x16xf32, #tpu.memory_space<hbm>>) dst(%dma_wait3A_1186 : memref<128x16xf32, #tpu.memory_space<vmem>>)
    %dma_wait3A_1192 = arith.constant 512 : i32
    %dma_wait3A_1193 = arith.constant 0 : i32
    %dma_wait3A_1194 = tpu.memref_slice %arg11[%dma_wait3A_1192, %dma_wait3A_1193] : memref<1664x16xf32, #tpu.memory_space<vmem>> -> memref<128x16xf32, #tpu.memory_space<vmem>>
    %dma_wait3A_1195 = arith.constant 512 : i32
    %dma_wait3A_1196 = tpu.memref_slice %arg9[%dma_wait3A_1195] : memref<1664xi32, #tpu.memory_space<vmem>> -> memref<128xi32, #tpu.memory_space<vmem>>
    %dma_wait3A_1197 = arith.constant 0 : i32
    %dma_wait3A_1198 = arith.constant 0 : i32
    %dma_wait3A_1199 = tpu.memref_slice %arg3[%dma_wait3A_1197, %dma_wait3A_1198] : memref<1000012x16xf32, #tpu.memory_space<hbm>> -> memref<1000012x16xf32, #tpu.memory_space<hbm>>
    tpu.wait_indirect_dma semaphore(%arg15 : memref<!tpu.dma_semaphore, #tpu.memory_space<semaphore_mem>>) src(%dma_wait3A_1199 : memref<1000012x16xf32, #tpu.memory_space<hbm>>) dst(%dma_wait3A_1194 : memref<128x16xf32, #tpu.memory_space<vmem>>)
    %dma_wait3A_1200 = arith.constant 640 : i32
    %dma_wait3A_1201 = arith.constant 0 : i32
    %dma_wait3A_1202 = tpu.memref_slice %arg11[%dma_wait3A_1200, %dma_wait3A_1201] : memref<1664x16xf32, #tpu.memory_space<vmem>> -> memref<128x16xf32, #tpu.memory_space<vmem>>
    %dma_wait3A_1203 = arith.constant 640 : i32
    %dma_wait3A_1204 = tpu.memref_slice %arg9[%dma_wait3A_1203] : memref<1664xi32, #tpu.memory_space<vmem>> -> memref<128xi32, #tpu.memory_space<vmem>>
    %dma_wait3A_1205 = arith.constant 0 : i32
    %dma_wait3A_1206 = arith.constant 0 : i32
    %dma_wait3A_1207 = tpu.memref_slice %arg3[%dma_wait3A_1205, %dma_wait3A_1206] : memref<1000012x16xf32, #tpu.memory_space<hbm>> -> memref<1000012x16xf32, #tpu.memory_space<hbm>>
    tpu.wait_indirect_dma semaphore(%arg15 : memref<!tpu.dma_semaphore, #tpu.memory_space<semaphore_mem>>) src(%dma_wait3A_1207 : memref<1000012x16xf32, #tpu.memory_space<hbm>>) dst(%dma_wait3A_1202 : memref<128x16xf32, #tpu.memory_space<vmem>>)
    %dma_wait3A_1208 = arith.constant 768 : i32
    %dma_wait3A_1209 = arith.constant 0 : i32
    %dma_wait3A_1210 = tpu.memref_slice %arg11[%dma_wait3A_1208, %dma_wait3A_1209] : memref<1664x16xf32, #tpu.memory_space<vmem>> -> memref<128x16xf32, #tpu.memory_space<vmem>>
    %dma_wait3A_1211 = arith.constant 768 : i32
    %dma_wait3A_1212 = tpu.memref_slice %arg9[%dma_wait3A_1211] : memref<1664xi32, #tpu.memory_space<vmem>> -> memref<128xi32, #tpu.memory_space<vmem>>
    %dma_wait3A_1213 = arith.constant 0 : i32
    %dma_wait3A_1214 = arith.constant 0 : i32
    %dma_wait3A_1215 = tpu.memref_slice %arg3[%dma_wait3A_1213, %dma_wait3A_1214] : memref<1000012x16xf32, #tpu.memory_space<hbm>> -> memref<1000012x16xf32, #tpu.memory_space<hbm>>
    tpu.wait_indirect_dma semaphore(%arg15 : memref<!tpu.dma_semaphore, #tpu.memory_space<semaphore_mem>>) src(%dma_wait3A_1215 : memref<1000012x16xf32, #tpu.memory_space<hbm>>) dst(%dma_wait3A_1210 : memref<128x16xf32, #tpu.memory_space<vmem>>)
    %dma_wait3A_1216 = arith.constant 896 : i32
    %dma_wait3A_1217 = arith.constant 0 : i32
    %dma_wait3A_1218 = tpu.memref_slice %arg11[%dma_wait3A_1216, %dma_wait3A_1217] : memref<1664x16xf32, #tpu.memory_space<vmem>> -> memref<128x16xf32, #tpu.memory_space<vmem>>
    %dma_wait3A_1219 = arith.constant 896 : i32
    %dma_wait3A_1220 = tpu.memref_slice %arg9[%dma_wait3A_1219] : memref<1664xi32, #tpu.memory_space<vmem>> -> memref<128xi32, #tpu.memory_space<vmem>>
    %dma_wait3A_1221 = arith.constant 0 : i32
    %dma_wait3A_1222 = arith.constant 0 : i32
    %dma_wait3A_1223 = tpu.memref_slice %arg3[%dma_wait3A_1221, %dma_wait3A_1222] : memref<1000012x16xf32, #tpu.memory_space<hbm>> -> memref<1000012x16xf32, #tpu.memory_space<hbm>>
    tpu.wait_indirect_dma semaphore(%arg15 : memref<!tpu.dma_semaphore, #tpu.memory_space<semaphore_mem>>) src(%dma_wait3A_1223 : memref<1000012x16xf32, #tpu.memory_space<hbm>>) dst(%dma_wait3A_1218 : memref<128x16xf32, #tpu.memory_space<vmem>>)
    %dma_wait3A_1224 = arith.constant 1024 : i32
    %dma_wait3A_1225 = arith.constant 0 : i32
    %dma_wait3A_1226 = tpu.memref_slice %arg11[%dma_wait3A_1224, %dma_wait3A_1225] : memref<1664x16xf32, #tpu.memory_space<vmem>> -> memref<128x16xf32, #tpu.memory_space<vmem>>
    %dma_wait3A_1227 = arith.constant 1024 : i32
    %dma_wait3A_1228 = tpu.memref_slice %arg9[%dma_wait3A_1227] : memref<1664xi32, #tpu.memory_space<vmem>> -> memref<128xi32, #tpu.memory_space<vmem>>
    %dma_wait3A_1229 = arith.constant 0 : i32
    %dma_wait3A_1230 = arith.constant 0 : i32
    %dma_wait3A_1231 = tpu.memref_slice %arg3[%dma_wait3A_1229, %dma_wait3A_1230] : memref<1000012x16xf32, #tpu.memory_space<hbm>> -> memref<1000012x16xf32, #tpu.memory_space<hbm>>
    tpu.wait_indirect_dma semaphore(%arg15 : memref<!tpu.dma_semaphore, #tpu.memory_space<semaphore_mem>>) src(%dma_wait3A_1231 : memref<1000012x16xf32, #tpu.memory_space<hbm>>) dst(%dma_wait3A_1226 : memref<128x16xf32, #tpu.memory_space<vmem>>)
    %dma_wait3A_1232 = arith.constant 1152 : i32
    %dma_wait3A_1233 = arith.constant 0 : i32
    %dma_wait3A_1234 = tpu.memref_slice %arg11[%dma_wait3A_1232, %dma_wait3A_1233] : memref<1664x16xf32, #tpu.memory_space<vmem>> -> memref<128x16xf32, #tpu.memory_space<vmem>>
    %dma_wait3A_1235 = arith.constant 1152 : i32
    %dma_wait3A_1236 = tpu.memref_slice %arg9[%dma_wait3A_1235] : memref<1664xi32, #tpu.memory_space<vmem>> -> memref<128xi32, #tpu.memory_space<vmem>>
    %dma_wait3A_1237 = arith.constant 0 : i32
    %dma_wait3A_1238 = arith.constant 0 : i32
    %dma_wait3A_1239 = tpu.memref_slice %arg3[%dma_wait3A_1237, %dma_wait3A_1238] : memref<1000012x16xf32, #tpu.memory_space<hbm>> -> memref<1000012x16xf32, #tpu.memory_space<hbm>>
    tpu.wait_indirect_dma semaphore(%arg15 : memref<!tpu.dma_semaphore, #tpu.memory_space<semaphore_mem>>) src(%dma_wait3A_1239 : memref<1000012x16xf32, #tpu.memory_space<hbm>>) dst(%dma_wait3A_1234 : memref<128x16xf32, #tpu.memory_space<vmem>>)
    %dma_wait3A_1240 = arith.constant 1280 : i32
    %dma_wait3A_1241 = arith.constant 0 : i32
    %dma_wait3A_1242 = tpu.memref_slice %arg11[%dma_wait3A_1240, %dma_wait3A_1241] : memref<1664x16xf32, #tpu.memory_space<vmem>> -> memref<128x16xf32, #tpu.memory_space<vmem>>
    %dma_wait3A_1243 = arith.constant 1280 : i32
    %dma_wait3A_1244 = tpu.memref_slice %arg9[%dma_wait3A_1243] : memref<1664xi32, #tpu.memory_space<vmem>> -> memref<128xi32, #tpu.memory_space<vmem>>
    %dma_wait3A_1245 = arith.constant 0 : i32
    %dma_wait3A_1246 = arith.constant 0 : i32
    %dma_wait3A_1247 = tpu.memref_slice %arg3[%dma_wait3A_1245, %dma_wait3A_1246] : memref<1000012x16xf32, #tpu.memory_space<hbm>> -> memref<1000012x16xf32, #tpu.memory_space<hbm>>
    tpu.wait_indirect_dma semaphore(%arg15 : memref<!tpu.dma_semaphore, #tpu.memory_space<semaphore_mem>>) src(%dma_wait3A_1247 : memref<1000012x16xf32, #tpu.memory_space<hbm>>) dst(%dma_wait3A_1242 : memref<128x16xf32, #tpu.memory_space<vmem>>)
    %dma_wait3A_1248 = arith.constant 1408 : i32
    %dma_wait3A_1249 = arith.constant 0 : i32
    %dma_wait3A_1250 = tpu.memref_slice %arg11[%dma_wait3A_1248, %dma_wait3A_1249] : memref<1664x16xf32, #tpu.memory_space<vmem>> -> memref<128x16xf32, #tpu.memory_space<vmem>>
    %dma_wait3A_1251 = arith.constant 1408 : i32
    %dma_wait3A_1252 = tpu.memref_slice %arg9[%dma_wait3A_1251] : memref<1664xi32, #tpu.memory_space<vmem>> -> memref<128xi32, #tpu.memory_space<vmem>>
    %dma_wait3A_1253 = arith.constant 0 : i32
    %dma_wait3A_1254 = arith.constant 0 : i32
    %dma_wait3A_1255 = tpu.memref_slice %arg3[%dma_wait3A_1253, %dma_wait3A_1254] : memref<1000012x16xf32, #tpu.memory_space<hbm>> -> memref<1000012x16xf32, #tpu.memory_space<hbm>>
    tpu.wait_indirect_dma semaphore(%arg15 : memref<!tpu.dma_semaphore, #tpu.memory_space<semaphore_mem>>) src(%dma_wait3A_1255 : memref<1000012x16xf32, #tpu.memory_space<hbm>>) dst(%dma_wait3A_1250 : memref<128x16xf32, #tpu.memory_space<vmem>>)
    %dma_wait3A_1256 = arith.constant 1536 : i32
    %dma_wait3A_1257 = arith.constant 0 : i32
    %dma_wait3A_1258 = tpu.memref_slice %arg11[%dma_wait3A_1256, %dma_wait3A_1257] : memref<1664x16xf32, #tpu.memory_space<vmem>> -> memref<128x16xf32, #tpu.memory_space<vmem>>
    %dma_wait3A_1259 = arith.constant 1536 : i32
    %dma_wait3A_1260 = tpu.memref_slice %arg9[%dma_wait3A_1259] : memref<1664xi32, #tpu.memory_space<vmem>> -> memref<128xi32, #tpu.memory_space<vmem>>
    %dma_wait3A_1261 = arith.constant 0 : i32
    %dma_wait3A_1262 = arith.constant 0 : i32
    %dma_wait3A_1263 = tpu.memref_slice %arg3[%dma_wait3A_1261, %dma_wait3A_1262] : memref<1000012x16xf32, #tpu.memory_space<hbm>> -> memref<1000012x16xf32, #tpu.memory_space<hbm>>
    tpu.wait_indirect_dma semaphore(%arg15 : memref<!tpu.dma_semaphore, #tpu.memory_space<semaphore_mem>>) src(%dma_wait3A_1263 : memref<1000012x16xf32, #tpu.memory_space<hbm>>) dst(%dma_wait3A_1258 : memref<128x16xf32, #tpu.memory_space<vmem>>)
    %add3A_1264 = arith.constant 6656 : i32
    %add3A_1265 = arith.addi %mul3A_2, %add3A_1264 : i32
    %dma_start3A_1266 = arith.constant 0 : i32
    %dma_start3A_1267 = tpu.memref_slice %arg5[%add3A_1265, %dma_start3A_1266] : memref<425984x16xf32, #tpu.memory_space<hbm>> -> memref<1664x16xf32, #tpu.memory_space<hbm>>
    %dma_start3A_1268 = arith.constant 0 : i32
    %dma_start3A_1269 = tpu.memref_slice %arg5[%add3A_1265, %dma_start3A_1268] : memref<425984x16xf32, #tpu.memory_space<hbm>> -> memref<1664x16xf32, #tpu.memory_space<hbm>>
    tpu.enqueue_dma source(%arg11 : memref<1664x16xf32, #tpu.memory_space<vmem>>) target(%dma_start3A_1269 : memref<1664x16xf32, #tpu.memory_space<hbm>>) target_semaphore(%arg17 : memref<!tpu.dma_semaphore, #tpu.memory_space<semaphore_mem>>)
    %dma_wait3A_1270 = tpu.memref_slice %arg2[%add3A_927] : memref<425984xi32, #tpu.memory_space<hbm>> -> memref<1664xi32, #tpu.memory_space<hbm>>
    %dma_wait3A_1271 = tpu.memref_slice %arg2[%add3A_927] : memref<425984xi32, #tpu.memory_space<hbm>> -> memref<1664xi32, #tpu.memory_space<hbm>>
    tpu.wait_dma2 semaphore(%arg13 : memref<!tpu.dma_semaphore, #tpu.memory_space<semaphore_mem>>) src(%dma_wait3A_1271 : memref<1664xi32, #tpu.memory_space<hbm>>) dst(%arg6 : memref<1664xi32, #tpu.memory_space<vmem>>)
    %scan3A_1272 = arith.constant 0 : i32
    %scan3A_1273 = arith.constant 0 : i32
    %scan3A_1274 = arith.constant 8 : i32
    %scan3A_1275 = arith.addi %scan3A_1273, %scan3A_1274 : i32
    %scan3A_1276 = arith.constant 1 : i32
    scf.for %scan3A_1840 = %scan3A_1273 to %scan3A_1275 step %scan3A_1276  : i32 {
      %mul3A_1841 = arith.constant 208 : i32
      %mul3A_1842 = arith.muli %scan3A_1840, %mul3A_1841 : i32
      %add3A_1843 = arith.constant 0 : i32
      %add3A_1844 = arith.addi %mul3A_1842, %add3A_1843 : i32
      %get3A = arith.index_cast %add3A_1844 : i32 to index
      %get3A_1845 = tpu.vector_load %arg6[%get3A] {strides = array<i32>} : memref<1664xi32, #tpu.memory_space<vmem>>, vector<16xi32>,
      %get3A_1846 = vector.shape_cast %get3A_1845 : vector<16xi32> to vector<16xi32>
      %get3A_1847 = arith.constant 0 : index
      %get3A_1848 = tpu.vector_load %arg8[%get3A_1847] {strides = array<i32>} : memref<208xi32, #tpu.memory_space<vmem>>, vector<16xi32>,
      %get3A_1849 = vector.shape_cast %get3A_1848 : vector<16xi32> to vector<16xi32>
      %add3A_1850 = arith.addi %get3A_1846, %get3A_1849 : vector<16xi32>
      %swap3A = arith.index_cast %add3A_1844 : i32 to index
      %swap3A_1851 = tpu.vector_load %arg9[%swap3A] {strides = array<i32>} : memref<1664xi32, #tpu.memory_space<vmem>>, vector<16xi32>,
      %swap3A_1852 = vector.shape_cast %swap3A_1851 : vector<16xi32> to vector<16xi32>
      %swap3A_1853 = vector.shape_cast %add3A_1850 : vector<16xi32> to vector<16xi32>
      tpu.vector_store %arg9[%swap3A], %swap3A_1853 {strides = array<i32>} : memref<1664xi32, #tpu.memory_space<vmem>>, vector<16xi32>,
      %add3A_1854 = arith.constant 16 : i32
      %add3A_1855 = arith.addi %mul3A_1842, %add3A_1854 : i32
      %get3A_1856 = arith.index_cast %add3A_1855 : i32 to index
      %get3A_1857 = tpu.vector_load %arg6[%get3A_1856] {strides = array<i32>} : memref<1664xi32, #tpu.memory_space<vmem>>, vector<16xi32>,
      %get3A_1858 = vector.shape_cast %get3A_1857 : vector<16xi32> to vector<16xi32>
      %get3A_1859 = arith.constant 16 : index
      %get3A_1860 = tpu.vector_load %arg8[%get3A_1859] {strides = array<i32>} : memref<208xi32, #tpu.memory_space<vmem>>, vector<16xi32>,
      %get3A_1861 = vector.shape_cast %get3A_1860 : vector<16xi32> to vector<16xi32>
      %add3A_1862 = arith.addi %get3A_1858, %get3A_1861 : vector<16xi32>
      %swap3A_1863 = arith.index_cast %add3A_1855 : i32 to index
      %swap3A_1864 = tpu.vector_load %arg9[%swap3A_1863] {strides = array<i32>} : memref<1664xi32, #tpu.memory_space<vmem>>, vector<16xi32>,
      %swap3A_1865 = vector.shape_cast %swap3A_1864 : vector<16xi32> to vector<16xi32>
      %swap3A_1866 = vector.shape_cast %add3A_1862 : vector<16xi32> to vector<16xi32>
      tpu.vector_store %arg9[%swap3A_1863], %swap3A_1866 {strides = array<i32>} : memref<1664xi32, #tpu.memory_space<vmem>>, vector<16xi32>,
      %add3A_1867 = arith.constant 32 : i32
      %add3A_1868 = arith.addi %mul3A_1842, %add3A_1867 : i32
      %get3A_1869 = arith.index_cast %add3A_1868 : i32 to index
      %get3A_1870 = tpu.vector_load %arg6[%get3A_1869] {strides = array<i32>} : memref<1664xi32, #tpu.memory_space<vmem>>, vector<16xi32>,
      %get3A_1871 = vector.shape_cast %get3A_1870 : vector<16xi32> to vector<16xi32>
      %get3A_1872 = arith.constant 32 : index
      %get3A_1873 = tpu.vector_load %arg8[%get3A_1872] {strides = array<i32>} : memref<208xi32, #tpu.memory_space<vmem>>, vector<16xi32>,
      %get3A_1874 = vector.shape_cast %get3A_1873 : vector<16xi32> to vector<16xi32>
      %add3A_1875 = arith.addi %get3A_1871, %get3A_1874 : vector<16xi32>
      %swap3A_1876 = arith.index_cast %add3A_1868 : i32 to index
      %swap3A_1877 = tpu.vector_load %arg9[%swap3A_1876] {strides = array<i32>} : memref<1664xi32, #tpu.memory_space<vmem>>, vector<16xi32>,
      %swap3A_1878 = vector.shape_cast %swap3A_1877 : vector<16xi32> to vector<16xi32>
      %swap3A_1879 = vector.shape_cast %add3A_1875 : vector<16xi32> to vector<16xi32>
      tpu.vector_store %arg9[%swap3A_1876], %swap3A_1879 {strides = array<i32>} : memref<1664xi32, #tpu.memory_space<vmem>>, vector<16xi32>,
      %add3A_1880 = arith.constant 48 : i32
      %add3A_1881 = arith.addi %mul3A_1842, %add3A_1880 : i32
      %get3A_1882 = arith.index_cast %add3A_1881 : i32 to index
      %get3A_1883 = tpu.vector_load %arg6[%get3A_1882] {strides = array<i32>} : memref<1664xi32, #tpu.memory_space<vmem>>, vector<16xi32>,
      %get3A_1884 = vector.shape_cast %get3A_1883 : vector<16xi32> to vector<16xi32>
      %get3A_1885 = arith.constant 48 : index
      %get3A_1886 = tpu.vector_load %arg8[%get3A_1885] {strides = array<i32>} : memref<208xi32, #tpu.memory_space<vmem>>, vector<16xi32>,
      %get3A_1887 = vector.shape_cast %get3A_1886 : vector<16xi32> to vector<16xi32>
      %add3A_1888 = arith.addi %get3A_1884, %get3A_1887 : vector<16xi32>
      %swap3A_1889 = arith.index_cast %add3A_1881 : i32 to index
      %swap3A_1890 = tpu.vector_load %arg9[%swap3A_1889] {strides = array<i32>} : memref<1664xi32, #tpu.memory_space<vmem>>, vector<16xi32>,
      %swap3A_1891 = vector.shape_cast %swap3A_1890 : vector<16xi32> to vector<16xi32>
      %swap3A_1892 = vector.shape_cast %add3A_1888 : vector<16xi32> to vector<16xi32>
      tpu.vector_store %arg9[%swap3A_1889], %swap3A_1892 {strides = array<i32>} : memref<1664xi32, #tpu.memory_space<vmem>>, vector<16xi32>,
      %add3A_1893 = arith.constant 64 : i32
      %add3A_1894 = arith.addi %mul3A_1842, %add3A_1893 : i32
      %get3A_1895 = arith.index_cast %add3A_1894 : i32 to index
      %get3A_1896 = tpu.vector_load %arg6[%get3A_1895] {strides = array<i32>} : memref<1664xi32, #tpu.memory_space<vmem>>, vector<16xi32>,
      %get3A_1897 = vector.shape_cast %get3A_1896 : vector<16xi32> to vector<16xi32>
      %get3A_1898 = arith.constant 64 : index
      %get3A_1899 = tpu.vector_load %arg8[%get3A_1898] {strides = array<i32>} : memref<208xi32, #tpu.memory_space<vmem>>, vector<16xi32>,
      %get3A_1900 = vector.shape_cast %get3A_1899 : vector<16xi32> to vector<16xi32>
      %add3A_1901 = arith.addi %get3A_1897, %get3A_1900 : vector<16xi32>
      %swap3A_1902 = arith.index_cast %add3A_1894 : i32 to index
      %swap3A_1903 = tpu.vector_load %arg9[%swap3A_1902] {strides = array<i32>} : memref<1664xi32, #tpu.memory_space<vmem>>, vector<16xi32>,
      %swap3A_1904 = vector.shape_cast %swap3A_1903 : vector<16xi32> to vector<16xi32>
      %swap3A_1905 = vector.shape_cast %add3A_1901 : vector<16xi32> to vector<16xi32>
      tpu.vector_store %arg9[%swap3A_1902], %swap3A_1905 {strides = array<i32>} : memref<1664xi32, #tpu.memory_space<vmem>>, vector<16xi32>,
      %add3A_1906 = arith.constant 80 : i32
      %add3A_1907 = arith.addi %mul3A_1842, %add3A_1906 : i32
      %get3A_1908 = arith.index_cast %add3A_1907 : i32 to index
      %get3A_1909 = tpu.vector_load %arg6[%get3A_1908] {strides = array<i32>} : memref<1664xi32, #tpu.memory_space<vmem>>, vector<16xi32>,
      %get3A_1910 = vector.shape_cast %get3A_1909 : vector<16xi32> to vector<16xi32>
      %get3A_1911 = arith.constant 80 : index
      %get3A_1912 = tpu.vector_load %arg8[%get3A_1911] {strides = array<i32>} : memref<208xi32, #tpu.memory_space<vmem>>, vector<16xi32>,
      %get3A_1913 = vector.shape_cast %get3A_1912 : vector<16xi32> to vector<16xi32>
      %add3A_1914 = arith.addi %get3A_1910, %get3A_1913 : vector<16xi32>
      %swap3A_1915 = arith.index_cast %add3A_1907 : i32 to index
      %swap3A_1916 = tpu.vector_load %arg9[%swap3A_1915] {strides = array<i32>} : memref<1664xi32, #tpu.memory_space<vmem>>, vector<16xi32>,
      %swap3A_1917 = vector.shape_cast %swap3A_1916 : vector<16xi32> to vector<16xi32>
      %swap3A_1918 = vector.shape_cast %add3A_1914 : vector<16xi32> to vector<16xi32>
      tpu.vector_store %arg9[%swap3A_1915], %swap3A_1918 {strides = array<i32>} : memref<1664xi32, #tpu.memory_space<vmem>>, vector<16xi32>,
      %add3A_1919 = arith.constant 96 : i32
      %add3A_1920 = arith.addi %mul3A_1842, %add3A_1919 : i32
      %get3A_1921 = arith.index_cast %add3A_1920 : i32 to index
      %get3A_1922 = tpu.vector_load %arg6[%get3A_1921] {strides = array<i32>} : memref<1664xi32, #tpu.memory_space<vmem>>, vector<16xi32>,
      %get3A_1923 = vector.shape_cast %get3A_1922 : vector<16xi32> to vector<16xi32>
      %get3A_1924 = arith.constant 96 : index
      %get3A_1925 = tpu.vector_load %arg8[%get3A_1924] {strides = array<i32>} : memref<208xi32, #tpu.memory_space<vmem>>, vector<16xi32>,
      %get3A_1926 = vector.shape_cast %get3A_1925 : vector<16xi32> to vector<16xi32>
      %add3A_1927 = arith.addi %get3A_1923, %get3A_1926 : vector<16xi32>
      %swap3A_1928 = arith.index_cast %add3A_1920 : i32 to index
      %swap3A_1929 = tpu.vector_load %arg9[%swap3A_1928] {strides = array<i32>} : memref<1664xi32, #tpu.memory_space<vmem>>, vector<16xi32>,
      %swap3A_1930 = vector.shape_cast %swap3A_1929 : vector<16xi32> to vector<16xi32>
      %swap3A_1931 = vector.shape_cast %add3A_1927 : vector<16xi32> to vector<16xi32>
      tpu.vector_store %arg9[%swap3A_1928], %swap3A_1931 {strides = array<i32>} : memref<1664xi32, #tpu.memory_space<vmem>>, vector<16xi32>,
      %add3A_1932 = arith.constant 112 : i32
      %add3A_1933 = arith.addi %mul3A_1842, %add3A_1932 : i32
      %get3A_1934 = arith.index_cast %add3A_1933 : i32 to index
      %get3A_1935 = tpu.vector_load %arg6[%get3A_1934] {strides = array<i32>} : memref<1664xi32, #tpu.memory_space<vmem>>, vector<16xi32>,
      %get3A_1936 = vector.shape_cast %get3A_1935 : vector<16xi32> to vector<16xi32>
      %get3A_1937 = arith.constant 112 : index
      %get3A_1938 = tpu.vector_load %arg8[%get3A_1937] {strides = array<i32>} : memref<208xi32, #tpu.memory_space<vmem>>, vector<16xi32>,
      %get3A_1939 = vector.shape_cast %get3A_1938 : vector<16xi32> to vector<16xi32>
      %add3A_1940 = arith.addi %get3A_1936, %get3A_1939 : vector<16xi32>
      %swap3A_1941 = arith.index_cast %add3A_1933 : i32 to index
      %swap3A_1942 = tpu.vector_load %arg9[%swap3A_1941] {strides = array<i32>} : memref<1664xi32, #tpu.memory_space<vmem>>, vector<16xi32>,
      %swap3A_1943 = vector.shape_cast %swap3A_1942 : vector<16xi32> to vector<16xi32>
      %swap3A_1944 = vector.shape_cast %add3A_1940 : vector<16xi32> to vector<16xi32>
      tpu.vector_store %arg9[%swap3A_1941], %swap3A_1944 {strides = array<i32>} : memref<1664xi32, #tpu.memory_space<vmem>>, vector<16xi32>,
      %add3A_1945 = arith.constant 128 : i32
      %add3A_1946 = arith.addi %mul3A_1842, %add3A_1945 : i32
      %get3A_1947 = arith.index_cast %add3A_1946 : i32 to index
      %get3A_1948 = tpu.vector_load %arg6[%get3A_1947] {strides = array<i32>} : memref<1664xi32, #tpu.memory_space<vmem>>, vector<16xi32>,
      %get3A_1949 = vector.shape_cast %get3A_1948 : vector<16xi32> to vector<16xi32>
      %get3A_1950 = arith.constant 128 : index
      %get3A_1951 = tpu.vector_load %arg8[%get3A_1950] {strides = array<i32>} : memref<208xi32, #tpu.memory_space<vmem>>, vector<16xi32>,
      %get3A_1952 = vector.shape_cast %get3A_1951 : vector<16xi32> to vector<16xi32>
      %add3A_1953 = arith.addi %get3A_1949, %get3A_1952 : vector<16xi32>
      %swap3A_1954 = arith.index_cast %add3A_1946 : i32 to index
      %swap3A_1955 = tpu.vector_load %arg9[%swap3A_1954] {strides = array<i32>} : memref<1664xi32, #tpu.memory_space<vmem>>, vector<16xi32>,
      %swap3A_1956 = vector.shape_cast %swap3A_1955 : vector<16xi32> to vector<16xi32>
      %swap3A_1957 = vector.shape_cast %add3A_1953 : vector<16xi32> to vector<16xi32>
      tpu.vector_store %arg9[%swap3A_1954], %swap3A_1957 {strides = array<i32>} : memref<1664xi32, #tpu.memory_space<vmem>>, vector<16xi32>,
      %add3A_1958 = arith.constant 144 : i32
      %add3A_1959 = arith.addi %mul3A_1842, %add3A_1958 : i32
      %get3A_1960 = arith.index_cast %add3A_1959 : i32 to index
      %get3A_1961 = tpu.vector_load %arg6[%get3A_1960] {strides = array<i32>} : memref<1664xi32, #tpu.memory_space<vmem>>, vector<16xi32>,
      %get3A_1962 = vector.shape_cast %get3A_1961 : vector<16xi32> to vector<16xi32>
      %get3A_1963 = arith.constant 144 : index
      %get3A_1964 = tpu.vector_load %arg8[%get3A_1963] {strides = array<i32>} : memref<208xi32, #tpu.memory_space<vmem>>, vector<16xi32>,
      %get3A_1965 = vector.shape_cast %get3A_1964 : vector<16xi32> to vector<16xi32>
      %add3A_1966 = arith.addi %get3A_1962, %get3A_1965 : vector<16xi32>
      %swap3A_1967 = arith.index_cast %add3A_1959 : i32 to index
      %swap3A_1968 = tpu.vector_load %arg9[%swap3A_1967] {strides = array<i32>} : memref<1664xi32, #tpu.memory_space<vmem>>, vector<16xi32>,
      %swap3A_1969 = vector.shape_cast %swap3A_1968 : vector<16xi32> to vector<16xi32>
      %swap3A_1970 = vector.shape_cast %add3A_1966 : vector<16xi32> to vector<16xi32>
      tpu.vector_store %arg9[%swap3A_1967], %swap3A_1970 {strides = array<i32>} : memref<1664xi32, #tpu.memory_space<vmem>>, vector<16xi32>,
      %add3A_1971 = arith.constant 160 : i32
      %add3A_1972 = arith.addi %mul3A_1842, %add3A_1971 : i32
      %get3A_1973 = arith.index_cast %add3A_1972 : i32 to index
      %get3A_1974 = tpu.vector_load %arg6[%get3A_1973] {strides = array<i32>} : memref<1664xi32, #tpu.memory_space<vmem>>, vector<16xi32>,
      %get3A_1975 = vector.shape_cast %get3A_1974 : vector<16xi32> to vector<16xi32>
      %get3A_1976 = arith.constant 160 : index
      %get3A_1977 = tpu.vector_load %arg8[%get3A_1976] {strides = array<i32>} : memref<208xi32, #tpu.memory_space<vmem>>, vector<16xi32>,
      %get3A_1978 = vector.shape_cast %get3A_1977 : vector<16xi32> to vector<16xi32>
      %add3A_1979 = arith.addi %get3A_1975, %get3A_1978 : vector<16xi32>
      %swap3A_1980 = arith.index_cast %add3A_1972 : i32 to index
      %swap3A_1981 = tpu.vector_load %arg9[%swap3A_1980] {strides = array<i32>} : memref<1664xi32, #tpu.memory_space<vmem>>, vector<16xi32>,
      %swap3A_1982 = vector.shape_cast %swap3A_1981 : vector<16xi32> to vector<16xi32>
      %swap3A_1983 = vector.shape_cast %add3A_1979 : vector<16xi32> to vector<16xi32>
      tpu.vector_store %arg9[%swap3A_1980], %swap3A_1983 {strides = array<i32>} : memref<1664xi32, #tpu.memory_space<vmem>>, vector<16xi32>,
      %add3A_1984 = arith.constant 176 : i32
      %add3A_1985 = arith.addi %mul3A_1842, %add3A_1984 : i32
      %get3A_1986 = arith.index_cast %add3A_1985 : i32 to index
      %get3A_1987 = tpu.vector_load %arg6[%get3A_1986] {strides = array<i32>} : memref<1664xi32, #tpu.memory_space<vmem>>, vector<16xi32>,
      %get3A_1988 = vector.shape_cast %get3A_1987 : vector<16xi32> to vector<16xi32>
      %get3A_1989 = arith.constant 176 : index
      %get3A_1990 = tpu.vector_load %arg8[%get3A_1989] {strides = array<i32>} : memref<208xi32, #tpu.memory_space<vmem>>, vector<16xi32>,
      %get3A_1991 = vector.shape_cast %get3A_1990 : vector<16xi32> to vector<16xi32>
      %add3A_1992 = arith.addi %get3A_1988, %get3A_1991 : vector<16xi32>
      %swap3A_1993 = arith.index_cast %add3A_1985 : i32 to index
      %swap3A_1994 = tpu.vector_load %arg9[%swap3A_1993] {strides = array<i32>} : memref<1664xi32, #tpu.memory_space<vmem>>, vector<16xi32>,
      %swap3A_1995 = vector.shape_cast %swap3A_1994 : vector<16xi32> to vector<16xi32>
      %swap3A_1996 = vector.shape_cast %add3A_1992 : vector<16xi32> to vector<16xi32>
      tpu.vector_store %arg9[%swap3A_1993], %swap3A_1996 {strides = array<i32>} : memref<1664xi32, #tpu.memory_space<vmem>>, vector<16xi32>,
      %add3A_1997 = arith.constant 192 : i32
      %add3A_1998 = arith.addi %mul3A_1842, %add3A_1997 : i32
      %get3A_1999 = arith.index_cast %add3A_1998 : i32 to index
      %get3A_2000 = tpu.vector_load %arg6[%get3A_1999] {strides = array<i32>} : memref<1664xi32, #tpu.memory_space<vmem>>, vector<16xi32>,
      %get3A_2001 = vector.shape_cast %get3A_2000 : vector<16xi32> to vector<16xi32>
      %get3A_2002 = arith.constant 192 : index
      %get3A_2003 = tpu.vector_load %arg8[%get3A_2002] {strides = array<i32>} : memref<208xi32, #tpu.memory_space<vmem>>, vector<16xi32>,
      %get3A_2004 = vector.shape_cast %get3A_2003 : vector<16xi32> to vector<16xi32>
      %add3A_2005 = arith.addi %get3A_2001, %get3A_2004 : vector<16xi32>
      %swap3A_2006 = arith.index_cast %add3A_1998 : i32 to index
      %swap3A_2007 = tpu.vector_load %arg9[%swap3A_2006] {strides = array<i32>} : memref<1664xi32, #tpu.memory_space<vmem>>, vector<16xi32>,
      %swap3A_2008 = vector.shape_cast %swap3A_2007 : vector<16xi32> to vector<16xi32>
      %swap3A_2009 = vector.shape_cast %add3A_2005 : vector<16xi32> to vector<16xi32>
      tpu.vector_store %arg9[%swap3A_2006], %swap3A_2009 {strides = array<i32>} : memref<1664xi32, #tpu.memory_space<vmem>>, vector<16xi32>,
    }
    %scan3A_1277 = arith.constant 8 : i32
    %dma_wait3A_1278 = arith.constant 0 : i32
    %dma_wait3A_1279 = tpu.memref_slice %arg5[%add3A_1265, %dma_wait3A_1278] : memref<425984x16xf32, #tpu.memory_space<hbm>> -> memref<1664x16xf32, #tpu.memory_space<hbm>>
    %dma_wait3A_1280 = arith.constant 0 : i32
    %dma_wait3A_1281 = tpu.memref_slice %arg5[%add3A_1265, %dma_wait3A_1280] : memref<425984x16xf32, #tpu.memory_space<hbm>> -> memref<1664x16xf32, #tpu.memory_space<hbm>>
    tpu.wait_dma2 semaphore(%arg17 : memref<!tpu.dma_semaphore, #tpu.memory_space<semaphore_mem>>) src(%arg11 : memref<1664x16xf32, #tpu.memory_space<vmem>>) dst(%dma_wait3A_1281 : memref<1664x16xf32, #tpu.memory_space<hbm>>)
    %dma_start3A_1282 = arith.constant 0 : i32
    %dma_start3A_1283 = arith.constant 0 : i32
    %dma_start3A_1284 = tpu.memref_slice %arg11[%dma_start3A_1282, %dma_start3A_1283] : memref<1664x16xf32, #tpu.memory_space<vmem>> -> memref<128x16xf32, #tpu.memory_space<vmem>>
    %dma_start3A_1285 = arith.constant 0 : i32
    %dma_start3A_1286 = tpu.memref_slice %arg9[%dma_start3A_1285] : memref<1664xi32, #tpu.memory_space<vmem>> -> memref<128xi32, #tpu.memory_space<vmem>>
    %dma_start3A_1287 = arith.constant 0 : i32
    %dma_start3A_1288 = arith.constant 0 : i32
    %dma_start3A_1289 = tpu.memref_slice %arg3[%dma_start3A_1287, %dma_start3A_1288] : memref<1000012x16xf32, #tpu.memory_space<hbm>> -> memref<1000012x16xf32, #tpu.memory_space<hbm>>
    tpu.enqueue_indirect_dma source(%dma_start3A_1289 : memref<1000012x16xf32, #tpu.memory_space<hbm>>) target(%dma_start3A_1284 : memref<128x16xf32, #tpu.memory_space<vmem>>) offsets(%dma_start3A_1286 : memref<128xi32, #tpu.memory_space<vmem>>) semaphore(%arg15 : memref<!tpu.dma_semaphore, #tpu.memory_space<semaphore_mem>>)
    %dma_start3A_1290 = arith.constant 128 : i32
    %dma_start3A_1291 = arith.constant 0 : i32
    %dma_start3A_1292 = tpu.memref_slice %arg11[%dma_start3A_1290, %dma_start3A_1291] : memref<1664x16xf32, #tpu.memory_space<vmem>> -> memref<128x16xf32, #tpu.memory_space<vmem>>
    %dma_start3A_1293 = arith.constant 128 : i32
    %dma_start3A_1294 = tpu.memref_slice %arg9[%dma_start3A_1293] : memref<1664xi32, #tpu.memory_space<vmem>> -> memref<128xi32, #tpu.memory_space<vmem>>
    %dma_start3A_1295 = arith.constant 0 : i32
    %dma_start3A_1296 = arith.constant 0 : i32
    %dma_start3A_1297 = tpu.memref_slice %arg3[%dma_start3A_1295, %dma_start3A_1296] : memref<1000012x16xf32, #tpu.memory_space<hbm>> -> memref<1000012x16xf32, #tpu.memory_space<hbm>>
    tpu.enqueue_indirect_dma source(%dma_start3A_1297 : memref<1000012x16xf32, #tpu.memory_space<hbm>>) target(%dma_start3A_1292 : memref<128x16xf32, #tpu.memory_space<vmem>>) offsets(%dma_start3A_1294 : memref<128xi32, #tpu.memory_space<vmem>>) semaphore(%arg15 : memref<!tpu.dma_semaphore, #tpu.memory_space<semaphore_mem>>)
    %dma_start3A_1298 = arith.constant 256 : i32
    %dma_start3A_1299 = arith.constant 0 : i32
    %dma_start3A_1300 = tpu.memref_slice %arg11[%dma_start3A_1298, %dma_start3A_1299] : memref<1664x16xf32, #tpu.memory_space<vmem>> -> memref<128x16xf32, #tpu.memory_space<vmem>>
    %dma_start3A_1301 = arith.constant 256 : i32
    %dma_start3A_1302 = tpu.memref_slice %arg9[%dma_start3A_1301] : memref<1664xi32, #tpu.memory_space<vmem>> -> memref<128xi32, #tpu.memory_space<vmem>>
    %dma_start3A_1303 = arith.constant 0 : i32
    %dma_start3A_1304 = arith.constant 0 : i32
    %dma_start3A_1305 = tpu.memref_slice %arg3[%dma_start3A_1303, %dma_start3A_1304] : memref<1000012x16xf32, #tpu.memory_space<hbm>> -> memref<1000012x16xf32, #tpu.memory_space<hbm>>
    tpu.enqueue_indirect_dma source(%dma_start3A_1305 : memref<1000012x16xf32, #tpu.memory_space<hbm>>) target(%dma_start3A_1300 : memref<128x16xf32, #tpu.memory_space<vmem>>) offsets(%dma_start3A_1302 : memref<128xi32, #tpu.memory_space<vmem>>) semaphore(%arg15 : memref<!tpu.dma_semaphore, #tpu.memory_space<semaphore_mem>>)
    %dma_start3A_1306 = arith.constant 384 : i32
    %dma_start3A_1307 = arith.constant 0 : i32
    %dma_start3A_1308 = tpu.memref_slice %arg11[%dma_start3A_1306, %dma_start3A_1307] : memref<1664x16xf32, #tpu.memory_space<vmem>> -> memref<128x16xf32, #tpu.memory_space<vmem>>
    %dma_start3A_1309 = arith.constant 384 : i32
    %dma_start3A_1310 = tpu.memref_slice %arg9[%dma_start3A_1309] : memref<1664xi32, #tpu.memory_space<vmem>> -> memref<128xi32, #tpu.memory_space<vmem>>
    %dma_start3A_1311 = arith.constant 0 : i32
    %dma_start3A_1312 = arith.constant 0 : i32
    %dma_start3A_1313 = tpu.memref_slice %arg3[%dma_start3A_1311, %dma_start3A_1312] : memref<1000012x16xf32, #tpu.memory_space<hbm>> -> memref<1000012x16xf32, #tpu.memory_space<hbm>>
    tpu.enqueue_indirect_dma source(%dma_start3A_1313 : memref<1000012x16xf32, #tpu.memory_space<hbm>>) target(%dma_start3A_1308 : memref<128x16xf32, #tpu.memory_space<vmem>>) offsets(%dma_start3A_1310 : memref<128xi32, #tpu.memory_space<vmem>>) semaphore(%arg15 : memref<!tpu.dma_semaphore, #tpu.memory_space<semaphore_mem>>)
    %dma_start3A_1314 = arith.constant 512 : i32
    %dma_start3A_1315 = arith.constant 0 : i32
    %dma_start3A_1316 = tpu.memref_slice %arg11[%dma_start3A_1314, %dma_start3A_1315] : memref<1664x16xf32, #tpu.memory_space<vmem>> -> memref<128x16xf32, #tpu.memory_space<vmem>>
    %dma_start3A_1317 = arith.constant 512 : i32
    %dma_start3A_1318 = tpu.memref_slice %arg9[%dma_start3A_1317] : memref<1664xi32, #tpu.memory_space<vmem>> -> memref<128xi32, #tpu.memory_space<vmem>>
    %dma_start3A_1319 = arith.constant 0 : i32
    %dma_start3A_1320 = arith.constant 0 : i32
    %dma_start3A_1321 = tpu.memref_slice %arg3[%dma_start3A_1319, %dma_start3A_1320] : memref<1000012x16xf32, #tpu.memory_space<hbm>> -> memref<1000012x16xf32, #tpu.memory_space<hbm>>
    tpu.enqueue_indirect_dma source(%dma_start3A_1321 : memref<1000012x16xf32, #tpu.memory_space<hbm>>) target(%dma_start3A_1316 : memref<128x16xf32, #tpu.memory_space<vmem>>) offsets(%dma_start3A_1318 : memref<128xi32, #tpu.memory_space<vmem>>) semaphore(%arg15 : memref<!tpu.dma_semaphore, #tpu.memory_space<semaphore_mem>>)
    %dma_start3A_1322 = arith.constant 640 : i32
    %dma_start3A_1323 = arith.constant 0 : i32
    %dma_start3A_1324 = tpu.memref_slice %arg11[%dma_start3A_1322, %dma_start3A_1323] : memref<1664x16xf32, #tpu.memory_space<vmem>> -> memref<128x16xf32, #tpu.memory_space<vmem>>
    %dma_start3A_1325 = arith.constant 640 : i32
    %dma_start3A_1326 = tpu.memref_slice %arg9[%dma_start3A_1325] : memref<1664xi32, #tpu.memory_space<vmem>> -> memref<128xi32, #tpu.memory_space<vmem>>
    %dma_start3A_1327 = arith.constant 0 : i32
    %dma_start3A_1328 = arith.constant 0 : i32
    %dma_start3A_1329 = tpu.memref_slice %arg3[%dma_start3A_1327, %dma_start3A_1328] : memref<1000012x16xf32, #tpu.memory_space<hbm>> -> memref<1000012x16xf32, #tpu.memory_space<hbm>>
    tpu.enqueue_indirect_dma source(%dma_start3A_1329 : memref<1000012x16xf32, #tpu.memory_space<hbm>>) target(%dma_start3A_1324 : memref<128x16xf32, #tpu.memory_space<vmem>>) offsets(%dma_start3A_1326 : memref<128xi32, #tpu.memory_space<vmem>>) semaphore(%arg15 : memref<!tpu.dma_semaphore, #tpu.memory_space<semaphore_mem>>)
    %dma_start3A_1330 = arith.constant 768 : i32
    %dma_start3A_1331 = arith.constant 0 : i32
    %dma_start3A_1332 = tpu.memref_slice %arg11[%dma_start3A_1330, %dma_start3A_1331] : memref<1664x16xf32, #tpu.memory_space<vmem>> -> memref<128x16xf32, #tpu.memory_space<vmem>>
    %dma_start3A_1333 = arith.constant 768 : i32
    %dma_start3A_1334 = tpu.memref_slice %arg9[%dma_start3A_1333] : memref<1664xi32, #tpu.memory_space<vmem>> -> memref<128xi32, #tpu.memory_space<vmem>>
    %dma_start3A_1335 = arith.constant 0 : i32
    %dma_start3A_1336 = arith.constant 0 : i32
    %dma_start3A_1337 = tpu.memref_slice %arg3[%dma_start3A_1335, %dma_start3A_1336] : memref<1000012x16xf32, #tpu.memory_space<hbm>> -> memref<1000012x16xf32, #tpu.memory_space<hbm>>
    tpu.enqueue_indirect_dma source(%dma_start3A_1337 : memref<1000012x16xf32, #tpu.memory_space<hbm>>) target(%dma_start3A_1332 : memref<128x16xf32, #tpu.memory_space<vmem>>) offsets(%dma_start3A_1334 : memref<128xi32, #tpu.memory_space<vmem>>) semaphore(%arg15 : memref<!tpu.dma_semaphore, #tpu.memory_space<semaphore_mem>>)
    %dma_start3A_1338 = arith.constant 896 : i32
    %dma_start3A_1339 = arith.constant 0 : i32
    %dma_start3A_1340 = tpu.memref_slice %arg11[%dma_start3A_1338, %dma_start3A_1339] : memref<1664x16xf32, #tpu.memory_space<vmem>> -> memref<128x16xf32, #tpu.memory_space<vmem>>
    %dma_start3A_1341 = arith.constant 896 : i32
    %dma_start3A_1342 = tpu.memref_slice %arg9[%dma_start3A_1341] : memref<1664xi32, #tpu.memory_space<vmem>> -> memref<128xi32, #tpu.memory_space<vmem>>
    %dma_start3A_1343 = arith.constant 0 : i32
    %dma_start3A_1344 = arith.constant 0 : i32
    %dma_start3A_1345 = tpu.memref_slice %arg3[%dma_start3A_1343, %dma_start3A_1344] : memref<1000012x16xf32, #tpu.memory_space<hbm>> -> memref<1000012x16xf32, #tpu.memory_space<hbm>>
    tpu.enqueue_indirect_dma source(%dma_start3A_1345 : memref<1000012x16xf32, #tpu.memory_space<hbm>>) target(%dma_start3A_1340 : memref<128x16xf32, #tpu.memory_space<vmem>>) offsets(%dma_start3A_1342 : memref<128xi32, #tpu.memory_space<vmem>>) semaphore(%arg15 : memref<!tpu.dma_semaphore, #tpu.memory_space<semaphore_mem>>)
    %dma_start3A_1346 = arith.constant 1024 : i32
    %dma_start3A_1347 = arith.constant 0 : i32
    %dma_start3A_1348 = tpu.memref_slice %arg11[%dma_start3A_1346, %dma_start3A_1347] : memref<1664x16xf32, #tpu.memory_space<vmem>> -> memref<128x16xf32, #tpu.memory_space<vmem>>
    %dma_start3A_1349 = arith.constant 1024 : i32
    %dma_start3A_1350 = tpu.memref_slice %arg9[%dma_start3A_1349] : memref<1664xi32, #tpu.memory_space<vmem>> -> memref<128xi32, #tpu.memory_space<vmem>>
    %dma_start3A_1351 = arith.constant 0 : i32
    %dma_start3A_1352 = arith.constant 0 : i32
    %dma_start3A_1353 = tpu.memref_slice %arg3[%dma_start3A_1351, %dma_start3A_1352] : memref<1000012x16xf32, #tpu.memory_space<hbm>> -> memref<1000012x16xf32, #tpu.memory_space<hbm>>
    tpu.enqueue_indirect_dma source(%dma_start3A_1353 : memref<1000012x16xf32, #tpu.memory_space<hbm>>) target(%dma_start3A_1348 : memref<128x16xf32, #tpu.memory_space<vmem>>) offsets(%dma_start3A_1350 : memref<128xi32, #tpu.memory_space<vmem>>) semaphore(%arg15 : memref<!tpu.dma_semaphore, #tpu.memory_space<semaphore_mem>>)
    %dma_start3A_1354 = arith.constant 1152 : i32
    %dma_start3A_1355 = arith.constant 0 : i32
    %dma_start3A_1356 = tpu.memref_slice %arg11[%dma_start3A_1354, %dma_start3A_1355] : memref<1664x16xf32, #tpu.memory_space<vmem>> -> memref<128x16xf32, #tpu.memory_space<vmem>>
    %dma_start3A_1357 = arith.constant 1152 : i32
    %dma_start3A_1358 = tpu.memref_slice %arg9[%dma_start3A_1357] : memref<1664xi32, #tpu.memory_space<vmem>> -> memref<128xi32, #tpu.memory_space<vmem>>
    %dma_start3A_1359 = arith.constant 0 : i32
    %dma_start3A_1360 = arith.constant 0 : i32
    %dma_start3A_1361 = tpu.memref_slice %arg3[%dma_start3A_1359, %dma_start3A_1360] : memref<1000012x16xf32, #tpu.memory_space<hbm>> -> memref<1000012x16xf32, #tpu.memory_space<hbm>>
    tpu.enqueue_indirect_dma source(%dma_start3A_1361 : memref<1000012x16xf32, #tpu.memory_space<hbm>>) target(%dma_start3A_1356 : memref<128x16xf32, #tpu.memory_space<vmem>>) offsets(%dma_start3A_1358 : memref<128xi32, #tpu.memory_space<vmem>>) semaphore(%arg15 : memref<!tpu.dma_semaphore, #tpu.memory_space<semaphore_mem>>)
    %dma_start3A_1362 = arith.constant 1280 : i32
    %dma_start3A_1363 = arith.constant 0 : i32
    %dma_start3A_1364 = tpu.memref_slice %arg11[%dma_start3A_1362, %dma_start3A_1363] : memref<1664x16xf32, #tpu.memory_space<vmem>> -> memref<128x16xf32, #tpu.memory_space<vmem>>
    %dma_start3A_1365 = arith.constant 1280 : i32
    %dma_start3A_1366 = tpu.memref_slice %arg9[%dma_start3A_1365] : memref<1664xi32, #tpu.memory_space<vmem>> -> memref<128xi32, #tpu.memory_space<vmem>>
    %dma_start3A_1367 = arith.constant 0 : i32
    %dma_start3A_1368 = arith.constant 0 : i32
    %dma_start3A_1369 = tpu.memref_slice %arg3[%dma_start3A_1367, %dma_start3A_1368] : memref<1000012x16xf32, #tpu.memory_space<hbm>> -> memref<1000012x16xf32, #tpu.memory_space<hbm>>
    tpu.enqueue_indirect_dma source(%dma_start3A_1369 : memref<1000012x16xf32, #tpu.memory_space<hbm>>) target(%dma_start3A_1364 : memref<128x16xf32, #tpu.memory_space<vmem>>) offsets(%dma_start3A_1366 : memref<128xi32, #tpu.memory_space<vmem>>) semaphore(%arg15 : memref<!tpu.dma_semaphore, #tpu.memory_space<semaphore_mem>>)
    %dma_start3A_1370 = arith.constant 1408 : i32
    %dma_start3A_1371 = arith.constant 0 : i32
    %dma_start3A_1372 = tpu.memref_slice %arg11[%dma_start3A_1370, %dma_start3A_1371] : memref<1664x16xf32, #tpu.memory_space<vmem>> -> memref<128x16xf32, #tpu.memory_space<vmem>>
    %dma_start3A_1373 = arith.constant 1408 : i32
    %dma_start3A_1374 = tpu.memref_slice %arg9[%dma_start3A_1373] : memref<1664xi32, #tpu.memory_space<vmem>> -> memref<128xi32, #tpu.memory_space<vmem>>
    %dma_start3A_1375 = arith.constant 0 : i32
    %dma_start3A_1376 = arith.constant 0 : i32
    %dma_start3A_1377 = tpu.memref_slice %arg3[%dma_start3A_1375, %dma_start3A_1376] : memref<1000012x16xf32, #tpu.memory_space<hbm>> -> memref<1000012x16xf32, #tpu.memory_space<hbm>>
    tpu.enqueue_indirect_dma source(%dma_start3A_1377 : memref<1000012x16xf32, #tpu.memory_space<hbm>>) target(%dma_start3A_1372 : memref<128x16xf32, #tpu.memory_space<vmem>>) offsets(%dma_start3A_1374 : memref<128xi32, #tpu.memory_space<vmem>>) semaphore(%arg15 : memref<!tpu.dma_semaphore, #tpu.memory_space<semaphore_mem>>)
    %dma_start3A_1378 = arith.constant 1536 : i32
    %dma_start3A_1379 = arith.constant 0 : i32
    %dma_start3A_1380 = tpu.memref_slice %arg11[%dma_start3A_1378, %dma_start3A_1379] : memref<1664x16xf32, #tpu.memory_space<vmem>> -> memref<128x16xf32, #tpu.memory_space<vmem>>
    %dma_start3A_1381 = arith.constant 1536 : i32
    %dma_start3A_1382 = tpu.memref_slice %arg9[%dma_start3A_1381] : memref<1664xi32, #tpu.memory_space<vmem>> -> memref<128xi32, #tpu.memory_space<vmem>>
    %dma_start3A_1383 = arith.constant 0 : i32
    %dma_start3A_1384 = arith.constant 0 : i32
    %dma_start3A_1385 = tpu.memref_slice %arg3[%dma_start3A_1383, %dma_start3A_1384] : memref<1000012x16xf32, #tpu.memory_space<hbm>> -> memref<1000012x16xf32, #tpu.memory_space<hbm>>
    tpu.enqueue_indirect_dma source(%dma_start3A_1385 : memref<1000012x16xf32, #tpu.memory_space<hbm>>) target(%dma_start3A_1380 : memref<128x16xf32, #tpu.memory_space<vmem>>) offsets(%dma_start3A_1382 : memref<128xi32, #tpu.memory_space<vmem>>) semaphore(%arg15 : memref<!tpu.dma_semaphore, #tpu.memory_space<semaphore_mem>>)
    %dma_wait3A_1386 = arith.constant 0 : i32
    %dma_wait3A_1387 = arith.constant 0 : i32
    %dma_wait3A_1388 = tpu.memref_slice %arg12[%dma_wait3A_1386, %dma_wait3A_1387] : memref<1664x16xf32, #tpu.memory_space<vmem>> -> memref<128x16xf32, #tpu.memory_space<vmem>>
    %dma_wait3A_1389 = arith.constant 0 : i32
    %dma_wait3A_1390 = tpu.memref_slice %arg10[%dma_wait3A_1389] : memref<1664xi32, #tpu.memory_space<vmem>> -> memref<128xi32, #tpu.memory_space<vmem>>
    %dma_wait3A_1391 = arith.constant 0 : i32
    %dma_wait3A_1392 = arith.constant 0 : i32
    %dma_wait3A_1393 = tpu.memref_slice %arg3[%dma_wait3A_1391, %dma_wait3A_1392] : memref<1000012x16xf32, #tpu.memory_space<hbm>> -> memref<1000012x16xf32, #tpu.memory_space<hbm>>
    tpu.wait_indirect_dma semaphore(%arg16 : memref<!tpu.dma_semaphore, #tpu.memory_space<semaphore_mem>>) src(%dma_wait3A_1393 : memref<1000012x16xf32, #tpu.memory_space<hbm>>) dst(%dma_wait3A_1388 : memref<128x16xf32, #tpu.memory_space<vmem>>)
    %dma_wait3A_1394 = arith.constant 128 : i32
    %dma_wait3A_1395 = arith.constant 0 : i32
    %dma_wait3A_1396 = tpu.memref_slice %arg12[%dma_wait3A_1394, %dma_wait3A_1395] : memref<1664x16xf32, #tpu.memory_space<vmem>> -> memref<128x16xf32, #tpu.memory_space<vmem>>
    %dma_wait3A_1397 = arith.constant 128 : i32
    %dma_wait3A_1398 = tpu.memref_slice %arg10[%dma_wait3A_1397] : memref<1664xi32, #tpu.memory_space<vmem>> -> memref<128xi32, #tpu.memory_space<vmem>>
    %dma_wait3A_1399 = arith.constant 0 : i32
    %dma_wait3A_1400 = arith.constant 0 : i32
    %dma_wait3A_1401 = tpu.memref_slice %arg3[%dma_wait3A_1399, %dma_wait3A_1400] : memref<1000012x16xf32, #tpu.memory_space<hbm>> -> memref<1000012x16xf32, #tpu.memory_space<hbm>>
    tpu.wait_indirect_dma semaphore(%arg16 : memref<!tpu.dma_semaphore, #tpu.memory_space<semaphore_mem>>) src(%dma_wait3A_1401 : memref<1000012x16xf32, #tpu.memory_space<hbm>>) dst(%dma_wait3A_1396 : memref<128x16xf32, #tpu.memory_space<vmem>>)
    %dma_wait3A_1402 = arith.constant 256 : i32
    %dma_wait3A_1403 = arith.constant 0 : i32
    %dma_wait3A_1404 = tpu.memref_slice %arg12[%dma_wait3A_1402, %dma_wait3A_1403] : memref<1664x16xf32, #tpu.memory_space<vmem>> -> memref<128x16xf32, #tpu.memory_space<vmem>>
    %dma_wait3A_1405 = arith.constant 256 : i32
    %dma_wait3A_1406 = tpu.memref_slice %arg10[%dma_wait3A_1405] : memref<1664xi32, #tpu.memory_space<vmem>> -> memref<128xi32, #tpu.memory_space<vmem>>
    %dma_wait3A_1407 = arith.constant 0 : i32
    %dma_wait3A_1408 = arith.constant 0 : i32
    %dma_wait3A_1409 = tpu.memref_slice %arg3[%dma_wait3A_1407, %dma_wait3A_1408] : memref<1000012x16xf32, #tpu.memory_space<hbm>> -> memref<1000012x16xf32, #tpu.memory_space<hbm>>
    tpu.wait_indirect_dma semaphore(%arg16 : memref<!tpu.dma_semaphore, #tpu.memory_space<semaphore_mem>>) src(%dma_wait3A_1409 : memref<1000012x16xf32, #tpu.memory_space<hbm>>) dst(%dma_wait3A_1404 : memref<128x16xf32, #tpu.memory_space<vmem>>)
    %dma_wait3A_1410 = arith.constant 384 : i32
    %dma_wait3A_1411 = arith.constant 0 : i32
    %dma_wait3A_1412 = tpu.memref_slice %arg12[%dma_wait3A_1410, %dma_wait3A_1411] : memref<1664x16xf32, #tpu.memory_space<vmem>> -> memref<128x16xf32, #tpu.memory_space<vmem>>
    %dma_wait3A_1413 = arith.constant 384 : i32
    %dma_wait3A_1414 = tpu.memref_slice %arg10[%dma_wait3A_1413] : memref<1664xi32, #tpu.memory_space<vmem>> -> memref<128xi32, #tpu.memory_space<vmem>>
    %dma_wait3A_1415 = arith.constant 0 : i32
    %dma_wait3A_1416 = arith.constant 0 : i32
    %dma_wait3A_1417 = tpu.memref_slice %arg3[%dma_wait3A_1415, %dma_wait3A_1416] : memref<1000012x16xf32, #tpu.memory_space<hbm>> -> memref<1000012x16xf32, #tpu.memory_space<hbm>>
    tpu.wait_indirect_dma semaphore(%arg16 : memref<!tpu.dma_semaphore, #tpu.memory_space<semaphore_mem>>) src(%dma_wait3A_1417 : memref<1000012x16xf32, #tpu.memory_space<hbm>>) dst(%dma_wait3A_1412 : memref<128x16xf32, #tpu.memory_space<vmem>>)
    %dma_wait3A_1418 = arith.constant 512 : i32
    %dma_wait3A_1419 = arith.constant 0 : i32
    %dma_wait3A_1420 = tpu.memref_slice %arg12[%dma_wait3A_1418, %dma_wait3A_1419] : memref<1664x16xf32, #tpu.memory_space<vmem>> -> memref<128x16xf32, #tpu.memory_space<vmem>>
    %dma_wait3A_1421 = arith.constant 512 : i32
    %dma_wait3A_1422 = tpu.memref_slice %arg10[%dma_wait3A_1421] : memref<1664xi32, #tpu.memory_space<vmem>> -> memref<128xi32, #tpu.memory_space<vmem>>
    %dma_wait3A_1423 = arith.constant 0 : i32
    %dma_wait3A_1424 = arith.constant 0 : i32
    %dma_wait3A_1425 = tpu.memref_slice %arg3[%dma_wait3A_1423, %dma_wait3A_1424] : memref<1000012x16xf32, #tpu.memory_space<hbm>> -> memref<1000012x16xf32, #tpu.memory_space<hbm>>
    tpu.wait_indirect_dma semaphore(%arg16 : memref<!tpu.dma_semaphore, #tpu.memory_space<semaphore_mem>>) src(%dma_wait3A_1425 : memref<1000012x16xf32, #tpu.memory_space<hbm>>) dst(%dma_wait3A_1420 : memref<128x16xf32, #tpu.memory_space<vmem>>)
    %dma_wait3A_1426 = arith.constant 640 : i32
    %dma_wait3A_1427 = arith.constant 0 : i32
    %dma_wait3A_1428 = tpu.memref_slice %arg12[%dma_wait3A_1426, %dma_wait3A_1427] : memref<1664x16xf32, #tpu.memory_space<vmem>> -> memref<128x16xf32, #tpu.memory_space<vmem>>
    %dma_wait3A_1429 = arith.constant 640 : i32
    %dma_wait3A_1430 = tpu.memref_slice %arg10[%dma_wait3A_1429] : memref<1664xi32, #tpu.memory_space<vmem>> -> memref<128xi32, #tpu.memory_space<vmem>>
    %dma_wait3A_1431 = arith.constant 0 : i32
    %dma_wait3A_1432 = arith.constant 0 : i32
    %dma_wait3A_1433 = tpu.memref_slice %arg3[%dma_wait3A_1431, %dma_wait3A_1432] : memref<1000012x16xf32, #tpu.memory_space<hbm>> -> memref<1000012x16xf32, #tpu.memory_space<hbm>>
    tpu.wait_indirect_dma semaphore(%arg16 : memref<!tpu.dma_semaphore, #tpu.memory_space<semaphore_mem>>) src(%dma_wait3A_1433 : memref<1000012x16xf32, #tpu.memory_space<hbm>>) dst(%dma_wait3A_1428 : memref<128x16xf32, #tpu.memory_space<vmem>>)
    %dma_wait3A_1434 = arith.constant 768 : i32
    %dma_wait3A_1435 = arith.constant 0 : i32
    %dma_wait3A_1436 = tpu.memref_slice %arg12[%dma_wait3A_1434, %dma_wait3A_1435] : memref<1664x16xf32, #tpu.memory_space<vmem>> -> memref<128x16xf32, #tpu.memory_space<vmem>>
    %dma_wait3A_1437 = arith.constant 768 : i32
    %dma_wait3A_1438 = tpu.memref_slice %arg10[%dma_wait3A_1437] : memref<1664xi32, #tpu.memory_space<vmem>> -> memref<128xi32, #tpu.memory_space<vmem>>
    %dma_wait3A_1439 = arith.constant 0 : i32
    %dma_wait3A_1440 = arith.constant 0 : i32
    %dma_wait3A_1441 = tpu.memref_slice %arg3[%dma_wait3A_1439, %dma_wait3A_1440] : memref<1000012x16xf32, #tpu.memory_space<hbm>> -> memref<1000012x16xf32, #tpu.memory_space<hbm>>
    tpu.wait_indirect_dma semaphore(%arg16 : memref<!tpu.dma_semaphore, #tpu.memory_space<semaphore_mem>>) src(%dma_wait3A_1441 : memref<1000012x16xf32, #tpu.memory_space<hbm>>) dst(%dma_wait3A_1436 : memref<128x16xf32, #tpu.memory_space<vmem>>)
    %dma_wait3A_1442 = arith.constant 896 : i32
    %dma_wait3A_1443 = arith.constant 0 : i32
    %dma_wait3A_1444 = tpu.memref_slice %arg12[%dma_wait3A_1442, %dma_wait3A_1443] : memref<1664x16xf32, #tpu.memory_space<vmem>> -> memref<128x16xf32, #tpu.memory_space<vmem>>
    %dma_wait3A_1445 = arith.constant 896 : i32
    %dma_wait3A_1446 = tpu.memref_slice %arg10[%dma_wait3A_1445] : memref<1664xi32, #tpu.memory_space<vmem>> -> memref<128xi32, #tpu.memory_space<vmem>>
    %dma_wait3A_1447 = arith.constant 0 : i32
    %dma_wait3A_1448 = arith.constant 0 : i32
    %dma_wait3A_1449 = tpu.memref_slice %arg3[%dma_wait3A_1447, %dma_wait3A_1448] : memref<1000012x16xf32, #tpu.memory_space<hbm>> -> memref<1000012x16xf32, #tpu.memory_space<hbm>>
    tpu.wait_indirect_dma semaphore(%arg16 : memref<!tpu.dma_semaphore, #tpu.memory_space<semaphore_mem>>) src(%dma_wait3A_1449 : memref<1000012x16xf32, #tpu.memory_space<hbm>>) dst(%dma_wait3A_1444 : memref<128x16xf32, #tpu.memory_space<vmem>>)
    %dma_wait3A_1450 = arith.constant 1024 : i32
    %dma_wait3A_1451 = arith.constant 0 : i32
    %dma_wait3A_1452 = tpu.memref_slice %arg12[%dma_wait3A_1450, %dma_wait3A_1451] : memref<1664x16xf32, #tpu.memory_space<vmem>> -> memref<128x16xf32, #tpu.memory_space<vmem>>
    %dma_wait3A_1453 = arith.constant 1024 : i32
    %dma_wait3A_1454 = tpu.memref_slice %arg10[%dma_wait3A_1453] : memref<1664xi32, #tpu.memory_space<vmem>> -> memref<128xi32, #tpu.memory_space<vmem>>
    %dma_wait3A_1455 = arith.constant 0 : i32
    %dma_wait3A_1456 = arith.constant 0 : i32
    %dma_wait3A_1457 = tpu.memref_slice %arg3[%dma_wait3A_1455, %dma_wait3A_1456] : memref<1000012x16xf32, #tpu.memory_space<hbm>> -> memref<1000012x16xf32, #tpu.memory_space<hbm>>
    tpu.wait_indirect_dma semaphore(%arg16 : memref<!tpu.dma_semaphore, #tpu.memory_space<semaphore_mem>>) src(%dma_wait3A_1457 : memref<1000012x16xf32, #tpu.memory_space<hbm>>) dst(%dma_wait3A_1452 : memref<128x16xf32, #tpu.memory_space<vmem>>)
    %dma_wait3A_1458 = arith.constant 1152 : i32
    %dma_wait3A_1459 = arith.constant 0 : i32
    %dma_wait3A_1460 = tpu.memref_slice %arg12[%dma_wait3A_1458, %dma_wait3A_1459] : memref<1664x16xf32, #tpu.memory_space<vmem>> -> memref<128x16xf32, #tpu.memory_space<vmem>>
    %dma_wait3A_1461 = arith.constant 1152 : i32
    %dma_wait3A_1462 = tpu.memref_slice %arg10[%dma_wait3A_1461] : memref<1664xi32, #tpu.memory_space<vmem>> -> memref<128xi32, #tpu.memory_space<vmem>>
    %dma_wait3A_1463 = arith.constant 0 : i32
    %dma_wait3A_1464 = arith.constant 0 : i32
    %dma_wait3A_1465 = tpu.memref_slice %arg3[%dma_wait3A_1463, %dma_wait3A_1464] : memref<1000012x16xf32, #tpu.memory_space<hbm>> -> memref<1000012x16xf32, #tpu.memory_space<hbm>>
    tpu.wait_indirect_dma semaphore(%arg16 : memref<!tpu.dma_semaphore, #tpu.memory_space<semaphore_mem>>) src(%dma_wait3A_1465 : memref<1000012x16xf32, #tpu.memory_space<hbm>>) dst(%dma_wait3A_1460 : memref<128x16xf32, #tpu.memory_space<vmem>>)
    %dma_wait3A_1466 = arith.constant 1280 : i32
    %dma_wait3A_1467 = arith.constant 0 : i32
    %dma_wait3A_1468 = tpu.memref_slice %arg12[%dma_wait3A_1466, %dma_wait3A_1467] : memref<1664x16xf32, #tpu.memory_space<vmem>> -> memref<128x16xf32, #tpu.memory_space<vmem>>
    %dma_wait3A_1469 = arith.constant 1280 : i32
    %dma_wait3A_1470 = tpu.memref_slice %arg10[%dma_wait3A_1469] : memref<1664xi32, #tpu.memory_space<vmem>> -> memref<128xi32, #tpu.memory_space<vmem>>
    %dma_wait3A_1471 = arith.constant 0 : i32
    %dma_wait3A_1472 = arith.constant 0 : i32
    %dma_wait3A_1473 = tpu.memref_slice %arg3[%dma_wait3A_1471, %dma_wait3A_1472] : memref<1000012x16xf32, #tpu.memory_space<hbm>> -> memref<1000012x16xf32, #tpu.memory_space<hbm>>
    tpu.wait_indirect_dma semaphore(%arg16 : memref<!tpu.dma_semaphore, #tpu.memory_space<semaphore_mem>>) src(%dma_wait3A_1473 : memref<1000012x16xf32, #tpu.memory_space<hbm>>) dst(%dma_wait3A_1468 : memref<128x16xf32, #tpu.memory_space<vmem>>)
    %dma_wait3A_1474 = arith.constant 1408 : i32
    %dma_wait3A_1475 = arith.constant 0 : i32
    %dma_wait3A_1476 = tpu.memref_slice %arg12[%dma_wait3A_1474, %dma_wait3A_1475] : memref<1664x16xf32, #tpu.memory_space<vmem>> -> memref<128x16xf32, #tpu.memory_space<vmem>>
    %dma_wait3A_1477 = arith.constant 1408 : i32
    %dma_wait3A_1478 = tpu.memref_slice %arg10[%dma_wait3A_1477] : memref<1664xi32, #tpu.memory_space<vmem>> -> memref<128xi32, #tpu.memory_space<vmem>>
    %dma_wait3A_1479 = arith.constant 0 : i32
    %dma_wait3A_1480 = arith.constant 0 : i32
    %dma_wait3A_1481 = tpu.memref_slice %arg3[%dma_wait3A_1479, %dma_wait3A_1480] : memref<1000012x16xf32, #tpu.memory_space<hbm>> -> memref<1000012x16xf32, #tpu.memory_space<hbm>>
    tpu.wait_indirect_dma semaphore(%arg16 : memref<!tpu.dma_semaphore, #tpu.memory_space<semaphore_mem>>) src(%dma_wait3A_1481 : memref<1000012x16xf32, #tpu.memory_space<hbm>>) dst(%dma_wait3A_1476 : memref<128x16xf32, #tpu.memory_space<vmem>>)
    %dma_wait3A_1482 = arith.constant 1536 : i32
    %dma_wait3A_1483 = arith.constant 0 : i32
    %dma_wait3A_1484 = tpu.memref_slice %arg12[%dma_wait3A_1482, %dma_wait3A_1483] : memref<1664x16xf32, #tpu.memory_space<vmem>> -> memref<128x16xf32, #tpu.memory_space<vmem>>
    %dma_wait3A_1485 = arith.constant 1536 : i32
    %dma_wait3A_1486 = tpu.memref_slice %arg10[%dma_wait3A_1485] : memref<1664xi32, #tpu.memory_space<vmem>> -> memref<128xi32, #tpu.memory_space<vmem>>
    %dma_wait3A_1487 = arith.constant 0 : i32
    %dma_wait3A_1488 = arith.constant 0 : i32
    %dma_wait3A_1489 = tpu.memref_slice %arg3[%dma_wait3A_1487, %dma_wait3A_1488] : memref<1000012x16xf32, #tpu.memory_space<hbm>> -> memref<1000012x16xf32, #tpu.memory_space<hbm>>
    tpu.wait_indirect_dma semaphore(%arg16 : memref<!tpu.dma_semaphore, #tpu.memory_space<semaphore_mem>>) src(%dma_wait3A_1489 : memref<1000012x16xf32, #tpu.memory_space<hbm>>) dst(%dma_wait3A_1484 : memref<128x16xf32, #tpu.memory_space<vmem>>)
    %add3A_1490 = arith.constant 8320 : i32
    %add3A_1491 = arith.addi %mul3A_2, %add3A_1490 : i32
    %dma_start3A_1492 = arith.constant 0 : i32
    %dma_start3A_1493 = tpu.memref_slice %arg5[%add3A_1491, %dma_start3A_1492] : memref<425984x16xf32, #tpu.memory_space<hbm>> -> memref<1664x16xf32, #tpu.memory_space<hbm>>
    %dma_start3A_1494 = arith.constant 0 : i32
    %dma_start3A_1495 = tpu.memref_slice %arg5[%add3A_1491, %dma_start3A_1494] : memref<425984x16xf32, #tpu.memory_space<hbm>> -> memref<1664x16xf32, #tpu.memory_space<hbm>>
    tpu.enqueue_dma source(%arg12 : memref<1664x16xf32, #tpu.memory_space<vmem>>) target(%dma_start3A_1495 : memref<1664x16xf32, #tpu.memory_space<hbm>>) target_semaphore(%arg18 : memref<!tpu.dma_semaphore, #tpu.memory_space<semaphore_mem>>)
    %dma_wait3A_1496 = tpu.memref_slice %arg2[%add3A_1157] : memref<425984xi32, #tpu.memory_space<hbm>> -> memref<1664xi32, #tpu.memory_space<hbm>>
    %dma_wait3A_1497 = tpu.memref_slice %arg2[%add3A_1157] : memref<425984xi32, #tpu.memory_space<hbm>> -> memref<1664xi32, #tpu.memory_space<hbm>>
    tpu.wait_dma2 semaphore(%arg14 : memref<!tpu.dma_semaphore, #tpu.memory_space<semaphore_mem>>) src(%dma_wait3A_1497 : memref<1664xi32, #tpu.memory_space<hbm>>) dst(%arg7 : memref<1664xi32, #tpu.memory_space<vmem>>)
    %scan3A_1498 = arith.constant 0 : i32
    %scan3A_1499 = arith.constant 0 : i32
    %scan3A_1500 = arith.constant 8 : i32
    %scan3A_1501 = arith.addi %scan3A_1499, %scan3A_1500 : i32
    %scan3A_1502 = arith.constant 1 : i32
    scf.for %scan3A_1840 = %scan3A_1499 to %scan3A_1501 step %scan3A_1502  : i32 {
      %mul3A_1841 = arith.constant 208 : i32
      %mul3A_1842 = arith.muli %scan3A_1840, %mul3A_1841 : i32
      %add3A_1843 = arith.constant 0 : i32
      %add3A_1844 = arith.addi %mul3A_1842, %add3A_1843 : i32
      %get3A = arith.index_cast %add3A_1844 : i32 to index
      %get3A_1845 = tpu.vector_load %arg7[%get3A] {strides = array<i32>} : memref<1664xi32, #tpu.memory_space<vmem>>, vector<16xi32>,
      %get3A_1846 = vector.shape_cast %get3A_1845 : vector<16xi32> to vector<16xi32>
      %get3A_1847 = arith.constant 0 : index
      %get3A_1848 = tpu.vector_load %arg8[%get3A_1847] {strides = array<i32>} : memref<208xi32, #tpu.memory_space<vmem>>, vector<16xi32>,
      %get3A_1849 = vector.shape_cast %get3A_1848 : vector<16xi32> to vector<16xi32>
      %add3A_1850 = arith.addi %get3A_1846, %get3A_1849 : vector<16xi32>
      %swap3A = arith.index_cast %add3A_1844 : i32 to index
      %swap3A_1851 = tpu.vector_load %arg10[%swap3A] {strides = array<i32>} : memref<1664xi32, #tpu.memory_space<vmem>>, vector<16xi32>,
      %swap3A_1852 = vector.shape_cast %swap3A_1851 : vector<16xi32> to vector<16xi32>
      %swap3A_1853 = vector.shape_cast %add3A_1850 : vector<16xi32> to vector<16xi32>
      tpu.vector_store %arg10[%swap3A], %swap3A_1853 {strides = array<i32>} : memref<1664xi32, #tpu.memory_space<vmem>>, vector<16xi32>,
      %add3A_1854 = arith.constant 16 : i32
      %add3A_1855 = arith.addi %mul3A_1842, %add3A_1854 : i32
      %get3A_1856 = arith.index_cast %add3A_1855 : i32 to index
      %get3A_1857 = tpu.vector_load %arg7[%get3A_1856] {strides = array<i32>} : memref<1664xi32, #tpu.memory_space<vmem>>, vector<16xi32>,
      %get3A_1858 = vector.shape_cast %get3A_1857 : vector<16xi32> to vector<16xi32>
      %get3A_1859 = arith.constant 16 : index
      %get3A_1860 = tpu.vector_load %arg8[%get3A_1859] {strides = array<i32>} : memref<208xi32, #tpu.memory_space<vmem>>, vector<16xi32>,
      %get3A_1861 = vector.shape_cast %get3A_1860 : vector<16xi32> to vector<16xi32>
      %add3A_1862 = arith.addi %get3A_1858, %get3A_1861 : vector<16xi32>
      %swap3A_1863 = arith.index_cast %add3A_1855 : i32 to index
      %swap3A_1864 = tpu.vector_load %arg10[%swap3A_1863] {strides = array<i32>} : memref<1664xi32, #tpu.memory_space<vmem>>, vector<16xi32>,
      %swap3A_1865 = vector.shape_cast %swap3A_1864 : vector<16xi32> to vector<16xi32>
      %swap3A_1866 = vector.shape_cast %add3A_1862 : vector<16xi32> to vector<16xi32>
      tpu.vector_store %arg10[%swap3A_1863], %swap3A_1866 {strides = array<i32>} : memref<1664xi32, #tpu.memory_space<vmem>>, vector<16xi32>,
      %add3A_1867 = arith.constant 32 : i32
      %add3A_1868 = arith.addi %mul3A_1842, %add3A_1867 : i32
      %get3A_1869 = arith.index_cast %add3A_1868 : i32 to index
      %get3A_1870 = tpu.vector_load %arg7[%get3A_1869] {strides = array<i32>} : memref<1664xi32, #tpu.memory_space<vmem>>, vector<16xi32>,
      %get3A_1871 = vector.shape_cast %get3A_1870 : vector<16xi32> to vector<16xi32>
      %get3A_1872 = arith.constant 32 : index
      %get3A_1873 = tpu.vector_load %arg8[%get3A_1872] {strides = array<i32>} : memref<208xi32, #tpu.memory_space<vmem>>, vector<16xi32>,
      %get3A_1874 = vector.shape_cast %get3A_1873 : vector<16xi32> to vector<16xi32>
      %add3A_1875 = arith.addi %get3A_1871, %get3A_1874 : vector<16xi32>
      %swap3A_1876 = arith.index_cast %add3A_1868 : i32 to index
      %swap3A_1877 = tpu.vector_load %arg10[%swap3A_1876] {strides = array<i32>} : memref<1664xi32, #tpu.memory_space<vmem>>, vector<16xi32>,
      %swap3A_1878 = vector.shape_cast %swap3A_1877 : vector<16xi32> to vector<16xi32>
      %swap3A_1879 = vector.shape_cast %add3A_1875 : vector<16xi32> to vector<16xi32>
      tpu.vector_store %arg10[%swap3A_1876], %swap3A_1879 {strides = array<i32>} : memref<1664xi32, #tpu.memory_space<vmem>>, vector<16xi32>,
      %add3A_1880 = arith.constant 48 : i32
      %add3A_1881 = arith.addi %mul3A_1842, %add3A_1880 : i32
      %get3A_1882 = arith.index_cast %add3A_1881 : i32 to index
      %get3A_1883 = tpu.vector_load %arg7[%get3A_1882] {strides = array<i32>} : memref<1664xi32, #tpu.memory_space<vmem>>, vector<16xi32>,
      %get3A_1884 = vector.shape_cast %get3A_1883 : vector<16xi32> to vector<16xi32>
      %get3A_1885 = arith.constant 48 : index
      %get3A_1886 = tpu.vector_load %arg8[%get3A_1885] {strides = array<i32>} : memref<208xi32, #tpu.memory_space<vmem>>, vector<16xi32>,
      %get3A_1887 = vector.shape_cast %get3A_1886 : vector<16xi32> to vector<16xi32>
      %add3A_1888 = arith.addi %get3A_1884, %get3A_1887 : vector<16xi32>
      %swap3A_1889 = arith.index_cast %add3A_1881 : i32 to index
      %swap3A_1890 = tpu.vector_load %arg10[%swap3A_1889] {strides = array<i32>} : memref<1664xi32, #tpu.memory_space<vmem>>, vector<16xi32>,
      %swap3A_1891 = vector.shape_cast %swap3A_1890 : vector<16xi32> to vector<16xi32>
      %swap3A_1892 = vector.shape_cast %add3A_1888 : vector<16xi32> to vector<16xi32>
      tpu.vector_store %arg10[%swap3A_1889], %swap3A_1892 {strides = array<i32>} : memref<1664xi32, #tpu.memory_space<vmem>>, vector<16xi32>,
      %add3A_1893 = arith.constant 64 : i32
      %add3A_1894 = arith.addi %mul3A_1842, %add3A_1893 : i32
      %get3A_1895 = arith.index_cast %add3A_1894 : i32 to index
      %get3A_1896 = tpu.vector_load %arg7[%get3A_1895] {strides = array<i32>} : memref<1664xi32, #tpu.memory_space<vmem>>, vector<16xi32>,
      %get3A_1897 = vector.shape_cast %get3A_1896 : vector<16xi32> to vector<16xi32>
      %get3A_1898 = arith.constant 64 : index
      %get3A_1899 = tpu.vector_load %arg8[%get3A_1898] {strides = array<i32>} : memref<208xi32, #tpu.memory_space<vmem>>, vector<16xi32>,
      %get3A_1900 = vector.shape_cast %get3A_1899 : vector<16xi32> to vector<16xi32>
      %add3A_1901 = arith.addi %get3A_1897, %get3A_1900 : vector<16xi32>
      %swap3A_1902 = arith.index_cast %add3A_1894 : i32 to index
      %swap3A_1903 = tpu.vector_load %arg10[%swap3A_1902] {strides = array<i32>} : memref<1664xi32, #tpu.memory_space<vmem>>, vector<16xi32>,
      %swap3A_1904 = vector.shape_cast %swap3A_1903 : vector<16xi32> to vector<16xi32>
      %swap3A_1905 = vector.shape_cast %add3A_1901 : vector<16xi32> to vector<16xi32>
      tpu.vector_store %arg10[%swap3A_1902], %swap3A_1905 {strides = array<i32>} : memref<1664xi32, #tpu.memory_space<vmem>>, vector<16xi32>,
      %add3A_1906 = arith.constant 80 : i32
      %add3A_1907 = arith.addi %mul3A_1842, %add3A_1906 : i32
      %get3A_1908 = arith.index_cast %add3A_1907 : i32 to index
      %get3A_1909 = tpu.vector_load %arg7[%get3A_1908] {strides = array<i32>} : memref<1664xi32, #tpu.memory_space<vmem>>, vector<16xi32>,
      %get3A_1910 = vector.shape_cast %get3A_1909 : vector<16xi32> to vector<16xi32>
      %get3A_1911 = arith.constant 80 : index
      %get3A_1912 = tpu.vector_load %arg8[%get3A_1911] {strides = array<i32>} : memref<208xi32, #tpu.memory_space<vmem>>, vector<16xi32>,
      %get3A_1913 = vector.shape_cast %get3A_1912 : vector<16xi32> to vector<16xi32>
      %add3A_1914 = arith.addi %get3A_1910, %get3A_1913 : vector<16xi32>
      %swap3A_1915 = arith.index_cast %add3A_1907 : i32 to index
      %swap3A_1916 = tpu.vector_load %arg10[%swap3A_1915] {strides = array<i32>} : memref<1664xi32, #tpu.memory_space<vmem>>, vector<16xi32>,
      %swap3A_1917 = vector.shape_cast %swap3A_1916 : vector<16xi32> to vector<16xi32>
      %swap3A_1918 = vector.shape_cast %add3A_1914 : vector<16xi32> to vector<16xi32>
      tpu.vector_store %arg10[%swap3A_1915], %swap3A_1918 {strides = array<i32>} : memref<1664xi32, #tpu.memory_space<vmem>>, vector<16xi32>,
      %add3A_1919 = arith.constant 96 : i32
      %add3A_1920 = arith.addi %mul3A_1842, %add3A_1919 : i32
      %get3A_1921 = arith.index_cast %add3A_1920 : i32 to index
      %get3A_1922 = tpu.vector_load %arg7[%get3A_1921] {strides = array<i32>} : memref<1664xi32, #tpu.memory_space<vmem>>, vector<16xi32>,
      %get3A_1923 = vector.shape_cast %get3A_1922 : vector<16xi32> to vector<16xi32>
      %get3A_1924 = arith.constant 96 : index
      %get3A_1925 = tpu.vector_load %arg8[%get3A_1924] {strides = array<i32>} : memref<208xi32, #tpu.memory_space<vmem>>, vector<16xi32>,
      %get3A_1926 = vector.shape_cast %get3A_1925 : vector<16xi32> to vector<16xi32>
      %add3A_1927 = arith.addi %get3A_1923, %get3A_1926 : vector<16xi32>
      %swap3A_1928 = arith.index_cast %add3A_1920 : i32 to index
      %swap3A_1929 = tpu.vector_load %arg10[%swap3A_1928] {strides = array<i32>} : memref<1664xi32, #tpu.memory_space<vmem>>, vector<16xi32>,
      %swap3A_1930 = vector.shape_cast %swap3A_1929 : vector<16xi32> to vector<16xi32>
      %swap3A_1931 = vector.shape_cast %add3A_1927 : vector<16xi32> to vector<16xi32>
      tpu.vector_store %arg10[%swap3A_1928], %swap3A_1931 {strides = array<i32>} : memref<1664xi32, #tpu.memory_space<vmem>>, vector<16xi32>,
      %add3A_1932 = arith.constant 112 : i32
      %add3A_1933 = arith.addi %mul3A_1842, %add3A_1932 : i32
      %get3A_1934 = arith.index_cast %add3A_1933 : i32 to index
      %get3A_1935 = tpu.vector_load %arg7[%get3A_1934] {strides = array<i32>} : memref<1664xi32, #tpu.memory_space<vmem>>, vector<16xi32>,
      %get3A_1936 = vector.shape_cast %get3A_1935 : vector<16xi32> to vector<16xi32>
      %get3A_1937 = arith.constant 112 : index
      %get3A_1938 = tpu.vector_load %arg8[%get3A_1937] {strides = array<i32>} : memref<208xi32, #tpu.memory_space<vmem>>, vector<16xi32>,
      %get3A_1939 = vector.shape_cast %get3A_1938 : vector<16xi32> to vector<16xi32>
      %add3A_1940 = arith.addi %get3A_1936, %get3A_1939 : vector<16xi32>
      %swap3A_1941 = arith.index_cast %add3A_1933 : i32 to index
      %swap3A_1942 = tpu.vector_load %arg10[%swap3A_1941] {strides = array<i32>} : memref<1664xi32, #tpu.memory_space<vmem>>, vector<16xi32>,
      %swap3A_1943 = vector.shape_cast %swap3A_1942 : vector<16xi32> to vector<16xi32>
      %swap3A_1944 = vector.shape_cast %add3A_1940 : vector<16xi32> to vector<16xi32>
      tpu.vector_store %arg10[%swap3A_1941], %swap3A_1944 {strides = array<i32>} : memref<1664xi32, #tpu.memory_space<vmem>>, vector<16xi32>,
      %add3A_1945 = arith.constant 128 : i32
      %add3A_1946 = arith.addi %mul3A_1842, %add3A_1945 : i32
      %get3A_1947 = arith.index_cast %add3A_1946 : i32 to index
      %get3A_1948 = tpu.vector_load %arg7[%get3A_1947] {strides = array<i32>} : memref<1664xi32, #tpu.memory_space<vmem>>, vector<16xi32>,
      %get3A_1949 = vector.shape_cast %get3A_1948 : vector<16xi32> to vector<16xi32>
      %get3A_1950 = arith.constant 128 : index
      %get3A_1951 = tpu.vector_load %arg8[%get3A_1950] {strides = array<i32>} : memref<208xi32, #tpu.memory_space<vmem>>, vector<16xi32>,
      %get3A_1952 = vector.shape_cast %get3A_1951 : vector<16xi32> to vector<16xi32>
      %add3A_1953 = arith.addi %get3A_1949, %get3A_1952 : vector<16xi32>
      %swap3A_1954 = arith.index_cast %add3A_1946 : i32 to index
      %swap3A_1955 = tpu.vector_load %arg10[%swap3A_1954] {strides = array<i32>} : memref<1664xi32, #tpu.memory_space<vmem>>, vector<16xi32>,
      %swap3A_1956 = vector.shape_cast %swap3A_1955 : vector<16xi32> to vector<16xi32>
      %swap3A_1957 = vector.shape_cast %add3A_1953 : vector<16xi32> to vector<16xi32>
      tpu.vector_store %arg10[%swap3A_1954], %swap3A_1957 {strides = array<i32>} : memref<1664xi32, #tpu.memory_space<vmem>>, vector<16xi32>,
      %add3A_1958 = arith.constant 144 : i32
      %add3A_1959 = arith.addi %mul3A_1842, %add3A_1958 : i32
      %get3A_1960 = arith.index_cast %add3A_1959 : i32 to index
      %get3A_1961 = tpu.vector_load %arg7[%get3A_1960] {strides = array<i32>} : memref<1664xi32, #tpu.memory_space<vmem>>, vector<16xi32>,
      %get3A_1962 = vector.shape_cast %get3A_1961 : vector<16xi32> to vector<16xi32>
      %get3A_1963 = arith.constant 144 : index
      %get3A_1964 = tpu.vector_load %arg8[%get3A_1963] {strides = array<i32>} : memref<208xi32, #tpu.memory_space<vmem>>, vector<16xi32>,
      %get3A_1965 = vector.shape_cast %get3A_1964 : vector<16xi32> to vector<16xi32>
      %add3A_1966 = arith.addi %get3A_1962, %get3A_1965 : vector<16xi32>
      %swap3A_1967 = arith.index_cast %add3A_1959 : i32 to index
      %swap3A_1968 = tpu.vector_load %arg10[%swap3A_1967] {strides = array<i32>} : memref<1664xi32, #tpu.memory_space<vmem>>, vector<16xi32>,
      %swap3A_1969 = vector.shape_cast %swap3A_1968 : vector<16xi32> to vector<16xi32>
      %swap3A_1970 = vector.shape_cast %add3A_1966 : vector<16xi32> to vector<16xi32>
      tpu.vector_store %arg10[%swap3A_1967], %swap3A_1970 {strides = array<i32>} : memref<1664xi32, #tpu.memory_space<vmem>>, vector<16xi32>,
      %add3A_1971 = arith.constant 160 : i32
      %add3A_1972 = arith.addi %mul3A_1842, %add3A_1971 : i32
      %get3A_1973 = arith.index_cast %add3A_1972 : i32 to index
      %get3A_1974 = tpu.vector_load %arg7[%get3A_1973] {strides = array<i32>} : memref<1664xi32, #tpu.memory_space<vmem>>, vector<16xi32>,
      %get3A_1975 = vector.shape_cast %get3A_1974 : vector<16xi32> to vector<16xi32>
      %get3A_1976 = arith.constant 160 : index
      %get3A_1977 = tpu.vector_load %arg8[%get3A_1976] {strides = array<i32>} : memref<208xi32, #tpu.memory_space<vmem>>, vector<16xi32>,
      %get3A_1978 = vector.shape_cast %get3A_1977 : vector<16xi32> to vector<16xi32>
      %add3A_1979 = arith.addi %get3A_1975, %get3A_1978 : vector<16xi32>
      %swap3A_1980 = arith.index_cast %add3A_1972 : i32 to index
      %swap3A_1981 = tpu.vector_load %arg10[%swap3A_1980] {strides = array<i32>} : memref<1664xi32, #tpu.memory_space<vmem>>, vector<16xi32>,
      %swap3A_1982 = vector.shape_cast %swap3A_1981 : vector<16xi32> to vector<16xi32>
      %swap3A_1983 = vector.shape_cast %add3A_1979 : vector<16xi32> to vector<16xi32>
      tpu.vector_store %arg10[%swap3A_1980], %swap3A_1983 {strides = array<i32>} : memref<1664xi32, #tpu.memory_space<vmem>>, vector<16xi32>,
      %add3A_1984 = arith.constant 176 : i32
      %add3A_1985 = arith.addi %mul3A_1842, %add3A_1984 : i32
      %get3A_1986 = arith.index_cast %add3A_1985 : i32 to index
      %get3A_1987 = tpu.vector_load %arg7[%get3A_1986] {strides = array<i32>} : memref<1664xi32, #tpu.memory_space<vmem>>, vector<16xi32>,
      %get3A_1988 = vector.shape_cast %get3A_1987 : vector<16xi32> to vector<16xi32>
      %get3A_1989 = arith.constant 176 : index
      %get3A_1990 = tpu.vector_load %arg8[%get3A_1989] {strides = array<i32>} : memref<208xi32, #tpu.memory_space<vmem>>, vector<16xi32>,
      %get3A_1991 = vector.shape_cast %get3A_1990 : vector<16xi32> to vector<16xi32>
      %add3A_1992 = arith.addi %get3A_1988, %get3A_1991 : vector<16xi32>
      %swap3A_1993 = arith.index_cast %add3A_1985 : i32 to index
      %swap3A_1994 = tpu.vector_load %arg10[%swap3A_1993] {strides = array<i32>} : memref<1664xi32, #tpu.memory_space<vmem>>, vector<16xi32>,
      %swap3A_1995 = vector.shape_cast %swap3A_1994 : vector<16xi32> to vector<16xi32>
      %swap3A_1996 = vector.shape_cast %add3A_1992 : vector<16xi32> to vector<16xi32>
      tpu.vector_store %arg10[%swap3A_1993], %swap3A_1996 {strides = array<i32>} : memref<1664xi32, #tpu.memory_space<vmem>>, vector<16xi32>,
      %add3A_1997 = arith.constant 192 : i32
      %add3A_1998 = arith.addi %mul3A_1842, %add3A_1997 : i32
      %get3A_1999 = arith.index_cast %add3A_1998 : i32 to index
      %get3A_2000 = tpu.vector_load %arg7[%get3A_1999] {strides = array<i32>} : memref<1664xi32, #tpu.memory_space<vmem>>, vector<16xi32>,
      %get3A_2001 = vector.shape_cast %get3A_2000 : vector<16xi32> to vector<16xi32>
      %get3A_2002 = arith.constant 192 : index
      %get3A_2003 = tpu.vector_load %arg8[%get3A_2002] {strides = array<i32>} : memref<208xi32, #tpu.memory_space<vmem>>, vector<16xi32>,
      %get3A_2004 = vector.shape_cast %get3A_2003 : vector<16xi32> to vector<16xi32>
      %add3A_2005 = arith.addi %get3A_2001, %get3A_2004 : vector<16xi32>
      %swap3A_2006 = arith.index_cast %add3A_1998 : i32 to index
      %swap3A_2007 = tpu.vector_load %arg10[%swap3A_2006] {strides = array<i32>} : memref<1664xi32, #tpu.memory_space<vmem>>, vector<16xi32>,
      %swap3A_2008 = vector.shape_cast %swap3A_2007 : vector<16xi32> to vector<16xi32>
      %swap3A_2009 = vector.shape_cast %add3A_2005 : vector<16xi32> to vector<16xi32>
      tpu.vector_store %arg10[%swap3A_2006], %swap3A_2009 {strides = array<i32>} : memref<1664xi32, #tpu.memory_space<vmem>>, vector<16xi32>,
    }
    %scan3A_1503 = arith.constant 8 : i32
    %dma_wait3A_1504 = arith.constant 0 : i32
    %dma_wait3A_1505 = tpu.memref_slice %arg5[%add3A_1491, %dma_wait3A_1504] : memref<425984x16xf32, #tpu.memory_space<hbm>> -> memref<1664x16xf32, #tpu.memory_space<hbm>>
    %dma_wait3A_1506 = arith.constant 0 : i32
    %dma_wait3A_1507 = tpu.memref_slice %arg5[%add3A_1491, %dma_wait3A_1506] : memref<425984x16xf32, #tpu.memory_space<hbm>> -> memref<1664x16xf32, #tpu.memory_space<hbm>>
    tpu.wait_dma2 semaphore(%arg18 : memref<!tpu.dma_semaphore, #tpu.memory_space<semaphore_mem>>) src(%arg12 : memref<1664x16xf32, #tpu.memory_space<vmem>>) dst(%dma_wait3A_1507 : memref<1664x16xf32, #tpu.memory_space<hbm>>)
    %dma_start3A_1508 = arith.constant 0 : i32
    %dma_start3A_1509 = arith.constant 0 : i32
    %dma_start3A_1510 = tpu.memref_slice %arg12[%dma_start3A_1508, %dma_start3A_1509] : memref<1664x16xf32, #tpu.memory_space<vmem>> -> memref<128x16xf32, #tpu.memory_space<vmem>>
    %dma_start3A_1511 = arith.constant 0 : i32
    %dma_start3A_1512 = tpu.memref_slice %arg10[%dma_start3A_1511] : memref<1664xi32, #tpu.memory_space<vmem>> -> memref<128xi32, #tpu.memory_space<vmem>>
    %dma_start3A_1513 = arith.constant 0 : i32
    %dma_start3A_1514 = arith.constant 0 : i32
    %dma_start3A_1515 = tpu.memref_slice %arg3[%dma_start3A_1513, %dma_start3A_1514] : memref<1000012x16xf32, #tpu.memory_space<hbm>> -> memref<1000012x16xf32, #tpu.memory_space<hbm>>
    tpu.enqueue_indirect_dma source(%dma_start3A_1515 : memref<1000012x16xf32, #tpu.memory_space<hbm>>) target(%dma_start3A_1510 : memref<128x16xf32, #tpu.memory_space<vmem>>) offsets(%dma_start3A_1512 : memref<128xi32, #tpu.memory_space<vmem>>) semaphore(%arg16 : memref<!tpu.dma_semaphore, #tpu.memory_space<semaphore_mem>>)
    %dma_start3A_1516 = arith.constant 128 : i32
    %dma_start3A_1517 = arith.constant 0 : i32
    %dma_start3A_1518 = tpu.memref_slice %arg12[%dma_start3A_1516, %dma_start3A_1517] : memref<1664x16xf32, #tpu.memory_space<vmem>> -> memref<128x16xf32, #tpu.memory_space<vmem>>
    %dma_start3A_1519 = arith.constant 128 : i32
    %dma_start3A_1520 = tpu.memref_slice %arg10[%dma_start3A_1519] : memref<1664xi32, #tpu.memory_space<vmem>> -> memref<128xi32, #tpu.memory_space<vmem>>
    %dma_start3A_1521 = arith.constant 0 : i32
    %dma_start3A_1522 = arith.constant 0 : i32
    %dma_start3A_1523 = tpu.memref_slice %arg3[%dma_start3A_1521, %dma_start3A_1522] : memref<1000012x16xf32, #tpu.memory_space<hbm>> -> memref<1000012x16xf32, #tpu.memory_space<hbm>>
    tpu.enqueue_indirect_dma source(%dma_start3A_1523 : memref<1000012x16xf32, #tpu.memory_space<hbm>>) target(%dma_start3A_1518 : memref<128x16xf32, #tpu.memory_space<vmem>>) offsets(%dma_start3A_1520 : memref<128xi32, #tpu.memory_space<vmem>>) semaphore(%arg16 : memref<!tpu.dma_semaphore, #tpu.memory_space<semaphore_mem>>)
    %dma_start3A_1524 = arith.constant 256 : i32
    %dma_start3A_1525 = arith.constant 0 : i32
    %dma_start3A_1526 = tpu.memref_slice %arg12[%dma_start3A_1524, %dma_start3A_1525] : memref<1664x16xf32, #tpu.memory_space<vmem>> -> memref<128x16xf32, #tpu.memory_space<vmem>>
    %dma_start3A_1527 = arith.constant 256 : i32
    %dma_start3A_1528 = tpu.memref_slice %arg10[%dma_start3A_1527] : memref<1664xi32, #tpu.memory_space<vmem>> -> memref<128xi32, #tpu.memory_space<vmem>>
    %dma_start3A_1529 = arith.constant 0 : i32
    %dma_start3A_1530 = arith.constant 0 : i32
    %dma_start3A_1531 = tpu.memref_slice %arg3[%dma_start3A_1529, %dma_start3A_1530] : memref<1000012x16xf32, #tpu.memory_space<hbm>> -> memref<1000012x16xf32, #tpu.memory_space<hbm>>
    tpu.enqueue_indirect_dma source(%dma_start3A_1531 : memref<1000012x16xf32, #tpu.memory_space<hbm>>) target(%dma_start3A_1526 : memref<128x16xf32, #tpu.memory_space<vmem>>) offsets(%dma_start3A_1528 : memref<128xi32, #tpu.memory_space<vmem>>) semaphore(%arg16 : memref<!tpu.dma_semaphore, #tpu.memory_space<semaphore_mem>>)
    %dma_start3A_1532 = arith.constant 384 : i32
    %dma_start3A_1533 = arith.constant 0 : i32
    %dma_start3A_1534 = tpu.memref_slice %arg12[%dma_start3A_1532, %dma_start3A_1533] : memref<1664x16xf32, #tpu.memory_space<vmem>> -> memref<128x16xf32, #tpu.memory_space<vmem>>
    %dma_start3A_1535 = arith.constant 384 : i32
    %dma_start3A_1536 = tpu.memref_slice %arg10[%dma_start3A_1535] : memref<1664xi32, #tpu.memory_space<vmem>> -> memref<128xi32, #tpu.memory_space<vmem>>
    %dma_start3A_1537 = arith.constant 0 : i32
    %dma_start3A_1538 = arith.constant 0 : i32
    %dma_start3A_1539 = tpu.memref_slice %arg3[%dma_start3A_1537, %dma_start3A_1538] : memref<1000012x16xf32, #tpu.memory_space<hbm>> -> memref<1000012x16xf32, #tpu.memory_space<hbm>>
    tpu.enqueue_indirect_dma source(%dma_start3A_1539 : memref<1000012x16xf32, #tpu.memory_space<hbm>>) target(%dma_start3A_1534 : memref<128x16xf32, #tpu.memory_space<vmem>>) offsets(%dma_start3A_1536 : memref<128xi32, #tpu.memory_space<vmem>>) semaphore(%arg16 : memref<!tpu.dma_semaphore, #tpu.memory_space<semaphore_mem>>)
    %dma_start3A_1540 = arith.constant 512 : i32
    %dma_start3A_1541 = arith.constant 0 : i32
    %dma_start3A_1542 = tpu.memref_slice %arg12[%dma_start3A_1540, %dma_start3A_1541] : memref<1664x16xf32, #tpu.memory_space<vmem>> -> memref<128x16xf32, #tpu.memory_space<vmem>>
    %dma_start3A_1543 = arith.constant 512 : i32
    %dma_start3A_1544 = tpu.memref_slice %arg10[%dma_start3A_1543] : memref<1664xi32, #tpu.memory_space<vmem>> -> memref<128xi32, #tpu.memory_space<vmem>>
    %dma_start3A_1545 = arith.constant 0 : i32
    %dma_start3A_1546 = arith.constant 0 : i32
    %dma_start3A_1547 = tpu.memref_slice %arg3[%dma_start3A_1545, %dma_start3A_1546] : memref<1000012x16xf32, #tpu.memory_space<hbm>> -> memref<1000012x16xf32, #tpu.memory_space<hbm>>
    tpu.enqueue_indirect_dma source(%dma_start3A_1547 : memref<1000012x16xf32, #tpu.memory_space<hbm>>) target(%dma_start3A_1542 : memref<128x16xf32, #tpu.memory_space<vmem>>) offsets(%dma_start3A_1544 : memref<128xi32, #tpu.memory_space<vmem>>) semaphore(%arg16 : memref<!tpu.dma_semaphore, #tpu.memory_space<semaphore_mem>>)
    %dma_start3A_1548 = arith.constant 640 : i32
    %dma_start3A_1549 = arith.constant 0 : i32
    %dma_start3A_1550 = tpu.memref_slice %arg12[%dma_start3A_1548, %dma_start3A_1549] : memref<1664x16xf32, #tpu.memory_space<vmem>> -> memref<128x16xf32, #tpu.memory_space<vmem>>
    %dma_start3A_1551 = arith.constant 640 : i32
    %dma_start3A_1552 = tpu.memref_slice %arg10[%dma_start3A_1551] : memref<1664xi32, #tpu.memory_space<vmem>> -> memref<128xi32, #tpu.memory_space<vmem>>
    %dma_start3A_1553 = arith.constant 0 : i32
    %dma_start3A_1554 = arith.constant 0 : i32
    %dma_start3A_1555 = tpu.memref_slice %arg3[%dma_start3A_1553, %dma_start3A_1554] : memref<1000012x16xf32, #tpu.memory_space<hbm>> -> memref<1000012x16xf32, #tpu.memory_space<hbm>>
    tpu.enqueue_indirect_dma source(%dma_start3A_1555 : memref<1000012x16xf32, #tpu.memory_space<hbm>>) target(%dma_start3A_1550 : memref<128x16xf32, #tpu.memory_space<vmem>>) offsets(%dma_start3A_1552 : memref<128xi32, #tpu.memory_space<vmem>>) semaphore(%arg16 : memref<!tpu.dma_semaphore, #tpu.memory_space<semaphore_mem>>)
    %dma_start3A_1556 = arith.constant 768 : i32
    %dma_start3A_1557 = arith.constant 0 : i32
    %dma_start3A_1558 = tpu.memref_slice %arg12[%dma_start3A_1556, %dma_start3A_1557] : memref<1664x16xf32, #tpu.memory_space<vmem>> -> memref<128x16xf32, #tpu.memory_space<vmem>>
    %dma_start3A_1559 = arith.constant 768 : i32
    %dma_start3A_1560 = tpu.memref_slice %arg10[%dma_start3A_1559] : memref<1664xi32, #tpu.memory_space<vmem>> -> memref<128xi32, #tpu.memory_space<vmem>>
    %dma_start3A_1561 = arith.constant 0 : i32
    %dma_start3A_1562 = arith.constant 0 : i32
    %dma_start3A_1563 = tpu.memref_slice %arg3[%dma_start3A_1561, %dma_start3A_1562] : memref<1000012x16xf32, #tpu.memory_space<hbm>> -> memref<1000012x16xf32, #tpu.memory_space<hbm>>
    tpu.enqueue_indirect_dma source(%dma_start3A_1563 : memref<1000012x16xf32, #tpu.memory_space<hbm>>) target(%dma_start3A_1558 : memref<128x16xf32, #tpu.memory_space<vmem>>) offsets(%dma_start3A_1560 : memref<128xi32, #tpu.memory_space<vmem>>) semaphore(%arg16 : memref<!tpu.dma_semaphore, #tpu.memory_space<semaphore_mem>>)
    %dma_start3A_1564 = arith.constant 896 : i32
    %dma_start3A_1565 = arith.constant 0 : i32
    %dma_start3A_1566 = tpu.memref_slice %arg12[%dma_start3A_1564, %dma_start3A_1565] : memref<1664x16xf32, #tpu.memory_space<vmem>> -> memref<128x16xf32, #tpu.memory_space<vmem>>
    %dma_start3A_1567 = arith.constant 896 : i32
    %dma_start3A_1568 = tpu.memref_slice %arg10[%dma_start3A_1567] : memref<1664xi32, #tpu.memory_space<vmem>> -> memref<128xi32, #tpu.memory_space<vmem>>
    %dma_start3A_1569 = arith.constant 0 : i32
    %dma_start3A_1570 = arith.constant 0 : i32
    %dma_start3A_1571 = tpu.memref_slice %arg3[%dma_start3A_1569, %dma_start3A_1570] : memref<1000012x16xf32, #tpu.memory_space<hbm>> -> memref<1000012x16xf32, #tpu.memory_space<hbm>>
    tpu.enqueue_indirect_dma source(%dma_start3A_1571 : memref<1000012x16xf32, #tpu.memory_space<hbm>>) target(%dma_start3A_1566 : memref<128x16xf32, #tpu.memory_space<vmem>>) offsets(%dma_start3A_1568 : memref<128xi32, #tpu.memory_space<vmem>>) semaphore(%arg16 : memref<!tpu.dma_semaphore, #tpu.memory_space<semaphore_mem>>)
    %dma_start3A_1572 = arith.constant 1024 : i32
    %dma_start3A_1573 = arith.constant 0 : i32
    %dma_start3A_1574 = tpu.memref_slice %arg12[%dma_start3A_1572, %dma_start3A_1573] : memref<1664x16xf32, #tpu.memory_space<vmem>> -> memref<128x16xf32, #tpu.memory_space<vmem>>
    %dma_start3A_1575 = arith.constant 1024 : i32
    %dma_start3A_1576 = tpu.memref_slice %arg10[%dma_start3A_1575] : memref<1664xi32, #tpu.memory_space<vmem>> -> memref<128xi32, #tpu.memory_space<vmem>>
    %dma_start3A_1577 = arith.constant 0 : i32
    %dma_start3A_1578 = arith.constant 0 : i32
    %dma_start3A_1579 = tpu.memref_slice %arg3[%dma_start3A_1577, %dma_start3A_1578] : memref<1000012x16xf32, #tpu.memory_space<hbm>> -> memref<1000012x16xf32, #tpu.memory_space<hbm>>
    tpu.enqueue_indirect_dma source(%dma_start3A_1579 : memref<1000012x16xf32, #tpu.memory_space<hbm>>) target(%dma_start3A_1574 : memref<128x16xf32, #tpu.memory_space<vmem>>) offsets(%dma_start3A_1576 : memref<128xi32, #tpu.memory_space<vmem>>) semaphore(%arg16 : memref<!tpu.dma_semaphore, #tpu.memory_space<semaphore_mem>>)
    %dma_start3A_1580 = arith.constant 1152 : i32
    %dma_start3A_1581 = arith.constant 0 : i32
    %dma_start3A_1582 = tpu.memref_slice %arg12[%dma_start3A_1580, %dma_start3A_1581] : memref<1664x16xf32, #tpu.memory_space<vmem>> -> memref<128x16xf32, #tpu.memory_space<vmem>>
    %dma_start3A_1583 = arith.constant 1152 : i32
    %dma_start3A_1584 = tpu.memref_slice %arg10[%dma_start3A_1583] : memref<1664xi32, #tpu.memory_space<vmem>> -> memref<128xi32, #tpu.memory_space<vmem>>
    %dma_start3A_1585 = arith.constant 0 : i32
    %dma_start3A_1586 = arith.constant 0 : i32
    %dma_start3A_1587 = tpu.memref_slice %arg3[%dma_start3A_1585, %dma_start3A_1586] : memref<1000012x16xf32, #tpu.memory_space<hbm>> -> memref<1000012x16xf32, #tpu.memory_space<hbm>>
    tpu.enqueue_indirect_dma source(%dma_start3A_1587 : memref<1000012x16xf32, #tpu.memory_space<hbm>>) target(%dma_start3A_1582 : memref<128x16xf32, #tpu.memory_space<vmem>>) offsets(%dma_start3A_1584 : memref<128xi32, #tpu.memory_space<vmem>>) semaphore(%arg16 : memref<!tpu.dma_semaphore, #tpu.memory_space<semaphore_mem>>)
    %dma_start3A_1588 = arith.constant 1280 : i32
    %dma_start3A_1589 = arith.constant 0 : i32
    %dma_start3A_1590 = tpu.memref_slice %arg12[%dma_start3A_1588, %dma_start3A_1589] : memref<1664x16xf32, #tpu.memory_space<vmem>> -> memref<128x16xf32, #tpu.memory_space<vmem>>
    %dma_start3A_1591 = arith.constant 1280 : i32
    %dma_start3A_1592 = tpu.memref_slice %arg10[%dma_start3A_1591] : memref<1664xi32, #tpu.memory_space<vmem>> -> memref<128xi32, #tpu.memory_space<vmem>>
    %dma_start3A_1593 = arith.constant 0 : i32
    %dma_start3A_1594 = arith.constant 0 : i32
    %dma_start3A_1595 = tpu.memref_slice %arg3[%dma_start3A_1593, %dma_start3A_1594] : memref<1000012x16xf32, #tpu.memory_space<hbm>> -> memref<1000012x16xf32, #tpu.memory_space<hbm>>
    tpu.enqueue_indirect_dma source(%dma_start3A_1595 : memref<1000012x16xf32, #tpu.memory_space<hbm>>) target(%dma_start3A_1590 : memref<128x16xf32, #tpu.memory_space<vmem>>) offsets(%dma_start3A_1592 : memref<128xi32, #tpu.memory_space<vmem>>) semaphore(%arg16 : memref<!tpu.dma_semaphore, #tpu.memory_space<semaphore_mem>>)
    %dma_start3A_1596 = arith.constant 1408 : i32
    %dma_start3A_1597 = arith.constant 0 : i32
    %dma_start3A_1598 = tpu.memref_slice %arg12[%dma_start3A_1596, %dma_start3A_1597] : memref<1664x16xf32, #tpu.memory_space<vmem>> -> memref<128x16xf32, #tpu.memory_space<vmem>>
    %dma_start3A_1599 = arith.constant 1408 : i32
    %dma_start3A_1600 = tpu.memref_slice %arg10[%dma_start3A_1599] : memref<1664xi32, #tpu.memory_space<vmem>> -> memref<128xi32, #tpu.memory_space<vmem>>
    %dma_start3A_1601 = arith.constant 0 : i32
    %dma_start3A_1602 = arith.constant 0 : i32
    %dma_start3A_1603 = tpu.memref_slice %arg3[%dma_start3A_1601, %dma_start3A_1602] : memref<1000012x16xf32, #tpu.memory_space<hbm>> -> memref<1000012x16xf32, #tpu.memory_space<hbm>>
    tpu.enqueue_indirect_dma source(%dma_start3A_1603 : memref<1000012x16xf32, #tpu.memory_space<hbm>>) target(%dma_start3A_1598 : memref<128x16xf32, #tpu.memory_space<vmem>>) offsets(%dma_start3A_1600 : memref<128xi32, #tpu.memory_space<vmem>>) semaphore(%arg16 : memref<!tpu.dma_semaphore, #tpu.memory_space<semaphore_mem>>)
    %dma_start3A_1604 = arith.constant 1536 : i32
    %dma_start3A_1605 = arith.constant 0 : i32
    %dma_start3A_1606 = tpu.memref_slice %arg12[%dma_start3A_1604, %dma_start3A_1605] : memref<1664x16xf32, #tpu.memory_space<vmem>> -> memref<128x16xf32, #tpu.memory_space<vmem>>
    %dma_start3A_1607 = arith.constant 1536 : i32
    %dma_start3A_1608 = tpu.memref_slice %arg10[%dma_start3A_1607] : memref<1664xi32, #tpu.memory_space<vmem>> -> memref<128xi32, #tpu.memory_space<vmem>>
    %dma_start3A_1609 = arith.constant 0 : i32
    %dma_start3A_1610 = arith.constant 0 : i32
    %dma_start3A_1611 = tpu.memref_slice %arg3[%dma_start3A_1609, %dma_start3A_1610] : memref<1000012x16xf32, #tpu.memory_space<hbm>> -> memref<1000012x16xf32, #tpu.memory_space<hbm>>
    tpu.enqueue_indirect_dma source(%dma_start3A_1611 : memref<1000012x16xf32, #tpu.memory_space<hbm>>) target(%dma_start3A_1606 : memref<128x16xf32, #tpu.memory_space<vmem>>) offsets(%dma_start3A_1608 : memref<128xi32, #tpu.memory_space<vmem>>) semaphore(%arg16 : memref<!tpu.dma_semaphore, #tpu.memory_space<semaphore_mem>>)
    %dma_wait3A_1612 = arith.constant 0 : i32
    %dma_wait3A_1613 = arith.constant 0 : i32
    %dma_wait3A_1614 = tpu.memref_slice %arg11[%dma_wait3A_1612, %dma_wait3A_1613] : memref<1664x16xf32, #tpu.memory_space<vmem>> -> memref<128x16xf32, #tpu.memory_space<vmem>>
    %dma_wait3A_1615 = arith.constant 0 : i32
    %dma_wait3A_1616 = tpu.memref_slice %arg9[%dma_wait3A_1615] : memref<1664xi32, #tpu.memory_space<vmem>> -> memref<128xi32, #tpu.memory_space<vmem>>
    %dma_wait3A_1617 = arith.constant 0 : i32
    %dma_wait3A_1618 = arith.constant 0 : i32
    %dma_wait3A_1619 = tpu.memref_slice %arg3[%dma_wait3A_1617, %dma_wait3A_1618] : memref<1000012x16xf32, #tpu.memory_space<hbm>> -> memref<1000012x16xf32, #tpu.memory_space<hbm>>
    tpu.wait_indirect_dma semaphore(%arg15 : memref<!tpu.dma_semaphore, #tpu.memory_space<semaphore_mem>>) src(%dma_wait3A_1619 : memref<1000012x16xf32, #tpu.memory_space<hbm>>) dst(%dma_wait3A_1614 : memref<128x16xf32, #tpu.memory_space<vmem>>)
    %dma_wait3A_1620 = arith.constant 128 : i32
    %dma_wait3A_1621 = arith.constant 0 : i32
    %dma_wait3A_1622 = tpu.memref_slice %arg11[%dma_wait3A_1620, %dma_wait3A_1621] : memref<1664x16xf32, #tpu.memory_space<vmem>> -> memref<128x16xf32, #tpu.memory_space<vmem>>
    %dma_wait3A_1623 = arith.constant 128 : i32
    %dma_wait3A_1624 = tpu.memref_slice %arg9[%dma_wait3A_1623] : memref<1664xi32, #tpu.memory_space<vmem>> -> memref<128xi32, #tpu.memory_space<vmem>>
    %dma_wait3A_1625 = arith.constant 0 : i32
    %dma_wait3A_1626 = arith.constant 0 : i32
    %dma_wait3A_1627 = tpu.memref_slice %arg3[%dma_wait3A_1625, %dma_wait3A_1626] : memref<1000012x16xf32, #tpu.memory_space<hbm>> -> memref<1000012x16xf32, #tpu.memory_space<hbm>>
    tpu.wait_indirect_dma semaphore(%arg15 : memref<!tpu.dma_semaphore, #tpu.memory_space<semaphore_mem>>) src(%dma_wait3A_1627 : memref<1000012x16xf32, #tpu.memory_space<hbm>>) dst(%dma_wait3A_1622 : memref<128x16xf32, #tpu.memory_space<vmem>>)
    %dma_wait3A_1628 = arith.constant 256 : i32
    %dma_wait3A_1629 = arith.constant 0 : i32
    %dma_wait3A_1630 = tpu.memref_slice %arg11[%dma_wait3A_1628, %dma_wait3A_1629] : memref<1664x16xf32, #tpu.memory_space<vmem>> -> memref<128x16xf32, #tpu.memory_space<vmem>>
    %dma_wait3A_1631 = arith.constant 256 : i32
    %dma_wait3A_1632 = tpu.memref_slice %arg9[%dma_wait3A_1631] : memref<1664xi32, #tpu.memory_space<vmem>> -> memref<128xi32, #tpu.memory_space<vmem>>
    %dma_wait3A_1633 = arith.constant 0 : i32
    %dma_wait3A_1634 = arith.constant 0 : i32
    %dma_wait3A_1635 = tpu.memref_slice %arg3[%dma_wait3A_1633, %dma_wait3A_1634] : memref<1000012x16xf32, #tpu.memory_space<hbm>> -> memref<1000012x16xf32, #tpu.memory_space<hbm>>
    tpu.wait_indirect_dma semaphore(%arg15 : memref<!tpu.dma_semaphore, #tpu.memory_space<semaphore_mem>>) src(%dma_wait3A_1635 : memref<1000012x16xf32, #tpu.memory_space<hbm>>) dst(%dma_wait3A_1630 : memref<128x16xf32, #tpu.memory_space<vmem>>)
    %dma_wait3A_1636 = arith.constant 384 : i32
    %dma_wait3A_1637 = arith.constant 0 : i32
    %dma_wait3A_1638 = tpu.memref_slice %arg11[%dma_wait3A_1636, %dma_wait3A_1637] : memref<1664x16xf32, #tpu.memory_space<vmem>> -> memref<128x16xf32, #tpu.memory_space<vmem>>
    %dma_wait3A_1639 = arith.constant 384 : i32
    %dma_wait3A_1640 = tpu.memref_slice %arg9[%dma_wait3A_1639] : memref<1664xi32, #tpu.memory_space<vmem>> -> memref<128xi32, #tpu.memory_space<vmem>>
    %dma_wait3A_1641 = arith.constant 0 : i32
    %dma_wait3A_1642 = arith.constant 0 : i32
    %dma_wait3A_1643 = tpu.memref_slice %arg3[%dma_wait3A_1641, %dma_wait3A_1642] : memref<1000012x16xf32, #tpu.memory_space<hbm>> -> memref<1000012x16xf32, #tpu.memory_space<hbm>>
    tpu.wait_indirect_dma semaphore(%arg15 : memref<!tpu.dma_semaphore, #tpu.memory_space<semaphore_mem>>) src(%dma_wait3A_1643 : memref<1000012x16xf32, #tpu.memory_space<hbm>>) dst(%dma_wait3A_1638 : memref<128x16xf32, #tpu.memory_space<vmem>>)
    %dma_wait3A_1644 = arith.constant 512 : i32
    %dma_wait3A_1645 = arith.constant 0 : i32
    %dma_wait3A_1646 = tpu.memref_slice %arg11[%dma_wait3A_1644, %dma_wait3A_1645] : memref<1664x16xf32, #tpu.memory_space<vmem>> -> memref<128x16xf32, #tpu.memory_space<vmem>>
    %dma_wait3A_1647 = arith.constant 512 : i32
    %dma_wait3A_1648 = tpu.memref_slice %arg9[%dma_wait3A_1647] : memref<1664xi32, #tpu.memory_space<vmem>> -> memref<128xi32, #tpu.memory_space<vmem>>
    %dma_wait3A_1649 = arith.constant 0 : i32
    %dma_wait3A_1650 = arith.constant 0 : i32
    %dma_wait3A_1651 = tpu.memref_slice %arg3[%dma_wait3A_1649, %dma_wait3A_1650] : memref<1000012x16xf32, #tpu.memory_space<hbm>> -> memref<1000012x16xf32, #tpu.memory_space<hbm>>
    tpu.wait_indirect_dma semaphore(%arg15 : memref<!tpu.dma_semaphore, #tpu.memory_space<semaphore_mem>>) src(%dma_wait3A_1651 : memref<1000012x16xf32, #tpu.memory_space<hbm>>) dst(%dma_wait3A_1646 : memref<128x16xf32, #tpu.memory_space<vmem>>)
    %dma_wait3A_1652 = arith.constant 640 : i32
    %dma_wait3A_1653 = arith.constant 0 : i32
    %dma_wait3A_1654 = tpu.memref_slice %arg11[%dma_wait3A_1652, %dma_wait3A_1653] : memref<1664x16xf32, #tpu.memory_space<vmem>> -> memref<128x16xf32, #tpu.memory_space<vmem>>
    %dma_wait3A_1655 = arith.constant 640 : i32
    %dma_wait3A_1656 = tpu.memref_slice %arg9[%dma_wait3A_1655] : memref<1664xi32, #tpu.memory_space<vmem>> -> memref<128xi32, #tpu.memory_space<vmem>>
    %dma_wait3A_1657 = arith.constant 0 : i32
    %dma_wait3A_1658 = arith.constant 0 : i32
    %dma_wait3A_1659 = tpu.memref_slice %arg3[%dma_wait3A_1657, %dma_wait3A_1658] : memref<1000012x16xf32, #tpu.memory_space<hbm>> -> memref<1000012x16xf32, #tpu.memory_space<hbm>>
    tpu.wait_indirect_dma semaphore(%arg15 : memref<!tpu.dma_semaphore, #tpu.memory_space<semaphore_mem>>) src(%dma_wait3A_1659 : memref<1000012x16xf32, #tpu.memory_space<hbm>>) dst(%dma_wait3A_1654 : memref<128x16xf32, #tpu.memory_space<vmem>>)
    %dma_wait3A_1660 = arith.constant 768 : i32
    %dma_wait3A_1661 = arith.constant 0 : i32
    %dma_wait3A_1662 = tpu.memref_slice %arg11[%dma_wait3A_1660, %dma_wait3A_1661] : memref<1664x16xf32, #tpu.memory_space<vmem>> -> memref<128x16xf32, #tpu.memory_space<vmem>>
    %dma_wait3A_1663 = arith.constant 768 : i32
    %dma_wait3A_1664 = tpu.memref_slice %arg9[%dma_wait3A_1663] : memref<1664xi32, #tpu.memory_space<vmem>> -> memref<128xi32, #tpu.memory_space<vmem>>
    %dma_wait3A_1665 = arith.constant 0 : i32
    %dma_wait3A_1666 = arith.constant 0 : i32
    %dma_wait3A_1667 = tpu.memref_slice %arg3[%dma_wait3A_1665, %dma_wait3A_1666] : memref<1000012x16xf32, #tpu.memory_space<hbm>> -> memref<1000012x16xf32, #tpu.memory_space<hbm>>
    tpu.wait_indirect_dma semaphore(%arg15 : memref<!tpu.dma_semaphore, #tpu.memory_space<semaphore_mem>>) src(%dma_wait3A_1667 : memref<1000012x16xf32, #tpu.memory_space<hbm>>) dst(%dma_wait3A_1662 : memref<128x16xf32, #tpu.memory_space<vmem>>)
    %dma_wait3A_1668 = arith.constant 896 : i32
    %dma_wait3A_1669 = arith.constant 0 : i32
    %dma_wait3A_1670 = tpu.memref_slice %arg11[%dma_wait3A_1668, %dma_wait3A_1669] : memref<1664x16xf32, #tpu.memory_space<vmem>> -> memref<128x16xf32, #tpu.memory_space<vmem>>
    %dma_wait3A_1671 = arith.constant 896 : i32
    %dma_wait3A_1672 = tpu.memref_slice %arg9[%dma_wait3A_1671] : memref<1664xi32, #tpu.memory_space<vmem>> -> memref<128xi32, #tpu.memory_space<vmem>>
    %dma_wait3A_1673 = arith.constant 0 : i32
    %dma_wait3A_1674 = arith.constant 0 : i32
    %dma_wait3A_1675 = tpu.memref_slice %arg3[%dma_wait3A_1673, %dma_wait3A_1674] : memref<1000012x16xf32, #tpu.memory_space<hbm>> -> memref<1000012x16xf32, #tpu.memory_space<hbm>>
    tpu.wait_indirect_dma semaphore(%arg15 : memref<!tpu.dma_semaphore, #tpu.memory_space<semaphore_mem>>) src(%dma_wait3A_1675 : memref<1000012x16xf32, #tpu.memory_space<hbm>>) dst(%dma_wait3A_1670 : memref<128x16xf32, #tpu.memory_space<vmem>>)
    %dma_wait3A_1676 = arith.constant 1024 : i32
    %dma_wait3A_1677 = arith.constant 0 : i32
    %dma_wait3A_1678 = tpu.memref_slice %arg11[%dma_wait3A_1676, %dma_wait3A_1677] : memref<1664x16xf32, #tpu.memory_space<vmem>> -> memref<128x16xf32, #tpu.memory_space<vmem>>
    %dma_wait3A_1679 = arith.constant 1024 : i32
    %dma_wait3A_1680 = tpu.memref_slice %arg9[%dma_wait3A_1679] : memref<1664xi32, #tpu.memory_space<vmem>> -> memref<128xi32, #tpu.memory_space<vmem>>
    %dma_wait3A_1681 = arith.constant 0 : i32
    %dma_wait3A_1682 = arith.constant 0 : i32
    %dma_wait3A_1683 = tpu.memref_slice %arg3[%dma_wait3A_1681, %dma_wait3A_1682] : memref<1000012x16xf32, #tpu.memory_space<hbm>> -> memref<1000012x16xf32, #tpu.memory_space<hbm>>
    tpu.wait_indirect_dma semaphore(%arg15 : memref<!tpu.dma_semaphore, #tpu.memory_space<semaphore_mem>>) src(%dma_wait3A_1683 : memref<1000012x16xf32, #tpu.memory_space<hbm>>) dst(%dma_wait3A_1678 : memref<128x16xf32, #tpu.memory_space<vmem>>)
    %dma_wait3A_1684 = arith.constant 1152 : i32
    %dma_wait3A_1685 = arith.constant 0 : i32
    %dma_wait3A_1686 = tpu.memref_slice %arg11[%dma_wait3A_1684, %dma_wait3A_1685] : memref<1664x16xf32, #tpu.memory_space<vmem>> -> memref<128x16xf32, #tpu.memory_space<vmem>>
    %dma_wait3A_1687 = arith.constant 1152 : i32
    %dma_wait3A_1688 = tpu.memref_slice %arg9[%dma_wait3A_1687] : memref<1664xi32, #tpu.memory_space<vmem>> -> memref<128xi32, #tpu.memory_space<vmem>>
    %dma_wait3A_1689 = arith.constant 0 : i32
    %dma_wait3A_1690 = arith.constant 0 : i32
    %dma_wait3A_1691 = tpu.memref_slice %arg3[%dma_wait3A_1689, %dma_wait3A_1690] : memref<1000012x16xf32, #tpu.memory_space<hbm>> -> memref<1000012x16xf32, #tpu.memory_space<hbm>>
    tpu.wait_indirect_dma semaphore(%arg15 : memref<!tpu.dma_semaphore, #tpu.memory_space<semaphore_mem>>) src(%dma_wait3A_1691 : memref<1000012x16xf32, #tpu.memory_space<hbm>>) dst(%dma_wait3A_1686 : memref<128x16xf32, #tpu.memory_space<vmem>>)
    %dma_wait3A_1692 = arith.constant 1280 : i32
    %dma_wait3A_1693 = arith.constant 0 : i32
    %dma_wait3A_1694 = tpu.memref_slice %arg11[%dma_wait3A_1692, %dma_wait3A_1693] : memref<1664x16xf32, #tpu.memory_space<vmem>> -> memref<128x16xf32, #tpu.memory_space<vmem>>
    %dma_wait3A_1695 = arith.constant 1280 : i32
    %dma_wait3A_1696 = tpu.memref_slice %arg9[%dma_wait3A_1695] : memref<1664xi32, #tpu.memory_space<vmem>> -> memref<128xi32, #tpu.memory_space<vmem>>
    %dma_wait3A_1697 = arith.constant 0 : i32
    %dma_wait3A_1698 = arith.constant 0 : i32
    %dma_wait3A_1699 = tpu.memref_slice %arg3[%dma_wait3A_1697, %dma_wait3A_1698] : memref<1000012x16xf32, #tpu.memory_space<hbm>> -> memref<1000012x16xf32, #tpu.memory_space<hbm>>
    tpu.wait_indirect_dma semaphore(%arg15 : memref<!tpu.dma_semaphore, #tpu.memory_space<semaphore_mem>>) src(%dma_wait3A_1699 : memref<1000012x16xf32, #tpu.memory_space<hbm>>) dst(%dma_wait3A_1694 : memref<128x16xf32, #tpu.memory_space<vmem>>)
    %dma_wait3A_1700 = arith.constant 1408 : i32
    %dma_wait3A_1701 = arith.constant 0 : i32
    %dma_wait3A_1702 = tpu.memref_slice %arg11[%dma_wait3A_1700, %dma_wait3A_1701] : memref<1664x16xf32, #tpu.memory_space<vmem>> -> memref<128x16xf32, #tpu.memory_space<vmem>>
    %dma_wait3A_1703 = arith.constant 1408 : i32
    %dma_wait3A_1704 = tpu.memref_slice %arg9[%dma_wait3A_1703] : memref<1664xi32, #tpu.memory_space<vmem>> -> memref<128xi32, #tpu.memory_space<vmem>>
    %dma_wait3A_1705 = arith.constant 0 : i32
    %dma_wait3A_1706 = arith.constant 0 : i32
    %dma_wait3A_1707 = tpu.memref_slice %arg3[%dma_wait3A_1705, %dma_wait3A_1706] : memref<1000012x16xf32, #tpu.memory_space<hbm>> -> memref<1000012x16xf32, #tpu.memory_space<hbm>>
    tpu.wait_indirect_dma semaphore(%arg15 : memref<!tpu.dma_semaphore, #tpu.memory_space<semaphore_mem>>) src(%dma_wait3A_1707 : memref<1000012x16xf32, #tpu.memory_space<hbm>>) dst(%dma_wait3A_1702 : memref<128x16xf32, #tpu.memory_space<vmem>>)
    %dma_wait3A_1708 = arith.constant 1536 : i32
    %dma_wait3A_1709 = arith.constant 0 : i32
    %dma_wait3A_1710 = tpu.memref_slice %arg11[%dma_wait3A_1708, %dma_wait3A_1709] : memref<1664x16xf32, #tpu.memory_space<vmem>> -> memref<128x16xf32, #tpu.memory_space<vmem>>
    %dma_wait3A_1711 = arith.constant 1536 : i32
    %dma_wait3A_1712 = tpu.memref_slice %arg9[%dma_wait3A_1711] : memref<1664xi32, #tpu.memory_space<vmem>> -> memref<128xi32, #tpu.memory_space<vmem>>
    %dma_wait3A_1713 = arith.constant 0 : i32
    %dma_wait3A_1714 = arith.constant 0 : i32
    %dma_wait3A_1715 = tpu.memref_slice %arg3[%dma_wait3A_1713, %dma_wait3A_1714] : memref<1000012x16xf32, #tpu.memory_space<hbm>> -> memref<1000012x16xf32, #tpu.memory_space<hbm>>
    tpu.wait_indirect_dma semaphore(%arg15 : memref<!tpu.dma_semaphore, #tpu.memory_space<semaphore_mem>>) src(%dma_wait3A_1715 : memref<1000012x16xf32, #tpu.memory_space<hbm>>) dst(%dma_wait3A_1710 : memref<128x16xf32, #tpu.memory_space<vmem>>)
    %add3A_1716 = arith.constant 9984 : i32
    %add3A_1717 = arith.addi %mul3A_2, %add3A_1716 : i32
    %dma_start3A_1718 = arith.constant 0 : i32
    %dma_start3A_1719 = tpu.memref_slice %arg5[%add3A_1717, %dma_start3A_1718] : memref<425984x16xf32, #tpu.memory_space<hbm>> -> memref<1664x16xf32, #tpu.memory_space<hbm>>
    %dma_start3A_1720 = arith.constant 0 : i32
    %dma_start3A_1721 = tpu.memref_slice %arg5[%add3A_1717, %dma_start3A_1720] : memref<425984x16xf32, #tpu.memory_space<hbm>> -> memref<1664x16xf32, #tpu.memory_space<hbm>>
    tpu.enqueue_dma source(%arg11 : memref<1664x16xf32, #tpu.memory_space<vmem>>) target(%dma_start3A_1721 : memref<1664x16xf32, #tpu.memory_space<hbm>>) target_semaphore(%arg17 : memref<!tpu.dma_semaphore, #tpu.memory_space<semaphore_mem>>)
    %dma_wait3A_1722 = arith.constant 0 : i32
    %dma_wait3A_1723 = arith.constant 0 : i32
    %dma_wait3A_1724 = tpu.memref_slice %arg12[%dma_wait3A_1722, %dma_wait3A_1723] : memref<1664x16xf32, #tpu.memory_space<vmem>> -> memref<128x16xf32, #tpu.memory_space<vmem>>
    %dma_wait3A_1725 = arith.constant 0 : i32
    %dma_wait3A_1726 = tpu.memref_slice %arg10[%dma_wait3A_1725] : memref<1664xi32, #tpu.memory_space<vmem>> -> memref<128xi32, #tpu.memory_space<vmem>>
    %dma_wait3A_1727 = arith.constant 0 : i32
    %dma_wait3A_1728 = arith.constant 0 : i32
    %dma_wait3A_1729 = tpu.memref_slice %arg3[%dma_wait3A_1727, %dma_wait3A_1728] : memref<1000012x16xf32, #tpu.memory_space<hbm>> -> memref<1000012x16xf32, #tpu.memory_space<hbm>>
    tpu.wait_indirect_dma semaphore(%arg16 : memref<!tpu.dma_semaphore, #tpu.memory_space<semaphore_mem>>) src(%dma_wait3A_1729 : memref<1000012x16xf32, #tpu.memory_space<hbm>>) dst(%dma_wait3A_1724 : memref<128x16xf32, #tpu.memory_space<vmem>>)
    %dma_wait3A_1730 = arith.constant 128 : i32
    %dma_wait3A_1731 = arith.constant 0 : i32
    %dma_wait3A_1732 = tpu.memref_slice %arg12[%dma_wait3A_1730, %dma_wait3A_1731] : memref<1664x16xf32, #tpu.memory_space<vmem>> -> memref<128x16xf32, #tpu.memory_space<vmem>>
    %dma_wait3A_1733 = arith.constant 128 : i32
    %dma_wait3A_1734 = tpu.memref_slice %arg10[%dma_wait3A_1733] : memref<1664xi32, #tpu.memory_space<vmem>> -> memref<128xi32, #tpu.memory_space<vmem>>
    %dma_wait3A_1735 = arith.constant 0 : i32
    %dma_wait3A_1736 = arith.constant 0 : i32
    %dma_wait3A_1737 = tpu.memref_slice %arg3[%dma_wait3A_1735, %dma_wait3A_1736] : memref<1000012x16xf32, #tpu.memory_space<hbm>> -> memref<1000012x16xf32, #tpu.memory_space<hbm>>
    tpu.wait_indirect_dma semaphore(%arg16 : memref<!tpu.dma_semaphore, #tpu.memory_space<semaphore_mem>>) src(%dma_wait3A_1737 : memref<1000012x16xf32, #tpu.memory_space<hbm>>) dst(%dma_wait3A_1732 : memref<128x16xf32, #tpu.memory_space<vmem>>)
    %dma_wait3A_1738 = arith.constant 256 : i32
    %dma_wait3A_1739 = arith.constant 0 : i32
    %dma_wait3A_1740 = tpu.memref_slice %arg12[%dma_wait3A_1738, %dma_wait3A_1739] : memref<1664x16xf32, #tpu.memory_space<vmem>> -> memref<128x16xf32, #tpu.memory_space<vmem>>
    %dma_wait3A_1741 = arith.constant 256 : i32
    %dma_wait3A_1742 = tpu.memref_slice %arg10[%dma_wait3A_1741] : memref<1664xi32, #tpu.memory_space<vmem>> -> memref<128xi32, #tpu.memory_space<vmem>>
    %dma_wait3A_1743 = arith.constant 0 : i32
    %dma_wait3A_1744 = arith.constant 0 : i32
    %dma_wait3A_1745 = tpu.memref_slice %arg3[%dma_wait3A_1743, %dma_wait3A_1744] : memref<1000012x16xf32, #tpu.memory_space<hbm>> -> memref<1000012x16xf32, #tpu.memory_space<hbm>>
    tpu.wait_indirect_dma semaphore(%arg16 : memref<!tpu.dma_semaphore, #tpu.memory_space<semaphore_mem>>) src(%dma_wait3A_1745 : memref<1000012x16xf32, #tpu.memory_space<hbm>>) dst(%dma_wait3A_1740 : memref<128x16xf32, #tpu.memory_space<vmem>>)
    %dma_wait3A_1746 = arith.constant 384 : i32
    %dma_wait3A_1747 = arith.constant 0 : i32
    %dma_wait3A_1748 = tpu.memref_slice %arg12[%dma_wait3A_1746, %dma_wait3A_1747] : memref<1664x16xf32, #tpu.memory_space<vmem>> -> memref<128x16xf32, #tpu.memory_space<vmem>>
    %dma_wait3A_1749 = arith.constant 384 : i32
    %dma_wait3A_1750 = tpu.memref_slice %arg10[%dma_wait3A_1749] : memref<1664xi32, #tpu.memory_space<vmem>> -> memref<128xi32, #tpu.memory_space<vmem>>
    %dma_wait3A_1751 = arith.constant 0 : i32
    %dma_wait3A_1752 = arith.constant 0 : i32
    %dma_wait3A_1753 = tpu.memref_slice %arg3[%dma_wait3A_1751, %dma_wait3A_1752] : memref<1000012x16xf32, #tpu.memory_space<hbm>> -> memref<1000012x16xf32, #tpu.memory_space<hbm>>
    tpu.wait_indirect_dma semaphore(%arg16 : memref<!tpu.dma_semaphore, #tpu.memory_space<semaphore_mem>>) src(%dma_wait3A_1753 : memref<1000012x16xf32, #tpu.memory_space<hbm>>) dst(%dma_wait3A_1748 : memref<128x16xf32, #tpu.memory_space<vmem>>)
    %dma_wait3A_1754 = arith.constant 512 : i32
    %dma_wait3A_1755 = arith.constant 0 : i32
    %dma_wait3A_1756 = tpu.memref_slice %arg12[%dma_wait3A_1754, %dma_wait3A_1755] : memref<1664x16xf32, #tpu.memory_space<vmem>> -> memref<128x16xf32, #tpu.memory_space<vmem>>
    %dma_wait3A_1757 = arith.constant 512 : i32
    %dma_wait3A_1758 = tpu.memref_slice %arg10[%dma_wait3A_1757] : memref<1664xi32, #tpu.memory_space<vmem>> -> memref<128xi32, #tpu.memory_space<vmem>>
    %dma_wait3A_1759 = arith.constant 0 : i32
    %dma_wait3A_1760 = arith.constant 0 : i32
    %dma_wait3A_1761 = tpu.memref_slice %arg3[%dma_wait3A_1759, %dma_wait3A_1760] : memref<1000012x16xf32, #tpu.memory_space<hbm>> -> memref<1000012x16xf32, #tpu.memory_space<hbm>>
    tpu.wait_indirect_dma semaphore(%arg16 : memref<!tpu.dma_semaphore, #tpu.memory_space<semaphore_mem>>) src(%dma_wait3A_1761 : memref<1000012x16xf32, #tpu.memory_space<hbm>>) dst(%dma_wait3A_1756 : memref<128x16xf32, #tpu.memory_space<vmem>>)
    %dma_wait3A_1762 = arith.constant 640 : i32
    %dma_wait3A_1763 = arith.constant 0 : i32
    %dma_wait3A_1764 = tpu.memref_slice %arg12[%dma_wait3A_1762, %dma_wait3A_1763] : memref<1664x16xf32, #tpu.memory_space<vmem>> -> memref<128x16xf32, #tpu.memory_space<vmem>>
    %dma_wait3A_1765 = arith.constant 640 : i32
    %dma_wait3A_1766 = tpu.memref_slice %arg10[%dma_wait3A_1765] : memref<1664xi32, #tpu.memory_space<vmem>> -> memref<128xi32, #tpu.memory_space<vmem>>
    %dma_wait3A_1767 = arith.constant 0 : i32
    %dma_wait3A_1768 = arith.constant 0 : i32
    %dma_wait3A_1769 = tpu.memref_slice %arg3[%dma_wait3A_1767, %dma_wait3A_1768] : memref<1000012x16xf32, #tpu.memory_space<hbm>> -> memref<1000012x16xf32, #tpu.memory_space<hbm>>
    tpu.wait_indirect_dma semaphore(%arg16 : memref<!tpu.dma_semaphore, #tpu.memory_space<semaphore_mem>>) src(%dma_wait3A_1769 : memref<1000012x16xf32, #tpu.memory_space<hbm>>) dst(%dma_wait3A_1764 : memref<128x16xf32, #tpu.memory_space<vmem>>)
    %dma_wait3A_1770 = arith.constant 768 : i32
    %dma_wait3A_1771 = arith.constant 0 : i32
    %dma_wait3A_1772 = tpu.memref_slice %arg12[%dma_wait3A_1770, %dma_wait3A_1771] : memref<1664x16xf32, #tpu.memory_space<vmem>> -> memref<128x16xf32, #tpu.memory_space<vmem>>
    %dma_wait3A_1773 = arith.constant 768 : i32
    %dma_wait3A_1774 = tpu.memref_slice %arg10[%dma_wait3A_1773] : memref<1664xi32, #tpu.memory_space<vmem>> -> memref<128xi32, #tpu.memory_space<vmem>>
    %dma_wait3A_1775 = arith.constant 0 : i32
    %dma_wait3A_1776 = arith.constant 0 : i32
    %dma_wait3A_1777 = tpu.memref_slice %arg3[%dma_wait3A_1775, %dma_wait3A_1776] : memref<1000012x16xf32, #tpu.memory_space<hbm>> -> memref<1000012x16xf32, #tpu.memory_space<hbm>>
    tpu.wait_indirect_dma semaphore(%arg16 : memref<!tpu.dma_semaphore, #tpu.memory_space<semaphore_mem>>) src(%dma_wait3A_1777 : memref<1000012x16xf32, #tpu.memory_space<hbm>>) dst(%dma_wait3A_1772 : memref<128x16xf32, #tpu.memory_space<vmem>>)
    %dma_wait3A_1778 = arith.constant 896 : i32
    %dma_wait3A_1779 = arith.constant 0 : i32
    %dma_wait3A_1780 = tpu.memref_slice %arg12[%dma_wait3A_1778, %dma_wait3A_1779] : memref<1664x16xf32, #tpu.memory_space<vmem>> -> memref<128x16xf32, #tpu.memory_space<vmem>>
    %dma_wait3A_1781 = arith.constant 896 : i32
    %dma_wait3A_1782 = tpu.memref_slice %arg10[%dma_wait3A_1781] : memref<1664xi32, #tpu.memory_space<vmem>> -> memref<128xi32, #tpu.memory_space<vmem>>
    %dma_wait3A_1783 = arith.constant 0 : i32
    %dma_wait3A_1784 = arith.constant 0 : i32
    %dma_wait3A_1785 = tpu.memref_slice %arg3[%dma_wait3A_1783, %dma_wait3A_1784] : memref<1000012x16xf32, #tpu.memory_space<hbm>> -> memref<1000012x16xf32, #tpu.memory_space<hbm>>
    tpu.wait_indirect_dma semaphore(%arg16 : memref<!tpu.dma_semaphore, #tpu.memory_space<semaphore_mem>>) src(%dma_wait3A_1785 : memref<1000012x16xf32, #tpu.memory_space<hbm>>) dst(%dma_wait3A_1780 : memref<128x16xf32, #tpu.memory_space<vmem>>)
    %dma_wait3A_1786 = arith.constant 1024 : i32
    %dma_wait3A_1787 = arith.constant 0 : i32
    %dma_wait3A_1788 = tpu.memref_slice %arg12[%dma_wait3A_1786, %dma_wait3A_1787] : memref<1664x16xf32, #tpu.memory_space<vmem>> -> memref<128x16xf32, #tpu.memory_space<vmem>>
    %dma_wait3A_1789 = arith.constant 1024 : i32
    %dma_wait3A_1790 = tpu.memref_slice %arg10[%dma_wait3A_1789] : memref<1664xi32, #tpu.memory_space<vmem>> -> memref<128xi32, #tpu.memory_space<vmem>>
    %dma_wait3A_1791 = arith.constant 0 : i32
    %dma_wait3A_1792 = arith.constant 0 : i32
    %dma_wait3A_1793 = tpu.memref_slice %arg3[%dma_wait3A_1791, %dma_wait3A_1792] : memref<1000012x16xf32, #tpu.memory_space<hbm>> -> memref<1000012x16xf32, #tpu.memory_space<hbm>>
    tpu.wait_indirect_dma semaphore(%arg16 : memref<!tpu.dma_semaphore, #tpu.memory_space<semaphore_mem>>) src(%dma_wait3A_1793 : memref<1000012x16xf32, #tpu.memory_space<hbm>>) dst(%dma_wait3A_1788 : memref<128x16xf32, #tpu.memory_space<vmem>>)
    %dma_wait3A_1794 = arith.constant 1152 : i32
    %dma_wait3A_1795 = arith.constant 0 : i32
    %dma_wait3A_1796 = tpu.memref_slice %arg12[%dma_wait3A_1794, %dma_wait3A_1795] : memref<1664x16xf32, #tpu.memory_space<vmem>> -> memref<128x16xf32, #tpu.memory_space<vmem>>
    %dma_wait3A_1797 = arith.constant 1152 : i32
    %dma_wait3A_1798 = tpu.memref_slice %arg10[%dma_wait3A_1797] : memref<1664xi32, #tpu.memory_space<vmem>> -> memref<128xi32, #tpu.memory_space<vmem>>
    %dma_wait3A_1799 = arith.constant 0 : i32
    %dma_wait3A_1800 = arith.constant 0 : i32
    %dma_wait3A_1801 = tpu.memref_slice %arg3[%dma_wait3A_1799, %dma_wait3A_1800] : memref<1000012x16xf32, #tpu.memory_space<hbm>> -> memref<1000012x16xf32, #tpu.memory_space<hbm>>
    tpu.wait_indirect_dma semaphore(%arg16 : memref<!tpu.dma_semaphore, #tpu.memory_space<semaphore_mem>>) src(%dma_wait3A_1801 : memref<1000012x16xf32, #tpu.memory_space<hbm>>) dst(%dma_wait3A_1796 : memref<128x16xf32, #tpu.memory_space<vmem>>)
    %dma_wait3A_1802 = arith.constant 1280 : i32
    %dma_wait3A_1803 = arith.constant 0 : i32
    %dma_wait3A_1804 = tpu.memref_slice %arg12[%dma_wait3A_1802, %dma_wait3A_1803] : memref<1664x16xf32, #tpu.memory_space<vmem>> -> memref<128x16xf32, #tpu.memory_space<vmem>>
    %dma_wait3A_1805 = arith.constant 1280 : i32
    %dma_wait3A_1806 = tpu.memref_slice %arg10[%dma_wait3A_1805] : memref<1664xi32, #tpu.memory_space<vmem>> -> memref<128xi32, #tpu.memory_space<vmem>>
    %dma_wait3A_1807 = arith.constant 0 : i32
    %dma_wait3A_1808 = arith.constant 0 : i32
    %dma_wait3A_1809 = tpu.memref_slice %arg3[%dma_wait3A_1807, %dma_wait3A_1808] : memref<1000012x16xf32, #tpu.memory_space<hbm>> -> memref<1000012x16xf32, #tpu.memory_space<hbm>>
    tpu.wait_indirect_dma semaphore(%arg16 : memref<!tpu.dma_semaphore, #tpu.memory_space<semaphore_mem>>) src(%dma_wait3A_1809 : memref<1000012x16xf32, #tpu.memory_space<hbm>>) dst(%dma_wait3A_1804 : memref<128x16xf32, #tpu.memory_space<vmem>>)
    %dma_wait3A_1810 = arith.constant 1408 : i32
    %dma_wait3A_1811 = arith.constant 0 : i32
    %dma_wait3A_1812 = tpu.memref_slice %arg12[%dma_wait3A_1810, %dma_wait3A_1811] : memref<1664x16xf32, #tpu.memory_space<vmem>> -> memref<128x16xf32, #tpu.memory_space<vmem>>
    %dma_wait3A_1813 = arith.constant 1408 : i32
    %dma_wait3A_1814 = tpu.memref_slice %arg10[%dma_wait3A_1813] : memref<1664xi32, #tpu.memory_space<vmem>> -> memref<128xi32, #tpu.memory_space<vmem>>
    %dma_wait3A_1815 = arith.constant 0 : i32
    %dma_wait3A_1816 = arith.constant 0 : i32
    %dma_wait3A_1817 = tpu.memref_slice %arg3[%dma_wait3A_1815, %dma_wait3A_1816] : memref<1000012x16xf32, #tpu.memory_space<hbm>> -> memref<1000012x16xf32, #tpu.memory_space<hbm>>
    tpu.wait_indirect_dma semaphore(%arg16 : memref<!tpu.dma_semaphore, #tpu.memory_space<semaphore_mem>>) src(%dma_wait3A_1817 : memref<1000012x16xf32, #tpu.memory_space<hbm>>) dst(%dma_wait3A_1812 : memref<128x16xf32, #tpu.memory_space<vmem>>)
    %dma_wait3A_1818 = arith.constant 1536 : i32
    %dma_wait3A_1819 = arith.constant 0 : i32
    %dma_wait3A_1820 = tpu.memref_slice %arg12[%dma_wait3A_1818, %dma_wait3A_1819] : memref<1664x16xf32, #tpu.memory_space<vmem>> -> memref<128x16xf32, #tpu.memory_space<vmem>>
    %dma_wait3A_1821 = arith.constant 1536 : i32
    %dma_wait3A_1822 = tpu.memref_slice %arg10[%dma_wait3A_1821] : memref<1664xi32, #tpu.memory_space<vmem>> -> memref<128xi32, #tpu.memory_space<vmem>>
    %dma_wait3A_1823 = arith.constant 0 : i32
    %dma_wait3A_1824 = arith.constant 0 : i32
    %dma_wait3A_1825 = tpu.memref_slice %arg3[%dma_wait3A_1823, %dma_wait3A_1824] : memref<1000012x16xf32, #tpu.memory_space<hbm>> -> memref<1000012x16xf32, #tpu.memory_space<hbm>>
    tpu.wait_indirect_dma semaphore(%arg16 : memref<!tpu.dma_semaphore, #tpu.memory_space<semaphore_mem>>) src(%dma_wait3A_1825 : memref<1000012x16xf32, #tpu.memory_space<hbm>>) dst(%dma_wait3A_1820 : memref<128x16xf32, #tpu.memory_space<vmem>>)
    %add3A_1826 = arith.constant 11648 : i32
    %add3A_1827 = arith.addi %mul3A_2, %add3A_1826 : i32
    %dma_start3A_1828 = arith.constant 0 : i32
    %dma_start3A_1829 = tpu.memref_slice %arg5[%add3A_1827, %dma_start3A_1828] : memref<425984x16xf32, #tpu.memory_space<hbm>> -> memref<1664x16xf32, #tpu.memory_space<hbm>>
    %dma_start3A_1830 = arith.constant 0 : i32
    %dma_start3A_1831 = tpu.memref_slice %arg5[%add3A_1827, %dma_start3A_1830] : memref<425984x16xf32, #tpu.memory_space<hbm>> -> memref<1664x16xf32, #tpu.memory_space<hbm>>
    tpu.enqueue_dma source(%arg12 : memref<1664x16xf32, #tpu.memory_space<vmem>>) target(%dma_start3A_1831 : memref<1664x16xf32, #tpu.memory_space<hbm>>) target_semaphore(%arg18 : memref<!tpu.dma_semaphore, #tpu.memory_space<semaphore_mem>>)
    %dma_wait3A_1832 = arith.constant 0 : i32
    %dma_wait3A_1833 = tpu.memref_slice %arg5[%add3A_1717, %dma_wait3A_1832] : memref<425984x16xf32, #tpu.memory_space<hbm>> -> memref<1664x16xf32, #tpu.memory_space<hbm>>
    %dma_wait3A_1834 = arith.constant 0 : i32
    %dma_wait3A_1835 = tpu.memref_slice %arg5[%add3A_1717, %dma_wait3A_1834] : memref<425984x16xf32, #tpu.memory_space<hbm>> -> memref<1664x16xf32, #tpu.memory_space<hbm>>
    tpu.wait_dma2 semaphore(%arg17 : memref<!tpu.dma_semaphore, #tpu.memory_space<semaphore_mem>>) src(%arg11 : memref<1664x16xf32, #tpu.memory_space<vmem>>) dst(%dma_wait3A_1835 : memref<1664x16xf32, #tpu.memory_space<hbm>>)
    %dma_wait3A_1836 = arith.constant 0 : i32
    %dma_wait3A_1837 = tpu.memref_slice %arg5[%add3A_1827, %dma_wait3A_1836] : memref<425984x16xf32, #tpu.memory_space<hbm>> -> memref<1664x16xf32, #tpu.memory_space<hbm>>
    %dma_wait3A_1838 = arith.constant 0 : i32
    %dma_wait3A_1839 = tpu.memref_slice %arg5[%add3A_1827, %dma_wait3A_1838] : memref<425984x16xf32, #tpu.memory_space<hbm>> -> memref<1664x16xf32, #tpu.memory_space<hbm>>
    tpu.wait_dma2 semaphore(%arg18 : memref<!tpu.dma_semaphore, #tpu.memory_space<semaphore_mem>>) src(%arg12 : memref<1664x16xf32, #tpu.memory_space<vmem>>) dst(%dma_wait3A_1839 : memref<1664x16xf32, #tpu.memory_space<hbm>>)
    return
  }
}

</mosaic_0001>

<sc_bundles>
// kernel: kernel.3.cloned.1.call-start
scs
__scs_entry_jumppad:
0x0: {  	(pc) =	sbr.rel $0x88, $3  }
0x1: {  	(tag) =	ssettag $0x0;
	lr =	simm.s32 $0x1  }
0x2: {  	[smem:$0x3F9E] =	sst lr;
	_ =	strace $0xD0000000  }
0x3: {  	_ = 	snop  }
0x4: {  	_ = 	snop  }
0x5: {  	_ = 	snop  }
0x6: {  	_ = 	snop  }
0x7: {  	_ = 	snop  }
__scs_overlays_trampoline_lowered:
0x8: {  	[smem:$0x3FAD] =	sst s0  }
0x9: {  	[smem:$0x3FAE] =	sst s1  }
0xa: {  	[smem:$0x3FAF] =	sst s2  }
0xb: {  	[smem:$0x3FB0] =	sst s3  }
0xc: {  	[smem:$0x3FB1] =	sst s4  }
0xd: {  	[smem:$0x3FB2] =	sst s5  }
0xe: {  	[smem:$0x3FB3] =	sst s6  }
0xf: {  	[smem:$0x3FB4] =	sst s7  }
0x10: {  	[smem:$0x3FB5] =	sst s8  }
0x11: {  	[smem:$0x3FB6] =	sst s9;
	s0 =	simm.s32 @!p0 $0x0  }
0x12: {  	s1 =	sld [smem:$0x3F9C];
	s0 =	simm.s32 @p0 $0x1  }
0x13: {  	[smem:$0x3FB7] =	sst s0;
	s0 =	simm.s32 @!p1 $0x0  }
0x14: {  	s2 =	sld [smem:$0x3F9B];
	s0 =	simm.s32 @p1 $0x1  }
0x15: {  	[smem:$0x3FB8] =	sst s0;
	s0 =	simm.s32 @!p2 $0x0  }
0x16: {  	s3 =	sld [smem:$0x3FDB];
	s0 =	simm.s32 @p2 $0x1  }
0x17: {  	s4 =	simm.s32 $0x1BF5;
	[smem:$0x3FBA] =	sst s0  }
0x18: {  	s0 =	sld [smem:$0x3F9D];
	_ =	swait.ge [sflag:s4], $0x0  }
0x19: {  	s7 =	sld [smem:$0x3F9E]  }
0x1a: {  	s8 =	sadd.s32 $0xFFFFE003, lr  }
0x1b: {  	s9 =	sadd.s32 $0xFFFFFEF7, lr;
	s5 =	simm.s32 $0xFFFFFFFF;
	p2 =	slt.u32 s8, $0xFFFFF086  }
0x1c: {  	p1 =	slt.u32 s9, $0xF7A;
	s5 =	simm.s32 @!p2 $0x0  }
0x1d: {  	s5 =	simm.s32 @p1 $0x1;
	p0 =	seq.s32 s7, s2  }
0x1e: {  	s7 =	smul.u32 @!p0 $0xF7A, s2;
	p2 =	seq.s32 @!p0 s5, $0x0  }
0x1f: {  	s9 =	smul.u32 $0xF7A, s1;
	s8 =	simm.s32 @!p0 $0x1BF5;
	p2 =	por !p2, p0  }
0x20: {  	[sflag:s8] =	ssyncset.s32 @!p0 $0xFFFFF086;
	s6 =	sadd.s32 @!p0 s3, s7;
	s7 =	simm.s32 @!p0 $0x108  }
0x21: {  	s3 =	sadd.s32 s3, s9;
	s6 =	sadd.s32 @!p0 $0x88, s6;
	s7 =	simm.s32 @p2 $0x1082  }
0x22: {  	[simem:s7], [sflag:s8] =	dma.local @!p0 [hbm:s6], $0xF7A  }
0x23: {  	s9 =	sor.u32 $0xD0000000, s2;
	s6 =	simm.s32 $0x108;
	_ =	swait.ge @!p0 [sflag:s8], $0x0  }
0x24: {  	s3 =	sadd.s32 $0x88, s3;
	s6 =	simm.s32 @!p1 $0x1082;
	[sflag:s4] =	ssyncset.s32 $0xFFFFF086  }
0x25: {  	[simem:s6], [sflag:s4] =	dma.local [hbm:s3], $0xF7A  }
0x26: {  	[smem:$0x3F9E] =	sst s1;
	(tag) =	ssettag s2;
	_ =	strace s9  }
0x27: {  	s1 =	sld [smem:$0x3FAE]  }
0x28: {  	s2 =	sld [smem:$0x3FAF]  }
0x29: {  	s4 =	sld [smem:$0x3FB1]  }
0x2a: {  	p0 =	seq.s32 s5, $0x0;
	s5 =	sld [smem:$0x3FB2]  }
0x2b: {  	s6 =	sld [smem:$0x3FB3]  }
0x2c: {  	s7 =	sld [smem:$0x3FB4]  }
0x2d: {  	s3 =	simm.s32 $0x108;
	s8 =	sld [smem:$0x3FB5]  }
0x2e: {  	s3 =	simm.s32 @!p0 $0x1082;
	s9 =	sld [smem:$0x3FB6]  }
0x2f: {  	lr =	sadd.s32 s0, s3;
	s0 =	sld [smem:$0x3FAD]  }
0x30: {  	s3 =	sld [smem:$0x3FB0]  }
0x31: {  	[smem:$0x3FB9] =	sst s10  }
0x32: {  	s10 =	sld [smem:$0x3FB7];
	_ =	sdelay $0x3  }
0x33: {  	p0 =	seq.s32 s10, $0x1;
	s10 =	sld [smem:$0x3FB9];
	_ =	sdelay $0x3  }
0x34: {  	[smem:$0x3FB9] =	sst s10  }
0x35: {  	s10 =	sld [smem:$0x3FB8];
	_ =	sdelay $0x3  }
0x36: {  	p1 =	seq.s32 s10, $0x1;
	s10 =	sld [smem:$0x3FB9];
	_ =	sdelay $0x3  }
0x37: {  	[smem:$0x3FB9] =	sst s10  }
0x38: {  	s10 =	sld [smem:$0x3FBA]  }
0x39: {  	_ = 	snop;
	(pc) =	sbr.ind lr, $3  }
0x3a: {  	_ = 	snop  }
0x3b: {  	_ = 	snop  }
0x3c: {  	p2 =	seq.s32 s10, $0x1;
	s10 =	sld [smem:$0x3FB9]  }
0x3d: {  	_ =	shalt  }
0x3e: {  	_ =	shalt  }
0x3f: {  	_ =	shalt  }
0x40: {  	_ =	shalt  }
0x41: {  	_ =	shalt  }
0x42: {  	_ =	shalt  }
0x43: {  	_ =	shalt  }
0x44: {  	_ =	shalt  }
0x45: {  	_ =	shalt  }
0x46: {  	_ =	shalt  }
0x47: {  	_ =	shalt  }
0x48: {  	_ =	shalt  }
0x49: {  	_ =	shalt  }
0x4a: {  	_ =	shalt  }
0x4b: {  	_ =	shalt  }
0x4c: {  	_ =	shalt  }
0x4d: {  	_ =	shalt  }
0x4e: {  	_ =	shalt  }
0x4f: {  	_ =	shalt  }
0x50: {  	_ =	shalt  }
0x51: {  	_ =	shalt  }
0x52: {  	_ =	shalt  }
0x53: {  	_ =	shalt  }
0x54: {  	_ =	shalt  }
0x55: {  	_ =	shalt  }
0x56: {  	_ =	shalt  }
0x57: {  	_ =	shalt  }
0x58: {  	_ =	shalt  }
0x59: {  	_ =	shalt  }
0x5a: {  	_ =	shalt  }
0x5b: {  	_ =	shalt  }
0x5c: {  	_ =	shalt  }
0x5d: {  	_ =	shalt  }
0x5e: {  	_ =	shalt  }
0x5f: {  	_ =	shalt  }
0x60: {  	_ =	shalt  }
0x61: {  	_ =	shalt  }
0x62: {  	_ =	shalt  }
0x63: {  	_ =	shalt  }
0x64: {  	_ =	shalt  }
0x65: {  	_ =	shalt  }
0x66: {  	_ =	shalt  }
0x67: {  	_ =	shalt  }
0x68: {  	_ =	shalt  }
0x69: {  	_ =	shalt  }
0x6a: {  	_ =	shalt  }
0x6b: {  	_ =	shalt  }
0x6c: {  	_ =	shalt  }
0x6d: {  	_ =	shalt  }
0x6e: {  	_ =	shalt  }
0x6f: {  	_ =	shalt  }
0x70: {  	_ =	shalt  }
0x71: {  	_ =	shalt  }
0x72: {  	_ =	shalt  }
0x73: {  	_ =	shalt  }
0x74: {  	_ =	shalt  }
0x75: {  	_ =	shalt  }
0x76: {  	_ =	shalt  }
0x77: {  	_ =	shalt  }
0x78: {  	_ =	shalt  }
0x79: {  	_ =	shalt  }
0x7a: {  	_ =	shalt  }
0x7b: {  	_ =	shalt  }
0x7c: {  	_ =	shalt  }
0x7d: {  	_ =	shalt  }
0x7e: {  	_ =	shalt  }
0x7f: {  	_ =	shalt  }
0x80: {  	_ =	shalt  }
0x81: {  	_ =	shalt  }
0x82: {  	_ =	shalt  }
0x83: {  	_ =	shalt  }
0x84: {  	_ =	shalt  }
0x85: {  	_ =	shalt  }
0x86: {  	_ =	shalt  }
0x87: {  	_ =	shalt  }
.Lfunc_end0:
.L_simem_size_0:
called_computation_lowered:
.L_overlay_start_0:
0x88: {  	s2 =	sld [smem:$0x3FD9]  }
0x89: {  	s3 =	sld [smem:$0x3FFE];
	_ =	sdelay $0x1  }
0x8a: {  	s1 =	srdreg.scid  }
0x8b: {  	s0 =	sand.u32 $0x1, s1  }
0x8c: {  	s17 =	sshll.u32 s0, $0xA;
	s2 =	sadd.s32 s3, s2  }
0x8d: {  	s2 =	sadd.s32 s2, s17  }
0x8e: {  	[smem:$0x3FC5] =	sst s2  }
0x8f: {  	_ = 	snop  }
0x90: {  	s2 =	sld [smem:$0x3FD0];
	(tm) =	ssettm $0x1  }
0x91: {  	s18 =	sld [smem:$0x3FFB];
	_ =	sdelay $0x3  }
0x92: {  	_ =	strace s18  }
0x93: {  	s3 =	sld [smem:$0x3FFC];
	_ =	sdelay $0x3  }
0x94: {  	_ =	strace s3  }
0x95: {  	s3 =	sld [smem:$0x3FFD];
	_ =	sdelay $0x3  }
0x96: {  	_ =	strace s3  }
0x97: {  	_ =	strace $0x8FFFFFFF  }
0x98: {  	s19 =	sld [smem:$0x3FDB];
	_ =	sdelay $0x1  }
0x99: {  	s4 =	simm.s32 $_scs_section_size  }
0x9a: {  	s5 =	simm.s32 $_size__tile_overlayer_lowered;
	s6 =	simm.s32 $_tile_overlayer_lowered  }
0x9b: {  	s22 =	simm.s32 $0x1BFF;
	s21 =	sshll.u32 s6, $0x1;
	s3 =	sadd.s32 s4, s19  }
0x9c: {  	s7 =	simm.s32 $0x0;
	s20 =	sshll.u32 s5, $0x1;
	s5 =	sadd.s32 s21, s3  }
0x9d: {  	[timem:s7], [sflag:s22] =	dma.local [hbm:s5], s20  }
0x9e: {  	_ =	swait.ge [sflag:s22], s20  }
0x9f: {  	s4 =	ssub.s32 $0x0, s20;
	[sflag:s22] =	ssyncset.done $0x0  }
0xa0: {  	[sflag:s22] =	ssyncadd.s32 s4;
	_ =	sdelay $0x1  }
0xa1: {  	s23 =	simm.s32 $0x1B8B  }
0xa2: {  	_ =	swait.ge [sflag:s23], $0x1  }
0xa3: {  	[sflag:s23] =	ssyncset.done $0x0  }
0xa4: {  	s25 =	simm.s32 $0x1B8E;
	s24 =	sld [smem:$0x3FFE];
	[sflag:s23] =	ssyncadd.s32 $0xFFFFFFFF  }
0xa5: {  	s26 =	simm.s32 $execute0_lowered;
	[smem:$0x3FD2] =	sst s25  }
0xa6: {  	s5 =	sshll.u32 s26, $0x1;
	_ =	strace $0x80000046;
	[dreg:$0x1] =	wrdreg $0xFFFFFFFF  }
0xa7: {  	s28 =	simm.s32 $_size_execute0_lowered;
	s3 =	sadd.s32 s3, s5;
	[dreg:$0x0] =	wrdreg $0x0  }
0xa8: {  	s5 =	sshll.u32 s28, $0x1;
	[dreg:$0x2] =	wrdreg s3  }
0xa9: {  	[dreg:$0x3] =	wrdreg s5  }
0xaa: {  	[dreg:$0x4] =	wrdreg $0xC0  }
0xab: {  	_ =	task [dreg:s7], $0x5FFFF  }
0xac: {  	[dreg:$0x1] =	wrdreg $0xFFFFFFFF  }
0xad: {  	[dreg:$0x0] =	wrdreg $0x60  }
0xae: {  	[dreg:$0x2] =	wrdreg s24  }
0xaf: {  	[dreg:$0x3] =	wrdreg s2  }
0xb0: {  	[dreg:$0x4] =	wrdreg $0x9  }
0xb1: {  	_ =	task.clear_ibuf [dreg:s7], $0x5FFFF;
	_ =	strace $0x90000046  }
0xb2: {  	s29 =	simm.s32 $0x9;
	_ =	strace $0x80000048  }
0xb3: {  	_ =	swait.ge [sflag:s29], $0x1  }
0xb4: {  	[sflag:s29] =	ssyncadd.s32 $0xFFFFFFFF  }
0xb5: {  	_ =	strace $0x90000048  }
0xb6: {  	_ =	sfence  }
0xb7: {  	s30 =	sld [smem:$0x0];
	_ =	sdelay $0x2  }
0xb8: {  	s31 =	sshll.u32 s1, $0xD;
	s1 =	sshrl.u32 s1, $0x2  }
0xb9: {  	s3 =	sand.u32 $0x4000, s31;
	s1 =	sadd.s32 s1, s30  }
0xba: {  	s0 =	sor.u32 s3, s0;
	s1 =	sshll.u32 s1, $0x11  }
0xbb: {  	s0 =	sor.u32 s1, s0  }
0xbc: {  	s0 =	sadd.s32 $0x8F2B, s0  }
0xbd: {  	[sflag:s0] =	ssyncadd.remote.s32 $0x1  }
0xbe: {  	_ =	sfence.sel $0xFFFF  }
0xbf: {  	[dreg:$0x0] =	wrdreg $0xFFFFFFFF;
	(pc) =	sbr.abs _section_cstart, $3  }
0xc0: {  	[dreg:$0x1] =	wrdreg $0xFFFFFFFF  }
0xc1: {  	_ =	task.clear_ibuf [dreg:s7], $0x2FFFF;
	_ =	strace $0x9FFFFFFF  }
0xc2: {  	(tm) =	ssettm $0x7FFFFFFF  }
0xc3: {  	_ =	shalt  }
tec
execute0_lowered:
.L_overlay_start_1:
0x0: {  	(tag) =	ssettag $0x1  }
0x1: {  	s0 =	rddreg [dreg:$0x0]  }
0x2: {  	s1 =	rddreg [dreg:$0x1];
	s2 =	srdreg.scid  }
0x3: {  	s3 =	stileid.u32;
	s22 =	simm.s32 $0x0;
	s29 =	simm.s32 $0x1AD0  }
0x4: {  	s28 =	simm.s32 $0x82D0;
	s30 =	simm.s32 $0x5;
	s31 =	simm.s32 $0x4  }
0x5: {  	s2 =	sand.u32 $0x1, s2;
	s3 =	sshll.u32 s3, $0x1;
	[smem:$0x7FF] =	sst s22  }
0x6: {  	s5 =	sadd.s32 $0x800, s0;
	s4 =	sor.u32 s2, s3;
	s3 =	sadd.s32 $0xF42E00, s0  }
0x7: {  	s0 =	sadd.s32 $0xD800, s0;
	s21 =	ssub.s32 $0x2, s2;
	s6 =	smul.u32 $0x3400, s4  }
0x8: {  	_ =	strace $0x80000047;
	[dreg:$0x3] =	wrdreg s0;
	s2 =	sshrl.u32 s21, $0x1  }
0x9: {  	s4 =	smul.u32 $0x6800, s4;
	s0 =	ssub.s32 s21, s2;
	s7 =	sshrl.u32 s6, $0x3  }
0xa: {  	s8 =	sadd.s32 $0x680, s6;
	s25 =	sadd.s32 $0xD00, s6;
	s26 =	sadd.s32 $0x1380, s6  }
0xb: {  	s12 =	sadd.s32 $0x1A00, s6;
	s4 =	sadd.s32 s1, s4;
	s15 =	sadd.s32 $0x2080, s6  }
0xc: {  	s17 =	sadd.s32 $0x2700, s6;
	s6 =	sadd.s32 $0x2D80, s6;
	s0 =	smax.u32 s0, $0x1  }
0xd: {  	s23 =	sadd.s32 s5, s7;
	s24 =	sshrl.u32 s8, $0x3;
	s9 =	sshrl.u32 s25, $0x3  }
0xe: {  	s10 =	sshrl.u32 s26, $0x3;
	[dreg:$0x8] =	wrdreg s4;
	s13 =	sshrl.u32 s12, $0x3  }
0xf: {  	s8 =	sshll.u32 s8, $0x1;
	s16 =	sshrl.u32 s15, $0x3;
	s18 =	sshrl.u32 s17, $0x3  }
0x10: {  	s19 =	sshll.u32 s26, $0x1;
	s20 =	sshrl.u32 s6, $0x3;
	s21 =	sshll.u32 s12, $0x1  }
0x11: {  	s26 =	sshll.u32 s6, $0x1;
	[dreg:$0x14] =	wrdreg s0;
	s6 =	simm.s32 $0xA2D0  }
0x12: {  	s7 =	simm.s32 $0x16D0;
	s12 =	simm.s32 $0xBAD0;
	s0 =	simm.s32 $0x6  }
0x13: {  	[dreg:$0x4] =	wrdreg s23;
	s2 =	sadd.s32 s5, s24;
	s9 =	sadd.s32 s5, s9  }
0x14: {  	s11 =	sadd.s32 s5, s10;
	s4 =	sadd.s32 s5, s13;
	[dreg:$0x5] =	wrdreg s2  }
0x15: {  	s14 =	sadd.s32 s1, s8;
	s8 =	sadd.s32 s5, s16;
	[dreg:$0x6] =	wrdreg s9  }
0x16: {  	s23 =	sadd.s32 s1, s21;
	s24 =	sshll.u32 s15, $0x1;
	[dreg:$0x7] =	wrdreg s11  }
0x17: {  	s10 =	simm.s32 $0xB2D0;
	s13 =	simm.s32 $0x1850;
	[dreg:$0x9] =	wrdreg s4  }
0x18: {  	s15 =	simm.s32 $0x18D0;
	s16 =	simm.s32 $0xCAD0;
	[dreg:$0xa] =	wrdreg s14  }
0x19: {  	s21 =	simm.s32 $0x1A50;
	s2 =	sshll.u32 s25, $0x1;
	[dreg:$0xb] =	wrdreg s8  }
0x1a: {  	[dreg:$0x10] =	wrdreg s23;
	s25 =	sshll.u32 s17, $0x1;
	s8 =	simm.s32 $0xAAD0  }
0x1b: {  	s9 =	simm.s32 $0x1750;
	s11 =	simm.s32 $0x17D0;
	s14 =	simm.s32 $0xC2D0  }
0x1c: {  	s17 =	simm.s32 $0x1950;
	s23 =	simm.s32 $0xE2D0;
	s2 =	sadd.s32 s1, s2  }
0x1d: {  	[dreg:$0xc] =	wrdreg s2;
	s2 =	sadd.s32 s5, s18;
	s18 =	simm.s32 $0xD2D0  }
0x1e: {  	[dreg:$0xd] =	wrdreg s2;
	s2 =	sadd.s32 s1, s19;
	s19 =	simm.s32 $0x19D0  }
0x1f: {  	[dreg:$0xe] =	wrdreg s2;
	s2 =	sadd.s32 s5, s20;
	s20 =	simm.s32 $0xDAD0  }
0x20: {  	[dreg:$0xf] =	wrdreg s2;
	s2 =	sadd.s32 s1, s24;
	s24 =	simm.s32 $0x1  }
0x21: {  	[dreg:$0x11] =	wrdreg s2;
	s2 =	sadd.s32 s1, s25;
	s1 =	sadd.s32 s1, s26  }
0x22: {  	s26 =	simm.s32 $0x80;
	s25 =	simm.s32 $0x3;
	[dreg:$0x12] =	wrdreg s2  }
0x23: {  	[dreg:$0x13] =	wrdreg s1;
	s2 =	simm.s32 $0x2;
	s1 =	simm.s32 $0x0  }
.LBB2_1:
0x24: {  	s4 =	rddreg [dreg:$0x3];
	s5 =	simm.s32 $0xD00  }
0x25: {  	[tilespmem:s5], [sflag:$0x7] =	stream.linear.gather [hbm4b:s4+s22], $0xD0, $0x38;
	[tilespmem:$0xEAD0] =	vst v63  }
0x26: {  	s5 =	simm.s32 $0x7  }
0x27: {  	_ =	swait.ge [sflag:s5], $0xD0  }
0x28: {  	[sflag:s5] =	ssyncset.done $0x0  }
0x29: {  	[sflag:s5] =	ssyncadd.s32 $0xFFFFFF30;
	s5 =	rddreg [dreg:$0x4]  }
0x2a: {  	[tilespmem:s22], [sflag:$0x1] =	stream.linear.gather [hbm4b:s5+s22], $0x680, $0x38;
	[tilespmem:$0xEAD0] =	vst v63  }
0x2b: {  	_ =	swait.ge [sflag:s24], $0x680  }
0x2c: {  	[sflag:s24] =	ssyncset.done $0x0  }
0x2d: {  	s22 =	simm.s32 $0x0;
	[sflag:s24] =	ssyncadd.s32 $0xFFFFF980  }
0x2e: {  	s4 =	simm.s32 $0x340;
	v0 =	vld [tilespmem:s22+$0x0]  }
.LBB2_2:
0x2f: {  	p0 =	sne.s32 s4, $0x16C0;
	v1 =	vld [tilespmem:$0xD00];
	_ =	sdelay $0x4  }
0x30: {  	v0 =	vadd.s32 v0, v1  }
0x31: {  	[tilespmem:s22+$0xDD0] =	vst v0;
	v0 =	vld [tilespmem:s22+$0x10]  }
0x32: {  	v1 =	vld [tilespmem:$0xD10];
	_ =	sdelay $0x4  }
0x33: {  	v0 =	vadd.s32 v0, v1  }
0x34: {  	[tilespmem:s22+$0xDE0] =	vst v0;
	v0 =	vld [tilespmem:s22+$0x20]  }
0x35: {  	v1 =	vld [tilespmem:$0xD20];
	_ =	sdelay $0x4  }
0x36: {  	v0 =	vadd.s32 v0, v1  }
0x37: {  	[tilespmem:s22+$0xDF0] =	vst v0;
	v0 =	vld [tilespmem:s22+$0x30]  }
0x38: {  	v1 =	vld [tilespmem:$0xD30];
	_ =	sdelay $0x4  }
0x39: {  	v0 =	vadd.s32 v0, v1  }
0x3a: {  	[tilespmem:s22+$0xE00] =	vst v0;
	v0 =	vld [tilespmem:s22+$0x40]  }
0x3b: {  	v1 =	vld [tilespmem:$0xD40];
	_ =	sdelay $0x4  }
0x3c: {  	v0 =	vadd.s32 v0, v1  }
0x3d: {  	[tilespmem:s22+$0xE10] =	vst v0;
	v0 =	vld [tilespmem:s22+$0x50]  }
0x3e: {  	v1 =	vld [tilespmem:$0xD50];
	_ =	sdelay $0x4  }
0x3f: {  	v0 =	vadd.s32 v0, v1  }
0x40: {  	[tilespmem:s22+$0xE20] =	vst v0;
	v0 =	vld [tilespmem:s22+$0x60]  }
0x41: {  	v1 =	vld [tilespmem:$0xD60];
	_ =	sdelay $0x4  }
0x42: {  	v0 =	vadd.s32 v0, v1  }
0x43: {  	[tilespmem:s22+$0xE30] =	vst v0;
	v0 =	vld [tilespmem:s22+$0x70]  }
0x44: {  	v1 =	vld [tilespmem:$0xD70];
	_ =	sdelay $0x4  }
0x45: {  	v0 =	vadd.s32 v0, v1  }
0x46: {  	[tilespmem:s22+$0xE40] =	vst v0;
	v0 =	vld [tilespmem:s22+$0x80]  }
0x47: {  	v1 =	vld [tilespmem:$0xD80];
	_ =	sdelay $0x4  }
0x48: {  	v0 =	vadd.s32 v0, v1  }
0x49: {  	[tilespmem:s22+$0xE50] =	vst v0;
	v0 =	vld [tilespmem:s22+$0x90]  }
0x4a: {  	v1 =	vld [tilespmem:$0xD90];
	_ =	sdelay $0x4  }
0x4b: {  	v0 =	vadd.s32 v0, v1  }
0x4c: {  	[tilespmem:s22+$0xE60] =	vst v0;
	v0 =	vld [tilespmem:s22+$0xA0]  }
0x4d: {  	v1 =	vld [tilespmem:$0xDA0];
	_ =	sdelay $0x4  }
0x4e: {  	v0 =	vadd.s32 v0, v1  }
0x4f: {  	[tilespmem:s22+$0xE70] =	vst v0;
	v0 =	vld [tilespmem:s22+$0xB0]  }
0x50: {  	v1 =	vld [tilespmem:$0xDB0];
	_ =	sdelay $0x4  }
0x51: {  	v0 =	vadd.s32 v0, v1  }
0x52: {  	[tilespmem:s22+$0xE80] =	vst v0;
	v0 =	vld [tilespmem:s22+$0xC0]  }
0x53: {  	v1 =	vld [tilespmem:$0xDC0];
	_ =	sdelay $0x1  }
.Ltmp0:
0x54: {  	(pc) =	sbr.rel @p0 .LBB2_2-.Ltmp0, $3  }
0x55: {  	_ =	sdelay $0x1  }
0x56: {  	s5 =	sshra.s32 s4, $0x2;
	v1 =	vadd.s32 v0, v1  }
0x57: {  	s4 =	sadd.s32 $0x340, s4;
	v0 =	vld [tilespmem:s5+$0x0];
	[tilespmem:s22+$0xE90] =	vst v1;
	s22 =	smov.u32 s5  }
0x58: {  	v1 =	vld [tilespmem:$0xD00];
	_ =	sdelay $0x4  }
0x59: {  	v0 =	vadd.s32 v0, v1  }
0x5a: {  	[tilespmem:s22+$0xDD0] =	vst v0;
	v0 =	vld [tilespmem:s22+$0x10]  }
0x5b: {  	v1 =	vld [tilespmem:$0xD10];
	_ =	sdelay $0x4  }
0x5c: {  	v0 =	vadd.s32 v0, v1  }
0x5d: {  	[tilespmem:s22+$0xDE0] =	vst v0;
	v0 =	vld [tilespmem:s22+$0x20]  }
0x5e: {  	v1 =	vld [tilespmem:$0xD20];
	_ =	sdelay $0x4  }
0x5f: {  	v0 =	vadd.s32 v0, v1  }
0x60: {  	[tilespmem:s22+$0xDF0] =	vst v0;
	v0 =	vld [tilespmem:s22+$0x30]  }
0x61: {  	v1 =	vld [tilespmem:$0xD30];
	_ =	sdelay $0x4  }
0x62: {  	v0 =	vadd.s32 v0, v1  }
0x63: {  	[tilespmem:s22+$0xE00] =	vst v0;
	v0 =	vld [tilespmem:s22+$0x40]  }
0x64: {  	v1 =	vld [tilespmem:$0xD40];
	_ =	sdelay $0x4  }
0x65: {  	v0 =	vadd.s32 v0, v1  }
0x66: {  	[tilespmem:s22+$0xE10] =	vst v0;
	v0 =	vld [tilespmem:s22+$0x50]  }
0x67: {  	v1 =	vld [tilespmem:$0xD50];
	_ =	sdelay $0x4  }
0x68: {  	v0 =	vadd.s32 v0, v1  }
0x69: {  	[tilespmem:s22+$0xE20] =	vst v0;
	v0 =	vld [tilespmem:s22+$0x60]  }
0x6a: {  	v1 =	vld [tilespmem:$0xD60];
	_ =	sdelay $0x4  }
0x6b: {  	v0 =	vadd.s32 v0, v1  }
0x6c: {  	[tilespmem:s22+$0xE30] =	vst v0;
	v0 =	vld [tilespmem:s22+$0x70]  }
0x6d: {  	v1 =	vld [tilespmem:$0xD70];
	_ =	sdelay $0x4  }
0x6e: {  	v0 =	vadd.s32 v0, v1  }
0x6f: {  	[tilespmem:s22+$0xE40] =	vst v0;
	v0 =	vld [tilespmem:s22+$0x80]  }
0x70: {  	v1 =	vld [tilespmem:$0xD80];
	_ =	sdelay $0x4  }
0x71: {  	v0 =	vadd.s32 v0, v1  }
0x72: {  	[tilespmem:s22+$0xE50] =	vst v0;
	v0 =	vld [tilespmem:s22+$0x90]  }
0x73: {  	v1 =	vld [tilespmem:$0xD90];
	_ =	sdelay $0x4  }
0x74: {  	v0 =	vadd.s32 v0, v1  }
0x75: {  	[tilespmem:s22+$0xE60] =	vst v0;
	v0 =	vld [tilespmem:s22+$0xA0]  }
0x76: {  	v1 =	vld [tilespmem:$0xDA0];
	_ =	sdelay $0x4  }
0x77: {  	v0 =	vadd.s32 v0, v1  }
0x78: {  	[tilespmem:s22+$0xE70] =	vst v0;
	v0 =	vld [tilespmem:s22+$0xB0]  }
0x79: {  	v1 =	vld [tilespmem:$0xDB0];
	_ =	sdelay $0x4  }
0x7a: {  	v0 =	vadd.s32 v0, v1  }
0x7b: {  	[tilespmem:s22+$0xE80] =	vst v0;
	v0 =	vld [tilespmem:s22+$0xC0]  }
0x7c: {  	v1 =	vld [tilespmem:$0xDC0];
	_ =	sdelay $0x4  }
0x7d: {  	v0 =	vadd.s32 v0, v1  }
0x7e: {  	s4 =	simm.s32 $0x0;
	s5 =	rddreg [dreg:$0x5];
	[tilespmem:s22+$0xE90] =	vst v0;
	s22 =	simm.s32 $0x680  }
0x7f: {  	[tilespmem:s22], [sflag:$0x2] =	stream.linear.gather [hbm4b:s5+s4], $0x680, $0x38;
	[tilespmem:$0xEAD0] =	vst v63  }
0x80: {  	s22 =	simm.s32 $0xDD0  }
0x81: {  	[tilespmem:s29], [sflag:$0x3] =	stream.indirect.gather [hbm4b:s3+s26], $0x10, s22, s26, $0xb8;
	[tilespmem:$0xEAD0] =	vst v63  }
0x82: {  	s5 =	simm.s32 $0xE50;
	s22 =	simm.s32 $0x22D0  }
0x83: {  	[tilespmem:s22], [sflag:$0x3] =	stream.indirect.gather [hbm4b:s3+s26], $0x10, s5, s26, $0xb8;
	[tilespmem:$0xEAD0] =	vst v63  }
0x84: {  	s5 =	simm.s32 $0xED0;
	s22 =	simm.s32 $0x2AD0  }
0x85: {  	[tilespmem:s22], [sflag:$0x3] =	stream.indirect.gather [hbm4b:s3+s26], $0x10, s5, s26, $0xb8;
	[tilespmem:$0xEAD0] =	vst v63  }
0x86: {  	s5 =	simm.s32 $0xF50;
	s22 =	simm.s32 $0x32D0  }
0x87: {  	[tilespmem:s22], [sflag:$0x3] =	stream.indirect.gather [hbm4b:s3+s26], $0x10, s5, s26, $0xb8;
	[tilespmem:$0xEAD0] =	vst v63  }
0x88: {  	s5 =	simm.s32 $0xFD0;
	s22 =	simm.s32 $0x3AD0  }
0x89: {  	[tilespmem:s22], [sflag:$0x3] =	stream.indirect.gather [hbm4b:s3+s26], $0x10, s5, s26, $0xb8;
	[tilespmem:$0xEAD0] =	vst v63  }
0x8a: {  	s5 =	simm.s32 $0x1050;
	s22 =	simm.s32 $0x42D0  }
0x8b: {  	[tilespmem:s22], [sflag:$0x3] =	stream.indirect.gather [hbm4b:s3+s26], $0x10, s5, s26, $0xb8;
	[tilespmem:$0xEAD0] =	vst v63  }
0x8c: {  	s5 =	simm.s32 $0x10D0;
	s22 =	simm.s32 $0x4AD0  }
0x8d: {  	[tilespmem:s22], [sflag:$0x3] =	stream.indirect.gather [hbm4b:s3+s26], $0x10, s5, s26, $0xb8;
	[tilespmem:$0xEAD0] =	vst v63  }
0x8e: {  	s5 =	simm.s32 $0x1150;
	s22 =	simm.s32 $0x52D0  }
0x8f: {  	[tilespmem:s22], [sflag:$0x3] =	stream.indirect.gather [hbm4b:s3+s26], $0x10, s5, s26, $0xb8;
	[tilespmem:$0xEAD0] =	vst v63  }
0x90: {  	s5 =	simm.s32 $0x11D0;
	s22 =	simm.s32 $0x5AD0  }
0x91: {  	[tilespmem:s22], [sflag:$0x3] =	stream.indirect.gather [hbm4b:s3+s26], $0x10, s5, s26, $0xb8;
	[tilespmem:$0xEAD0] =	vst v63  }
0x92: {  	s5 =	simm.s32 $0x1250;
	s22 =	simm.s32 $0x62D0  }
0x93: {  	[tilespmem:s22], [sflag:$0x3] =	stream.indirect.gather [hbm4b:s3+s26], $0x10, s5, s26, $0xb8;
	[tilespmem:$0xEAD0] =	vst v63  }
0x94: {  	s5 =	simm.s32 $0x12D0;
	s22 =	simm.s32 $0x6AD0  }
0x95: {  	[tilespmem:s22], [sflag:$0x3] =	stream.indirect.gather [hbm4b:s3+s26], $0x10, s5, s26, $0xb8;
	[tilespmem:$0xEAD0] =	vst v63  }
0x96: {  	s5 =	simm.s32 $0x1350;
	s22 =	simm.s32 $0x72D0  }
0x97: {  	[tilespmem:s22], [sflag:$0x3] =	stream.indirect.gather [hbm4b:s3+s26], $0x10, s5, s26, $0xb8;
	[tilespmem:$0xEAD0] =	vst v63  }
0x98: {  	s5 =	simm.s32 $0x13D0;
	s22 =	simm.s32 $0x7AD0  }
0x99: {  	[tilespmem:s22], [sflag:$0x3] =	stream.indirect.gather [hbm4b:s3+s26], $0x10, s5, s26, $0xb8;
	[tilespmem:$0xEAD0] =	vst v63  }
0x9a: {  	s22 =	rddreg [dreg:$0x6]  }
0x9b: {  	[tilespmem:s4], [sflag:$0x1] =	stream.linear.gather [hbm4b:s22+s4], $0x680, $0x38;
	[tilespmem:$0xEAD0] =	vst v63  }
0x9c: {  	_ =	swait.ge [sflag:s2], $0x680  }
0x9d: {  	[sflag:s2] =	ssyncset.done $0x0  }
0x9e: {  	s22 =	simm.s32 $0x0;
	[sflag:s2] =	ssyncadd.s32 $0xFFFFF980  }
0x9f: {  	s4 =	simm.s32 $0x340;
	v0 =	vld [tilespmem:s22+$0x680]  }
.LBB2_4:
0xa0: {  	p0 =	sne.s32 s4, $0x16C0;
	v1 =	vld [tilespmem:$0xD00];
	_ =	sdelay $0x4  }
0xa1: {  	v0 =	vadd.s32 v0, v1  }
0xa2: {  	[tilespmem:s22+$0x1450] =	vst v0;
	v0 =	vld [tilespmem:s22+$0x690]  }
0xa3: {  	v1 =	vld [tilespmem:$0xD10];
	_ =	sdelay $0x4  }
0xa4: {  	v0 =	vadd.s32 v0, v1  }
0xa5: {  	[tilespmem:s22+$0x1460] =	vst v0;
	v0 =	vld [tilespmem:s22+$0x6A0]  }
0xa6: {  	v1 =	vld [tilespmem:$0xD20];
	_ =	sdelay $0x4  }
0xa7: {  	v0 =	vadd.s32 v0, v1  }
0xa8: {  	[tilespmem:s22+$0x1470] =	vst v0;
	v0 =	vld [tilespmem:s22+$0x6B0]  }
0xa9: {  	v1 =	vld [tilespmem:$0xD30];
	_ =	sdelay $0x4  }
0xaa: {  	v0 =	vadd.s32 v0, v1  }
0xab: {  	[tilespmem:s22+$0x1480] =	vst v0;
	v0 =	vld [tilespmem:s22+$0x6C0]  }
0xac: {  	v1 =	vld [tilespmem:$0xD40];
	_ =	sdelay $0x4  }
0xad: {  	v0 =	vadd.s32 v0, v1  }
0xae: {  	[tilespmem:s22+$0x1490] =	vst v0;
	v0 =	vld [tilespmem:s22+$0x6D0]  }
0xaf: {  	v1 =	vld [tilespmem:$0xD50];
	_ =	sdelay $0x4  }
0xb0: {  	v0 =	vadd.s32 v0, v1  }
0xb1: {  	[tilespmem:s22+$0x14A0] =	vst v0;
	v0 =	vld [tilespmem:s22+$0x6E0]  }
0xb2: {  	v1 =	vld [tilespmem:$0xD60];
	_ =	sdelay $0x4  }
0xb3: {  	v0 =	vadd.s32 v0, v1  }
0xb4: {  	[tilespmem:s22+$0x14B0] =	vst v0;
	v0 =	vld [tilespmem:s22+$0x6F0]  }
0xb5: {  	v1 =	vld [tilespmem:$0xD70];
	_ =	sdelay $0x4  }
0xb6: {  	v0 =	vadd.s32 v0, v1  }
0xb7: {  	[tilespmem:s22+$0x14C0] =	vst v0;
	v0 =	vld [tilespmem:s22+$0x700]  }
0xb8: {  	v1 =	vld [tilespmem:$0xD80];
	_ =	sdelay $0x4  }
0xb9: {  	v0 =	vadd.s32 v0, v1  }
0xba: {  	[tilespmem:s22+$0x14D0] =	vst v0;
	v0 =	vld [tilespmem:s22+$0x710]  }
0xbb: {  	v1 =	vld [tilespmem:$0xD90];
	_ =	sdelay $0x4  }
0xbc: {  	v0 =	vadd.s32 v0, v1  }
0xbd: {  	[tilespmem:s22+$0x14E0] =	vst v0;
	v0 =	vld [tilespmem:s22+$0x720]  }
0xbe: {  	v1 =	vld [tilespmem:$0xDA0];
	_ =	sdelay $0x4  }
0xbf: {  	v0 =	vadd.s32 v0, v1  }
0xc0: {  	[tilespmem:s22+$0x14F0] =	vst v0;
	v0 =	vld [tilespmem:s22+$0x730]  }
0xc1: {  	v1 =	vld [tilespmem:$0xDB0];
	_ =	sdelay $0x4  }
0xc2: {  	v0 =	vadd.s32 v0, v1  }
0xc3: {  	[tilespmem:s22+$0x1500] =	vst v0;
	v0 =	vld [tilespmem:s22+$0x740]  }
0xc4: {  	v1 =	vld [tilespmem:$0xDC0];
	_ =	sdelay $0x1  }
.Ltmp1:
0xc5: {  	(pc) =	sbr.rel @p0 .LBB2_4-.Ltmp1, $3  }
0xc6: {  	_ =	sdelay $0x1  }
0xc7: {  	s5 =	sshra.s32 s4, $0x2;
	v1 =	vadd.s32 v0, v1  }
0xc8: {  	s4 =	sadd.s32 $0x340, s4;
	v0 =	vld [tilespmem:s5+$0x680];
	[tilespmem:s22+$0x1510] =	vst v1;
	s22 =	smov.u32 s5  }
0xc9: {  	v1 =	vld [tilespmem:$0xD00];
	_ =	sdelay $0x4  }
0xca: {  	v0 =	vadd.s32 v0, v1  }
0xcb: {  	[tilespmem:s22+$0x1450] =	vst v0;
	v0 =	vld [tilespmem:s22+$0x690]  }
0xcc: {  	v1 =	vld [tilespmem:$0xD10];
	_ =	sdelay $0x4  }
0xcd: {  	v0 =	vadd.s32 v0, v1  }
0xce: {  	[tilespmem:s22+$0x1460] =	vst v0;
	v0 =	vld [tilespmem:s22+$0x6A0]  }
0xcf: {  	v1 =	vld [tilespmem:$0xD20];
	_ =	sdelay $0x4  }
0xd0: {  	v0 =	vadd.s32 v0, v1  }
0xd1: {  	[tilespmem:s22+$0x1470] =	vst v0;
	v0 =	vld [tilespmem:s22+$0x6B0]  }
0xd2: {  	v1 =	vld [tilespmem:$0xD30];
	_ =	sdelay $0x4  }
0xd3: {  	v0 =	vadd.s32 v0, v1  }
0xd4: {  	[tilespmem:s22+$0x1480] =	vst v0;
	v0 =	vld [tilespmem:s22+$0x6C0]  }
0xd5: {  	v1 =	vld [tilespmem:$0xD40];
	_ =	sdelay $0x4  }
0xd6: {  	v0 =	vadd.s32 v0, v1  }
0xd7: {  	[tilespmem:s22+$0x1490] =	vst v0;
	v0 =	vld [tilespmem:s22+$0x6D0]  }
0xd8: {  	v1 =	vld [tilespmem:$0xD50];
	_ =	sdelay $0x4  }
0xd9: {  	v0 =	vadd.s32 v0, v1  }
0xda: {  	[tilespmem:s22+$0x14A0] =	vst v0;
	v0 =	vld [tilespmem:s22+$0x6E0]  }
0xdb: {  	v1 =	vld [tilespmem:$0xD60];
	_ =	sdelay $0x4  }
0xdc: {  	v0 =	vadd.s32 v0, v1  }
0xdd: {  	[tilespmem:s22+$0x14B0] =	vst v0;
	v0 =	vld [tilespmem:s22+$0x6F0]  }
0xde: {  	v1 =	vld [tilespmem:$0xD70];
	_ =	sdelay $0x4  }
0xdf: {  	v0 =	vadd.s32 v0, v1  }
0xe0: {  	[tilespmem:s22+$0x14C0] =	vst v0;
	v0 =	vld [tilespmem:s22+$0x700]  }
0xe1: {  	v1 =	vld [tilespmem:$0xD80];
	_ =	sdelay $0x4  }
0xe2: {  	v0 =	vadd.s32 v0, v1  }
0xe3: {  	[tilespmem:s22+$0x14D0] =	vst v0;
	v0 =	vld [tilespmem:s22+$0x710]  }
0xe4: {  	v1 =	vld [tilespmem:$0xD90];
	_ =	sdelay $0x4  }
0xe5: {  	v0 =	vadd.s32 v0, v1  }
0xe6: {  	[tilespmem:s22+$0x14E0] =	vst v0;
	v0 =	vld [tilespmem:s22+$0x720]  }
0xe7: {  	v1 =	vld [tilespmem:$0xDA0];
	_ =	sdelay $0x4  }
0xe8: {  	v0 =	vadd.s32 v0, v1  }
0xe9: {  	[tilespmem:s22+$0x14F0] =	vst v0;
	v0 =	vld [tilespmem:s22+$0x730]  }
0xea: {  	v1 =	vld [tilespmem:$0xDB0];
	_ =	sdelay $0x4  }
0xeb: {  	v0 =	vadd.s32 v0, v1  }
0xec: {  	[tilespmem:s22+$0x1500] =	vst v0;
	v0 =	vld [tilespmem:s22+$0x740]  }
0xed: {  	v1 =	vld [tilespmem:$0xDC0];
	_ =	sdelay $0x4  }
0xee: {  	v0 =	vadd.s32 v0, v1  }
0xef: {  	s4 =	simm.s32 $0x1450;
	[tilespmem:s22+$0x1510] =	vst v0  }
0xf0: {  	[tilespmem:s28], [sflag:$0x4] =	stream.indirect.gather [hbm4b:s3+s26], $0x10, s4, s26, $0xb8;
	[tilespmem:$0xEAD0] =	vst v63  }
0xf1: {  	s5 =	simm.s32 $0x8AD0;
	s22 =	simm.s32 $0x14D0  }
0xf2: {  	[tilespmem:s5], [sflag:$0x4] =	stream.indirect.gather [hbm4b:s3+s26], $0x10, s22, s26, $0xb8;
	[tilespmem:$0xEAD0] =	vst v63  }
0xf3: {  	s5 =	simm.s32 $0x1550;
	s22 =	simm.s32 $0x92D0  }
0xf4: {  	[tilespmem:s22], [sflag:$0x4] =	stream.indirect.gather [hbm4b:s3+s26], $0x10, s5, s26, $0xb8;
	[tilespmem:$0xEAD0] =	vst v63  }
0xf5: {  	s5 =	simm.s32 $0x15D0;
	s22 =	simm.s32 $0x9AD0  }
0xf6: {  	[tilespmem:s22], [sflag:$0x4] =	stream.indirect.gather [hbm4b:s3+s26], $0x10, s5, s26, $0xb8;
	[tilespmem:$0xEAD0] =	vst v63  }
0xf7: {  	s5 =	simm.s32 $0x1650  }
0xf8: {  	[tilespmem:s6], [sflag:$0x4] =	stream.indirect.gather [hbm4b:s3+s26], $0x10, s5, s26, $0xb8;
	[tilespmem:$0xEAD0] =	vst v63  }
0xf9: {  	_ = 	snop  }
0xfa: {  	[tilespmem:s8], [sflag:$0x4] =	stream.indirect.gather [hbm4b:s3+s26], $0x10, s7, s26, $0xb8;
	[tilespmem:$0xEAD0] =	vst v63  }
0xfb: {  	_ = 	snop  }
0xfc: {  	[tilespmem:s10], [sflag:$0x4] =	stream.indirect.gather [hbm4b:s3+s26], $0x10, s9, s26, $0xb8;
	[tilespmem:$0xEAD0] =	vst v63  }
0xfd: {  	_ = 	snop  }
0xfe: {  	[tilespmem:s12], [sflag:$0x4] =	stream.indirect.gather [hbm4b:s3+s26], $0x10, s11, s26, $0xb8;
	[tilespmem:$0xEAD0] =	vst v63  }
0xff: {  	_ = 	snop  }
0x100: {  	[tilespmem:s14], [sflag:$0x4] =	stream.indirect.gather [hbm4b:s3+s26], $0x10, s13, s26, $0xb8;
	[tilespmem:$0xEAD0] =	vst v63  }
0x101: {  	_ = 	snop  }
0x102: {  	[tilespmem:s16], [sflag:$0x4] =	stream.indirect.gather [hbm4b:s3+s26], $0x10, s15, s26, $0xb8;
	[tilespmem:$0xEAD0] =	vst v63  }
0x103: {  	_ = 	snop  }
0x104: {  	[tilespmem:s18], [sflag:$0x4] =	stream.indirect.gather [hbm4b:s3+s26], $0x10, s17, s26, $0xb8;
	[tilespmem:$0xEAD0] =	vst v63  }
0x105: {  	_ = 	snop  }
0x106: {  	[tilespmem:s20], [sflag:$0x4] =	stream.indirect.gather [hbm4b:s3+s26], $0x10, s19, s26, $0xb8;
	[tilespmem:$0xEAD0] =	vst v63  }
0x107: {  	_ = 	snop  }
0x108: {  	[tilespmem:s23], [sflag:$0x4] =	stream.indirect.gather [hbm4b:s3+s26], $0x10, s21, s26, $0xb8;
	[tilespmem:$0xEAD0] =	vst v63  }
0x109: {  	s4 =	simm.s32 $0x0;
	s22 =	simm.s32 $0x680;
	s5 =	rddreg [dreg:$0x7]  }
0x10a: {  	[tilespmem:s22], [sflag:$0x2] =	stream.linear.gather [hbm4b:s5+s4], $0x680, $0x38;
	[tilespmem:$0xEAD0] =	vst v63  }
0x10b: {  	_ =	swait.ge [sflag:s25], $0x800  }
0x10c: {  	[sflag:s25] =	ssyncset.done $0x0  }
0x10d: {  	[sflag:s25] =	ssyncadd.s32 $0xFFFFF800  }
0x10e: {  	_ =	swait.ge [sflag:s25], $0x800  }
0x10f: {  	[sflag:s25] =	ssyncset.done $0x0  }
0x110: {  	[sflag:s25] =	ssyncadd.s32 $0xFFFFF800  }
0x111: {  	_ =	swait.ge [sflag:s25], $0x800  }
0x112: {  	[sflag:s25] =	ssyncset.done $0x0  }
0x113: {  	[sflag:s25] =	ssyncadd.s32 $0xFFFFF800  }
0x114: {  	_ =	swait.ge [sflag:s25], $0x800  }
0x115: {  	[sflag:s25] =	ssyncset.done $0x0  }
0x116: {  	[sflag:s25] =	ssyncadd.s32 $0xFFFFF800  }
0x117: {  	_ =	swait.ge [sflag:s25], $0x800  }
0x118: {  	[sflag:s25] =	ssyncset.done $0x0  }
0x119: {  	[sflag:s25] =	ssyncadd.s32 $0xFFFFF800  }
0x11a: {  	_ =	swait.ge [sflag:s25], $0x800  }
0x11b: {  	[sflag:s25] =	ssyncset.done $0x0  }
0x11c: {  	[sflag:s25] =	ssyncadd.s32 $0xFFFFF800  }
0x11d: {  	_ =	swait.ge [sflag:s25], $0x800  }
0x11e: {  	[sflag:s25] =	ssyncset.done $0x0  }
0x11f: {  	[sflag:s25] =	ssyncadd.s32 $0xFFFFF800  }
0x120: {  	_ =	swait.ge [sflag:s25], $0x800  }
0x121: {  	[sflag:s25] =	ssyncset.done $0x0  }
0x122: {  	[sflag:s25] =	ssyncadd.s32 $0xFFFFF800  }
0x123: {  	_ =	swait.ge [sflag:s25], $0x800  }
0x124: {  	[sflag:s25] =	ssyncset.done $0x0  }
0x125: {  	[sflag:s25] =	ssyncadd.s32 $0xFFFFF800  }
0x126: {  	_ =	swait.ge [sflag:s25], $0x800  }
0x127: {  	[sflag:s25] =	ssyncset.done $0x0  }
0x128: {  	[sflag:s25] =	ssyncadd.s32 $0xFFFFF800  }
0x129: {  	_ =	swait.ge [sflag:s25], $0x800  }
0x12a: {  	[sflag:s25] =	ssyncset.done $0x0  }
0x12b: {  	[sflag:s25] =	ssyncadd.s32 $0xFFFFF800  }
0x12c: {  	_ =	swait.ge [sflag:s25], $0x800  }
0x12d: {  	[sflag:s25] =	ssyncset.done $0x0  }
0x12e: {  	[sflag:s25] =	ssyncadd.s32 $0xFFFFF800  }
0x12f: {  	_ =	swait.ge [sflag:s25], $0x800  }
0x130: {  	[sflag:s25] =	ssyncset.done $0x0  }
0x131: {  	s22 =	rddreg [dreg:$0x8];
	[sflag:s25] =	ssyncadd.s32 $0xFFFFF800  }
0x132: {  	[hbm4b:s22+s4] =	stream.linear.scatter [tilespmem:s29], [sflag:$0x5], $0x6800, $0x38;
	[tilespmem:$0xEAD0] =	vst v63  }
0x133: {  	_ =	swait.ge [sflag:s24], $0x680  }
0x134: {  	[sflag:s24] =	ssyncset.done $0x0  }
0x135: {  	s22 =	simm.s32 $0x0;
	[sflag:s24] =	ssyncadd.s32 $0xFFFFF980  }
0x136: {  	s4 =	simm.s32 $0x340;
	v0 =	vld [tilespmem:s22+$0x0]  }
.LBB2_6:
0x137: {  	p0 =	sne.s32 s4, $0x16C0;
	v1 =	vld [tilespmem:$0xD00];
	_ =	sdelay $0x4  }
0x138: {  	v0 =	vadd.s32 v0, v1  }
0x139: {  	[tilespmem:s22+$0xDD0] =	vst v0;
	v0 =	vld [tilespmem:s22+$0x10]  }
0x13a: {  	v1 =	vld [tilespmem:$0xD10];
	_ =	sdelay $0x4  }
0x13b: {  	v0 =	vadd.s32 v0, v1  }
0x13c: {  	[tilespmem:s22+$0xDE0] =	vst v0;
	v0 =	vld [tilespmem:s22+$0x20]  }
0x13d: {  	v1 =	vld [tilespmem:$0xD20];
	_ =	sdelay $0x4  }
0x13e: {  	v0 =	vadd.s32 v0, v1  }
0x13f: {  	[tilespmem:s22+$0xDF0] =	vst v0;
	v0 =	vld [tilespmem:s22+$0x30]  }
0x140: {  	v1 =	vld [tilespmem:$0xD30];
	_ =	sdelay $0x4  }
0x141: {  	v0 =	vadd.s32 v0, v1  }
0x142: {  	[tilespmem:s22+$0xE00] =	vst v0;
	v0 =	vld [tilespmem:s22+$0x40]  }
0x143: {  	v1 =	vld [tilespmem:$0xD40];
	_ =	sdelay $0x4  }
0x144: {  	v0 =	vadd.s32 v0, v1  }
0x145: {  	[tilespmem:s22+$0xE10] =	vst v0;
	v0 =	vld [tilespmem:s22+$0x50]  }
0x146: {  	v1 =	vld [tilespmem:$0xD50];
	_ =	sdelay $0x4  }
0x147: {  	v0 =	vadd.s32 v0, v1  }
0x148: {  	[tilespmem:s22+$0xE20] =	vst v0;
	v0 =	vld [tilespmem:s22+$0x60]  }
0x149: {  	v1 =	vld [tilespmem:$0xD60];
	_ =	sdelay $0x4  }
0x14a: {  	v0 =	vadd.s32 v0, v1  }
0x14b: {  	[tilespmem:s22+$0xE30] =	vst v0;
	v0 =	vld [tilespmem:s22+$0x70]  }
0x14c: {  	v1 =	vld [tilespmem:$0xD70];
	_ =	sdelay $0x4  }
0x14d: {  	v0 =	vadd.s32 v0, v1  }
0x14e: {  	[tilespmem:s22+$0xE40] =	vst v0;
	v0 =	vld [tilespmem:s22+$0x80]  }
0x14f: {  	v1 =	vld [tilespmem:$0xD80];
	_ =	sdelay $0x4  }
0x150: {  	v0 =	vadd.s32 v0, v1  }
0x151: {  	[tilespmem:s22+$0xE50] =	vst v0;
	v0 =	vld [tilespmem:s22+$0x90]  }
0x152: {  	v1 =	vld [tilespmem:$0xD90];
	_ =	sdelay $0x4  }
0x153: {  	v0 =	vadd.s32 v0, v1  }
0x154: {  	[tilespmem:s22+$0xE60] =	vst v0;
	v0 =	vld [tilespmem:s22+$0xA0]  }
0x155: {  	v1 =	vld [tilespmem:$0xDA0];
	_ =	sdelay $0x4  }
0x156: {  	v0 =	vadd.s32 v0, v1  }
0x157: {  	[tilespmem:s22+$0xE70] =	vst v0;
	v0 =	vld [tilespmem:s22+$0xB0]  }
0x158: {  	v1 =	vld [tilespmem:$0xDB0];
	_ =	sdelay $0x4  }
0x159: {  	v0 =	vadd.s32 v0, v1  }
0x15a: {  	[tilespmem:s22+$0xE80] =	vst v0;
	v0 =	vld [tilespmem:s22+$0xC0]  }
0x15b: {  	v1 =	vld [tilespmem:$0xDC0];
	_ =	sdelay $0x1  }
.Ltmp2:
0x15c: {  	(pc) =	sbr.rel @p0 .LBB2_6-.Ltmp2, $3  }
0x15d: {  	_ =	sdelay $0x1  }
0x15e: {  	s5 =	sshra.s32 s4, $0x2;
	v1 =	vadd.s32 v0, v1  }
0x15f: {  	s4 =	sadd.s32 $0x340, s4;
	v0 =	vld [tilespmem:s5+$0x0];
	[tilespmem:s22+$0xE90] =	vst v1;
	s22 =	smov.u32 s5  }
0x160: {  	v1 =	vld [tilespmem:$0xD00];
	_ =	sdelay $0x4  }
0x161: {  	v0 =	vadd.s32 v0, v1  }
0x162: {  	[tilespmem:s22+$0xDD0] =	vst v0;
	v0 =	vld [tilespmem:s22+$0x10]  }
0x163: {  	v1 =	vld [tilespmem:$0xD10];
	_ =	sdelay $0x4  }
0x164: {  	v0 =	vadd.s32 v0, v1  }
0x165: {  	[tilespmem:s22+$0xDE0] =	vst v0;
	v0 =	vld [tilespmem:s22+$0x20]  }
0x166: {  	v1 =	vld [tilespmem:$0xD20];
	_ =	sdelay $0x4  }
0x167: {  	v0 =	vadd.s32 v0, v1  }
0x168: {  	[tilespmem:s22+$0xDF0] =	vst v0;
	v0 =	vld [tilespmem:s22+$0x30]  }
0x169: {  	v1 =	vld [tilespmem:$0xD30];
	_ =	sdelay $0x4  }
0x16a: {  	v0 =	vadd.s32 v0, v1  }
0x16b: {  	[tilespmem:s22+$0xE00] =	vst v0;
	v0 =	vld [tilespmem:s22+$0x40]  }
0x16c: {  	v1 =	vld [tilespmem:$0xD40];
	_ =	sdelay $0x4  }
0x16d: {  	v0 =	vadd.s32 v0, v1  }
0x16e: {  	[tilespmem:s22+$0xE10] =	vst v0;
	v0 =	vld [tilespmem:s22+$0x50]  }
0x16f: {  	v1 =	vld [tilespmem:$0xD50];
	_ =	sdelay $0x4  }
0x170: {  	v0 =	vadd.s32 v0, v1  }
0x171: {  	[tilespmem:s22+$0xE20] =	vst v0;
	v0 =	vld [tilespmem:s22+$0x60]  }
0x172: {  	v1 =	vld [tilespmem:$0xD60];
	_ =	sdelay $0x4  }
0x173: {  	v0 =	vadd.s32 v0, v1  }
0x174: {  	[tilespmem:s22+$0xE30] =	vst v0;
	v0 =	vld [tilespmem:s22+$0x70]  }
0x175: {  	v1 =	vld [tilespmem:$0xD70];
	_ =	sdelay $0x4  }
0x176: {  	v0 =	vadd.s32 v0, v1  }
0x177: {  	[tilespmem:s22+$0xE40] =	vst v0;
	v0 =	vld [tilespmem:s22+$0x80]  }
0x178: {  	v1 =	vld [tilespmem:$0xD80];
	_ =	sdelay $0x4  }
0x179: {  	v0 =	vadd.s32 v0, v1  }
0x17a: {  	[tilespmem:s22+$0xE50] =	vst v0;
	v0 =	vld [tilespmem:s22+$0x90]  }
0x17b: {  	v1 =	vld [tilespmem:$0xD90];
	_ =	sdelay $0x4  }
0x17c: {  	v0 =	vadd.s32 v0, v1  }
0x17d: {  	[tilespmem:s22+$0xE60] =	vst v0;
	v0 =	vld [tilespmem:s22+$0xA0]  }
0x17e: {  	v1 =	vld [tilespmem:$0xDA0];
	_ =	sdelay $0x4  }
0x17f: {  	v0 =	vadd.s32 v0, v1  }
0x180: {  	[tilespmem:s22+$0xE70] =	vst v0;
	v0 =	vld [tilespmem:s22+$0xB0]  }
0x181: {  	v1 =	vld [tilespmem:$0xDB0];
	_ =	sdelay $0x4  }
0x182: {  	v0 =	vadd.s32 v0, v1  }
0x183: {  	[tilespmem:s22+$0xE80] =	vst v0;
	v0 =	vld [tilespmem:s22+$0xC0]  }
0x184: {  	v1 =	vld [tilespmem:$0xDC0];
	_ =	sdelay $0x4  }
0x185: {  	v0 =	vadd.s32 v0, v1  }
0x186: {  	[tilespmem:s22+$0xE90] =	vst v0  }
0x187: {  	_ =	swait.ge [sflag:s30], $0x6800  }
0x188: {  	[sflag:s30] =	ssyncset.done $0x0  }
0x189: {  	s4 =	simm.s32 $0xDD0;
	[sflag:s30] =	ssyncadd.s32 $0xFFFF9800  }
0x18a: {  	[tilespmem:s29], [sflag:$0x3] =	stream.indirect.gather [hbm4b:s3+s26], $0x10, s4, s26, $0xb8;
	[tilespmem:$0xEAD0] =	vst v63  }
0x18b: {  	s5 =	simm.s32 $0x22D0;
	s22 =	simm.s32 $0xE50  }
0x18c: {  	[tilespmem:s5], [sflag:$0x3] =	stream.indirect.gather [hbm4b:s3+s26], $0x10, s22, s26, $0xb8;
	[tilespmem:$0xEAD0] =	vst v63  }
0x18d: {  	s5 =	simm.s32 $0xED0;
	s22 =	simm.s32 $0x2AD0  }
0x18e: {  	[tilespmem:s22], [sflag:$0x3] =	stream.indirect.gather [hbm4b:s3+s26], $0x10, s5, s26, $0xb8;
	[tilespmem:$0xEAD0] =	vst v63  }
0x18f: {  	s5 =	simm.s32 $0xF50;
	s22 =	simm.s32 $0x32D0  }
0x190: {  	[tilespmem:s22], [sflag:$0x3] =	stream.indirect.gather [hbm4b:s3+s26], $0x10, s5, s26, $0xb8;
	[tilespmem:$0xEAD0] =	vst v63  }
0x191: {  	s5 =	simm.s32 $0xFD0;
	s22 =	simm.s32 $0x3AD0  }
0x192: {  	[tilespmem:s22], [sflag:$0x3] =	stream.indirect.gather [hbm4b:s3+s26], $0x10, s5, s26, $0xb8;
	[tilespmem:$0xEAD0] =	vst v63  }
0x193: {  	s5 =	simm.s32 $0x1050;
	s22 =	simm.s32 $0x42D0  }
0x194: {  	[tilespmem:s22], [sflag:$0x3] =	stream.indirect.gather [hbm4b:s3+s26], $0x10, s5, s26, $0xb8;
	[tilespmem:$0xEAD0] =	vst v63  }
0x195: {  	s5 =	simm.s32 $0x10D0;
	s22 =	simm.s32 $0x4AD0  }
0x196: {  	[tilespmem:s22], [sflag:$0x3] =	stream.indirect.gather [hbm4b:s3+s26], $0x10, s5, s26, $0xb8;
	[tilespmem:$0xEAD0] =	vst v63  }
0x197: {  	s5 =	simm.s32 $0x1150;
	s22 =	simm.s32 $0x52D0  }
0x198: {  	[tilespmem:s22], [sflag:$0x3] =	stream.indirect.gather [hbm4b:s3+s26], $0x10, s5, s26, $0xb8;
	[tilespmem:$0xEAD0] =	vst v63  }
0x199: {  	s5 =	simm.s32 $0x11D0;
	s22 =	simm.s32 $0x5AD0  }
0x19a: {  	[tilespmem:s22], [sflag:$0x3] =	stream.indirect.gather [hbm4b:s3+s26], $0x10, s5, s26, $0xb8;
	[tilespmem:$0xEAD0] =	vst v63  }
0x19b: {  	s5 =	simm.s32 $0x1250;
	s22 =	simm.s32 $0x62D0  }
0x19c: {  	[tilespmem:s22], [sflag:$0x3] =	stream.indirect.gather [hbm4b:s3+s26], $0x10, s5, s26, $0xb8;
	[tilespmem:$0xEAD0] =	vst v63  }
0x19d: {  	s5 =	simm.s32 $0x12D0;
	s22 =	simm.s32 $0x6AD0  }
0x19e: {  	[tilespmem:s22], [sflag:$0x3] =	stream.indirect.gather [hbm4b:s3+s26], $0x10, s5, s26, $0xb8;
	[tilespmem:$0xEAD0] =	vst v63  }
0x19f: {  	s5 =	simm.s32 $0x1350;
	s22 =	simm.s32 $0x72D0  }
0x1a0: {  	[tilespmem:s22], [sflag:$0x3] =	stream.indirect.gather [hbm4b:s3+s26], $0x10, s5, s26, $0xb8;
	[tilespmem:$0xEAD0] =	vst v63  }
0x1a1: {  	s5 =	simm.s32 $0x13D0;
	s22 =	simm.s32 $0x7AD0  }
0x1a2: {  	[tilespmem:s22], [sflag:$0x3] =	stream.indirect.gather [hbm4b:s3+s26], $0x10, s5, s26, $0xb8;
	[tilespmem:$0xEAD0] =	vst v63  }
0x1a3: {  	s4 =	simm.s32 $0x0;
	s22 =	rddreg [dreg:$0x9]  }
0x1a4: {  	[tilespmem:s4], [sflag:$0x1] =	stream.linear.gather [hbm4b:s22+s4], $0x680, $0x38;
	[tilespmem:$0xEAD0] =	vst v63  }
0x1a5: {  	_ =	swait.ge [sflag:s31], $0x800  }
0x1a6: {  	[sflag:s31] =	ssyncset.done $0x0  }
0x1a7: {  	[sflag:s31] =	ssyncadd.s32 $0xFFFFF800  }
0x1a8: {  	_ =	swait.ge [sflag:s31], $0x800  }
0x1a9: {  	[sflag:s31] =	ssyncset.done $0x0  }
0x1aa: {  	[sflag:s31] =	ssyncadd.s32 $0xFFFFF800  }
0x1ab: {  	_ =	swait.ge [sflag:s31], $0x800  }
0x1ac: {  	[sflag:s31] =	ssyncset.done $0x0  }
0x1ad: {  	[sflag:s31] =	ssyncadd.s32 $0xFFFFF800  }
0x1ae: {  	_ =	swait.ge [sflag:s31], $0x800  }
0x1af: {  	[sflag:s31] =	ssyncset.done $0x0  }
0x1b0: {  	[sflag:s31] =	ssyncadd.s32 $0xFFFFF800  }
0x1b1: {  	_ =	swait.ge [sflag:s31], $0x800  }
0x1b2: {  	[sflag:s31] =	ssyncset.done $0x0  }
0x1b3: {  	[sflag:s31] =	ssyncadd.s32 $0xFFFFF800  }
0x1b4: {  	_ =	swait.ge [sflag:s31], $0x800  }
0x1b5: {  	[sflag:s31] =	ssyncset.done $0x0  }
0x1b6: {  	[sflag:s31] =	ssyncadd.s32 $0xFFFFF800  }
0x1b7: {  	_ =	swait.ge [sflag:s31], $0x800  }
0x1b8: {  	[sflag:s31] =	ssyncset.done $0x0  }
0x1b9: {  	[sflag:s31] =	ssyncadd.s32 $0xFFFFF800  }
0x1ba: {  	_ =	swait.ge [sflag:s31], $0x800  }
0x1bb: {  	[sflag:s31] =	ssyncset.done $0x0  }
0x1bc: {  	[sflag:s31] =	ssyncadd.s32 $0xFFFFF800  }
0x1bd: {  	_ =	swait.ge [sflag:s31], $0x800  }
0x1be: {  	[sflag:s31] =	ssyncset.done $0x0  }
0x1bf: {  	[sflag:s31] =	ssyncadd.s32 $0xFFFFF800  }
0x1c0: {  	_ =	swait.ge [sflag:s31], $0x800  }
0x1c1: {  	[sflag:s31] =	ssyncset.done $0x0  }
0x1c2: {  	[sflag:s31] =	ssyncadd.s32 $0xFFFFF800  }
0x1c3: {  	_ =	swait.ge [sflag:s31], $0x800  }
0x1c4: {  	[sflag:s31] =	ssyncset.done $0x0  }
0x1c5: {  	[sflag:s31] =	ssyncadd.s32 $0xFFFFF800  }
0x1c6: {  	_ =	swait.ge [sflag:s31], $0x800  }
0x1c7: {  	[sflag:s31] =	ssyncset.done $0x0  }
0x1c8: {  	[sflag:s31] =	ssyncadd.s32 $0xFFFFF800  }
0x1c9: {  	_ =	swait.ge [sflag:s31], $0x800  }
0x1ca: {  	[sflag:s31] =	ssyncset.done $0x0  }
0x1cb: {  	s22 =	rddreg [dreg:$0xa];
	[sflag:s31] =	ssyncadd.s32 $0xFFFFF800  }
0x1cc: {  	[hbm4b:s22+s4] =	stream.linear.scatter [tilespmem:s28], [sflag:$0x6], $0x6800, $0x38;
	[tilespmem:$0xEAD0] =	vst v63  }
0x1cd: {  	_ =	swait.ge [sflag:s2], $0x680  }
0x1ce: {  	[sflag:s2] =	ssyncset.done $0x0  }
0x1cf: {  	s22 =	simm.s32 $0x0;
	[sflag:s2] =	ssyncadd.s32 $0xFFFFF980  }
0x1d0: {  	s4 =	simm.s32 $0x340;
	v0 =	vld [tilespmem:s22+$0x680]  }
.LBB2_8:
0x1d1: {  	p0 =	sne.s32 s4, $0x16C0;
	v1 =	vld [tilespmem:$0xD00];
	_ =	sdelay $0x4  }
0x1d2: {  	v0 =	vadd.s32 v0, v1  }
0x1d3: {  	[tilespmem:s22+$0x1450] =	vst v0;
	v0 =	vld [tilespmem:s22+$0x690]  }
0x1d4: {  	v1 =	vld [tilespmem:$0xD10];
	_ =	sdelay $0x4  }
0x1d5: {  	v0 =	vadd.s32 v0, v1  }
0x1d6: {  	[tilespmem:s22+$0x1460] =	vst v0;
	v0 =	vld [tilespmem:s22+$0x6A0]  }
0x1d7: {  	v1 =	vld [tilespmem:$0xD20];
	_ =	sdelay $0x4  }
0x1d8: {  	v0 =	vadd.s32 v0, v1  }
0x1d9: {  	[tilespmem:s22+$0x1470] =	vst v0;
	v0 =	vld [tilespmem:s22+$0x6B0]  }
0x1da: {  	v1 =	vld [tilespmem:$0xD30];
	_ =	sdelay $0x4  }
0x1db: {  	v0 =	vadd.s32 v0, v1  }
0x1dc: {  	[tilespmem:s22+$0x1480] =	vst v0;
	v0 =	vld [tilespmem:s22+$0x6C0]  }
0x1dd: {  	v1 =	vld [tilespmem:$0xD40];
	_ =	sdelay $0x4  }
0x1de: {  	v0 =	vadd.s32 v0, v1  }
0x1df: {  	[tilespmem:s22+$0x1490] =	vst v0;
	v0 =	vld [tilespmem:s22+$0x6D0]  }
0x1e0: {  	v1 =	vld [tilespmem:$0xD50];
	_ =	sdelay $0x4  }
0x1e1: {  	v0 =	vadd.s32 v0, v1  }
0x1e2: {  	[tilespmem:s22+$0x14A0] =	vst v0;
	v0 =	vld [tilespmem:s22+$0x6E0]  }
0x1e3: {  	v1 =	vld [tilespmem:$0xD60];
	_ =	sdelay $0x4  }
0x1e4: {  	v0 =	vadd.s32 v0, v1  }
0x1e5: {  	[tilespmem:s22+$0x14B0] =	vst v0;
	v0 =	vld [tilespmem:s22+$0x6F0]  }
0x1e6: {  	v1 =	vld [tilespmem:$0xD70];
	_ =	sdelay $0x4  }
0x1e7: {  	v0 =	vadd.s32 v0, v1  }
0x1e8: {  	[tilespmem:s22+$0x14C0] =	vst v0;
	v0 =	vld [tilespmem:s22+$0x700]  }
0x1e9: {  	v1 =	vld [tilespmem:$0xD80];
	_ =	sdelay $0x4  }
0x1ea: {  	v0 =	vadd.s32 v0, v1  }
0x1eb: {  	[tilespmem:s22+$0x14D0] =	vst v0;
	v0 =	vld [tilespmem:s22+$0x710]  }
0x1ec: {  	v1 =	vld [tilespmem:$0xD90];
	_ =	sdelay $0x4  }
0x1ed: {  	v0 =	vadd.s32 v0, v1  }
0x1ee: {  	[tilespmem:s22+$0x14E0] =	vst v0;
	v0 =	vld [tilespmem:s22+$0x720]  }
0x1ef: {  	v1 =	vld [tilespmem:$0xDA0];
	_ =	sdelay $0x4  }
0x1f0: {  	v0 =	vadd.s32 v0, v1  }
0x1f1: {  	[tilespmem:s22+$0x14F0] =	vst v0;
	v0 =	vld [tilespmem:s22+$0x730]  }
0x1f2: {  	v1 =	vld [tilespmem:$0xDB0];
	_ =	sdelay $0x4  }
0x1f3: {  	v0 =	vadd.s32 v0, v1  }
0x1f4: {  	[tilespmem:s22+$0x1500] =	vst v0;
	v0 =	vld [tilespmem:s22+$0x740]  }
0x1f5: {  	v1 =	vld [tilespmem:$0xDC0];
	_ =	sdelay $0x1  }
.Ltmp3:
0x1f6: {  	(pc) =	sbr.rel @p0 .LBB2_8-.Ltmp3, $3  }
0x1f7: {  	_ =	sdelay $0x1  }
0x1f8: {  	s5 =	sshra.s32 s4, $0x2;
	v1 =	vadd.s32 v0, v1  }
0x1f9: {  	s4 =	sadd.s32 $0x340, s4;
	v0 =	vld [tilespmem:s5+$0x680];
	[tilespmem:s22+$0x1510] =	vst v1;
	s22 =	smov.u32 s5  }
0x1fa: {  	v1 =	vld [tilespmem:$0xD00];
	_ =	sdelay $0x4  }
0x1fb: {  	v0 =	vadd.s32 v0, v1  }
0x1fc: {  	[tilespmem:s22+$0x1450] =	vst v0;
	v0 =	vld [tilespmem:s22+$0x690]  }
0x1fd: {  	v1 =	vld [tilespmem:$0xD10];
	_ =	sdelay $0x4  }
0x1fe: {  	v0 =	vadd.s32 v0, v1  }
0x1ff: {  	[tilespmem:s22+$0x1460] =	vst v0;
	v0 =	vld [tilespmem:s22+$0x6A0]  }
0x200: {  	v1 =	vld [tilespmem:$0xD20];
	_ =	sdelay $0x4  }
0x201: {  	v0 =	vadd.s32 v0, v1  }
0x202: {  	[tilespmem:s22+$0x1470] =	vst v0;
	v0 =	vld [tilespmem:s22+$0x6B0]  }
0x203: {  	v1 =	vld [tilespmem:$0xD30];
	_ =	sdelay $0x4  }
0x204: {  	v0 =	vadd.s32 v0, v1  }
0x205: {  	[tilespmem:s22+$0x1480] =	vst v0;
	v0 =	vld [tilespmem:s22+$0x6C0]  }
0x206: {  	v1 =	vld [tilespmem:$0xD40];
	_ =	sdelay $0x4  }
0x207: {  	v0 =	vadd.s32 v0, v1  }
0x208: {  	[tilespmem:s22+$0x1490] =	vst v0;
	v0 =	vld [tilespmem:s22+$0x6D0]  }
0x209: {  	v1 =	vld [tilespmem:$0xD50];
	_ =	sdelay $0x4  }
0x20a: {  	v0 =	vadd.s32 v0, v1  }
0x20b: {  	[tilespmem:s22+$0x14A0] =	vst v0;
	v0 =	vld [tilespmem:s22+$0x6E0]  }
0x20c: {  	v1 =	vld [tilespmem:$0xD60];
	_ =	sdelay $0x4  }
0x20d: {  	v0 =	vadd.s32 v0, v1  }
0x20e: {  	[tilespmem:s22+$0x14B0] =	vst v0;
	v0 =	vld [tilespmem:s22+$0x6F0]  }
0x20f: {  	v1 =	vld [tilespmem:$0xD70];
	_ =	sdelay $0x4  }
0x210: {  	v0 =	vadd.s32 v0, v1  }
0x211: {  	[tilespmem:s22+$0x14C0] =	vst v0;
	v0 =	vld [tilespmem:s22+$0x700]  }
0x212: {  	v1 =	vld [tilespmem:$0xD80];
	_ =	sdelay $0x4  }
0x213: {  	v0 =	vadd.s32 v0, v1  }
0x214: {  	[tilespmem:s22+$0x14D0] =	vst v0;
	v0 =	vld [tilespmem:s22+$0x710]  }
0x215: {  	v1 =	vld [tilespmem:$0xD90];
	_ =	sdelay $0x4  }
0x216: {  	v0 =	vadd.s32 v0, v1  }
0x217: {  	[tilespmem:s22+$0x14E0] =	vst v0;
	v0 =	vld [tilespmem:s22+$0x720]  }
0x218: {  	v1 =	vld [tilespmem:$0xDA0];
	_ =	sdelay $0x4  }
0x219: {  	v0 =	vadd.s32 v0, v1  }
0x21a: {  	[tilespmem:s22+$0x14F0] =	vst v0;
	v0 =	vld [tilespmem:s22+$0x730]  }
0x21b: {  	v1 =	vld [tilespmem:$0xDB0];
	_ =	sdelay $0x4  }
0x21c: {  	v0 =	vadd.s32 v0, v1  }
0x21d: {  	[tilespmem:s22+$0x1500] =	vst v0;
	v0 =	vld [tilespmem:s22+$0x740]  }
0x21e: {  	v1 =	vld [tilespmem:$0xDC0];
	_ =	sdelay $0x4  }
0x21f: {  	v0 =	vadd.s32 v0, v1  }
0x220: {  	[tilespmem:s22+$0x1510] =	vst v0  }
0x221: {  	_ =	swait.ge [sflag:s0], $0x6800  }
0x222: {  	[sflag:s0] =	ssyncset.done $0x0  }
0x223: {  	s4 =	simm.s32 $0x1450;
	[sflag:s0] =	ssyncadd.s32 $0xFFFF9800  }
0x224: {  	[tilespmem:s28], [sflag:$0x4] =	stream.indirect.gather [hbm4b:s3+s26], $0x10, s4, s26, $0xb8;
	[tilespmem:$0xEAD0] =	vst v63  }
0x225: {  	s5 =	simm.s32 $0x8AD0;
	s22 =	simm.s32 $0x14D0  }
0x226: {  	[tilespmem:s5], [sflag:$0x4] =	stream.indirect.gather [hbm4b:s3+s26], $0x10, s22, s26, $0xb8;
	[tilespmem:$0xEAD0] =	vst v63  }
0x227: {  	s5 =	simm.s32 $0x1550;
	s22 =	simm.s32 $0x92D0  }
0x228: {  	[tilespmem:s22], [sflag:$0x4] =	stream.indirect.gather [hbm4b:s3+s26], $0x10, s5, s26, $0xb8;
	[tilespmem:$0xEAD0] =	vst v63  }
0x229: {  	s5 =	simm.s32 $0x15D0;
	s22 =	simm.s32 $0x9AD0  }
0x22a: {  	[tilespmem:s22], [sflag:$0x4] =	stream.indirect.gather [hbm4b:s3+s26], $0x10, s5, s26, $0xb8;
	[tilespmem:$0xEAD0] =	vst v63  }
0x22b: {  	s5 =	simm.s32 $0x1650  }
0x22c: {  	[tilespmem:s6], [sflag:$0x4] =	stream.indirect.gather [hbm4b:s3+s26], $0x10, s5, s26, $0xb8;
	[tilespmem:$0xEAD0] =	vst v63  }
0x22d: {  	_ = 	snop  }
0x22e: {  	[tilespmem:s8], [sflag:$0x4] =	stream.indirect.gather [hbm4b:s3+s26], $0x10, s7, s26, $0xb8;
	[tilespmem:$0xEAD0] =	vst v63  }
0x22f: {  	_ = 	snop  }
0x230: {  	[tilespmem:s10], [sflag:$0x4] =	stream.indirect.gather [hbm4b:s3+s26], $0x10, s9, s26, $0xb8;
	[tilespmem:$0xEAD0] =	vst v63  }
0x231: {  	_ = 	snop  }
0x232: {  	[tilespmem:s12], [sflag:$0x4] =	stream.indirect.gather [hbm4b:s3+s26], $0x10, s11, s26, $0xb8;
	[tilespmem:$0xEAD0] =	vst v63  }
0x233: {  	_ = 	snop  }
0x234: {  	[tilespmem:s14], [sflag:$0x4] =	stream.indirect.gather [hbm4b:s3+s26], $0x10, s13, s26, $0xb8;
	[tilespmem:$0xEAD0] =	vst v63  }
0x235: {  	_ = 	snop  }
0x236: {  	[tilespmem:s16], [sflag:$0x4] =	stream.indirect.gather [hbm4b:s3+s26], $0x10, s15, s26, $0xb8;
	[tilespmem:$0xEAD0] =	vst v63  }
0x237: {  	_ = 	snop  }
0x238: {  	[tilespmem:s18], [sflag:$0x4] =	stream.indirect.gather [hbm4b:s3+s26], $0x10, s17, s26, $0xb8;
	[tilespmem:$0xEAD0] =	vst v63  }
0x239: {  	_ = 	snop  }
0x23a: {  	[tilespmem:s20], [sflag:$0x4] =	stream.indirect.gather [hbm4b:s3+s26], $0x10, s19, s26, $0xb8;
	[tilespmem:$0xEAD0] =	vst v63  }
0x23b: {  	_ = 	snop  }
0x23c: {  	[tilespmem:s23], [sflag:$0x4] =	stream.indirect.gather [hbm4b:s3+s26], $0x10, s21, s26, $0xb8;
	[tilespmem:$0xEAD0] =	vst v63  }
0x23d: {  	s4 =	simm.s32 $0x0;
	s22 =	simm.s32 $0x680;
	s5 =	rddreg [dreg:$0xb]  }
0x23e: {  	[tilespmem:s22], [sflag:$0x2] =	stream.linear.gather [hbm4b:s5+s4], $0x680, $0x38;
	[tilespmem:$0xEAD0] =	vst v63  }
0x23f: {  	_ =	swait.ge [sflag:s25], $0x800  }
0x240: {  	[sflag:s25] =	ssyncset.done $0x0  }
0x241: {  	[sflag:s25] =	ssyncadd.s32 $0xFFFFF800  }
0x242: {  	_ =	swait.ge [sflag:s25], $0x800  }
0x243: {  	[sflag:s25] =	ssyncset.done $0x0  }
0x244: {  	[sflag:s25] =	ssyncadd.s32 $0xFFFFF800  }
0x245: {  	_ =	swait.ge [sflag:s25], $0x800  }
0x246: {  	[sflag:s25] =	ssyncset.done $0x0  }
0x247: {  	[sflag:s25] =	ssyncadd.s32 $0xFFFFF800  }
0x248: {  	_ =	swait.ge [sflag:s25], $0x800  }
0x249: {  	[sflag:s25] =	ssyncset.done $0x0  }
0x24a: {  	[sflag:s25] =	ssyncadd.s32 $0xFFFFF800  }
0x24b: {  	_ =	swait.ge [sflag:s25], $0x800  }
0x24c: {  	[sflag:s25] =	ssyncset.done $0x0  }
0x24d: {  	[sflag:s25] =	ssyncadd.s32 $0xFFFFF800  }
0x24e: {  	_ =	swait.ge [sflag:s25], $0x800  }
0x24f: {  	[sflag:s25] =	ssyncset.done $0x0  }
0x250: {  	[sflag:s25] =	ssyncadd.s32 $0xFFFFF800  }
0x251: {  	_ =	swait.ge [sflag:s25], $0x800  }
0x252: {  	[sflag:s25] =	ssyncset.done $0x0  }
0x253: {  	[sflag:s25] =	ssyncadd.s32 $0xFFFFF800  }
0x254: {  	_ =	swait.ge [sflag:s25], $0x800  }
0x255: {  	[sflag:s25] =	ssyncset.done $0x0  }
0x256: {  	[sflag:s25] =	ssyncadd.s32 $0xFFFFF800  }
0x257: {  	_ =	swait.ge [sflag:s25], $0x800  }
0x258: {  	[sflag:s25] =	ssyncset.done $0x0  }
0x259: {  	[sflag:s25] =	ssyncadd.s32 $0xFFFFF800  }
0x25a: {  	_ =	swait.ge [sflag:s25], $0x800  }
0x25b: {  	[sflag:s25] =	ssyncset.done $0x0  }
0x25c: {  	[sflag:s25] =	ssyncadd.s32 $0xFFFFF800  }
0x25d: {  	_ =	swait.ge [sflag:s25], $0x800  }
0x25e: {  	[sflag:s25] =	ssyncset.done $0x0  }
0x25f: {  	[sflag:s25] =	ssyncadd.s32 $0xFFFFF800  }
0x260: {  	_ =	swait.ge [sflag:s25], $0x800  }
0x261: {  	[sflag:s25] =	ssyncset.done $0x0  }
0x262: {  	[sflag:s25] =	ssyncadd.s32 $0xFFFFF800  }
0x263: {  	_ =	swait.ge [sflag:s25], $0x800  }
0x264: {  	[sflag:s25] =	ssyncset.done $0x0  }
0x265: {  	s22 =	rddreg [dreg:$0xc];
	[sflag:s25] =	ssyncadd.s32 $0xFFFFF800  }
0x266: {  	[hbm4b:s22+s4] =	stream.linear.scatter [tilespmem:s29], [sflag:$0x5], $0x6800, $0x38;
	[tilespmem:$0xEAD0] =	vst v63  }
0x267: {  	_ =	swait.ge [sflag:s24], $0x680  }
0x268: {  	[sflag:s24] =	ssyncset.done $0x0  }
0x269: {  	s22 =	simm.s32 $0x0;
	[sflag:s24] =	ssyncadd.s32 $0xFFFFF980  }
0x26a: {  	s4 =	simm.s32 $0x340;
	v0 =	vld [tilespmem:s22+$0x0]  }
.LBB2_10:
0x26b: {  	p0 =	sne.s32 s4, $0x16C0;
	v1 =	vld [tilespmem:$0xD00];
	_ =	sdelay $0x4  }
0x26c: {  	v0 =	vadd.s32 v0, v1  }
0x26d: {  	[tilespmem:s22+$0xDD0] =	vst v0;
	v0 =	vld [tilespmem:s22+$0x10]  }
0x26e: {  	v1 =	vld [tilespmem:$0xD10];
	_ =	sdelay $0x4  }
0x26f: {  	v0 =	vadd.s32 v0, v1  }
0x270: {  	[tilespmem:s22+$0xDE0] =	vst v0;
	v0 =	vld [tilespmem:s22+$0x20]  }
0x271: {  	v1 =	vld [tilespmem:$0xD20];
	_ =	sdelay $0x4  }
0x272: {  	v0 =	vadd.s32 v0, v1  }
0x273: {  	[tilespmem:s22+$0xDF0] =	vst v0;
	v0 =	vld [tilespmem:s22+$0x30]  }
0x274: {  	v1 =	vld [tilespmem:$0xD30];
	_ =	sdelay $0x4  }
0x275: {  	v0 =	vadd.s32 v0, v1  }
0x276: {  	[tilespmem:s22+$0xE00] =	vst v0;
	v0 =	vld [tilespmem:s22+$0x40]  }
0x277: {  	v1 =	vld [tilespmem:$0xD40];
	_ =	sdelay $0x4  }
0x278: {  	v0 =	vadd.s32 v0, v1  }
0x279: {  	[tilespmem:s22+$0xE10] =	vst v0;
	v0 =	vld [tilespmem:s22+$0x50]  }
0x27a: {  	v1 =	vld [tilespmem:$0xD50];
	_ =	sdelay $0x4  }
0x27b: {  	v0 =	vadd.s32 v0, v1  }
0x27c: {  	[tilespmem:s22+$0xE20] =	vst v0;
	v0 =	vld [tilespmem:s22+$0x60]  }
0x27d: {  	v1 =	vld [tilespmem:$0xD60];
	_ =	sdelay $0x4  }
0x27e: {  	v0 =	vadd.s32 v0, v1  }
0x27f: {  	[tilespmem:s22+$0xE30] =	vst v0;
	v0 =	vld [tilespmem:s22+$0x70]  }
0x280: {  	v1 =	vld [tilespmem:$0xD70];
	_ =	sdelay $0x4  }
0x281: {  	v0 =	vadd.s32 v0, v1  }
0x282: {  	[tilespmem:s22+$0xE40] =	vst v0;
	v0 =	vld [tilespmem:s22+$0x80]  }
0x283: {  	v1 =	vld [tilespmem:$0xD80];
	_ =	sdelay $0x4  }
0x284: {  	v0 =	vadd.s32 v0, v1  }
0x285: {  	[tilespmem:s22+$0xE50] =	vst v0;
	v0 =	vld [tilespmem:s22+$0x90]  }
0x286: {  	v1 =	vld [tilespmem:$0xD90];
	_ =	sdelay $0x4  }
0x287: {  	v0 =	vadd.s32 v0, v1  }
0x288: {  	[tilespmem:s22+$0xE60] =	vst v0;
	v0 =	vld [tilespmem:s22+$0xA0]  }
0x289: {  	v1 =	vld [tilespmem:$0xDA0];
	_ =	sdelay $0x4  }
0x28a: {  	v0 =	vadd.s32 v0, v1  }
0x28b: {  	[tilespmem:s22+$0xE70] =	vst v0;
	v0 =	vld [tilespmem:s22+$0xB0]  }
0x28c: {  	v1 =	vld [tilespmem:$0xDB0];
	_ =	sdelay $0x4  }
0x28d: {  	v0 =	vadd.s32 v0, v1  }
0x28e: {  	[tilespmem:s22+$0xE80] =	vst v0;
	v0 =	vld [tilespmem:s22+$0xC0]  }
0x28f: {  	v1 =	vld [tilespmem:$0xDC0];
	_ =	sdelay $0x1  }
.Ltmp4:
0x290: {  	(pc) =	sbr.rel @p0 .LBB2_10-.Ltmp4, $3  }
0x291: {  	_ =	sdelay $0x1  }
0x292: {  	s5 =	sshra.s32 s4, $0x2;
	v1 =	vadd.s32 v0, v1  }
0x293: {  	s4 =	sadd.s32 $0x340, s4;
	v0 =	vld [tilespmem:s5+$0x0];
	[tilespmem:s22+$0xE90] =	vst v1;
	s22 =	smov.u32 s5  }
0x294: {  	v1 =	vld [tilespmem:$0xD00];
	_ =	sdelay $0x4  }
0x295: {  	v0 =	vadd.s32 v0, v1  }
0x296: {  	[tilespmem:s22+$0xDD0] =	vst v0;
	v0 =	vld [tilespmem:s22+$0x10]  }
0x297: {  	v1 =	vld [tilespmem:$0xD10];
	_ =	sdelay $0x4  }
0x298: {  	v0 =	vadd.s32 v0, v1  }
0x299: {  	[tilespmem:s22+$0xDE0] =	vst v0;
	v0 =	vld [tilespmem:s22+$0x20]  }
0x29a: {  	v1 =	vld [tilespmem:$0xD20];
	_ =	sdelay $0x4  }
0x29b: {  	v0 =	vadd.s32 v0, v1  }
0x29c: {  	[tilespmem:s22+$0xDF0] =	vst v0;
	v0 =	vld [tilespmem:s22+$0x30]  }
0x29d: {  	v1 =	vld [tilespmem:$0xD30];
	_ =	sdelay $0x4  }
0x29e: {  	v0 =	vadd.s32 v0, v1  }
0x29f: {  	[tilespmem:s22+$0xE00] =	vst v0;
	v0 =	vld [tilespmem:s22+$0x40]  }
0x2a0: {  	v1 =	vld [tilespmem:$0xD40];
	_ =	sdelay $0x4  }
0x2a1: {  	v0 =	vadd.s32 v0, v1  }
0x2a2: {  	[tilespmem:s22+$0xE10] =	vst v0;
	v0 =	vld [tilespmem:s22+$0x50]  }
0x2a3: {  	v1 =	vld [tilespmem:$0xD50];
	_ =	sdelay $0x4  }
0x2a4: {  	v0 =	vadd.s32 v0, v1  }
0x2a5: {  	[tilespmem:s22+$0xE20] =	vst v0;
	v0 =	vld [tilespmem:s22+$0x60]  }
0x2a6: {  	v1 =	vld [tilespmem:$0xD60];
	_ =	sdelay $0x4  }
0x2a7: {  	v0 =	vadd.s32 v0, v1  }
0x2a8: {  	[tilespmem:s22+$0xE30] =	vst v0;
	v0 =	vld [tilespmem:s22+$0x70]  }
0x2a9: {  	v1 =	vld [tilespmem:$0xD70];
	_ =	sdelay $0x4  }
0x2aa: {  	v0 =	vadd.s32 v0, v1  }
0x2ab: {  	[tilespmem:s22+$0xE40] =	vst v0;
	v0 =	vld [tilespmem:s22+$0x80]  }
0x2ac: {  	v1 =	vld [tilespmem:$0xD80];
	_ =	sdelay $0x4  }
0x2ad: {  	v0 =	vadd.s32 v0, v1  }
0x2ae: {  	[tilespmem:s22+$0xE50] =	vst v0;
	v0 =	vld [tilespmem:s22+$0x90]  }
0x2af: {  	v1 =	vld [tilespmem:$0xD90];
	_ =	sdelay $0x4  }
0x2b0: {  	v0 =	vadd.s32 v0, v1  }
0x2b1: {  	[tilespmem:s22+$0xE60] =	vst v0;
	v0 =	vld [tilespmem:s22+$0xA0]  }
0x2b2: {  	v1 =	vld [tilespmem:$0xDA0];
	_ =	sdelay $0x4  }
0x2b3: {  	v0 =	vadd.s32 v0, v1  }
0x2b4: {  	[tilespmem:s22+$0xE70] =	vst v0;
	v0 =	vld [tilespmem:s22+$0xB0]  }
0x2b5: {  	v1 =	vld [tilespmem:$0xDB0];
	_ =	sdelay $0x4  }
0x2b6: {  	v0 =	vadd.s32 v0, v1  }
0x2b7: {  	[tilespmem:s22+$0xE80] =	vst v0;
	v0 =	vld [tilespmem:s22+$0xC0]  }
0x2b8: {  	v1 =	vld [tilespmem:$0xDC0];
	_ =	sdelay $0x4  }
0x2b9: {  	v0 =	vadd.s32 v0, v1  }
0x2ba: {  	[tilespmem:s22+$0xE90] =	vst v0  }
0x2bb: {  	_ =	swait.ge [sflag:s30], $0x6800  }
0x2bc: {  	[sflag:s30] =	ssyncset.done $0x0  }
0x2bd: {  	s4 =	simm.s32 $0xDD0;
	[sflag:s30] =	ssyncadd.s32 $0xFFFF9800  }
0x2be: {  	[tilespmem:s29], [sflag:$0x3] =	stream.indirect.gather [hbm4b:s3+s26], $0x10, s4, s26, $0xb8;
	[tilespmem:$0xEAD0] =	vst v63  }
0x2bf: {  	s5 =	simm.s32 $0x22D0;
	s22 =	simm.s32 $0xE50  }
0x2c0: {  	[tilespmem:s5], [sflag:$0x3] =	stream.indirect.gather [hbm4b:s3+s26], $0x10, s22, s26, $0xb8;
	[tilespmem:$0xEAD0] =	vst v63  }
0x2c1: {  	s5 =	simm.s32 $0xED0;
	s22 =	simm.s32 $0x2AD0  }
0x2c2: {  	[tilespmem:s22], [sflag:$0x3] =	stream.indirect.gather [hbm4b:s3+s26], $0x10, s5, s26, $0xb8;
	[tilespmem:$0xEAD0] =	vst v63  }
0x2c3: {  	s5 =	simm.s32 $0xF50;
	s22 =	simm.s32 $0x32D0  }
0x2c4: {  	[tilespmem:s22], [sflag:$0x3] =	stream.indirect.gather [hbm4b:s3+s26], $0x10, s5, s26, $0xb8;
	[tilespmem:$0xEAD0] =	vst v63  }
0x2c5: {  	s5 =	simm.s32 $0xFD0;
	s22 =	simm.s32 $0x3AD0  }
0x2c6: {  	[tilespmem:s22], [sflag:$0x3] =	stream.indirect.gather [hbm4b:s3+s26], $0x10, s5, s26, $0xb8;
	[tilespmem:$0xEAD0] =	vst v63  }
0x2c7: {  	s5 =	simm.s32 $0x1050;
	s22 =	simm.s32 $0x42D0  }
0x2c8: {  	[tilespmem:s22], [sflag:$0x3] =	stream.indirect.gather [hbm4b:s3+s26], $0x10, s5, s26, $0xb8;
	[tilespmem:$0xEAD0] =	vst v63  }
0x2c9: {  	s5 =	simm.s32 $0x10D0;
	s22 =	simm.s32 $0x4AD0  }
0x2ca: {  	[tilespmem:s22], [sflag:$0x3] =	stream.indirect.gather [hbm4b:s3+s26], $0x10, s5, s26, $0xb8;
	[tilespmem:$0xEAD0] =	vst v63  }
0x2cb: {  	s5 =	simm.s32 $0x1150;
	s22 =	simm.s32 $0x52D0  }
0x2cc: {  	[tilespmem:s22], [sflag:$0x3] =	stream.indirect.gather [hbm4b:s3+s26], $0x10, s5, s26, $0xb8;
	[tilespmem:$0xEAD0] =	vst v63  }
0x2cd: {  	s5 =	simm.s32 $0x11D0;
	s22 =	simm.s32 $0x5AD0  }
0x2ce: {  	[tilespmem:s22], [sflag:$0x3] =	stream.indirect.gather [hbm4b:s3+s26], $0x10, s5, s26, $0xb8;
	[tilespmem:$0xEAD0] =	vst v63  }
0x2cf: {  	s5 =	simm.s32 $0x1250;
	s22 =	simm.s32 $0x62D0  }
0x2d0: {  	[tilespmem:s22], [sflag:$0x3] =	stream.indirect.gather [hbm4b:s3+s26], $0x10, s5, s26, $0xb8;
	[tilespmem:$0xEAD0] =	vst v63  }
0x2d1: {  	s5 =	simm.s32 $0x12D0;
	s22 =	simm.s32 $0x6AD0  }
0x2d2: {  	[tilespmem:s22], [sflag:$0x3] =	stream.indirect.gather [hbm4b:s3+s26], $0x10, s5, s26, $0xb8;
	[tilespmem:$0xEAD0] =	vst v63  }
0x2d3: {  	s5 =	simm.s32 $0x1350;
	s22 =	simm.s32 $0x72D0  }
0x2d4: {  	[tilespmem:s22], [sflag:$0x3] =	stream.indirect.gather [hbm4b:s3+s26], $0x10, s5, s26, $0xb8;
	[tilespmem:$0xEAD0] =	vst v63  }
0x2d5: {  	s5 =	simm.s32 $0x13D0;
	s22 =	simm.s32 $0x7AD0  }
0x2d6: {  	[tilespmem:s22], [sflag:$0x3] =	stream.indirect.gather [hbm4b:s3+s26], $0x10, s5, s26, $0xb8;
	[tilespmem:$0xEAD0] =	vst v63  }
0x2d7: {  	s4 =	simm.s32 $0x0;
	s22 =	rddreg [dreg:$0xd]  }
0x2d8: {  	[tilespmem:s4], [sflag:$0x1] =	stream.linear.gather [hbm4b:s22+s4], $0x680, $0x38;
	[tilespmem:$0xEAD0] =	vst v63  }
0x2d9: {  	_ =	swait.ge [sflag:s31], $0x800  }
0x2da: {  	[sflag:s31] =	ssyncset.done $0x0  }
0x2db: {  	[sflag:s31] =	ssyncadd.s32 $0xFFFFF800  }
0x2dc: {  	_ =	swait.ge [sflag:s31], $0x800  }
0x2dd: {  	[sflag:s31] =	ssyncset.done $0x0  }
0x2de: {  	[sflag:s31] =	ssyncadd.s32 $0xFFFFF800  }
0x2df: {  	_ =	swait.ge [sflag:s31], $0x800  }
0x2e0: {  	[sflag:s31] =	ssyncset.done $0x0  }
0x2e1: {  	[sflag:s31] =	ssyncadd.s32 $0xFFFFF800  }
0x2e2: {  	_ =	swait.ge [sflag:s31], $0x800  }
0x2e3: {  	[sflag:s31] =	ssyncset.done $0x0  }
0x2e4: {  	[sflag:s31] =	ssyncadd.s32 $0xFFFFF800  }
0x2e5: {  	_ =	swait.ge [sflag:s31], $0x800  }
0x2e6: {  	[sflag:s31] =	ssyncset.done $0x0  }
0x2e7: {  	[sflag:s31] =	ssyncadd.s32 $0xFFFFF800  }
0x2e8: {  	_ =	swait.ge [sflag:s31], $0x800  }
0x2e9: {  	[sflag:s31] =	ssyncset.done $0x0  }
0x2ea: {  	[sflag:s31] =	ssyncadd.s32 $0xFFFFF800  }
0x2eb: {  	_ =	swait.ge [sflag:s31], $0x800  }
0x2ec: {  	[sflag:s31] =	ssyncset.done $0x0  }
0x2ed: {  	[sflag:s31] =	ssyncadd.s32 $0xFFFFF800  }
0x2ee: {  	_ =	swait.ge [sflag:s31], $0x800  }
0x2ef: {  	[sflag:s31] =	ssyncset.done $0x0  }
0x2f0: {  	[sflag:s31] =	ssyncadd.s32 $0xFFFFF800  }
0x2f1: {  	_ =	swait.ge [sflag:s31], $0x800  }
0x2f2: {  	[sflag:s31] =	ssyncset.done $0x0  }
0x2f3: {  	[sflag:s31] =	ssyncadd.s32 $0xFFFFF800  }
0x2f4: {  	_ =	swait.ge [sflag:s31], $0x800  }
0x2f5: {  	[sflag:s31] =	ssyncset.done $0x0  }
0x2f6: {  	[sflag:s31] =	ssyncadd.s32 $0xFFFFF800  }
0x2f7: {  	_ =	swait.ge [sflag:s31], $0x800  }
0x2f8: {  	[sflag:s31] =	ssyncset.done $0x0  }
0x2f9: {  	[sflag:s31] =	ssyncadd.s32 $0xFFFFF800  }
0x2fa: {  	_ =	swait.ge [sflag:s31], $0x800  }
0x2fb: {  	[sflag:s31] =	ssyncset.done $0x0  }
0x2fc: {  	[sflag:s31] =	ssyncadd.s32 $0xFFFFF800  }
0x2fd: {  	_ =	swait.ge [sflag:s31], $0x800  }
0x2fe: {  	[sflag:s31] =	ssyncset.done $0x0  }
0x2ff: {  	s22 =	rddreg [dreg:$0xe];
	[sflag:s31] =	ssyncadd.s32 $0xFFFFF800  }
0x300: {  	[hbm4b:s22+s4] =	stream.linear.scatter [tilespmem:s28], [sflag:$0x6], $0x6800, $0x38;
	[tilespmem:$0xEAD0] =	vst v63  }
0x301: {  	_ =	swait.ge [sflag:s2], $0x680  }
0x302: {  	[sflag:s2] =	ssyncset.done $0x0  }
0x303: {  	s22 =	simm.s32 $0x0;
	[sflag:s2] =	ssyncadd.s32 $0xFFFFF980  }
0x304: {  	s4 =	simm.s32 $0x340;
	v0 =	vld [tilespmem:s22+$0x680]  }
.LBB2_12:
0x305: {  	p0 =	sne.s32 s4, $0x16C0;
	v1 =	vld [tilespmem:$0xD00];
	_ =	sdelay $0x4  }
0x306: {  	v0 =	vadd.s32 v0, v1  }
0x307: {  	[tilespmem:s22+$0x1450] =	vst v0;
	v0 =	vld [tilespmem:s22+$0x690]  }
0x308: {  	v1 =	vld [tilespmem:$0xD10];
	_ =	sdelay $0x4  }
0x309: {  	v0 =	vadd.s32 v0, v1  }
0x30a: {  	[tilespmem:s22+$0x1460] =	vst v0;
	v0 =	vld [tilespmem:s22+$0x6A0]  }
0x30b: {  	v1 =	vld [tilespmem:$0xD20];
	_ =	sdelay $0x4  }
0x30c: {  	v0 =	vadd.s32 v0, v1  }
0x30d: {  	[tilespmem:s22+$0x1470] =	vst v0;
	v0 =	vld [tilespmem:s22+$0x6B0]  }
0x30e: {  	v1 =	vld [tilespmem:$0xD30];
	_ =	sdelay $0x4  }
0x30f: {  	v0 =	vadd.s32 v0, v1  }
0x310: {  	[tilespmem:s22+$0x1480] =	vst v0;
	v0 =	vld [tilespmem:s22+$0x6C0]  }
0x311: {  	v1 =	vld [tilespmem:$0xD40];
	_ =	sdelay $0x4  }
0x312: {  	v0 =	vadd.s32 v0, v1  }
0x313: {  	[tilespmem:s22+$0x1490] =	vst v0;
	v0 =	vld [tilespmem:s22+$0x6D0]  }
0x314: {  	v1 =	vld [tilespmem:$0xD50];
	_ =	sdelay $0x4  }
0x315: {  	v0 =	vadd.s32 v0, v1  }
0x316: {  	[tilespmem:s22+$0x14A0] =	vst v0;
	v0 =	vld [tilespmem:s22+$0x6E0]  }
0x317: {  	v1 =	vld [tilespmem:$0xD60];
	_ =	sdelay $0x4  }
0x318: {  	v0 =	vadd.s32 v0, v1  }
0x319: {  	[tilespmem:s22+$0x14B0] =	vst v0;
	v0 =	vld [tilespmem:s22+$0x6F0]  }
0x31a: {  	v1 =	vld [tilespmem:$0xD70];
	_ =	sdelay $0x4  }
0x31b: {  	v0 =	vadd.s32 v0, v1  }
0x31c: {  	[tilespmem:s22+$0x14C0] =	vst v0;
	v0 =	vld [tilespmem:s22+$0x700]  }
0x31d: {  	v1 =	vld [tilespmem:$0xD80];
	_ =	sdelay $0x4  }
0x31e: {  	v0 =	vadd.s32 v0, v1  }
0x31f: {  	[tilespmem:s22+$0x14D0] =	vst v0;
	v0 =	vld [tilespmem:s22+$0x710]  }
0x320: {  	v1 =	vld [tilespmem:$0xD90];
	_ =	sdelay $0x4  }
0x321: {  	v0 =	vadd.s32 v0, v1  }
0x322: {  	[tilespmem:s22+$0x14E0] =	vst v0;
	v0 =	vld [tilespmem:s22+$0x720]  }
0x323: {  	v1 =	vld [tilespmem:$0xDA0];
	_ =	sdelay $0x4  }
0x324: {  	v0 =	vadd.s32 v0, v1  }
0x325: {  	[tilespmem:s22+$0x14F0] =	vst v0;
	v0 =	vld [tilespmem:s22+$0x730]  }
0x326: {  	v1 =	vld [tilespmem:$0xDB0];
	_ =	sdelay $0x4  }
0x327: {  	v0 =	vadd.s32 v0, v1  }
0x328: {  	[tilespmem:s22+$0x1500] =	vst v0;
	v0 =	vld [tilespmem:s22+$0x740]  }
0x329: {  	v1 =	vld [tilespmem:$0xDC0];
	_ =	sdelay $0x1  }
.Ltmp5:
0x32a: {  	(pc) =	sbr.rel @p0 .LBB2_12-.Ltmp5, $3  }
0x32b: {  	_ =	sdelay $0x1  }
0x32c: {  	s5 =	sshra.s32 s4, $0x2;
	v1 =	vadd.s32 v0, v1  }
0x32d: {  	s4 =	sadd.s32 $0x340, s4;
	v0 =	vld [tilespmem:s5+$0x680];
	[tilespmem:s22+$0x1510] =	vst v1;
	s22 =	smov.u32 s5  }
0x32e: {  	v1 =	vld [tilespmem:$0xD00];
	_ =	sdelay $0x4  }
0x32f: {  	v0 =	vadd.s32 v0, v1  }
0x330: {  	[tilespmem:s22+$0x1450] =	vst v0;
	v0 =	vld [tilespmem:s22+$0x690]  }
0x331: {  	v1 =	vld [tilespmem:$0xD10];
	_ =	sdelay $0x4  }
0x332: {  	v0 =	vadd.s32 v0, v1  }
0x333: {  	[tilespmem:s22+$0x1460] =	vst v0;
	v0 =	vld [tilespmem:s22+$0x6A0]  }
0x334: {  	v1 =	vld [tilespmem:$0xD20];
	_ =	sdelay $0x4  }
0x335: {  	v0 =	vadd.s32 v0, v1  }
0x336: {  	[tilespmem:s22+$0x1470] =	vst v0;
	v0 =	vld [tilespmem:s22+$0x6B0]  }
0x337: {  	v1 =	vld [tilespmem:$0xD30];
	_ =	sdelay $0x4  }
0x338: {  	v0 =	vadd.s32 v0, v1  }
0x339: {  	[tilespmem:s22+$0x1480] =	vst v0;
	v0 =	vld [tilespmem:s22+$0x6C0]  }
0x33a: {  	v1 =	vld [tilespmem:$0xD40];
	_ =	sdelay $0x4  }
0x33b: {  	v0 =	vadd.s32 v0, v1  }
0x33c: {  	[tilespmem:s22+$0x1490] =	vst v0;
	v0 =	vld [tilespmem:s22+$0x6D0]  }
0x33d: {  	v1 =	vld [tilespmem:$0xD50];
	_ =	sdelay $0x4  }
0x33e: {  	v0 =	vadd.s32 v0, v1  }
0x33f: {  	[tilespmem:s22+$0x14A0] =	vst v0;
	v0 =	vld [tilespmem:s22+$0x6E0]  }
0x340: {  	v1 =	vld [tilespmem:$0xD60];
	_ =	sdelay $0x4  }
0x341: {  	v0 =	vadd.s32 v0, v1  }
0x342: {  	[tilespmem:s22+$0x14B0] =	vst v0;
	v0 =	vld [tilespmem:s22+$0x6F0]  }
0x343: {  	v1 =	vld [tilespmem:$0xD70];
	_ =	sdelay $0x4  }
0x344: {  	v0 =	vadd.s32 v0, v1  }
0x345: {  	[tilespmem:s22+$0x14C0] =	vst v0;
	v0 =	vld [tilespmem:s22+$0x700]  }
0x346: {  	v1 =	vld [tilespmem:$0xD80];
	_ =	sdelay $0x4  }
0x347: {  	v0 =	vadd.s32 v0, v1  }
0x348: {  	[tilespmem:s22+$0x14D0] =	vst v0;
	v0 =	vld [tilespmem:s22+$0x710]  }
0x349: {  	v1 =	vld [tilespmem:$0xD90];
	_ =	sdelay $0x4  }
0x34a: {  	v0 =	vadd.s32 v0, v1  }
0x34b: {  	[tilespmem:s22+$0x14E0] =	vst v0;
	v0 =	vld [tilespmem:s22+$0x720]  }
0x34c: {  	v1 =	vld [tilespmem:$0xDA0];
	_ =	sdelay $0x4  }
0x34d: {  	v0 =	vadd.s32 v0, v1  }
0x34e: {  	[tilespmem:s22+$0x14F0] =	vst v0;
	v0 =	vld [tilespmem:s22+$0x730]  }
0x34f: {  	v1 =	vld [tilespmem:$0xDB0];
	_ =	sdelay $0x4  }
0x350: {  	v0 =	vadd.s32 v0, v1  }
0x351: {  	[tilespmem:s22+$0x1500] =	vst v0;
	v0 =	vld [tilespmem:s22+$0x740]  }
0x352: {  	v1 =	vld [tilespmem:$0xDC0];
	_ =	sdelay $0x4  }
0x353: {  	v0 =	vadd.s32 v0, v1  }
0x354: {  	[tilespmem:s22+$0x1510] =	vst v0  }
0x355: {  	_ =	swait.ge [sflag:s0], $0x6800  }
0x356: {  	[sflag:s0] =	ssyncset.done $0x0  }
0x357: {  	s4 =	simm.s32 $0x1450;
	[sflag:s0] =	ssyncadd.s32 $0xFFFF9800  }
0x358: {  	[tilespmem:s28], [sflag:$0x4] =	stream.indirect.gather [hbm4b:s3+s26], $0x10, s4, s26, $0xb8;
	[tilespmem:$0xEAD0] =	vst v63  }
0x359: {  	s5 =	simm.s32 $0x8AD0;
	s22 =	simm.s32 $0x14D0  }
0x35a: {  	[tilespmem:s5], [sflag:$0x4] =	stream.indirect.gather [hbm4b:s3+s26], $0x10, s22, s26, $0xb8;
	[tilespmem:$0xEAD0] =	vst v63  }
0x35b: {  	s5 =	simm.s32 $0x1550;
	s22 =	simm.s32 $0x92D0  }
0x35c: {  	[tilespmem:s22], [sflag:$0x4] =	stream.indirect.gather [hbm4b:s3+s26], $0x10, s5, s26, $0xb8;
	[tilespmem:$0xEAD0] =	vst v63  }
0x35d: {  	s5 =	simm.s32 $0x15D0;
	s22 =	simm.s32 $0x9AD0  }
0x35e: {  	[tilespmem:s22], [sflag:$0x4] =	stream.indirect.gather [hbm4b:s3+s26], $0x10, s5, s26, $0xb8;
	[tilespmem:$0xEAD0] =	vst v63  }
0x35f: {  	s5 =	simm.s32 $0x1650  }
0x360: {  	[tilespmem:s6], [sflag:$0x4] =	stream.indirect.gather [hbm4b:s3+s26], $0x10, s5, s26, $0xb8;
	[tilespmem:$0xEAD0] =	vst v63  }
0x361: {  	_ = 	snop  }
0x362: {  	[tilespmem:s8], [sflag:$0x4] =	stream.indirect.gather [hbm4b:s3+s26], $0x10, s7, s26, $0xb8;
	[tilespmem:$0xEAD0] =	vst v63  }
0x363: {  	_ = 	snop  }
0x364: {  	[tilespmem:s10], [sflag:$0x4] =	stream.indirect.gather [hbm4b:s3+s26], $0x10, s9, s26, $0xb8;
	[tilespmem:$0xEAD0] =	vst v63  }
0x365: {  	_ = 	snop  }
0x366: {  	[tilespmem:s12], [sflag:$0x4] =	stream.indirect.gather [hbm4b:s3+s26], $0x10, s11, s26, $0xb8;
	[tilespmem:$0xEAD0] =	vst v63  }
0x367: {  	_ = 	snop  }
0x368: {  	[tilespmem:s14], [sflag:$0x4] =	stream.indirect.gather [hbm4b:s3+s26], $0x10, s13, s26, $0xb8;
	[tilespmem:$0xEAD0] =	vst v63  }
0x369: {  	_ = 	snop  }
0x36a: {  	[tilespmem:s16], [sflag:$0x4] =	stream.indirect.gather [hbm4b:s3+s26], $0x10, s15, s26, $0xb8;
	[tilespmem:$0xEAD0] =	vst v63  }
0x36b: {  	_ = 	snop  }
0x36c: {  	[tilespmem:s18], [sflag:$0x4] =	stream.indirect.gather [hbm4b:s3+s26], $0x10, s17, s26, $0xb8;
	[tilespmem:$0xEAD0] =	vst v63  }
0x36d: {  	_ = 	snop  }
0x36e: {  	[tilespmem:s20], [sflag:$0x4] =	stream.indirect.gather [hbm4b:s3+s26], $0x10, s19, s26, $0xb8;
	[tilespmem:$0xEAD0] =	vst v63  }
0x36f: {  	_ = 	snop  }
0x370: {  	[tilespmem:s23], [sflag:$0x4] =	stream.indirect.gather [hbm4b:s3+s26], $0x10, s21, s26, $0xb8;
	[tilespmem:$0xEAD0] =	vst v63  }
0x371: {  	s4 =	simm.s32 $0x0;
	s22 =	simm.s32 $0x680;
	s5 =	rddreg [dreg:$0xf]  }
0x372: {  	[tilespmem:s22], [sflag:$0x2] =	stream.linear.gather [hbm4b:s5+s4], $0x680, $0x38;
	[tilespmem:$0xEAD0] =	vst v63  }
0x373: {  	_ =	swait.ge [sflag:s25], $0x800  }
0x374: {  	[sflag:s25] =	ssyncset.done $0x0  }
0x375: {  	[sflag:s25] =	ssyncadd.s32 $0xFFFFF800  }
0x376: {  	_ =	swait.ge [sflag:s25], $0x800  }
0x377: {  	[sflag:s25] =	ssyncset.done $0x0  }
0x378: {  	[sflag:s25] =	ssyncadd.s32 $0xFFFFF800  }
0x379: {  	_ =	swait.ge [sflag:s25], $0x800  }
0x37a: {  	[sflag:s25] =	ssyncset.done $0x0  }
0x37b: {  	[sflag:s25] =	ssyncadd.s32 $0xFFFFF800  }
0x37c: {  	_ =	swait.ge [sflag:s25], $0x800  }
0x37d: {  	[sflag:s25] =	ssyncset.done $0x0  }
0x37e: {  	[sflag:s25] =	ssyncadd.s32 $0xFFFFF800  }
0x37f: {  	_ =	swait.ge [sflag:s25], $0x800  }
0x380: {  	[sflag:s25] =	ssyncset.done $0x0  }
0x381: {  	[sflag:s25] =	ssyncadd.s32 $0xFFFFF800  }
0x382: {  	_ =	swait.ge [sflag:s25], $0x800  }
0x383: {  	[sflag:s25] =	ssyncset.done $0x0  }
0x384: {  	[sflag:s25] =	ssyncadd.s32 $0xFFFFF800  }
0x385: {  	_ =	swait.ge [sflag:s25], $0x800  }
0x386: {  	[sflag:s25] =	ssyncset.done $0x0  }
0x387: {  	[sflag:s25] =	ssyncadd.s32 $0xFFFFF800  }
0x388: {  	_ =	swait.ge [sflag:s25], $0x800  }
0x389: {  	[sflag:s25] =	ssyncset.done $0x0  }
0x38a: {  	[sflag:s25] =	ssyncadd.s32 $0xFFFFF800  }
0x38b: {  	_ =	swait.ge [sflag:s25], $0x800  }
0x38c: {  	[sflag:s25] =	ssyncset.done $0x0  }
0x38d: {  	[sflag:s25] =	ssyncadd.s32 $0xFFFFF800  }
0x38e: {  	_ =	swait.ge [sflag:s25], $0x800  }
0x38f: {  	[sflag:s25] =	ssyncset.done $0x0  }
0x390: {  	[sflag:s25] =	ssyncadd.s32 $0xFFFFF800  }
0x391: {  	_ =	swait.ge [sflag:s25], $0x800  }
0x392: {  	[sflag:s25] =	ssyncset.done $0x0  }
0x393: {  	[sflag:s25] =	ssyncadd.s32 $0xFFFFF800  }
0x394: {  	_ =	swait.ge [sflag:s25], $0x800  }
0x395: {  	[sflag:s25] =	ssyncset.done $0x0  }
0x396: {  	[sflag:s25] =	ssyncadd.s32 $0xFFFFF800  }
0x397: {  	_ =	swait.ge [sflag:s25], $0x800  }
0x398: {  	[sflag:s25] =	ssyncset.done $0x0  }
0x399: {  	s22 =	rddreg [dreg:$0x10];
	[sflag:s25] =	ssyncadd.s32 $0xFFFFF800  }
0x39a: {  	[hbm4b:s22+s4] =	stream.linear.scatter [tilespmem:s29], [sflag:$0x5], $0x6800, $0x38;
	[tilespmem:$0xEAD0] =	vst v63  }
0x39b: {  	_ =	swait.ge [sflag:s24], $0x680  }
0x39c: {  	[sflag:s24] =	ssyncset.done $0x0  }
0x39d: {  	s22 =	simm.s32 $0x0;
	[sflag:s24] =	ssyncadd.s32 $0xFFFFF980  }
0x39e: {  	s4 =	simm.s32 $0x340;
	v0 =	vld [tilespmem:s22+$0x0]  }
.LBB2_14:
0x39f: {  	p0 =	sne.s32 s4, $0x16C0;
	v1 =	vld [tilespmem:$0xD00];
	_ =	sdelay $0x4  }
0x3a0: {  	v0 =	vadd.s32 v0, v1  }
0x3a1: {  	[tilespmem:s22+$0xDD0] =	vst v0;
	v0 =	vld [tilespmem:s22+$0x10]  }
0x3a2: {  	v1 =	vld [tilespmem:$0xD10];
	_ =	sdelay $0x4  }
0x3a3: {  	v0 =	vadd.s32 v0, v1  }
0x3a4: {  	[tilespmem:s22+$0xDE0] =	vst v0;
	v0 =	vld [tilespmem:s22+$0x20]  }
0x3a5: {  	v1 =	vld [tilespmem:$0xD20];
	_ =	sdelay $0x4  }
0x3a6: {  	v0 =	vadd.s32 v0, v1  }
0x3a7: {  	[tilespmem:s22+$0xDF0] =	vst v0;
	v0 =	vld [tilespmem:s22+$0x30]  }
0x3a8: {  	v1 =	vld [tilespmem:$0xD30];
	_ =	sdelay $0x4  }
0x3a9: {  	v0 =	vadd.s32 v0, v1  }
0x3aa: {  	[tilespmem:s22+$0xE00] =	vst v0;
	v0 =	vld [tilespmem:s22+$0x40]  }
0x3ab: {  	v1 =	vld [tilespmem:$0xD40];
	_ =	sdelay $0x4  }
0x3ac: {  	v0 =	vadd.s32 v0, v1  }
0x3ad: {  	[tilespmem:s22+$0xE10] =	vst v0;
	v0 =	vld [tilespmem:s22+$0x50]  }
0x3ae: {  	v1 =	vld [tilespmem:$0xD50];
	_ =	sdelay $0x4  }
0x3af: {  	v0 =	vadd.s32 v0, v1  }
0x3b0: {  	[tilespmem:s22+$0xE20] =	vst v0;
	v0 =	vld [tilespmem:s22+$0x60]  }
0x3b1: {  	v1 =	vld [tilespmem:$0xD60];
	_ =	sdelay $0x4  }
0x3b2: {  	v0 =	vadd.s32 v0, v1  }
0x3b3: {  	[tilespmem:s22+$0xE30] =	vst v0;
	v0 =	vld [tilespmem:s22+$0x70]  }
0x3b4: {  	v1 =	vld [tilespmem:$0xD70];
	_ =	sdelay $0x4  }
0x3b5: {  	v0 =	vadd.s32 v0, v1  }
0x3b6: {  	[tilespmem:s22+$0xE40] =	vst v0;
	v0 =	vld [tilespmem:s22+$0x80]  }
0x3b7: {  	v1 =	vld [tilespmem:$0xD80];
	_ =	sdelay $0x4  }
0x3b8: {  	v0 =	vadd.s32 v0, v1  }
0x3b9: {  	[tilespmem:s22+$0xE50] =	vst v0;
	v0 =	vld [tilespmem:s22+$0x90]  }
0x3ba: {  	v1 =	vld [tilespmem:$0xD90];
	_ =	sdelay $0x4  }
0x3bb: {  	v0 =	vadd.s32 v0, v1  }
0x3bc: {  	[tilespmem:s22+$0xE60] =	vst v0;
	v0 =	vld [tilespmem:s22+$0xA0]  }
0x3bd: {  	v1 =	vld [tilespmem:$0xDA0];
	_ =	sdelay $0x4  }
0x3be: {  	v0 =	vadd.s32 v0, v1  }
0x3bf: {  	[tilespmem:s22+$0xE70] =	vst v0;
	v0 =	vld [tilespmem:s22+$0xB0]  }
0x3c0: {  	v1 =	vld [tilespmem:$0xDB0];
	_ =	sdelay $0x4  }
0x3c1: {  	v0 =	vadd.s32 v0, v1  }
0x3c2: {  	[tilespmem:s22+$0xE80] =	vst v0;
	v0 =	vld [tilespmem:s22+$0xC0]  }
0x3c3: {  	v1 =	vld [tilespmem:$0xDC0];
	_ =	sdelay $0x1  }
.Ltmp6:
0x3c4: {  	(pc) =	sbr.rel @p0 .LBB2_14-.Ltmp6, $3  }
0x3c5: {  	_ =	sdelay $0x1  }
0x3c6: {  	s5 =	sshra.s32 s4, $0x2;
	v1 =	vadd.s32 v0, v1  }
0x3c7: {  	s4 =	sadd.s32 $0x340, s4;
	v0 =	vld [tilespmem:s5+$0x0];
	[tilespmem:s22+$0xE90] =	vst v1;
	s22 =	smov.u32 s5  }
0x3c8: {  	v1 =	vld [tilespmem:$0xD00];
	_ =	sdelay $0x4  }
0x3c9: {  	v0 =	vadd.s32 v0, v1  }
0x3ca: {  	[tilespmem:s22+$0xDD0] =	vst v0;
	v0 =	vld [tilespmem:s22+$0x10]  }
0x3cb: {  	v1 =	vld [tilespmem:$0xD10];
	_ =	sdelay $0x4  }
0x3cc: {  	v0 =	vadd.s32 v0, v1  }
0x3cd: {  	[tilespmem:s22+$0xDE0] =	vst v0;
	v0 =	vld [tilespmem:s22+$0x20]  }
0x3ce: {  	v1 =	vld [tilespmem:$0xD20];
	_ =	sdelay $0x4  }
0x3cf: {  	v0 =	vadd.s32 v0, v1  }
0x3d0: {  	[tilespmem:s22+$0xDF0] =	vst v0;
	v0 =	vld [tilespmem:s22+$0x30]  }
0x3d1: {  	v1 =	vld [tilespmem:$0xD30];
	_ =	sdelay $0x4  }
0x3d2: {  	v0 =	vadd.s32 v0, v1  }
0x3d3: {  	[tilespmem:s22+$0xE00] =	vst v0;
	v0 =	vld [tilespmem:s22+$0x40]  }
0x3d4: {  	v1 =	vld [tilespmem:$0xD40];
	_ =	sdelay $0x4  }
0x3d5: {  	v0 =	vadd.s32 v0, v1  }
0x3d6: {  	[tilespmem:s22+$0xE10] =	vst v0;
	v0 =	vld [tilespmem:s22+$0x50]  }
0x3d7: {  	v1 =	vld [tilespmem:$0xD50];
	_ =	sdelay $0x4  }
0x3d8: {  	v0 =	vadd.s32 v0, v1  }
0x3d9: {  	[tilespmem:s22+$0xE20] =	vst v0;
	v0 =	vld [tilespmem:s22+$0x60]  }
0x3da: {  	v1 =	vld [tilespmem:$0xD60];
	_ =	sdelay $0x4  }
0x3db: {  	v0 =	vadd.s32 v0, v1  }
0x3dc: {  	[tilespmem:s22+$0xE30] =	vst v0;
	v0 =	vld [tilespmem:s22+$0x70]  }
0x3dd: {  	v1 =	vld [tilespmem:$0xD70];
	_ =	sdelay $0x4  }
0x3de: {  	v0 =	vadd.s32 v0, v1  }
0x3df: {  	[tilespmem:s22+$0xE40] =	vst v0;
	v0 =	vld [tilespmem:s22+$0x80]  }
0x3e0: {  	v1 =	vld [tilespmem:$0xD80];
	_ =	sdelay $0x4  }
0x3e1: {  	v0 =	vadd.s32 v0, v1  }
0x3e2: {  	[tilespmem:s22+$0xE50] =	vst v0;
	v0 =	vld [tilespmem:s22+$0x90]  }
0x3e3: {  	v1 =	vld [tilespmem:$0xD90];
	_ =	sdelay $0x4  }
0x3e4: {  	v0 =	vadd.s32 v0, v1  }
0x3e5: {  	[tilespmem:s22+$0xE60] =	vst v0;
	v0 =	vld [tilespmem:s22+$0xA0]  }
0x3e6: {  	v1 =	vld [tilespmem:$0xDA0];
	_ =	sdelay $0x4  }
0x3e7: {  	v0 =	vadd.s32 v0, v1  }
0x3e8: {  	[tilespmem:s22+$0xE70] =	vst v0;
	v0 =	vld [tilespmem:s22+$0xB0]  }
0x3e9: {  	v1 =	vld [tilespmem:$0xDB0];
	_ =	sdelay $0x4  }
0x3ea: {  	v0 =	vadd.s32 v0, v1  }
0x3eb: {  	[tilespmem:s22+$0xE80] =	vst v0;
	v0 =	vld [tilespmem:s22+$0xC0]  }
0x3ec: {  	v1 =	vld [tilespmem:$0xDC0];
	_ =	sdelay $0x4  }
0x3ed: {  	v0 =	vadd.s32 v0, v1  }
0x3ee: {  	[tilespmem:s22+$0xE90] =	vst v0  }
0x3ef: {  	_ =	swait.ge [sflag:s30], $0x6800  }
0x3f0: {  	[sflag:s30] =	ssyncset.done $0x0  }
0x3f1: {  	s4 =	simm.s32 $0xDD0;
	[sflag:s30] =	ssyncadd.s32 $0xFFFF9800  }
0x3f2: {  	[tilespmem:s29], [sflag:$0x3] =	stream.indirect.gather [hbm4b:s3+s26], $0x10, s4, s26, $0xb8;
	[tilespmem:$0xEAD0] =	vst v63  }
0x3f3: {  	s5 =	simm.s32 $0x22D0;
	s22 =	simm.s32 $0xE50  }
0x3f4: {  	[tilespmem:s5], [sflag:$0x3] =	stream.indirect.gather [hbm4b:s3+s26], $0x10, s22, s26, $0xb8;
	[tilespmem:$0xEAD0] =	vst v63  }
0x3f5: {  	s5 =	simm.s32 $0xED0;
	s22 =	simm.s32 $0x2AD0  }
0x3f6: {  	[tilespmem:s22], [sflag:$0x3] =	stream.indirect.gather [hbm4b:s3+s26], $0x10, s5, s26, $0xb8;
	[tilespmem:$0xEAD0] =	vst v63  }
0x3f7: {  	s5 =	simm.s32 $0xF50;
	s22 =	simm.s32 $0x32D0  }
0x3f8: {  	[tilespmem:s22], [sflag:$0x3] =	stream.indirect.gather [hbm4b:s3+s26], $0x10, s5, s26, $0xb8;
	[tilespmem:$0xEAD0] =	vst v63  }
0x3f9: {  	s5 =	simm.s32 $0xFD0;
	s22 =	simm.s32 $0x3AD0  }
0x3fa: {  	[tilespmem:s22], [sflag:$0x3] =	stream.indirect.gather [hbm4b:s3+s26], $0x10, s5, s26, $0xb8;
	[tilespmem:$0xEAD0] =	vst v63  }
0x3fb: {  	s5 =	simm.s32 $0x1050;
	s22 =	simm.s32 $0x42D0  }
0x3fc: {  	[tilespmem:s22], [sflag:$0x3] =	stream.indirect.gather [hbm4b:s3+s26], $0x10, s5, s26, $0xb8;
	[tilespmem:$0xEAD0] =	vst v63  }
0x3fd: {  	s5 =	simm.s32 $0x10D0;
	s22 =	simm.s32 $0x4AD0  }
0x3fe: {  	[tilespmem:s22], [sflag:$0x3] =	stream.indirect.gather [hbm4b:s3+s26], $0x10, s5, s26, $0xb8;
	[tilespmem:$0xEAD0] =	vst v63  }
0x3ff: {  	s5 =	simm.s32 $0x1150;
	s22 =	simm.s32 $0x52D0  }
0x400: {  	[tilespmem:s22], [sflag:$0x3] =	stream.indirect.gather [hbm4b:s3+s26], $0x10, s5, s26, $0xb8;
	[tilespmem:$0xEAD0] =	vst v63  }
0x401: {  	s5 =	simm.s32 $0x11D0;
	s22 =	simm.s32 $0x5AD0  }
0x402: {  	[tilespmem:s22], [sflag:$0x3] =	stream.indirect.gather [hbm4b:s3+s26], $0x10, s5, s26, $0xb8;
	[tilespmem:$0xEAD0] =	vst v63  }
0x403: {  	s5 =	simm.s32 $0x1250;
	s22 =	simm.s32 $0x62D0  }
0x404: {  	[tilespmem:s22], [sflag:$0x3] =	stream.indirect.gather [hbm4b:s3+s26], $0x10, s5, s26, $0xb8;
	[tilespmem:$0xEAD0] =	vst v63  }
0x405: {  	s5 =	simm.s32 $0x12D0;
	s22 =	simm.s32 $0x6AD0  }
0x406: {  	[tilespmem:s22], [sflag:$0x3] =	stream.indirect.gather [hbm4b:s3+s26], $0x10, s5, s26, $0xb8;
	[tilespmem:$0xEAD0] =	vst v63  }
0x407: {  	s5 =	simm.s32 $0x1350;
	s22 =	simm.s32 $0x72D0  }
0x408: {  	[tilespmem:s22], [sflag:$0x3] =	stream.indirect.gather [hbm4b:s3+s26], $0x10, s5, s26, $0xb8;
	[tilespmem:$0xEAD0] =	vst v63  }
0x409: {  	s5 =	simm.s32 $0x13D0;
	s22 =	simm.s32 $0x7AD0  }
0x40a: {  	[tilespmem:s22], [sflag:$0x3] =	stream.indirect.gather [hbm4b:s3+s26], $0x10, s5, s26, $0xb8;
	[tilespmem:$0xEAD0] =	vst v63  }
0x40b: {  	_ =	swait.ge [sflag:s31], $0x800  }
0x40c: {  	[sflag:s31] =	ssyncset.done $0x0  }
0x40d: {  	[sflag:s31] =	ssyncadd.s32 $0xFFFFF800  }
0x40e: {  	_ =	swait.ge [sflag:s31], $0x800  }
0x40f: {  	[sflag:s31] =	ssyncset.done $0x0  }
0x410: {  	[sflag:s31] =	ssyncadd.s32 $0xFFFFF800  }
0x411: {  	_ =	swait.ge [sflag:s31], $0x800  }
0x412: {  	[sflag:s31] =	ssyncset.done $0x0  }
0x413: {  	[sflag:s31] =	ssyncadd.s32 $0xFFFFF800  }
0x414: {  	_ =	swait.ge [sflag:s31], $0x800  }
0x415: {  	[sflag:s31] =	ssyncset.done $0x0  }
0x416: {  	[sflag:s31] =	ssyncadd.s32 $0xFFFFF800  }
0x417: {  	_ =	swait.ge [sflag:s31], $0x800  }
0x418: {  	[sflag:s31] =	ssyncset.done $0x0  }
0x419: {  	[sflag:s31] =	ssyncadd.s32 $0xFFFFF800  }
0x41a: {  	_ =	swait.ge [sflag:s31], $0x800  }
0x41b: {  	[sflag:s31] =	ssyncset.done $0x0  }
0x41c: {  	[sflag:s31] =	ssyncadd.s32 $0xFFFFF800  }
0x41d: {  	_ =	swait.ge [sflag:s31], $0x800  }
0x41e: {  	[sflag:s31] =	ssyncset.done $0x0  }
0x41f: {  	[sflag:s31] =	ssyncadd.s32 $0xFFFFF800  }
0x420: {  	_ =	swait.ge [sflag:s31], $0x800  }
0x421: {  	[sflag:s31] =	ssyncset.done $0x0  }
0x422: {  	[sflag:s31] =	ssyncadd.s32 $0xFFFFF800  }
0x423: {  	_ =	swait.ge [sflag:s31], $0x800  }
0x424: {  	[sflag:s31] =	ssyncset.done $0x0  }
0x425: {  	[sflag:s31] =	ssyncadd.s32 $0xFFFFF800  }
0x426: {  	_ =	swait.ge [sflag:s31], $0x800  }
0x427: {  	[sflag:s31] =	ssyncset.done $0x0  }
0x428: {  	[sflag:s31] =	ssyncadd.s32 $0xFFFFF800  }
0x429: {  	_ =	swait.ge [sflag:s31], $0x800  }
0x42a: {  	[sflag:s31] =	ssyncset.done $0x0  }
0x42b: {  	[sflag:s31] =	ssyncadd.s32 $0xFFFFF800  }
0x42c: {  	_ =	swait.ge [sflag:s31], $0x800  }
0x42d: {  	[sflag:s31] =	ssyncset.done $0x0  }
0x42e: {  	[sflag:s31] =	ssyncadd.s32 $0xFFFFF800  }
0x42f: {  	_ =	swait.ge [sflag:s31], $0x800  }
0x430: {  	[sflag:s31] =	ssyncset.done $0x0  }
0x431: {  	s5 =	simm.s32 $0x0;
	s22 =	rddreg [dreg:$0x11];
	[sflag:s31] =	ssyncadd.s32 $0xFFFFF800  }
0x432: {  	[hbm4b:s22+s5] =	stream.linear.scatter [tilespmem:s28], [sflag:$0x6], $0x6800, $0x38;
	[tilespmem:$0xEAD0] =	vst v63  }
0x433: {  	_ =	swait.ge [sflag:s2], $0x680  }
0x434: {  	[sflag:s2] =	ssyncset.done $0x0  }
0x435: {  	s22 =	simm.s32 $0x0;
	[sflag:s2] =	ssyncadd.s32 $0xFFFFF980  }
0x436: {  	s4 =	simm.s32 $0x340;
	v0 =	vld [tilespmem:s22+$0x680]  }
.LBB2_16:
0x437: {  	p0 =	sne.s32 s4, $0x16C0;
	v1 =	vld [tilespmem:$0xD00];
	_ =	sdelay $0x4  }
0x438: {  	v0 =	vadd.s32 v0, v1  }
0x439: {  	[tilespmem:s22+$0x1450] =	vst v0;
	v0 =	vld [tilespmem:s22+$0x690]  }
0x43a: {  	v1 =	vld [tilespmem:$0xD10];
	_ =	sdelay $0x4  }
0x43b: {  	v0 =	vadd.s32 v0, v1  }
0x43c: {  	[tilespmem:s22+$0x1460] =	vst v0;
	v0 =	vld [tilespmem:s22+$0x6A0]  }
0x43d: {  	v1 =	vld [tilespmem:$0xD20];
	_ =	sdelay $0x4  }
0x43e: {  	v0 =	vadd.s32 v0, v1  }
0x43f: {  	[tilespmem:s22+$0x1470] =	vst v0;
	v0 =	vld [tilespmem:s22+$0x6B0]  }
0x440: {  	v1 =	vld [tilespmem:$0xD30];
	_ =	sdelay $0x4  }
0x441: {  	v0 =	vadd.s32 v0, v1  }
0x442: {  	[tilespmem:s22+$0x1480] =	vst v0;
	v0 =	vld [tilespmem:s22+$0x6C0]  }
0x443: {  	v1 =	vld [tilespmem:$0xD40];
	_ =	sdelay $0x4  }
0x444: {  	v0 =	vadd.s32 v0, v1  }
0x445: {  	[tilespmem:s22+$0x1490] =	vst v0;
	v0 =	vld [tilespmem:s22+$0x6D0]  }
0x446: {  	v1 =	vld [tilespmem:$0xD50];
	_ =	sdelay $0x4  }
0x447: {  	v0 =	vadd.s32 v0, v1  }
0x448: {  	[tilespmem:s22+$0x14A0] =	vst v0;
	v0 =	vld [tilespmem:s22+$0x6E0]  }
0x449: {  	v1 =	vld [tilespmem:$0xD60];
	_ =	sdelay $0x4  }
0x44a: {  	v0 =	vadd.s32 v0, v1  }
0x44b: {  	[tilespmem:s22+$0x14B0] =	vst v0;
	v0 =	vld [tilespmem:s22+$0x6F0]  }
0x44c: {  	v1 =	vld [tilespmem:$0xD70];
	_ =	sdelay $0x4  }
0x44d: {  	v0 =	vadd.s32 v0, v1  }
0x44e: {  	[tilespmem:s22+$0x14C0] =	vst v0;
	v0 =	vld [tilespmem:s22+$0x700]  }
0x44f: {  	v1 =	vld [tilespmem:$0xD80];
	_ =	sdelay $0x4  }
0x450: {  	v0 =	vadd.s32 v0, v1  }
0x451: {  	[tilespmem:s22+$0x14D0] =	vst v0;
	v0 =	vld [tilespmem:s22+$0x710]  }
0x452: {  	v1 =	vld [tilespmem:$0xD90];
	_ =	sdelay $0x4  }
0x453: {  	v0 =	vadd.s32 v0, v1  }
0x454: {  	[tilespmem:s22+$0x14E0] =	vst v0;
	v0 =	vld [tilespmem:s22+$0x720]  }
0x455: {  	v1 =	vld [tilespmem:$0xDA0];
	_ =	sdelay $0x4  }
0x456: {  	v0 =	vadd.s32 v0, v1  }
0x457: {  	[tilespmem:s22+$0x14F0] =	vst v0;
	v0 =	vld [tilespmem:s22+$0x730]  }
0x458: {  	v1 =	vld [tilespmem:$0xDB0];
	_ =	sdelay $0x4  }
0x459: {  	v0 =	vadd.s32 v0, v1  }
0x45a: {  	[tilespmem:s22+$0x1500] =	vst v0;
	v0 =	vld [tilespmem:s22+$0x740]  }
0x45b: {  	v1 =	vld [tilespmem:$0xDC0];
	_ =	sdelay $0x1  }
.Ltmp7:
0x45c: {  	(pc) =	sbr.rel @p0 .LBB2_16-.Ltmp7, $3  }
0x45d: {  	_ =	sdelay $0x1  }
0x45e: {  	s5 =	sshra.s32 s4, $0x2;
	v1 =	vadd.s32 v0, v1  }
0x45f: {  	s4 =	sadd.s32 $0x340, s4;
	v0 =	vld [tilespmem:s5+$0x680];
	[tilespmem:s22+$0x1510] =	vst v1;
	s22 =	smov.u32 s5  }
0x460: {  	v1 =	vld [tilespmem:$0xD00];
	_ =	sdelay $0x4  }
0x461: {  	v0 =	vadd.s32 v0, v1  }
0x462: {  	v40 =	vld [tilespmem:s22+$0x690];
	[tilespmem:s22+$0x1450] =	vst v0  }
0x463: {  	v41 =	vld [tilespmem:$0xD10];
	_ =	sdelay $0x4  }
0x464: {  	v0 =	vadd.s32 v40, v41  }
0x465: {  	v42 =	vld [tilespmem:s22+$0x6A0];
	[tilespmem:s22+$0x1460] =	vst v0  }
0x466: {  	v43 =	vld [tilespmem:$0xD20];
	_ =	sdelay $0x4  }
0x467: {  	v0 =	vadd.s32 v42, v43  }
0x468: {  	v44 =	vld [tilespmem:s22+$0x6B0];
	[tilespmem:s22+$0x1470] =	vst v0  }
0x469: {  	v45 =	vld [tilespmem:$0xD30];
	_ =	sdelay $0x4  }
0x46a: {  	v0 =	vadd.s32 v44, v45  }
0x46b: {  	v46 =	vld [tilespmem:s22+$0x6C0];
	[tilespmem:s22+$0x1480] =	vst v0  }
0x46c: {  	v47 =	vld [tilespmem:$0xD40];
	_ =	sdelay $0x4  }
0x46d: {  	v0 =	vadd.s32 v46, v47  }
0x46e: {  	v48 =	vld [tilespmem:s22+$0x6D0];
	[tilespmem:s22+$0x1490] =	vst v0  }
0x46f: {  	v49 =	vld [tilespmem:$0xD50];
	_ =	sdelay $0x4  }
0x470: {  	v0 =	vadd.s32 v48, v49  }
0x471: {  	v50 =	vld [tilespmem:s22+$0x6E0];
	[tilespmem:s22+$0x14A0] =	vst v0  }
0x472: {  	v51 =	vld [tilespmem:$0xD60];
	_ =	sdelay $0x4  }
0x473: {  	v0 =	vadd.s32 v50, v51  }
0x474: {  	v52 =	vld [tilespmem:s22+$0x6F0];
	[tilespmem:s22+$0x14B0] =	vst v0  }
0x475: {  	v53 =	vld [tilespmem:$0xD70];
	_ =	sdelay $0x4  }
0x476: {  	v0 =	vadd.s32 v52, v53  }
0x477: {  	v54 =	vld [tilespmem:s22+$0x700];
	[tilespmem:s22+$0x14C0] =	vst v0  }
0x478: {  	v55 =	vld [tilespmem:$0xD80];
	_ =	sdelay $0x4  }
0x479: {  	v0 =	vadd.s32 v54, v55  }
0x47a: {  	v56 =	vld [tilespmem:s22+$0x710];
	[tilespmem:s22+$0x14D0] =	vst v0  }
0x47b: {  	v57 =	vld [tilespmem:$0xD90];
	_ =	sdelay $0x4  }
0x47c: {  	v0 =	vadd.s32 v56, v57  }
0x47d: {  	v58 =	vld [tilespmem:s22+$0x720];
	[tilespmem:s22+$0x14E0] =	vst v0  }
0x47e: {  	v59 =	vld [tilespmem:$0xDA0];
	_ =	sdelay $0x4  }
0x47f: {  	v0 =	vadd.s32 v58, v59  }
0x480: {  	v60 =	vld [tilespmem:s22+$0x730];
	[tilespmem:s22+$0x14F0] =	vst v0  }
0x481: {  	v61 =	vld [tilespmem:$0xDB0];
	_ =	sdelay $0x4  }
0x482: {  	v0 =	vadd.s32 v60, v61  }
0x483: {  	v62 =	vld [tilespmem:s22+$0x740];
	[tilespmem:s22+$0x1500] =	vst v0  }
0x484: {  	v63 =	vld [tilespmem:$0xDC0];
	_ =	sdelay $0x4  }
0x485: {  	v0 =	vadd.s32 v62, v63  }
0x486: {  	[tilespmem:s22+$0x1510] =	vst v0  }
0x487: {  	_ =	swait.ge [sflag:s0], $0x6800  }
0x488: {  	[sflag:s0] =	ssyncset.done $0x0  }
0x489: {  	s4 =	simm.s32 $0x1450;
	[sflag:s0] =	ssyncadd.s32 $0xFFFF9800  }
0x48a: {  	[tilespmem:s28], [sflag:$0x4] =	stream.indirect.gather [hbm4b:s3+s26], $0x10, s4, s26, $0xb8;
	[tilespmem:$0xEAD0] =	vst v63  }
0x48b: {  	s5 =	simm.s32 $0x8AD0;
	s22 =	simm.s32 $0x14D0  }
0x48c: {  	[tilespmem:s5], [sflag:$0x4] =	stream.indirect.gather [hbm4b:s3+s26], $0x10, s22, s26, $0xb8;
	[tilespmem:$0xEAD0] =	vst v63  }
0x48d: {  	s5 =	simm.s32 $0x1550;
	s22 =	simm.s32 $0x92D0  }
0x48e: {  	[tilespmem:s22], [sflag:$0x4] =	stream.indirect.gather [hbm4b:s3+s26], $0x10, s5, s26, $0xb8;
	[tilespmem:$0xEAD0] =	vst v63  }
0x48f: {  	s5 =	simm.s32 $0x15D0;
	s22 =	simm.s32 $0x9AD0  }
0x490: {  	[tilespmem:s22], [sflag:$0x4] =	stream.indirect.gather [hbm4b:s3+s26], $0x10, s5, s26, $0xb8;
	[tilespmem:$0xEAD0] =	vst v63  }
0x491: {  	s22 =	simm.s32 $0x1650  }
0x492: {  	[tilespmem:s6], [sflag:$0x4] =	stream.indirect.gather [hbm4b:s3+s26], $0x10, s22, s26, $0xb8;
	[tilespmem:$0xEAD0] =	vst v63  }
0x493: {  	_ = 	snop  }
0x494: {  	[tilespmem:s8], [sflag:$0x4] =	stream.indirect.gather [hbm4b:s3+s26], $0x10, s7, s26, $0xb8;
	[tilespmem:$0xEAD0] =	vst v63  }
0x495: {  	_ = 	snop  }
0x496: {  	[tilespmem:s10], [sflag:$0x4] =	stream.indirect.gather [hbm4b:s3+s26], $0x10, s9, s26, $0xb8;
	[tilespmem:$0xEAD0] =	vst v63  }
0x497: {  	_ = 	snop  }
0x498: {  	[tilespmem:s12], [sflag:$0x4] =	stream.indirect.gather [hbm4b:s3+s26], $0x10, s11, s26, $0xb8;
	[tilespmem:$0xEAD0] =	vst v63  }
0x499: {  	_ = 	snop  }
0x49a: {  	[tilespmem:s14], [sflag:$0x4] =	stream.indirect.gather [hbm4b:s3+s26], $0x10, s13, s26, $0xb8;
	[tilespmem:$0xEAD0] =	vst v63  }
0x49b: {  	_ = 	snop  }
0x49c: {  	[tilespmem:s16], [sflag:$0x4] =	stream.indirect.gather [hbm4b:s3+s26], $0x10, s15, s26, $0xb8;
	[tilespmem:$0xEAD0] =	vst v63  }
0x49d: {  	_ = 	snop  }
0x49e: {  	[tilespmem:s18], [sflag:$0x4] =	stream.indirect.gather [hbm4b:s3+s26], $0x10, s17, s26, $0xb8;
	[tilespmem:$0xEAD0] =	vst v63  }
0x49f: {  	_ = 	snop  }
0x4a0: {  	[tilespmem:s20], [sflag:$0x4] =	stream.indirect.gather [hbm4b:s3+s26], $0x10, s19, s26, $0xb8;
	[tilespmem:$0xEAD0] =	vst v63  }
0x4a1: {  	_ = 	snop  }
0x4a2: {  	[tilespmem:s23], [sflag:$0x4] =	stream.indirect.gather [hbm4b:s3+s26], $0x10, s21, s26, $0xb8;
	[tilespmem:$0xEAD0] =	vst v63  }
0x4a3: {  	_ =	swait.ge [sflag:s25], $0x800  }
0x4a4: {  	[sflag:s25] =	ssyncset.done $0x0  }
0x4a5: {  	[sflag:s25] =	ssyncadd.s32 $0xFFFFF800  }
0x4a6: {  	_ =	swait.ge [sflag:s25], $0x800  }
0x4a7: {  	[sflag:s25] =	ssyncset.done $0x0  }
0x4a8: {  	[sflag:s25] =	ssyncadd.s32 $0xFFFFF800  }
0x4a9: {  	_ =	swait.ge [sflag:s25], $0x800  }
0x4aa: {  	[sflag:s25] =	ssyncset.done $0x0  }
0x4ab: {  	[sflag:s25] =	ssyncadd.s32 $0xFFFFF800  }
0x4ac: {  	_ =	swait.ge [sflag:s25], $0x800  }
0x4ad: {  	[sflag:s25] =	ssyncset.done $0x0  }
0x4ae: {  	[sflag:s25] =	ssyncadd.s32 $0xFFFFF800  }
0x4af: {  	_ =	swait.ge [sflag:s25], $0x800  }
0x4b0: {  	[sflag:s25] =	ssyncset.done $0x0  }
0x4b1: {  	[sflag:s25] =	ssyncadd.s32 $0xFFFFF800  }
0x4b2: {  	_ =	swait.ge [sflag:s25], $0x800  }
0x4b3: {  	[sflag:s25] =	ssyncset.done $0x0  }
0x4b4: {  	[sflag:s25] =	ssyncadd.s32 $0xFFFFF800  }
0x4b5: {  	_ =	swait.ge [sflag:s25], $0x800  }
0x4b6: {  	[sflag:s25] =	ssyncset.done $0x0  }
0x4b7: {  	[sflag:s25] =	ssyncadd.s32 $0xFFFFF800  }
0x4b8: {  	_ =	swait.ge [sflag:s25], $0x800  }
0x4b9: {  	[sflag:s25] =	ssyncset.done $0x0  }
0x4ba: {  	[sflag:s25] =	ssyncadd.s32 $0xFFFFF800  }
0x4bb: {  	_ =	swait.ge [sflag:s25], $0x800  }
0x4bc: {  	[sflag:s25] =	ssyncset.done $0x0  }
0x4bd: {  	[sflag:s25] =	ssyncadd.s32 $0xFFFFF800  }
0x4be: {  	_ =	swait.ge [sflag:s25], $0x800  }
0x4bf: {  	[sflag:s25] =	ssyncset.done $0x0  }
0x4c0: {  	[sflag:s25] =	ssyncadd.s32 $0xFFFFF800  }
0x4c1: {  	_ =	swait.ge [sflag:s25], $0x800  }
0x4c2: {  	[sflag:s25] =	ssyncset.done $0x0  }
0x4c3: {  	[sflag:s25] =	ssyncadd.s32 $0xFFFFF800  }
0x4c4: {  	_ =	swait.ge [sflag:s25], $0x800  }
0x4c5: {  	[sflag:s25] =	ssyncset.done $0x0  }
0x4c6: {  	[sflag:s25] =	ssyncadd.s32 $0xFFFFF800  }
0x4c7: {  	_ =	swait.ge [sflag:s25], $0x800  }
0x4c8: {  	[sflag:s25] =	ssyncset.done $0x0  }
0x4c9: {  	s22 =	simm.s32 $0x0;
	s5 =	rddreg [dreg:$0x12];
	[sflag:s25] =	ssyncadd.s32 $0xFFFFF800  }
0x4ca: {  	[hbm4b:s5+s22] =	stream.linear.scatter [tilespmem:s29], [sflag:$0x5], $0x6800, $0x38;
	[tilespmem:$0xEAD0] =	vst v63  }
0x4cb: {  	_ =	swait.ge [sflag:s31], $0x800  }
0x4cc: {  	[sflag:s31] =	ssyncset.done $0x0  }
0x4cd: {  	[sflag:s31] =	ssyncadd.s32 $0xFFFFF800  }
0x4ce: {  	_ =	swait.ge [sflag:s31], $0x800  }
0x4cf: {  	[sflag:s31] =	ssyncset.done $0x0  }
0x4d0: {  	[sflag:s31] =	ssyncadd.s32 $0xFFFFF800  }
0x4d1: {  	_ =	swait.ge [sflag:s31], $0x800  }
0x4d2: {  	[sflag:s31] =	ssyncset.done $0x0  }
0x4d3: {  	[sflag:s31] =	ssyncadd.s32 $0xFFFFF800  }
0x4d4: {  	_ =	swait.ge [sflag:s31], $0x800  }
0x4d5: {  	[sflag:s31] =	ssyncset.done $0x0  }
0x4d6: {  	[sflag:s31] =	ssyncadd.s32 $0xFFFFF800  }
0x4d7: {  	_ =	swait.ge [sflag:s31], $0x800  }
0x4d8: {  	[sflag:s31] =	ssyncset.done $0x0  }
0x4d9: {  	[sflag:s31] =	ssyncadd.s32 $0xFFFFF800  }
0x4da: {  	_ =	swait.ge [sflag:s31], $0x800  }
0x4db: {  	[sflag:s31] =	ssyncset.done $0x0  }
0x4dc: {  	[sflag:s31] =	ssyncadd.s32 $0xFFFFF800  }
0x4dd: {  	_ =	swait.ge [sflag:s31], $0x800  }
0x4de: {  	[sflag:s31] =	ssyncset.done $0x0  }
0x4df: {  	[sflag:s31] =	ssyncadd.s32 $0xFFFFF800  }
0x4e0: {  	_ =	swait.ge [sflag:s31], $0x800  }
0x4e1: {  	[sflag:s31] =	ssyncset.done $0x0  }
0x4e2: {  	[sflag:s31] =	ssyncadd.s32 $0xFFFFF800  }
0x4e3: {  	_ =	swait.ge [sflag:s31], $0x800  }
0x4e4: {  	[sflag:s31] =	ssyncset.done $0x0  }
0x4e5: {  	[sflag:s31] =	ssyncadd.s32 $0xFFFFF800  }
0x4e6: {  	_ =	swait.ge [sflag:s31], $0x800  }
0x4e7: {  	[sflag:s31] =	ssyncset.done $0x0  }
0x4e8: {  	[sflag:s31] =	ssyncadd.s32 $0xFFFFF800  }
0x4e9: {  	_ =	swait.ge [sflag:s31], $0x800  }
0x4ea: {  	[sflag:s31] =	ssyncset.done $0x0  }
0x4eb: {  	[sflag:s31] =	ssyncadd.s32 $0xFFFFF800  }
0x4ec: {  	_ =	swait.ge [sflag:s31], $0x800  }
0x4ed: {  	[sflag:s31] =	ssyncset.done $0x0  }
0x4ee: {  	[sflag:s31] =	ssyncadd.s32 $0xFFFFF800  }
0x4ef: {  	_ =	swait.ge [sflag:s31], $0x800  }
0x4f0: {  	[sflag:s31] =	ssyncset.done $0x0  }
0x4f1: {  	s5 =	rddreg [dreg:$0x13];
	[sflag:s31] =	ssyncadd.s32 $0xFFFFF800  }
0x4f2: {  	[hbm4b:s5+s22] =	stream.linear.scatter [tilespmem:s28], [sflag:$0x6], $0x6800, $0x38;
	[tilespmem:$0xEAD0] =	vst v63  }
0x4f3: {  	_ =	swait.ge [sflag:s30], $0x6800  }
0x4f4: {  	[sflag:s30] =	ssyncset.done $0x0  }
0x4f5: {  	[sflag:s30] =	ssyncadd.s32 $0xFFFF9800  }
0x4f6: {  	_ =	swait.ge [sflag:s0], $0x6800  }
0x4f7: {  	s1 =	sadd.s32 $0x1, s1;
	s5 =	rddreg [dreg:$0x14]  }
0x4f8: {  	p0 =	sne.s32 s1, s5  }
.Ltmp8:
0x4f9: {  	_ = 	snop;
	(pc) =	sbr.rel @p0 .LBB2_1-.Ltmp8, $3  }
0x4fa: {  	_ =	sdelay $0x1  }
0x4fb: {  	[sflag:s0] =	ssyncset.done $0x0  }
0x4fc: {  	[sflag:s0] =	ssyncadd.s32 $0xFFFF9800  }
0x4fd: {  	_ =	sfence.sel $0x180000  }
0x4fe: {  	[bflag:$0x0] =	sbarrier.arrive $0xFFFF  }
0x4ff: {  	_ =	strace $0x90000047  }
0x500: {  	s0 =	stileid.u32;
	[bflag:$0x2] =	sbarrier.arrive $0xFFFF  }
0x501: {  	p0 =	sne.s32 s0, $0x0;
	s0 =	rddreg [dreg:$0x2]  }
0x502: {  	s0 =	sadd.s32 @!p0 $0x100000, s0  }
0x503: {  	[sflag:s0] =	ssyncadd.tile.s32 @!p0 $0x1;
	_ =	shalt  }
.Lfunc_end2:
_tile_overlayer_lowered:
.L_overlay_start_2:
0x504: {  	(tag) =	ssettag $0x2  }
0x505: {  	s0 =	rddreg [dreg:$0x0];
	s2 =	stileid.u32  }
0x506: {  	s1 =	rddreg [dreg:$0x1];
	p0 =	sne.s32 s2, $0x0  }
0x507: {  	s3 =	rddreg [dreg:$0x2];
	[bflag:$0x3] =	sbarrier.arrive $0xFFFF;
	s2 =	simm.s32 @!p0 $0x1C07  }
0x508: {  	[timem:s3], [sflag:s2] =	dma.local @!p0 [hbm:s0], s1  }
0x509: {  	s0 =	simm.s32 @!p0 $0x7  }
0x50a: {  	_ =	swait.ge @!p0 [sflag:s0], s1  }
0x50b: {  	s1 =	ssub.s32 @!p0 $0x0, s1;
	[sflag:s0] =	ssyncset.done @!p0 $0x0  }
0x50c: {  	[sflag:s0] =	ssyncadd.s32 @!p0 s1  }
0x50d: {  	[bflag:$0x3] =	sbarrier.arrive $0xFFFF  }
0x50e: {  	_ =	shalt  }

</sc_bundles>
